<compile_context>
chip_gen: v7x
topology: tpu7x:2x2x1
jax: 0.10.2.dev20260603
libtpu: 0.0.44.dev20260713+nightly
codegen_flags: <defaults>
</compile_context>

<pallas_src>
import functools

import jax
import jax.numpy as jnp
from jax import lax
from jax.experimental import pallas as pl
from jax.experimental.pallas import tpu as pltpu
from jax.experimental.pallas import tpu_sc as plsc

D = 32
NC, NS, L = 2, 16, 16
NW = NC * NS
CHUNK = 128
BPW = 512
BATCH = NW * BPW

_mesh = plsc.VectorSubcoreMesh(core_axis_name="c", subcore_axis_name="s")

NCH = 4


def _gather_body(uidx, pidx, nidx, utab, itab, u_hbm, p_hbm, n_hbm,
                 uidx_v, pidx_v, nidx_v, ub0, pb0, nb0, ub1, pb1, nb1,
                 s0, s1):
    bufs = ((ub0, pb0, nb0), (ub1, pb1, nb1))
    sems = (s0, s1)
    wid = lax.axis_index("s") * NC + lax.axis_index("c")
    base8 = wid * 8
    pltpu.sync_copy(uidx.at[pl.ds(base8, 4)], uidx_v)
    pltpu.sync_copy(pidx.at[pl.ds(base8, 4)], pidx_v)
    pltpu.sync_copy(nidx.at[pl.ds(base8, 4)], nidx_v)

    def fire(j):
        b = bufs[j % 2]
        s = sems[j % 2]

        def issue(g, carry):
            c = g * L
            uv = uidx_v[j, pl.ds(c, L)]
            pv = pidx_v[j, pl.ds(c, L)]
            nv = nidx_v[j, pl.ds(c, L)]
            for k in range(L):
                i = c + k
                pltpu.async_copy(utab.at[pl.ds(uv[k], 1)],
                                 b[0].at[pl.ds(i, 1)], s)
                pltpu.async_copy(itab.at[pl.ds(pv[k], 1)],
                                 b[1].at[pl.ds(i, 1)], s)
                pltpu.async_copy(itab.at[pl.ds(nv[k], 1)],
                                 b[2].at[pl.ds(i, 1)], s)
            return carry

        lax.fori_loop(0, CHUNK // L, issue, 0)

    fire(0)
    for j in range(NCH):
        if j + 1 < NCH:
            fire(j + 1)
        b = bufs[j % 2]
        s = sems[j % 2]

        def drain(i, carry, b=b, s=s):
            pltpu.make_async_copy(utab.at[pl.ds(0, 1)],
                                  b[0].at[pl.ds(0, 1)], s).wait()
            pltpu.make_async_copy(itab.at[pl.ds(0, 1)],
                                  b[1].at[pl.ds(0, 1)], s).wait()
            pltpu.make_async_copy(itab.at[pl.ds(0, 1)],
                                  b[2].at[pl.ds(0, 1)], s).wait()
            return carry

        lax.fori_loop(0, CHUNK, drain, 0)
        out = pl.ds(wid * BPW + j * CHUNK, CHUNK)
        pltpu.sync_copy(b[0], u_hbm.at[out])
        pltpu.sync_copy(b[1], p_hbm.at[out])
        pltpu.sync_copy(b[2], n_hbm.at[out])


_gather_kernel = functools.partial(
    pl.kernel,
    mesh=_mesh,
    compiler_params=pltpu.CompilerParams(use_tc_tiling_on_sc=True),
    out_type=(jax.ShapeDtypeStruct((BATCH, D), jnp.float32),
              jax.ShapeDtypeStruct((BATCH, D), jnp.float32),
              jax.ShapeDtypeStruct((BATCH, D), jnp.float32)),
    scratch_types=[
        pltpu.VMEM((4, CHUNK), jnp.int32),
        pltpu.VMEM((4, CHUNK), jnp.int32),
        pltpu.VMEM((4, CHUNK), jnp.int32),
        pltpu.VMEM((CHUNK, D), jnp.float32),
        pltpu.VMEM((CHUNK, D), jnp.float32),
        pltpu.VMEM((CHUNK, D), jnp.float32),
        pltpu.VMEM((CHUNK, D), jnp.float32),
        pltpu.VMEM((CHUNK, D), jnp.float32),
        pltpu.VMEM((CHUNK, D), jnp.float32),
        pltpu.SemaphoreType.DMA,
        pltpu.SemaphoreType.DMA,
    ],
)(_gather_body)


_DOT_ROWS = 2048


def _dot_body(u_ref, p_ref, n_ref, pos_ref, neg_ref):
    u = u_ref[...]
    ones = jnp.ones((D, 1), jnp.float32)
    pos_ref[...] = lax.dot(u * p_ref[...], ones,
                           precision=lax.Precision.HIGHEST)
    neg_ref[...] = lax.dot(u * n_ref[...], ones,
                           precision=lax.Precision.HIGHEST)


def _dot(urows, prows, nrows):
    grid = BATCH // _DOT_ROWS
    return pl.pallas_call(
        _dot_body,
        grid=(grid,),
        in_specs=[pl.BlockSpec((_DOT_ROWS, D), lambda i: (i, 0))] * 3,
        out_specs=[pl.BlockSpec((_DOT_ROWS, 1), lambda i: (i, 0))] * 2,
        out_shape=[jax.ShapeDtypeStruct((BATCH, 1), jnp.float32)] * 2,
    )(urows, prows, nrows)


def _pad_idx(x):
    return jnp.pad(x.reshape(NW, 4, CHUNK), ((0, 0), (0, 4), (0, 0))).reshape(
        NW * 8, CHUNK)


def kernel(user_indices, pos_item_indices, neg_item_indices, user_table, item_table):
    u2 = _pad_idx(user_indices.astype(jnp.int32))
    p2 = _pad_idx(pos_item_indices.astype(jnp.int32))
    n2 = _pad_idx(neg_item_indices.astype(jnp.int32))
    urows, prows, nrows = _gather_kernel(u2, p2, n2, user_table, item_table)
    pos, neg = _dot(urows, prows, nrows)
    return pos.reshape(BATCH), neg.reshape(BATCH)

# --- scband reference (transcript-rebuilt; emitter-appended) ---
"""Pipeline reference for scband-matrix-factorization-13958643712733 (READ-ONLY COPY).

The authoritative reference and input builder live on the scoring server;
editing this copy changes nothing except your own understanding.
"""

import jax, jax.numpy as jnp
import numpy as np

NUM_USERS = 1000000
NUM_ITEMS = 1000000
EMBED_DIM = 32
BATCH = 16384


def setup_inputs(seed: int = 0) -> dict:
    key = jax.random.key(seed)
    k1, k2, k3, k4, k5 = jax.random.split(key, 5)
    user_indices = jax.random.randint(k1, (BATCH,), 0, NUM_USERS, dtype=jnp.int64) if jax.config.jax_enable_x64 else jax.random.randint(k1, (BATCH,), 0, NUM_USERS, dtype=jnp.int32)
    pos_item_indices = jax.random.randint(k2, (BATCH,), 0, NUM_ITEMS, dtype=jnp.int32)
    neg_item_indices = jax.random.randint(k3, (BATCH,), 0, NUM_ITEMS, dtype=jnp.int32)
    user_table = jax.random.normal(k4, (NUM_USERS, EMBED_DIM), dtype=jnp.float32) * 0.01
    item_table = jax.random.normal(k5, (NUM_ITEMS, EMBED_DIM), dtype=jnp.float32) * 0.01
    return {
        "user_indices": user_indices,
        "pos_item_indices": pos_item_indices,
        "neg_item_indices": neg_item_indices,
        "user_table": user_table,
        "item_table": item_table,
    }


def reference(user_indices, pos_item_indices, neg_item_indices, user_table, item_table):
    user_embedding = jnp.take(user_table, user_indices, axis=0)
    pos_item_embedding = jnp.take(item_table, pos_item_indices, axis=0)
    neg_item_embedding = jnp.take(item_table, neg_item_indices, axis=0)
    pos_scores = jnp.sum(user_embedding * pos_item_embedding, axis=1)
    neg_scores = jnp.sum(user_embedding * neg_item_embedding, axis=1)
    return (pos_scores, neg_scores)

if __name__ == "__main__":
    import jax
    _d = setup_inputs()
    print(jax.jit(kernel)(*tuple(_d.values())))

</pallas_src>

<mosaic_0001>
#map = affine_map<(d0, d1) -> (0, 0)>
module attributes {stable_mosaic.version = 14 : i64} {
  func.func @_gather_body(%arg0: i32, %arg1: i32, %arg2: memref<256x128xi32, #tpu.memory_space<hbm>>, %arg3: memref<256x128xi32, #tpu.memory_space<hbm>>, %arg4: memref<256x128xi32, #tpu.memory_space<hbm>>, %arg5: memref<1000000x32xf32, #tpu.memory_space<hbm>>, %arg6: memref<1000000x32xf32, #tpu.memory_space<hbm>>, %arg7: memref<16384x32xf32, #tpu.memory_space<hbm>>, %arg8: memref<16384x32xf32, #tpu.memory_space<hbm>>, %arg9: memref<16384x32xf32, #tpu.memory_space<hbm>>, %arg10: memref<4x128xi32, #tpu.memory_space<vmem>>, %arg11: memref<4x128xi32, #tpu.memory_space<vmem>>, %arg12: memref<4x128xi32, #tpu.memory_space<vmem>>, %arg13: memref<128x32xf32, #tpu.memory_space<vmem>>, %arg14: memref<128x32xf32, #tpu.memory_space<vmem>>, %arg15: memref<128x32xf32, #tpu.memory_space<vmem>>, %arg16: memref<128x32xf32, #tpu.memory_space<vmem>>, %arg17: memref<128x32xf32, #tpu.memory_space<vmem>>, %arg18: memref<128x32xf32, #tpu.memory_space<vmem>>, %arg19: memref<!tpu.dma_semaphore, #tpu.memory_space<semaphore_mem>>, %arg20: memref<!tpu.dma_semaphore, #tpu.memory_space<semaphore_mem>>) attributes {dimension_semantics = [#tpu.dimension_semantics<core_parallel>, #tpu.dimension_semantics<subcore_parallel>], iteration_bounds = array<i64: 2, 16>, scalar_prefetch = 0 : i64, scratch_operands = 11 : i64, tpu.core_type = #tpu.core_type<sc_vector_subcore>, window_params = [{transform_indices = #map}, {transform_indices = #map}, {transform_indices = #map}, {transform_indices = #map}, {transform_indices = #map}, {transform_indices = #map}, {transform_indices = #map}, {transform_indices = #map}]} {
    %mul3A = arith.constant 2 : i32
    %mul3A_0 = arith.muli %arg1, %mul3A : i32
    %add3A = arith.addi %mul3A_0, %arg0 : i32
    %mul3A_1 = arith.constant 8 : i32
    %mul3A_2 = arith.muli %add3A, %mul3A_1 : i32
    "tpu.region"() ({
      %run_scoped3A = tpu.sem_alloc : memref<!tpu.dma_semaphore, #tpu.memory_space<semaphore_mem>>
      %dma_start3A = arith.constant 0 : i32
      %dma_start3A_66 = tpu.memref_slice %arg2[%mul3A_2, %dma_start3A] : memref<256x128xi32, #tpu.memory_space<hbm>> -> memref<4x128xi32, #tpu.memory_space<hbm>>
      %dma_start3A_67 = arith.constant 0 : i32
      %dma_start3A_68 = tpu.memref_slice %arg2[%mul3A_2, %dma_start3A_67] : memref<256x128xi32, #tpu.memory_space<hbm>> -> memref<4x128xi32, #tpu.memory_space<hbm>>
      tpu.enqueue_dma source(%dma_start3A_68 : memref<4x128xi32, #tpu.memory_space<hbm>>) target(%arg10 : memref<4x128xi32, #tpu.memory_space<vmem>>) target_semaphore(%run_scoped3A : memref<!tpu.dma_semaphore, #tpu.memory_space<semaphore_mem>>)
      %dma_wait3A = arith.constant 0 : i32
      %dma_wait3A_69 = tpu.memref_slice %arg2[%mul3A_2, %dma_wait3A] : memref<256x128xi32, #tpu.memory_space<hbm>> -> memref<4x128xi32, #tpu.memory_space<hbm>>
      %dma_wait3A_70 = arith.constant 0 : i32
      %dma_wait3A_71 = tpu.memref_slice %arg2[%mul3A_2, %dma_wait3A_70] : memref<256x128xi32, #tpu.memory_space<hbm>> -> memref<4x128xi32, #tpu.memory_space<hbm>>
      tpu.wait_dma2 semaphore(%run_scoped3A : memref<!tpu.dma_semaphore, #tpu.memory_space<semaphore_mem>>) src(%dma_wait3A_71 : memref<4x128xi32, #tpu.memory_space<hbm>>) dst(%arg10 : memref<4x128xi32, #tpu.memory_space<vmem>>)
      tpu.yield
    }) : () -> ()
    "tpu.region"() ({
      %run_scoped3A = tpu.sem_alloc : memref<!tpu.dma_semaphore, #tpu.memory_space<semaphore_mem>>
      %dma_start3A = arith.constant 0 : i32
      %dma_start3A_66 = tpu.memref_slice %arg3[%mul3A_2, %dma_start3A] : memref<256x128xi32, #tpu.memory_space<hbm>> -> memref<4x128xi32, #tpu.memory_space<hbm>>
      %dma_start3A_67 = arith.constant 0 : i32
      %dma_start3A_68 = tpu.memref_slice %arg3[%mul3A_2, %dma_start3A_67] : memref<256x128xi32, #tpu.memory_space<hbm>> -> memref<4x128xi32, #tpu.memory_space<hbm>>
      tpu.enqueue_dma source(%dma_start3A_68 : memref<4x128xi32, #tpu.memory_space<hbm>>) target(%arg11 : memref<4x128xi32, #tpu.memory_space<vmem>>) target_semaphore(%run_scoped3A : memref<!tpu.dma_semaphore, #tpu.memory_space<semaphore_mem>>)
      %dma_wait3A = arith.constant 0 : i32
      %dma_wait3A_69 = tpu.memref_slice %arg3[%mul3A_2, %dma_wait3A] : memref<256x128xi32, #tpu.memory_space<hbm>> -> memref<4x128xi32, #tpu.memory_space<hbm>>
      %dma_wait3A_70 = arith.constant 0 : i32
      %dma_wait3A_71 = tpu.memref_slice %arg3[%mul3A_2, %dma_wait3A_70] : memref<256x128xi32, #tpu.memory_space<hbm>> -> memref<4x128xi32, #tpu.memory_space<hbm>>
      tpu.wait_dma2 semaphore(%run_scoped3A : memref<!tpu.dma_semaphore, #tpu.memory_space<semaphore_mem>>) src(%dma_wait3A_71 : memref<4x128xi32, #tpu.memory_space<hbm>>) dst(%arg11 : memref<4x128xi32, #tpu.memory_space<vmem>>)
      tpu.yield
    }) : () -> ()
    "tpu.region"() ({
      %run_scoped3A = tpu.sem_alloc : memref<!tpu.dma_semaphore, #tpu.memory_space<semaphore_mem>>
      %dma_start3A = arith.constant 0 : i32
      %dma_start3A_66 = tpu.memref_slice %arg4[%mul3A_2, %dma_start3A] : memref<256x128xi32, #tpu.memory_space<hbm>> -> memref<4x128xi32, #tpu.memory_space<hbm>>
      %dma_start3A_67 = arith.constant 0 : i32
      %dma_start3A_68 = tpu.memref_slice %arg4[%mul3A_2, %dma_start3A_67] : memref<256x128xi32, #tpu.memory_space<hbm>> -> memref<4x128xi32, #tpu.memory_space<hbm>>
      tpu.enqueue_dma source(%dma_start3A_68 : memref<4x128xi32, #tpu.memory_space<hbm>>) target(%arg12 : memref<4x128xi32, #tpu.memory_space<vmem>>) target_semaphore(%run_scoped3A : memref<!tpu.dma_semaphore, #tpu.memory_space<semaphore_mem>>)
      %dma_wait3A = arith.constant 0 : i32
      %dma_wait3A_69 = tpu.memref_slice %arg4[%mul3A_2, %dma_wait3A] : memref<256x128xi32, #tpu.memory_space<hbm>> -> memref<4x128xi32, #tpu.memory_space<hbm>>
      %dma_wait3A_70 = arith.constant 0 : i32
      %dma_wait3A_71 = tpu.memref_slice %arg4[%mul3A_2, %dma_wait3A_70] : memref<256x128xi32, #tpu.memory_space<hbm>> -> memref<4x128xi32, #tpu.memory_space<hbm>>
      tpu.wait_dma2 semaphore(%run_scoped3A : memref<!tpu.dma_semaphore, #tpu.memory_space<semaphore_mem>>) src(%dma_wait3A_71 : memref<4x128xi32, #tpu.memory_space<hbm>>) dst(%arg12 : memref<4x128xi32, #tpu.memory_space<vmem>>)
      tpu.yield
    }) : () -> ()
    %scan3A = arith.constant 0 : i32
    %scan3A_3 = arith.constant 0 : i32
    %scan3A_4 = arith.constant 8 : i32
    %scan3A_5 = arith.addi %scan3A_3, %scan3A_4 : i32
    %scan3A_6 = arith.constant 1 : i32
    scf.for %scan3A_66 = %scan3A_3 to %scan3A_5 step %scan3A_6  : i32 {
      %mul3A_67 = arith.constant 16 : i32
      %mul3A_68 = arith.muli %scan3A_66, %mul3A_67 : i32
      %get3A = arith.constant 0 : i32
      %get3A_69 = arith.index_cast %get3A : i32 to index
      %get3A_70 = arith.index_cast %mul3A_68 : i32 to index
      %get3A_71 = tpu.vector_load %arg10[%get3A_69, %get3A_70] {strides = array<i32>} : memref<4x128xi32, #tpu.memory_space<vmem>>, vector<1x16xi32>,
      %get3A_72 = vector.shape_cast %get3A_71 : vector<1x16xi32> to vector<16xi32>
      %get3A_73 = arith.constant 0 : i32
      %get3A_74 = arith.index_cast %get3A_73 : i32 to index
      %get3A_75 = arith.index_cast %mul3A_68 : i32 to index
      %get3A_76 = tpu.vector_load %arg11[%get3A_74, %get3A_75] {strides = array<i32>} : memref<4x128xi32, #tpu.memory_space<vmem>>, vector<1x16xi32>,
      %get3A_77 = vector.shape_cast %get3A_76 : vector<1x16xi32> to vector<16xi32>
      %get3A_78 = arith.constant 0 : i32
      %get3A_79 = arith.index_cast %get3A_78 : i32 to index
      %get3A_80 = arith.index_cast %mul3A_68 : i32 to index
      %get3A_81 = tpu.vector_load %arg12[%get3A_79, %get3A_80] {strides = array<i32>} : memref<4x128xi32, #tpu.memory_space<vmem>>, vector<1x16xi32>,
      %get3A_82 = vector.shape_cast %get3A_81 : vector<1x16xi32> to vector<16xi32>
      %add3A_83 = arith.constant 0 : i32
      %add3A_84 = arith.addi %mul3A_68, %add3A_83 : i32
      %slice3A = vector.extract_strided_slice %get3A_72 {offsets = [0], sizes = [1], strides = [1]} : vector<16xi32> to vector<1xi32>
      %squeeze3A = vector.extract %slice3A[0] : i32 from vector<1xi32>
      %dma_start3A = arith.constant 0 : i32
      %dma_start3A_85 = tpu.memref_slice %arg13[%add3A_84, %dma_start3A] : memref<128x32xf32, #tpu.memory_space<vmem>> -> memref<1x32xf32, #tpu.memory_space<vmem>>
      %dma_start3A_86 = arith.constant 0 : i32
      %dma_start3A_87 = tpu.memref_slice %arg5[%squeeze3A, %dma_start3A_86] : memref<1000000x32xf32, #tpu.memory_space<hbm>> -> memref<1x32xf32, #tpu.memory_space<hbm>>
      %dma_start3A_88 = arith.constant 0 : i32
      %dma_start3A_89 = tpu.memref_slice %arg13[%add3A_84, %dma_start3A_88] : memref<128x32xf32, #tpu.memory_space<vmem>> -> memref<1x32xf32, #tpu.memory_space<vmem>>
      %dma_start3A_90 = arith.constant 0 : i32
      %dma_start3A_91 = tpu.memref_slice %arg5[%squeeze3A, %dma_start3A_90] : memref<1000000x32xf32, #tpu.memory_space<hbm>> -> memref<1x32xf32, #tpu.memory_space<hbm>>
      tpu.enqueue_dma source(%dma_start3A_91 : memref<1x32xf32, #tpu.memory_space<hbm>>) target(%dma_start3A_89 : memref<1x32xf32, #tpu.memory_space<vmem>>) target_semaphore(%arg19 : memref<!tpu.dma_semaphore, #tpu.memory_space<semaphore_mem>>)
      %slice3A_92 = vector.extract_strided_slice %get3A_77 {offsets = [0], sizes = [1], strides = [1]} : vector<16xi32> to vector<1xi32>
      %squeeze3A_93 = vector.extract %slice3A_92[0] : i32 from vector<1xi32>
      %dma_start3A_94 = arith.constant 0 : i32
      %dma_start3A_95 = tpu.memref_slice %arg14[%add3A_84, %dma_start3A_94] : memref<128x32xf32, #tpu.memory_space<vmem>> -> memref<1x32xf32, #tpu.memory_space<vmem>>
      %dma_start3A_96 = arith.constant 0 : i32
      %dma_start3A_97 = tpu.memref_slice %arg6[%squeeze3A_93, %dma_start3A_96] : memref<1000000x32xf32, #tpu.memory_space<hbm>> -> memref<1x32xf32, #tpu.memory_space<hbm>>
      %dma_start3A_98 = arith.constant 0 : i32
      %dma_start3A_99 = tpu.memref_slice %arg14[%add3A_84, %dma_start3A_98] : memref<128x32xf32, #tpu.memory_space<vmem>> -> memref<1x32xf32, #tpu.memory_space<vmem>>
      %dma_start3A_100 = arith.constant 0 : i32
      %dma_start3A_101 = tpu.memref_slice %arg6[%squeeze3A_93, %dma_start3A_100] : memref<1000000x32xf32, #tpu.memory_space<hbm>> -> memref<1x32xf32, #tpu.memory_space<hbm>>
      tpu.enqueue_dma source(%dma_start3A_101 : memref<1x32xf32, #tpu.memory_space<hbm>>) target(%dma_start3A_99 : memref<1x32xf32, #tpu.memory_space<vmem>>) target_semaphore(%arg19 : memref<!tpu.dma_semaphore, #tpu.memory_space<semaphore_mem>>)
      %slice3A_102 = vector.extract_strided_slice %get3A_82 {offsets = [0], sizes = [1], strides = [1]} : vector<16xi32> to vector<1xi32>
      %squeeze3A_103 = vector.extract %slice3A_102[0] : i32 from vector<1xi32>
      %dma_start3A_104 = arith.constant 0 : i32
      %dma_start3A_105 = tpu.memref_slice %arg15[%add3A_84, %dma_start3A_104] : memref<128x32xf32, #tpu.memory_space<vmem>> -> memref<1x32xf32, #tpu.memory_space<vmem>>
      %dma_start3A_106 = arith.constant 0 : i32
      %dma_start3A_107 = tpu.memref_slice %arg6[%squeeze3A_103, %dma_start3A_106] : memref<1000000x32xf32, #tpu.memory_space<hbm>> -> memref<1x32xf32, #tpu.memory_space<hbm>>
      %dma_start3A_108 = arith.constant 0 : i32
      %dma_start3A_109 = tpu.memref_slice %arg15[%add3A_84, %dma_start3A_108] : memref<128x32xf32, #tpu.memory_space<vmem>> -> memref<1x32xf32, #tpu.memory_space<vmem>>
      %dma_start3A_110 = arith.constant 0 : i32
      %dma_start3A_111 = tpu.memref_slice %arg6[%squeeze3A_103, %dma_start3A_110] : memref<1000000x32xf32, #tpu.memory_space<hbm>> -> memref<1x32xf32, #tpu.memory_space<hbm>>
      tpu.enqueue_dma source(%dma_start3A_111 : memref<1x32xf32, #tpu.memory_space<hbm>>) target(%dma_start3A_109 : memref<1x32xf32, #tpu.memory_space<vmem>>) target_semaphore(%arg19 : memref<!tpu.dma_semaphore, #tpu.memory_space<semaphore_mem>>)
      %add3A_112 = arith.constant 1 : i32
      %add3A_113 = arith.addi %mul3A_68, %add3A_112 : i32
      %slice3A_114 = vector.extract_strided_slice %get3A_72 {offsets = [1], sizes = [1], strides = [1]} : vector<16xi32> to vector<1xi32>
      %squeeze3A_115 = vector.extract %slice3A_114[0] : i32 from vector<1xi32>
      %dma_start3A_116 = arith.constant 0 : i32
      %dma_start3A_117 = tpu.memref_slice %arg13[%add3A_113, %dma_start3A_116] : memref<128x32xf32, #tpu.memory_space<vmem>> -> memref<1x32xf32, #tpu.memory_space<vmem>>
      %dma_start3A_118 = arith.constant 0 : i32
      %dma_start3A_119 = tpu.memref_slice %arg5[%squeeze3A_115, %dma_start3A_118] : memref<1000000x32xf32, #tpu.memory_space<hbm>> -> memref<1x32xf32, #tpu.memory_space<hbm>>
      %dma_start3A_120 = arith.constant 0 : i32
      %dma_start3A_121 = tpu.memref_slice %arg13[%add3A_113, %dma_start3A_120] : memref<128x32xf32, #tpu.memory_space<vmem>> -> memref<1x32xf32, #tpu.memory_space<vmem>>
      %dma_start3A_122 = arith.constant 0 : i32
      %dma_start3A_123 = tpu.memref_slice %arg5[%squeeze3A_115, %dma_start3A_122] : memref<1000000x32xf32, #tpu.memory_space<hbm>> -> memref<1x32xf32, #tpu.memory_space<hbm>>
      tpu.enqueue_dma source(%dma_start3A_123 : memref<1x32xf32, #tpu.memory_space<hbm>>) target(%dma_start3A_121 : memref<1x32xf32, #tpu.memory_space<vmem>>) target_semaphore(%arg19 : memref<!tpu.dma_semaphore, #tpu.memory_space<semaphore_mem>>)
      %slice3A_124 = vector.extract_strided_slice %get3A_77 {offsets = [1], sizes = [1], strides = [1]} : vector<16xi32> to vector<1xi32>
      %squeeze3A_125 = vector.extract %slice3A_124[0] : i32 from vector<1xi32>
      %dma_start3A_126 = arith.constant 0 : i32
      %dma_start3A_127 = tpu.memref_slice %arg14[%add3A_113, %dma_start3A_126] : memref<128x32xf32, #tpu.memory_space<vmem>> -> memref<1x32xf32, #tpu.memory_space<vmem>>
      %dma_start3A_128 = arith.constant 0 : i32
      %dma_start3A_129 = tpu.memref_slice %arg6[%squeeze3A_125, %dma_start3A_128] : memref<1000000x32xf32, #tpu.memory_space<hbm>> -> memref<1x32xf32, #tpu.memory_space<hbm>>
      %dma_start3A_130 = arith.constant 0 : i32
      %dma_start3A_131 = tpu.memref_slice %arg14[%add3A_113, %dma_start3A_130] : memref<128x32xf32, #tpu.memory_space<vmem>> -> memref<1x32xf32, #tpu.memory_space<vmem>>
      %dma_start3A_132 = arith.constant 0 : i32
      %dma_start3A_133 = tpu.memref_slice %arg6[%squeeze3A_125, %dma_start3A_132] : memref<1000000x32xf32, #tpu.memory_space<hbm>> -> memref<1x32xf32, #tpu.memory_space<hbm>>
      tpu.enqueue_dma source(%dma_start3A_133 : memref<1x32xf32, #tpu.memory_space<hbm>>) target(%dma_start3A_131 : memref<1x32xf32, #tpu.memory_space<vmem>>) target_semaphore(%arg19 : memref<!tpu.dma_semaphore, #tpu.memory_space<semaphore_mem>>)
      %slice3A_134 = vector.extract_strided_slice %get3A_82 {offsets = [1], sizes = [1], strides = [1]} : vector<16xi32> to vector<1xi32>
      %squeeze3A_135 = vector.extract %slice3A_134[0] : i32 from vector<1xi32>
      %dma_start3A_136 = arith.constant 0 : i32
      %dma_start3A_137 = tpu.memref_slice %arg15[%add3A_113, %dma_start3A_136] : memref<128x32xf32, #tpu.memory_space<vmem>> -> memref<1x32xf32, #tpu.memory_space<vmem>>
      %dma_start3A_138 = arith.constant 0 : i32
      %dma_start3A_139 = tpu.memref_slice %arg6[%squeeze3A_135, %dma_start3A_138] : memref<1000000x32xf32, #tpu.memory_space<hbm>> -> memref<1x32xf32, #tpu.memory_space<hbm>>
      %dma_start3A_140 = arith.constant 0 : i32
      %dma_start3A_141 = tpu.memref_slice %arg15[%add3A_113, %dma_start3A_140] : memref<128x32xf32, #tpu.memory_space<vmem>> -> memref<1x32xf32, #tpu.memory_space<vmem>>
      %dma_start3A_142 = arith.constant 0 : i32
      %dma_start3A_143 = tpu.memref_slice %arg6[%squeeze3A_135, %dma_start3A_142] : memref<1000000x32xf32, #tpu.memory_space<hbm>> -> memref<1x32xf32, #tpu.memory_space<hbm>>
      tpu.enqueue_dma source(%dma_start3A_143 : memref<1x32xf32, #tpu.memory_space<hbm>>) target(%dma_start3A_141 : memref<1x32xf32, #tpu.memory_space<vmem>>) target_semaphore(%arg19 : memref<!tpu.dma_semaphore, #tpu.memory_space<semaphore_mem>>)
      %add3A_144 = arith.constant 2 : i32
      %add3A_145 = arith.addi %mul3A_68, %add3A_144 : i32
      %slice3A_146 = vector.extract_strided_slice %get3A_72 {offsets = [2], sizes = [1], strides = [1]} : vector<16xi32> to vector<1xi32>
      %squeeze3A_147 = vector.extract %slice3A_146[0] : i32 from vector<1xi32>
      %dma_start3A_148 = arith.constant 0 : i32
      %dma_start3A_149 = tpu.memref_slice %arg13[%add3A_145, %dma_start3A_148] : memref<128x32xf32, #tpu.memory_space<vmem>> -> memref<1x32xf32, #tpu.memory_space<vmem>>
      %dma_start3A_150 = arith.constant 0 : i32
      %dma_start3A_151 = tpu.memref_slice %arg5[%squeeze3A_147, %dma_start3A_150] : memref<1000000x32xf32, #tpu.memory_space<hbm>> -> memref<1x32xf32, #tpu.memory_space<hbm>>
      %dma_start3A_152 = arith.constant 0 : i32
      %dma_start3A_153 = tpu.memref_slice %arg13[%add3A_145, %dma_start3A_152] : memref<128x32xf32, #tpu.memory_space<vmem>> -> memref<1x32xf32, #tpu.memory_space<vmem>>
      %dma_start3A_154 = arith.constant 0 : i32
      %dma_start3A_155 = tpu.memref_slice %arg5[%squeeze3A_147, %dma_start3A_154] : memref<1000000x32xf32, #tpu.memory_space<hbm>> -> memref<1x32xf32, #tpu.memory_space<hbm>>
      tpu.enqueue_dma source(%dma_start3A_155 : memref<1x32xf32, #tpu.memory_space<hbm>>) target(%dma_start3A_153 : memref<1x32xf32, #tpu.memory_space<vmem>>) target_semaphore(%arg19 : memref<!tpu.dma_semaphore, #tpu.memory_space<semaphore_mem>>)
      %slice3A_156 = vector.extract_strided_slice %get3A_77 {offsets = [2], sizes = [1], strides = [1]} : vector<16xi32> to vector<1xi32>
      %squeeze3A_157 = vector.extract %slice3A_156[0] : i32 from vector<1xi32>
      %dma_start3A_158 = arith.constant 0 : i32
      %dma_start3A_159 = tpu.memref_slice %arg14[%add3A_145, %dma_start3A_158] : memref<128x32xf32, #tpu.memory_space<vmem>> -> memref<1x32xf32, #tpu.memory_space<vmem>>
      %dma_start3A_160 = arith.constant 0 : i32
      %dma_start3A_161 = tpu.memref_slice %arg6[%squeeze3A_157, %dma_start3A_160] : memref<1000000x32xf32, #tpu.memory_space<hbm>> -> memref<1x32xf32, #tpu.memory_space<hbm>>
      %dma_start3A_162 = arith.constant 0 : i32
      %dma_start3A_163 = tpu.memref_slice %arg14[%add3A_145, %dma_start3A_162] : memref<128x32xf32, #tpu.memory_space<vmem>> -> memref<1x32xf32, #tpu.memory_space<vmem>>
      %dma_start3A_164 = arith.constant 0 : i32
      %dma_start3A_165 = tpu.memref_slice %arg6[%squeeze3A_157, %dma_start3A_164] : memref<1000000x32xf32, #tpu.memory_space<hbm>> -> memref<1x32xf32, #tpu.memory_space<hbm>>
      tpu.enqueue_dma source(%dma_start3A_165 : memref<1x32xf32, #tpu.memory_space<hbm>>) target(%dma_start3A_163 : memref<1x32xf32, #tpu.memory_space<vmem>>) target_semaphore(%arg19 : memref<!tpu.dma_semaphore, #tpu.memory_space<semaphore_mem>>)
      %slice3A_166 = vector.extract_strided_slice %get3A_82 {offsets = [2], sizes = [1], strides = [1]} : vector<16xi32> to vector<1xi32>
      %squeeze3A_167 = vector.extract %slice3A_166[0] : i32 from vector<1xi32>
      %dma_start3A_168 = arith.constant 0 : i32
      %dma_start3A_169 = tpu.memref_slice %arg15[%add3A_145, %dma_start3A_168] : memref<128x32xf32, #tpu.memory_space<vmem>> -> memref<1x32xf32, #tpu.memory_space<vmem>>
      %dma_start3A_170 = arith.constant 0 : i32
      %dma_start3A_171 = tpu.memref_slice %arg6[%squeeze3A_167, %dma_start3A_170] : memref<1000000x32xf32, #tpu.memory_space<hbm>> -> memref<1x32xf32, #tpu.memory_space<hbm>>
      %dma_start3A_172 = arith.constant 0 : i32
      %dma_start3A_173 = tpu.memref_slice %arg15[%add3A_145, %dma_start3A_172] : memref<128x32xf32, #tpu.memory_space<vmem>> -> memref<1x32xf32, #tpu.memory_space<vmem>>
      %dma_start3A_174 = arith.constant 0 : i32
      %dma_start3A_175 = tpu.memref_slice %arg6[%squeeze3A_167, %dma_start3A_174] : memref<1000000x32xf32, #tpu.memory_space<hbm>> -> memref<1x32xf32, #tpu.memory_space<hbm>>
      tpu.enqueue_dma source(%dma_start3A_175 : memref<1x32xf32, #tpu.memory_space<hbm>>) target(%dma_start3A_173 : memref<1x32xf32, #tpu.memory_space<vmem>>) target_semaphore(%arg19 : memref<!tpu.dma_semaphore, #tpu.memory_space<semaphore_mem>>)
      %add3A_176 = arith.constant 3 : i32
      %add3A_177 = arith.addi %mul3A_68, %add3A_176 : i32
      %slice3A_178 = vector.extract_strided_slice %get3A_72 {offsets = [3], sizes = [1], strides = [1]} : vector<16xi32> to vector<1xi32>
      %squeeze3A_179 = vector.extract %slice3A_178[0] : i32 from vector<1xi32>
      %dma_start3A_180 = arith.constant 0 : i32
      %dma_start3A_181 = tpu.memref_slice %arg13[%add3A_177, %dma_start3A_180] : memref<128x32xf32, #tpu.memory_space<vmem>> -> memref<1x32xf32, #tpu.memory_space<vmem>>
      %dma_start3A_182 = arith.constant 0 : i32
      %dma_start3A_183 = tpu.memref_slice %arg5[%squeeze3A_179, %dma_start3A_182] : memref<1000000x32xf32, #tpu.memory_space<hbm>> -> memref<1x32xf32, #tpu.memory_space<hbm>>
      %dma_start3A_184 = arith.constant 0 : i32
      %dma_start3A_185 = tpu.memref_slice %arg13[%add3A_177, %dma_start3A_184] : memref<128x32xf32, #tpu.memory_space<vmem>> -> memref<1x32xf32, #tpu.memory_space<vmem>>
      %dma_start3A_186 = arith.constant 0 : i32
      %dma_start3A_187 = tpu.memref_slice %arg5[%squeeze3A_179, %dma_start3A_186] : memref<1000000x32xf32, #tpu.memory_space<hbm>> -> memref<1x32xf32, #tpu.memory_space<hbm>>
      tpu.enqueue_dma source(%dma_start3A_187 : memref<1x32xf32, #tpu.memory_space<hbm>>) target(%dma_start3A_185 : memref<1x32xf32, #tpu.memory_space<vmem>>) target_semaphore(%arg19 : memref<!tpu.dma_semaphore, #tpu.memory_space<semaphore_mem>>)
      %slice3A_188 = vector.extract_strided_slice %get3A_77 {offsets = [3], sizes = [1], strides = [1]} : vector<16xi32> to vector<1xi32>
      %squeeze3A_189 = vector.extract %slice3A_188[0] : i32 from vector<1xi32>
      %dma_start3A_190 = arith.constant 0 : i32
      %dma_start3A_191 = tpu.memref_slice %arg14[%add3A_177, %dma_start3A_190] : memref<128x32xf32, #tpu.memory_space<vmem>> -> memref<1x32xf32, #tpu.memory_space<vmem>>
      %dma_start3A_192 = arith.constant 0 : i32
      %dma_start3A_193 = tpu.memref_slice %arg6[%squeeze3A_189, %dma_start3A_192] : memref<1000000x32xf32, #tpu.memory_space<hbm>> -> memref<1x32xf32, #tpu.memory_space<hbm>>
      %dma_start3A_194 = arith.constant 0 : i32
      %dma_start3A_195 = tpu.memref_slice %arg14[%add3A_177, %dma_start3A_194] : memref<128x32xf32, #tpu.memory_space<vmem>> -> memref<1x32xf32, #tpu.memory_space<vmem>>
      %dma_start3A_196 = arith.constant 0 : i32
      %dma_start3A_197 = tpu.memref_slice %arg6[%squeeze3A_189, %dma_start3A_196] : memref<1000000x32xf32, #tpu.memory_space<hbm>> -> memref<1x32xf32, #tpu.memory_space<hbm>>
      tpu.enqueue_dma source(%dma_start3A_197 : memref<1x32xf32, #tpu.memory_space<hbm>>) target(%dma_start3A_195 : memref<1x32xf32, #tpu.memory_space<vmem>>) target_semaphore(%arg19 : memref<!tpu.dma_semaphore, #tpu.memory_space<semaphore_mem>>)
      %slice3A_198 = vector.extract_strided_slice %get3A_82 {offsets = [3], sizes = [1], strides = [1]} : vector<16xi32> to vector<1xi32>
      %squeeze3A_199 = vector.extract %slice3A_198[0] : i32 from vector<1xi32>
      %dma_start3A_200 = arith.constant 0 : i32
      %dma_start3A_201 = tpu.memref_slice %arg15[%add3A_177, %dma_start3A_200] : memref<128x32xf32, #tpu.memory_space<vmem>> -> memref<1x32xf32, #tpu.memory_space<vmem>>
      %dma_start3A_202 = arith.constant 0 : i32
      %dma_start3A_203 = tpu.memref_slice %arg6[%squeeze3A_199, %dma_start3A_202] : memref<1000000x32xf32, #tpu.memory_space<hbm>> -> memref<1x32xf32, #tpu.memory_space<hbm>>
      %dma_start3A_204 = arith.constant 0 : i32
      %dma_start3A_205 = tpu.memref_slice %arg15[%add3A_177, %dma_start3A_204] : memref<128x32xf32, #tpu.memory_space<vmem>> -> memref<1x32xf32, #tpu.memory_space<vmem>>
      %dma_start3A_206 = arith.constant 0 : i32
      %dma_start3A_207 = tpu.memref_slice %arg6[%squeeze3A_199, %dma_start3A_206] : memref<1000000x32xf32, #tpu.memory_space<hbm>> -> memref<1x32xf32, #tpu.memory_space<hbm>>
      tpu.enqueue_dma source(%dma_start3A_207 : memref<1x32xf32, #tpu.memory_space<hbm>>) target(%dma_start3A_205 : memref<1x32xf32, #tpu.memory_space<vmem>>) target_semaphore(%arg19 : memref<!tpu.dma_semaphore, #tpu.memory_space<semaphore_mem>>)
      %add3A_208 = arith.constant 4 : i32
      %add3A_209 = arith.addi %mul3A_68, %add3A_208 : i32
      %slice3A_210 = vector.extract_strided_slice %get3A_72 {offsets = [4], sizes = [1], strides = [1]} : vector<16xi32> to vector<1xi32>
      %squeeze3A_211 = vector.extract %slice3A_210[0] : i32 from vector<1xi32>
      %dma_start3A_212 = arith.constant 0 : i32
      %dma_start3A_213 = tpu.memref_slice %arg13[%add3A_209, %dma_start3A_212] : memref<128x32xf32, #tpu.memory_space<vmem>> -> memref<1x32xf32, #tpu.memory_space<vmem>>
      %dma_start3A_214 = arith.constant 0 : i32
      %dma_start3A_215 = tpu.memref_slice %arg5[%squeeze3A_211, %dma_start3A_214] : memref<1000000x32xf32, #tpu.memory_space<hbm>> -> memref<1x32xf32, #tpu.memory_space<hbm>>
      %dma_start3A_216 = arith.constant 0 : i32
      %dma_start3A_217 = tpu.memref_slice %arg13[%add3A_209, %dma_start3A_216] : memref<128x32xf32, #tpu.memory_space<vmem>> -> memref<1x32xf32, #tpu.memory_space<vmem>>
      %dma_start3A_218 = arith.constant 0 : i32
      %dma_start3A_219 = tpu.memref_slice %arg5[%squeeze3A_211, %dma_start3A_218] : memref<1000000x32xf32, #tpu.memory_space<hbm>> -> memref<1x32xf32, #tpu.memory_space<hbm>>
      tpu.enqueue_dma source(%dma_start3A_219 : memref<1x32xf32, #tpu.memory_space<hbm>>) target(%dma_start3A_217 : memref<1x32xf32, #tpu.memory_space<vmem>>) target_semaphore(%arg19 : memref<!tpu.dma_semaphore, #tpu.memory_space<semaphore_mem>>)
      %slice3A_220 = vector.extract_strided_slice %get3A_77 {offsets = [4], sizes = [1], strides = [1]} : vector<16xi32> to vector<1xi32>
      %squeeze3A_221 = vector.extract %slice3A_220[0] : i32 from vector<1xi32>
      %dma_start3A_222 = arith.constant 0 : i32
      %dma_start3A_223 = tpu.memref_slice %arg14[%add3A_209, %dma_start3A_222] : memref<128x32xf32, #tpu.memory_space<vmem>> -> memref<1x32xf32, #tpu.memory_space<vmem>>
      %dma_start3A_224 = arith.constant 0 : i32
      %dma_start3A_225 = tpu.memref_slice %arg6[%squeeze3A_221, %dma_start3A_224] : memref<1000000x32xf32, #tpu.memory_space<hbm>> -> memref<1x32xf32, #tpu.memory_space<hbm>>
      %dma_start3A_226 = arith.constant 0 : i32
      %dma_start3A_227 = tpu.memref_slice %arg14[%add3A_209, %dma_start3A_226] : memref<128x32xf32, #tpu.memory_space<vmem>> -> memref<1x32xf32, #tpu.memory_space<vmem>>
      %dma_start3A_228 = arith.constant 0 : i32
      %dma_start3A_229 = tpu.memref_slice %arg6[%squeeze3A_221, %dma_start3A_228] : memref<1000000x32xf32, #tpu.memory_space<hbm>> -> memref<1x32xf32, #tpu.memory_space<hbm>>
      tpu.enqueue_dma source(%dma_start3A_229 : memref<1x32xf32, #tpu.memory_space<hbm>>) target(%dma_start3A_227 : memref<1x32xf32, #tpu.memory_space<vmem>>) target_semaphore(%arg19 : memref<!tpu.dma_semaphore, #tpu.memory_space<semaphore_mem>>)
      %slice3A_230 = vector.extract_strided_slice %get3A_82 {offsets = [4], sizes = [1], strides = [1]} : vector<16xi32> to vector<1xi32>
      %squeeze3A_231 = vector.extract %slice3A_230[0] : i32 from vector<1xi32>
      %dma_start3A_232 = arith.constant 0 : i32
      %dma_start3A_233 = tpu.memref_slice %arg15[%add3A_209, %dma_start3A_232] : memref<128x32xf32, #tpu.memory_space<vmem>> -> memref<1x32xf32, #tpu.memory_space<vmem>>
      %dma_start3A_234 = arith.constant 0 : i32
      %dma_start3A_235 = tpu.memref_slice %arg6[%squeeze3A_231, %dma_start3A_234] : memref<1000000x32xf32, #tpu.memory_space<hbm>> -> memref<1x32xf32, #tpu.memory_space<hbm>>
      %dma_start3A_236 = arith.constant 0 : i32
      %dma_start3A_237 = tpu.memref_slice %arg15[%add3A_209, %dma_start3A_236] : memref<128x32xf32, #tpu.memory_space<vmem>> -> memref<1x32xf32, #tpu.memory_space<vmem>>
      %dma_start3A_238 = arith.constant 0 : i32
      %dma_start3A_239 = tpu.memref_slice %arg6[%squeeze3A_231, %dma_start3A_238] : memref<1000000x32xf32, #tpu.memory_space<hbm>> -> memref<1x32xf32, #tpu.memory_space<hbm>>
      tpu.enqueue_dma source(%dma_start3A_239 : memref<1x32xf32, #tpu.memory_space<hbm>>) target(%dma_start3A_237 : memref<1x32xf32, #tpu.memory_space<vmem>>) target_semaphore(%arg19 : memref<!tpu.dma_semaphore, #tpu.memory_space<semaphore_mem>>)
      %add3A_240 = arith.constant 5 : i32
      %add3A_241 = arith.addi %mul3A_68, %add3A_240 : i32
      %slice3A_242 = vector.extract_strided_slice %get3A_72 {offsets = [5], sizes = [1], strides = [1]} : vector<16xi32> to vector<1xi32>
      %squeeze3A_243 = vector.extract %slice3A_242[0] : i32 from vector<1xi32>
      %dma_start3A_244 = arith.constant 0 : i32
      %dma_start3A_245 = tpu.memref_slice %arg13[%add3A_241, %dma_start3A_244] : memref<128x32xf32, #tpu.memory_space<vmem>> -> memref<1x32xf32, #tpu.memory_space<vmem>>
      %dma_start3A_246 = arith.constant 0 : i32
      %dma_start3A_247 = tpu.memref_slice %arg5[%squeeze3A_243, %dma_start3A_246] : memref<1000000x32xf32, #tpu.memory_space<hbm>> -> memref<1x32xf32, #tpu.memory_space<hbm>>
      %dma_start3A_248 = arith.constant 0 : i32
      %dma_start3A_249 = tpu.memref_slice %arg13[%add3A_241, %dma_start3A_248] : memref<128x32xf32, #tpu.memory_space<vmem>> -> memref<1x32xf32, #tpu.memory_space<vmem>>
      %dma_start3A_250 = arith.constant 0 : i32
      %dma_start3A_251 = tpu.memref_slice %arg5[%squeeze3A_243, %dma_start3A_250] : memref<1000000x32xf32, #tpu.memory_space<hbm>> -> memref<1x32xf32, #tpu.memory_space<hbm>>
      tpu.enqueue_dma source(%dma_start3A_251 : memref<1x32xf32, #tpu.memory_space<hbm>>) target(%dma_start3A_249 : memref<1x32xf32, #tpu.memory_space<vmem>>) target_semaphore(%arg19 : memref<!tpu.dma_semaphore, #tpu.memory_space<semaphore_mem>>)
      %slice3A_252 = vector.extract_strided_slice %get3A_77 {offsets = [5], sizes = [1], strides = [1]} : vector<16xi32> to vector<1xi32>
      %squeeze3A_253 = vector.extract %slice3A_252[0] : i32 from vector<1xi32>
      %dma_start3A_254 = arith.constant 0 : i32
      %dma_start3A_255 = tpu.memref_slice %arg14[%add3A_241, %dma_start3A_254] : memref<128x32xf32, #tpu.memory_space<vmem>> -> memref<1x32xf32, #tpu.memory_space<vmem>>
      %dma_start3A_256 = arith.constant 0 : i32
      %dma_start3A_257 = tpu.memref_slice %arg6[%squeeze3A_253, %dma_start3A_256] : memref<1000000x32xf32, #tpu.memory_space<hbm>> -> memref<1x32xf32, #tpu.memory_space<hbm>>
      %dma_start3A_258 = arith.constant 0 : i32
      %dma_start3A_259 = tpu.memref_slice %arg14[%add3A_241, %dma_start3A_258] : memref<128x32xf32, #tpu.memory_space<vmem>> -> memref<1x32xf32, #tpu.memory_space<vmem>>
      %dma_start3A_260 = arith.constant 0 : i32
      %dma_start3A_261 = tpu.memref_slice %arg6[%squeeze3A_253, %dma_start3A_260] : memref<1000000x32xf32, #tpu.memory_space<hbm>> -> memref<1x32xf32, #tpu.memory_space<hbm>>
      tpu.enqueue_dma source(%dma_start3A_261 : memref<1x32xf32, #tpu.memory_space<hbm>>) target(%dma_start3A_259 : memref<1x32xf32, #tpu.memory_space<vmem>>) target_semaphore(%arg19 : memref<!tpu.dma_semaphore, #tpu.memory_space<semaphore_mem>>)
      %slice3A_262 = vector.extract_strided_slice %get3A_82 {offsets = [5], sizes = [1], strides = [1]} : vector<16xi32> to vector<1xi32>
      %squeeze3A_263 = vector.extract %slice3A_262[0] : i32 from vector<1xi32>
      %dma_start3A_264 = arith.constant 0 : i32
      %dma_start3A_265 = tpu.memref_slice %arg15[%add3A_241, %dma_start3A_264] : memref<128x32xf32, #tpu.memory_space<vmem>> -> memref<1x32xf32, #tpu.memory_space<vmem>>
      %dma_start3A_266 = arith.constant 0 : i32
      %dma_start3A_267 = tpu.memref_slice %arg6[%squeeze3A_263, %dma_start3A_266] : memref<1000000x32xf32, #tpu.memory_space<hbm>> -> memref<1x32xf32, #tpu.memory_space<hbm>>
      %dma_start3A_268 = arith.constant 0 : i32
      %dma_start3A_269 = tpu.memref_slice %arg15[%add3A_241, %dma_start3A_268] : memref<128x32xf32, #tpu.memory_space<vmem>> -> memref<1x32xf32, #tpu.memory_space<vmem>>
      %dma_start3A_270 = arith.constant 0 : i32
      %dma_start3A_271 = tpu.memref_slice %arg6[%squeeze3A_263, %dma_start3A_270] : memref<1000000x32xf32, #tpu.memory_space<hbm>> -> memref<1x32xf32, #tpu.memory_space<hbm>>
      tpu.enqueue_dma source(%dma_start3A_271 : memref<1x32xf32, #tpu.memory_space<hbm>>) target(%dma_start3A_269 : memref<1x32xf32, #tpu.memory_space<vmem>>) target_semaphore(%arg19 : memref<!tpu.dma_semaphore, #tpu.memory_space<semaphore_mem>>)
      %add3A_272 = arith.constant 6 : i32
      %add3A_273 = arith.addi %mul3A_68, %add3A_272 : i32
      %slice3A_274 = vector.extract_strided_slice %get3A_72 {offsets = [6], sizes = [1], strides = [1]} : vector<16xi32> to vector<1xi32>
      %squeeze3A_275 = vector.extract %slice3A_274[0] : i32 from vector<1xi32>
      %dma_start3A_276 = arith.constant 0 : i32
      %dma_start3A_277 = tpu.memref_slice %arg13[%add3A_273, %dma_start3A_276] : memref<128x32xf32, #tpu.memory_space<vmem>> -> memref<1x32xf32, #tpu.memory_space<vmem>>
      %dma_start3A_278 = arith.constant 0 : i32
      %dma_start3A_279 = tpu.memref_slice %arg5[%squeeze3A_275, %dma_start3A_278] : memref<1000000x32xf32, #tpu.memory_space<hbm>> -> memref<1x32xf32, #tpu.memory_space<hbm>>
      %dma_start3A_280 = arith.constant 0 : i32
      %dma_start3A_281 = tpu.memref_slice %arg13[%add3A_273, %dma_start3A_280] : memref<128x32xf32, #tpu.memory_space<vmem>> -> memref<1x32xf32, #tpu.memory_space<vmem>>
      %dma_start3A_282 = arith.constant 0 : i32
      %dma_start3A_283 = tpu.memref_slice %arg5[%squeeze3A_275, %dma_start3A_282] : memref<1000000x32xf32, #tpu.memory_space<hbm>> -> memref<1x32xf32, #tpu.memory_space<hbm>>
      tpu.enqueue_dma source(%dma_start3A_283 : memref<1x32xf32, #tpu.memory_space<hbm>>) target(%dma_start3A_281 : memref<1x32xf32, #tpu.memory_space<vmem>>) target_semaphore(%arg19 : memref<!tpu.dma_semaphore, #tpu.memory_space<semaphore_mem>>)
      %slice3A_284 = vector.extract_strided_slice %get3A_77 {offsets = [6], sizes = [1], strides = [1]} : vector<16xi32> to vector<1xi32>
      %squeeze3A_285 = vector.extract %slice3A_284[0] : i32 from vector<1xi32>
      %dma_start3A_286 = arith.constant 0 : i32
      %dma_start3A_287 = tpu.memref_slice %arg14[%add3A_273, %dma_start3A_286] : memref<128x32xf32, #tpu.memory_space<vmem>> -> memref<1x32xf32, #tpu.memory_space<vmem>>
      %dma_start3A_288 = arith.constant 0 : i32
      %dma_start3A_289 = tpu.memref_slice %arg6[%squeeze3A_285, %dma_start3A_288] : memref<1000000x32xf32, #tpu.memory_space<hbm>> -> memref<1x32xf32, #tpu.memory_space<hbm>>
      %dma_start3A_290 = arith.constant 0 : i32
      %dma_start3A_291 = tpu.memref_slice %arg14[%add3A_273, %dma_start3A_290] : memref<128x32xf32, #tpu.memory_space<vmem>> -> memref<1x32xf32, #tpu.memory_space<vmem>>
      %dma_start3A_292 = arith.constant 0 : i32
      %dma_start3A_293 = tpu.memref_slice %arg6[%squeeze3A_285, %dma_start3A_292] : memref<1000000x32xf32, #tpu.memory_space<hbm>> -> memref<1x32xf32, #tpu.memory_space<hbm>>
      tpu.enqueue_dma source(%dma_start3A_293 : memref<1x32xf32, #tpu.memory_space<hbm>>) target(%dma_start3A_291 : memref<1x32xf32, #tpu.memory_space<vmem>>) target_semaphore(%arg19 : memref<!tpu.dma_semaphore, #tpu.memory_space<semaphore_mem>>)
      %slice3A_294 = vector.extract_strided_slice %get3A_82 {offsets = [6], sizes = [1], strides = [1]} : vector<16xi32> to vector<1xi32>
      %squeeze3A_295 = vector.extract %slice3A_294[0] : i32 from vector<1xi32>
      %dma_start3A_296 = arith.constant 0 : i32
      %dma_start3A_297 = tpu.memref_slice %arg15[%add3A_273, %dma_start3A_296] : memref<128x32xf32, #tpu.memory_space<vmem>> -> memref<1x32xf32, #tpu.memory_space<vmem>>
      %dma_start3A_298 = arith.constant 0 : i32
      %dma_start3A_299 = tpu.memref_slice %arg6[%squeeze3A_295, %dma_start3A_298] : memref<1000000x32xf32, #tpu.memory_space<hbm>> -> memref<1x32xf32, #tpu.memory_space<hbm>>
      %dma_start3A_300 = arith.constant 0 : i32
      %dma_start3A_301 = tpu.memref_slice %arg15[%add3A_273, %dma_start3A_300] : memref<128x32xf32, #tpu.memory_space<vmem>> -> memref<1x32xf32, #tpu.memory_space<vmem>>
      %dma_start3A_302 = arith.constant 0 : i32
      %dma_start3A_303 = tpu.memref_slice %arg6[%squeeze3A_295, %dma_start3A_302] : memref<1000000x32xf32, #tpu.memory_space<hbm>> -> memref<1x32xf32, #tpu.memory_space<hbm>>
      tpu.enqueue_dma source(%dma_start3A_303 : memref<1x32xf32, #tpu.memory_space<hbm>>) target(%dma_start3A_301 : memref<1x32xf32, #tpu.memory_space<vmem>>) target_semaphore(%arg19 : memref<!tpu.dma_semaphore, #tpu.memory_space<semaphore_mem>>)
      %add3A_304 = arith.constant 7 : i32
      %add3A_305 = arith.addi %mul3A_68, %add3A_304 : i32
      %slice3A_306 = vector.extract_strided_slice %get3A_72 {offsets = [7], sizes = [1], strides = [1]} : vector<16xi32> to vector<1xi32>
      %squeeze3A_307 = vector.extract %slice3A_306[0] : i32 from vector<1xi32>
      %dma_start3A_308 = arith.constant 0 : i32
      %dma_start3A_309 = tpu.memref_slice %arg13[%add3A_305, %dma_start3A_308] : memref<128x32xf32, #tpu.memory_space<vmem>> -> memref<1x32xf32, #tpu.memory_space<vmem>>
      %dma_start3A_310 = arith.constant 0 : i32
      %dma_start3A_311 = tpu.memref_slice %arg5[%squeeze3A_307, %dma_start3A_310] : memref<1000000x32xf32, #tpu.memory_space<hbm>> -> memref<1x32xf32, #tpu.memory_space<hbm>>
      %dma_start3A_312 = arith.constant 0 : i32
      %dma_start3A_313 = tpu.memref_slice %arg13[%add3A_305, %dma_start3A_312] : memref<128x32xf32, #tpu.memory_space<vmem>> -> memref<1x32xf32, #tpu.memory_space<vmem>>
      %dma_start3A_314 = arith.constant 0 : i32
      %dma_start3A_315 = tpu.memref_slice %arg5[%squeeze3A_307, %dma_start3A_314] : memref<1000000x32xf32, #tpu.memory_space<hbm>> -> memref<1x32xf32, #tpu.memory_space<hbm>>
      tpu.enqueue_dma source(%dma_start3A_315 : memref<1x32xf32, #tpu.memory_space<hbm>>) target(%dma_start3A_313 : memref<1x32xf32, #tpu.memory_space<vmem>>) target_semaphore(%arg19 : memref<!tpu.dma_semaphore, #tpu.memory_space<semaphore_mem>>)
      %slice3A_316 = vector.extract_strided_slice %get3A_77 {offsets = [7], sizes = [1], strides = [1]} : vector<16xi32> to vector<1xi32>
      %squeeze3A_317 = vector.extract %slice3A_316[0] : i32 from vector<1xi32>
      %dma_start3A_318 = arith.constant 0 : i32
      %dma_start3A_319 = tpu.memref_slice %arg14[%add3A_305, %dma_start3A_318] : memref<128x32xf32, #tpu.memory_space<vmem>> -> memref<1x32xf32, #tpu.memory_space<vmem>>
      %dma_start3A_320 = arith.constant 0 : i32
      %dma_start3A_321 = tpu.memref_slice %arg6[%squeeze3A_317, %dma_start3A_320] : memref<1000000x32xf32, #tpu.memory_space<hbm>> -> memref<1x32xf32, #tpu.memory_space<hbm>>
      %dma_start3A_322 = arith.constant 0 : i32
      %dma_start3A_323 = tpu.memref_slice %arg14[%add3A_305, %dma_start3A_322] : memref<128x32xf32, #tpu.memory_space<vmem>> -> memref<1x32xf32, #tpu.memory_space<vmem>>
      %dma_start3A_324 = arith.constant 0 : i32
      %dma_start3A_325 = tpu.memref_slice %arg6[%squeeze3A_317, %dma_start3A_324] : memref<1000000x32xf32, #tpu.memory_space<hbm>> -> memref<1x32xf32, #tpu.memory_space<hbm>>
      tpu.enqueue_dma source(%dma_start3A_325 : memref<1x32xf32, #tpu.memory_space<hbm>>) target(%dma_start3A_323 : memref<1x32xf32, #tpu.memory_space<vmem>>) target_semaphore(%arg19 : memref<!tpu.dma_semaphore, #tpu.memory_space<semaphore_mem>>)
      %slice3A_326 = vector.extract_strided_slice %get3A_82 {offsets = [7], sizes = [1], strides = [1]} : vector<16xi32> to vector<1xi32>
      %squeeze3A_327 = vector.extract %slice3A_326[0] : i32 from vector<1xi32>
      %dma_start3A_328 = arith.constant 0 : i32
      %dma_start3A_329 = tpu.memref_slice %arg15[%add3A_305, %dma_start3A_328] : memref<128x32xf32, #tpu.memory_space<vmem>> -> memref<1x32xf32, #tpu.memory_space<vmem>>
      %dma_start3A_330 = arith.constant 0 : i32
      %dma_start3A_331 = tpu.memref_slice %arg6[%squeeze3A_327, %dma_start3A_330] : memref<1000000x32xf32, #tpu.memory_space<hbm>> -> memref<1x32xf32, #tpu.memory_space<hbm>>
      %dma_start3A_332 = arith.constant 0 : i32
      %dma_start3A_333 = tpu.memref_slice %arg15[%add3A_305, %dma_start3A_332] : memref<128x32xf32, #tpu.memory_space<vmem>> -> memref<1x32xf32, #tpu.memory_space<vmem>>
      %dma_start3A_334 = arith.constant 0 : i32
      %dma_start3A_335 = tpu.memref_slice %arg6[%squeeze3A_327, %dma_start3A_334] : memref<1000000x32xf32, #tpu.memory_space<hbm>> -> memref<1x32xf32, #tpu.memory_space<hbm>>
      tpu.enqueue_dma source(%dma_start3A_335 : memref<1x32xf32, #tpu.memory_space<hbm>>) target(%dma_start3A_333 : memref<1x32xf32, #tpu.memory_space<vmem>>) target_semaphore(%arg19 : memref<!tpu.dma_semaphore, #tpu.memory_space<semaphore_mem>>)
      %add3A_336 = arith.constant 8 : i32
      %add3A_337 = arith.addi %mul3A_68, %add3A_336 : i32
      %slice3A_338 = vector.extract_strided_slice %get3A_72 {offsets = [8], sizes = [1], strides = [1]} : vector<16xi32> to vector<1xi32>
      %squeeze3A_339 = vector.extract %slice3A_338[0] : i32 from vector<1xi32>
      %dma_start3A_340 = arith.constant 0 : i32
      %dma_start3A_341 = tpu.memref_slice %arg13[%add3A_337, %dma_start3A_340] : memref<128x32xf32, #tpu.memory_space<vmem>> -> memref<1x32xf32, #tpu.memory_space<vmem>>
      %dma_start3A_342 = arith.constant 0 : i32
      %dma_start3A_343 = tpu.memref_slice %arg5[%squeeze3A_339, %dma_start3A_342] : memref<1000000x32xf32, #tpu.memory_space<hbm>> -> memref<1x32xf32, #tpu.memory_space<hbm>>
      %dma_start3A_344 = arith.constant 0 : i32
      %dma_start3A_345 = tpu.memref_slice %arg13[%add3A_337, %dma_start3A_344] : memref<128x32xf32, #tpu.memory_space<vmem>> -> memref<1x32xf32, #tpu.memory_space<vmem>>
      %dma_start3A_346 = arith.constant 0 : i32
      %dma_start3A_347 = tpu.memref_slice %arg5[%squeeze3A_339, %dma_start3A_346] : memref<1000000x32xf32, #tpu.memory_space<hbm>> -> memref<1x32xf32, #tpu.memory_space<hbm>>
      tpu.enqueue_dma source(%dma_start3A_347 : memref<1x32xf32, #tpu.memory_space<hbm>>) target(%dma_start3A_345 : memref<1x32xf32, #tpu.memory_space<vmem>>) target_semaphore(%arg19 : memref<!tpu.dma_semaphore, #tpu.memory_space<semaphore_mem>>)
      %slice3A_348 = vector.extract_strided_slice %get3A_77 {offsets = [8], sizes = [1], strides = [1]} : vector<16xi32> to vector<1xi32>
      %squeeze3A_349 = vector.extract %slice3A_348[0] : i32 from vector<1xi32>
      %dma_start3A_350 = arith.constant 0 : i32
      %dma_start3A_351 = tpu.memref_slice %arg14[%add3A_337, %dma_start3A_350] : memref<128x32xf32, #tpu.memory_space<vmem>> -> memref<1x32xf32, #tpu.memory_space<vmem>>
      %dma_start3A_352 = arith.constant 0 : i32
      %dma_start3A_353 = tpu.memref_slice %arg6[%squeeze3A_349, %dma_start3A_352] : memref<1000000x32xf32, #tpu.memory_space<hbm>> -> memref<1x32xf32, #tpu.memory_space<hbm>>
      %dma_start3A_354 = arith.constant 0 : i32
      %dma_start3A_355 = tpu.memref_slice %arg14[%add3A_337, %dma_start3A_354] : memref<128x32xf32, #tpu.memory_space<vmem>> -> memref<1x32xf32, #tpu.memory_space<vmem>>
      %dma_start3A_356 = arith.constant 0 : i32
      %dma_start3A_357 = tpu.memref_slice %arg6[%squeeze3A_349, %dma_start3A_356] : memref<1000000x32xf32, #tpu.memory_space<hbm>> -> memref<1x32xf32, #tpu.memory_space<hbm>>
      tpu.enqueue_dma source(%dma_start3A_357 : memref<1x32xf32, #tpu.memory_space<hbm>>) target(%dma_start3A_355 : memref<1x32xf32, #tpu.memory_space<vmem>>) target_semaphore(%arg19 : memref<!tpu.dma_semaphore, #tpu.memory_space<semaphore_mem>>)
      %slice3A_358 = vector.extract_strided_slice %get3A_82 {offsets = [8], sizes = [1], strides = [1]} : vector<16xi32> to vector<1xi32>
      %squeeze3A_359 = vector.extract %slice3A_358[0] : i32 from vector<1xi32>
      %dma_start3A_360 = arith.constant 0 : i32
      %dma_start3A_361 = tpu.memref_slice %arg15[%add3A_337, %dma_start3A_360] : memref<128x32xf32, #tpu.memory_space<vmem>> -> memref<1x32xf32, #tpu.memory_space<vmem>>
      %dma_start3A_362 = arith.constant 0 : i32
      %dma_start3A_363 = tpu.memref_slice %arg6[%squeeze3A_359, %dma_start3A_362] : memref<1000000x32xf32, #tpu.memory_space<hbm>> -> memref<1x32xf32, #tpu.memory_space<hbm>>
      %dma_start3A_364 = arith.constant 0 : i32
      %dma_start3A_365 = tpu.memref_slice %arg15[%add3A_337, %dma_start3A_364] : memref<128x32xf32, #tpu.memory_space<vmem>> -> memref<1x32xf32, #tpu.memory_space<vmem>>
      %dma_start3A_366 = arith.constant 0 : i32
      %dma_start3A_367 = tpu.memref_slice %arg6[%squeeze3A_359, %dma_start3A_366] : memref<1000000x32xf32, #tpu.memory_space<hbm>> -> memref<1x32xf32, #tpu.memory_space<hbm>>
      tpu.enqueue_dma source(%dma_start3A_367 : memref<1x32xf32, #tpu.memory_space<hbm>>) target(%dma_start3A_365 : memref<1x32xf32, #tpu.memory_space<vmem>>) target_semaphore(%arg19 : memref<!tpu.dma_semaphore, #tpu.memory_space<semaphore_mem>>)
      %add3A_368 = arith.constant 9 : i32
      %add3A_369 = arith.addi %mul3A_68, %add3A_368 : i32
      %slice3A_370 = vector.extract_strided_slice %get3A_72 {offsets = [9], sizes = [1], strides = [1]} : vector<16xi32> to vector<1xi32>
      %squeeze3A_371 = vector.extract %slice3A_370[0] : i32 from vector<1xi32>
      %dma_start3A_372 = arith.constant 0 : i32
      %dma_start3A_373 = tpu.memref_slice %arg13[%add3A_369, %dma_start3A_372] : memref<128x32xf32, #tpu.memory_space<vmem>> -> memref<1x32xf32, #tpu.memory_space<vmem>>
      %dma_start3A_374 = arith.constant 0 : i32
      %dma_start3A_375 = tpu.memref_slice %arg5[%squeeze3A_371, %dma_start3A_374] : memref<1000000x32xf32, #tpu.memory_space<hbm>> -> memref<1x32xf32, #tpu.memory_space<hbm>>
      %dma_start3A_376 = arith.constant 0 : i32
      %dma_start3A_377 = tpu.memref_slice %arg13[%add3A_369, %dma_start3A_376] : memref<128x32xf32, #tpu.memory_space<vmem>> -> memref<1x32xf32, #tpu.memory_space<vmem>>
      %dma_start3A_378 = arith.constant 0 : i32
      %dma_start3A_379 = tpu.memref_slice %arg5[%squeeze3A_371, %dma_start3A_378] : memref<1000000x32xf32, #tpu.memory_space<hbm>> -> memref<1x32xf32, #tpu.memory_space<hbm>>
      tpu.enqueue_dma source(%dma_start3A_379 : memref<1x32xf32, #tpu.memory_space<hbm>>) target(%dma_start3A_377 : memref<1x32xf32, #tpu.memory_space<vmem>>) target_semaphore(%arg19 : memref<!tpu.dma_semaphore, #tpu.memory_space<semaphore_mem>>)
      %slice3A_380 = vector.extract_strided_slice %get3A_77 {offsets = [9], sizes = [1], strides = [1]} : vector<16xi32> to vector<1xi32>
      %squeeze3A_381 = vector.extract %slice3A_380[0] : i32 from vector<1xi32>
      %dma_start3A_382 = arith.constant 0 : i32
      %dma_start3A_383 = tpu.memref_slice %arg14[%add3A_369, %dma_start3A_382] : memref<128x32xf32, #tpu.memory_space<vmem>> -> memref<1x32xf32, #tpu.memory_space<vmem>>
      %dma_start3A_384 = arith.constant 0 : i32
      %dma_start3A_385 = tpu.memref_slice %arg6[%squeeze3A_381, %dma_start3A_384] : memref<1000000x32xf32, #tpu.memory_space<hbm>> -> memref<1x32xf32, #tpu.memory_space<hbm>>
      %dma_start3A_386 = arith.constant 0 : i32
      %dma_start3A_387 = tpu.memref_slice %arg14[%add3A_369, %dma_start3A_386] : memref<128x32xf32, #tpu.memory_space<vmem>> -> memref<1x32xf32, #tpu.memory_space<vmem>>
      %dma_start3A_388 = arith.constant 0 : i32
      %dma_start3A_389 = tpu.memref_slice %arg6[%squeeze3A_381, %dma_start3A_388] : memref<1000000x32xf32, #tpu.memory_space<hbm>> -> memref<1x32xf32, #tpu.memory_space<hbm>>
      tpu.enqueue_dma source(%dma_start3A_389 : memref<1x32xf32, #tpu.memory_space<hbm>>) target(%dma_start3A_387 : memref<1x32xf32, #tpu.memory_space<vmem>>) target_semaphore(%arg19 : memref<!tpu.dma_semaphore, #tpu.memory_space<semaphore_mem>>)
      %slice3A_390 = vector.extract_strided_slice %get3A_82 {offsets = [9], sizes = [1], strides = [1]} : vector<16xi32> to vector<1xi32>
      %squeeze3A_391 = vector.extract %slice3A_390[0] : i32 from vector<1xi32>
      %dma_start3A_392 = arith.constant 0 : i32
      %dma_start3A_393 = tpu.memref_slice %arg15[%add3A_369, %dma_start3A_392] : memref<128x32xf32, #tpu.memory_space<vmem>> -> memref<1x32xf32, #tpu.memory_space<vmem>>
      %dma_start3A_394 = arith.constant 0 : i32
      %dma_start3A_395 = tpu.memref_slice %arg6[%squeeze3A_391, %dma_start3A_394] : memref<1000000x32xf32, #tpu.memory_space<hbm>> -> memref<1x32xf32, #tpu.memory_space<hbm>>
      %dma_start3A_396 = arith.constant 0 : i32
      %dma_start3A_397 = tpu.memref_slice %arg15[%add3A_369, %dma_start3A_396] : memref<128x32xf32, #tpu.memory_space<vmem>> -> memref<1x32xf32, #tpu.memory_space<vmem>>
      %dma_start3A_398 = arith.constant 0 : i32
      %dma_start3A_399 = tpu.memref_slice %arg6[%squeeze3A_391, %dma_start3A_398] : memref<1000000x32xf32, #tpu.memory_space<hbm>> -> memref<1x32xf32, #tpu.memory_space<hbm>>
      tpu.enqueue_dma source(%dma_start3A_399 : memref<1x32xf32, #tpu.memory_space<hbm>>) target(%dma_start3A_397 : memref<1x32xf32, #tpu.memory_space<vmem>>) target_semaphore(%arg19 : memref<!tpu.dma_semaphore, #tpu.memory_space<semaphore_mem>>)
      %add3A_400 = arith.constant 10 : i32
      %add3A_401 = arith.addi %mul3A_68, %add3A_400 : i32
      %slice3A_402 = vector.extract_strided_slice %get3A_72 {offsets = [10], sizes = [1], strides = [1]} : vector<16xi32> to vector<1xi32>
      %squeeze3A_403 = vector.extract %slice3A_402[0] : i32 from vector<1xi32>
      %dma_start3A_404 = arith.constant 0 : i32
      %dma_start3A_405 = tpu.memref_slice %arg13[%add3A_401, %dma_start3A_404] : memref<128x32xf32, #tpu.memory_space<vmem>> -> memref<1x32xf32, #tpu.memory_space<vmem>>
      %dma_start3A_406 = arith.constant 0 : i32
      %dma_start3A_407 = tpu.memref_slice %arg5[%squeeze3A_403, %dma_start3A_406] : memref<1000000x32xf32, #tpu.memory_space<hbm>> -> memref<1x32xf32, #tpu.memory_space<hbm>>
      %dma_start3A_408 = arith.constant 0 : i32
      %dma_start3A_409 = tpu.memref_slice %arg13[%add3A_401, %dma_start3A_408] : memref<128x32xf32, #tpu.memory_space<vmem>> -> memref<1x32xf32, #tpu.memory_space<vmem>>
      %dma_start3A_410 = arith.constant 0 : i32
      %dma_start3A_411 = tpu.memref_slice %arg5[%squeeze3A_403, %dma_start3A_410] : memref<1000000x32xf32, #tpu.memory_space<hbm>> -> memref<1x32xf32, #tpu.memory_space<hbm>>
      tpu.enqueue_dma source(%dma_start3A_411 : memref<1x32xf32, #tpu.memory_space<hbm>>) target(%dma_start3A_409 : memref<1x32xf32, #tpu.memory_space<vmem>>) target_semaphore(%arg19 : memref<!tpu.dma_semaphore, #tpu.memory_space<semaphore_mem>>)
      %slice3A_412 = vector.extract_strided_slice %get3A_77 {offsets = [10], sizes = [1], strides = [1]} : vector<16xi32> to vector<1xi32>
      %squeeze3A_413 = vector.extract %slice3A_412[0] : i32 from vector<1xi32>
      %dma_start3A_414 = arith.constant 0 : i32
      %dma_start3A_415 = tpu.memref_slice %arg14[%add3A_401, %dma_start3A_414] : memref<128x32xf32, #tpu.memory_space<vmem>> -> memref<1x32xf32, #tpu.memory_space<vmem>>
      %dma_start3A_416 = arith.constant 0 : i32
      %dma_start3A_417 = tpu.memref_slice %arg6[%squeeze3A_413, %dma_start3A_416] : memref<1000000x32xf32, #tpu.memory_space<hbm>> -> memref<1x32xf32, #tpu.memory_space<hbm>>
      %dma_start3A_418 = arith.constant 0 : i32
      %dma_start3A_419 = tpu.memref_slice %arg14[%add3A_401, %dma_start3A_418] : memref<128x32xf32, #tpu.memory_space<vmem>> -> memref<1x32xf32, #tpu.memory_space<vmem>>
      %dma_start3A_420 = arith.constant 0 : i32
      %dma_start3A_421 = tpu.memref_slice %arg6[%squeeze3A_413, %dma_start3A_420] : memref<1000000x32xf32, #tpu.memory_space<hbm>> -> memref<1x32xf32, #tpu.memory_space<hbm>>
      tpu.enqueue_dma source(%dma_start3A_421 : memref<1x32xf32, #tpu.memory_space<hbm>>) target(%dma_start3A_419 : memref<1x32xf32, #tpu.memory_space<vmem>>) target_semaphore(%arg19 : memref<!tpu.dma_semaphore, #tpu.memory_space<semaphore_mem>>)
      %slice3A_422 = vector.extract_strided_slice %get3A_82 {offsets = [10], sizes = [1], strides = [1]} : vector<16xi32> to vector<1xi32>
      %squeeze3A_423 = vector.extract %slice3A_422[0] : i32 from vector<1xi32>
      %dma_start3A_424 = arith.constant 0 : i32
      %dma_start3A_425 = tpu.memref_slice %arg15[%add3A_401, %dma_start3A_424] : memref<128x32xf32, #tpu.memory_space<vmem>> -> memref<1x32xf32, #tpu.memory_space<vmem>>
      %dma_start3A_426 = arith.constant 0 : i32
      %dma_start3A_427 = tpu.memref_slice %arg6[%squeeze3A_423, %dma_start3A_426] : memref<1000000x32xf32, #tpu.memory_space<hbm>> -> memref<1x32xf32, #tpu.memory_space<hbm>>
      %dma_start3A_428 = arith.constant 0 : i32
      %dma_start3A_429 = tpu.memref_slice %arg15[%add3A_401, %dma_start3A_428] : memref<128x32xf32, #tpu.memory_space<vmem>> -> memref<1x32xf32, #tpu.memory_space<vmem>>
      %dma_start3A_430 = arith.constant 0 : i32
      %dma_start3A_431 = tpu.memref_slice %arg6[%squeeze3A_423, %dma_start3A_430] : memref<1000000x32xf32, #tpu.memory_space<hbm>> -> memref<1x32xf32, #tpu.memory_space<hbm>>
      tpu.enqueue_dma source(%dma_start3A_431 : memref<1x32xf32, #tpu.memory_space<hbm>>) target(%dma_start3A_429 : memref<1x32xf32, #tpu.memory_space<vmem>>) target_semaphore(%arg19 : memref<!tpu.dma_semaphore, #tpu.memory_space<semaphore_mem>>)
      %add3A_432 = arith.constant 11 : i32
      %add3A_433 = arith.addi %mul3A_68, %add3A_432 : i32
      %slice3A_434 = vector.extract_strided_slice %get3A_72 {offsets = [11], sizes = [1], strides = [1]} : vector<16xi32> to vector<1xi32>
      %squeeze3A_435 = vector.extract %slice3A_434[0] : i32 from vector<1xi32>
      %dma_start3A_436 = arith.constant 0 : i32
      %dma_start3A_437 = tpu.memref_slice %arg13[%add3A_433, %dma_start3A_436] : memref<128x32xf32, #tpu.memory_space<vmem>> -> memref<1x32xf32, #tpu.memory_space<vmem>>
      %dma_start3A_438 = arith.constant 0 : i32
      %dma_start3A_439 = tpu.memref_slice %arg5[%squeeze3A_435, %dma_start3A_438] : memref<1000000x32xf32, #tpu.memory_space<hbm>> -> memref<1x32xf32, #tpu.memory_space<hbm>>
      %dma_start3A_440 = arith.constant 0 : i32
      %dma_start3A_441 = tpu.memref_slice %arg13[%add3A_433, %dma_start3A_440] : memref<128x32xf32, #tpu.memory_space<vmem>> -> memref<1x32xf32, #tpu.memory_space<vmem>>
      %dma_start3A_442 = arith.constant 0 : i32
      %dma_start3A_443 = tpu.memref_slice %arg5[%squeeze3A_435, %dma_start3A_442] : memref<1000000x32xf32, #tpu.memory_space<hbm>> -> memref<1x32xf32, #tpu.memory_space<hbm>>
      tpu.enqueue_dma source(%dma_start3A_443 : memref<1x32xf32, #tpu.memory_space<hbm>>) target(%dma_start3A_441 : memref<1x32xf32, #tpu.memory_space<vmem>>) target_semaphore(%arg19 : memref<!tpu.dma_semaphore, #tpu.memory_space<semaphore_mem>>)
      %slice3A_444 = vector.extract_strided_slice %get3A_77 {offsets = [11], sizes = [1], strides = [1]} : vector<16xi32> to vector<1xi32>
      %squeeze3A_445 = vector.extract %slice3A_444[0] : i32 from vector<1xi32>
      %dma_start3A_446 = arith.constant 0 : i32
      %dma_start3A_447 = tpu.memref_slice %arg14[%add3A_433, %dma_start3A_446] : memref<128x32xf32, #tpu.memory_space<vmem>> -> memref<1x32xf32, #tpu.memory_space<vmem>>
      %dma_start3A_448 = arith.constant 0 : i32
      %dma_start3A_449 = tpu.memref_slice %arg6[%squeeze3A_445, %dma_start3A_448] : memref<1000000x32xf32, #tpu.memory_space<hbm>> -> memref<1x32xf32, #tpu.memory_space<hbm>>
      %dma_start3A_450 = arith.constant 0 : i32
      %dma_start3A_451 = tpu.memref_slice %arg14[%add3A_433, %dma_start3A_450] : memref<128x32xf32, #tpu.memory_space<vmem>> -> memref<1x32xf32, #tpu.memory_space<vmem>>
      %dma_start3A_452 = arith.constant 0 : i32
      %dma_start3A_453 = tpu.memref_slice %arg6[%squeeze3A_445, %dma_start3A_452] : memref<1000000x32xf32, #tpu.memory_space<hbm>> -> memref<1x32xf32, #tpu.memory_space<hbm>>
      tpu.enqueue_dma source(%dma_start3A_453 : memref<1x32xf32, #tpu.memory_space<hbm>>) target(%dma_start3A_451 : memref<1x32xf32, #tpu.memory_space<vmem>>) target_semaphore(%arg19 : memref<!tpu.dma_semaphore, #tpu.memory_space<semaphore_mem>>)
      %slice3A_454 = vector.extract_strided_slice %get3A_82 {offsets = [11], sizes = [1], strides = [1]} : vector<16xi32> to vector<1xi32>
      %squeeze3A_455 = vector.extract %slice3A_454[0] : i32 from vector<1xi32>
      %dma_start3A_456 = arith.constant 0 : i32
      %dma_start3A_457 = tpu.memref_slice %arg15[%add3A_433, %dma_start3A_456] : memref<128x32xf32, #tpu.memory_space<vmem>> -> memref<1x32xf32, #tpu.memory_space<vmem>>
      %dma_start3A_458 = arith.constant 0 : i32
      %dma_start3A_459 = tpu.memref_slice %arg6[%squeeze3A_455, %dma_start3A_458] : memref<1000000x32xf32, #tpu.memory_space<hbm>> -> memref<1x32xf32, #tpu.memory_space<hbm>>
      %dma_start3A_460 = arith.constant 0 : i32
      %dma_start3A_461 = tpu.memref_slice %arg15[%add3A_433, %dma_start3A_460] : memref<128x32xf32, #tpu.memory_space<vmem>> -> memref<1x32xf32, #tpu.memory_space<vmem>>
      %dma_start3A_462 = arith.constant 0 : i32
      %dma_start3A_463 = tpu.memref_slice %arg6[%squeeze3A_455, %dma_start3A_462] : memref<1000000x32xf32, #tpu.memory_space<hbm>> -> memref<1x32xf32, #tpu.memory_space<hbm>>
      tpu.enqueue_dma source(%dma_start3A_463 : memref<1x32xf32, #tpu.memory_space<hbm>>) target(%dma_start3A_461 : memref<1x32xf32, #tpu.memory_space<vmem>>) target_semaphore(%arg19 : memref<!tpu.dma_semaphore, #tpu.memory_space<semaphore_mem>>)
      %add3A_464 = arith.constant 12 : i32
      %add3A_465 = arith.addi %mul3A_68, %add3A_464 : i32
      %slice3A_466 = vector.extract_strided_slice %get3A_72 {offsets = [12], sizes = [1], strides = [1]} : vector<16xi32> to vector<1xi32>
      %squeeze3A_467 = vector.extract %slice3A_466[0] : i32 from vector<1xi32>
      %dma_start3A_468 = arith.constant 0 : i32
      %dma_start3A_469 = tpu.memref_slice %arg13[%add3A_465, %dma_start3A_468] : memref<128x32xf32, #tpu.memory_space<vmem>> -> memref<1x32xf32, #tpu.memory_space<vmem>>
      %dma_start3A_470 = arith.constant 0 : i32
      %dma_start3A_471 = tpu.memref_slice %arg5[%squeeze3A_467, %dma_start3A_470] : memref<1000000x32xf32, #tpu.memory_space<hbm>> -> memref<1x32xf32, #tpu.memory_space<hbm>>
      %dma_start3A_472 = arith.constant 0 : i32
      %dma_start3A_473 = tpu.memref_slice %arg13[%add3A_465, %dma_start3A_472] : memref<128x32xf32, #tpu.memory_space<vmem>> -> memref<1x32xf32, #tpu.memory_space<vmem>>
      %dma_start3A_474 = arith.constant 0 : i32
      %dma_start3A_475 = tpu.memref_slice %arg5[%squeeze3A_467, %dma_start3A_474] : memref<1000000x32xf32, #tpu.memory_space<hbm>> -> memref<1x32xf32, #tpu.memory_space<hbm>>
      tpu.enqueue_dma source(%dma_start3A_475 : memref<1x32xf32, #tpu.memory_space<hbm>>) target(%dma_start3A_473 : memref<1x32xf32, #tpu.memory_space<vmem>>) target_semaphore(%arg19 : memref<!tpu.dma_semaphore, #tpu.memory_space<semaphore_mem>>)
      %slice3A_476 = vector.extract_strided_slice %get3A_77 {offsets = [12], sizes = [1], strides = [1]} : vector<16xi32> to vector<1xi32>
      %squeeze3A_477 = vector.extract %slice3A_476[0] : i32 from vector<1xi32>
      %dma_start3A_478 = arith.constant 0 : i32
      %dma_start3A_479 = tpu.memref_slice %arg14[%add3A_465, %dma_start3A_478] : memref<128x32xf32, #tpu.memory_space<vmem>> -> memref<1x32xf32, #tpu.memory_space<vmem>>
      %dma_start3A_480 = arith.constant 0 : i32
      %dma_start3A_481 = tpu.memref_slice %arg6[%squeeze3A_477, %dma_start3A_480] : memref<1000000x32xf32, #tpu.memory_space<hbm>> -> memref<1x32xf32, #tpu.memory_space<hbm>>
      %dma_start3A_482 = arith.constant 0 : i32
      %dma_start3A_483 = tpu.memref_slice %arg14[%add3A_465, %dma_start3A_482] : memref<128x32xf32, #tpu.memory_space<vmem>> -> memref<1x32xf32, #tpu.memory_space<vmem>>
      %dma_start3A_484 = arith.constant 0 : i32
      %dma_start3A_485 = tpu.memref_slice %arg6[%squeeze3A_477, %dma_start3A_484] : memref<1000000x32xf32, #tpu.memory_space<hbm>> -> memref<1x32xf32, #tpu.memory_space<hbm>>
      tpu.enqueue_dma source(%dma_start3A_485 : memref<1x32xf32, #tpu.memory_space<hbm>>) target(%dma_start3A_483 : memref<1x32xf32, #tpu.memory_space<vmem>>) target_semaphore(%arg19 : memref<!tpu.dma_semaphore, #tpu.memory_space<semaphore_mem>>)
      %slice3A_486 = vector.extract_strided_slice %get3A_82 {offsets = [12], sizes = [1], strides = [1]} : vector<16xi32> to vector<1xi32>
      %squeeze3A_487 = vector.extract %slice3A_486[0] : i32 from vector<1xi32>
      %dma_start3A_488 = arith.constant 0 : i32
      %dma_start3A_489 = tpu.memref_slice %arg15[%add3A_465, %dma_start3A_488] : memref<128x32xf32, #tpu.memory_space<vmem>> -> memref<1x32xf32, #tpu.memory_space<vmem>>
      %dma_start3A_490 = arith.constant 0 : i32
      %dma_start3A_491 = tpu.memref_slice %arg6[%squeeze3A_487, %dma_start3A_490] : memref<1000000x32xf32, #tpu.memory_space<hbm>> -> memref<1x32xf32, #tpu.memory_space<hbm>>
      %dma_start3A_492 = arith.constant 0 : i32
      %dma_start3A_493 = tpu.memref_slice %arg15[%add3A_465, %dma_start3A_492] : memref<128x32xf32, #tpu.memory_space<vmem>> -> memref<1x32xf32, #tpu.memory_space<vmem>>
      %dma_start3A_494 = arith.constant 0 : i32
      %dma_start3A_495 = tpu.memref_slice %arg6[%squeeze3A_487, %dma_start3A_494] : memref<1000000x32xf32, #tpu.memory_space<hbm>> -> memref<1x32xf32, #tpu.memory_space<hbm>>
      tpu.enqueue_dma source(%dma_start3A_495 : memref<1x32xf32, #tpu.memory_space<hbm>>) target(%dma_start3A_493 : memref<1x32xf32, #tpu.memory_space<vmem>>) target_semaphore(%arg19 : memref<!tpu.dma_semaphore, #tpu.memory_space<semaphore_mem>>)
      %add3A_496 = arith.constant 13 : i32
      %add3A_497 = arith.addi %mul3A_68, %add3A_496 : i32
      %slice3A_498 = vector.extract_strided_slice %get3A_72 {offsets = [13], sizes = [1], strides = [1]} : vector<16xi32> to vector<1xi32>
      %squeeze3A_499 = vector.extract %slice3A_498[0] : i32 from vector<1xi32>
      %dma_start3A_500 = arith.constant 0 : i32
      %dma_start3A_501 = tpu.memref_slice %arg13[%add3A_497, %dma_start3A_500] : memref<128x32xf32, #tpu.memory_space<vmem>> -> memref<1x32xf32, #tpu.memory_space<vmem>>
      %dma_start3A_502 = arith.constant 0 : i32
      %dma_start3A_503 = tpu.memref_slice %arg5[%squeeze3A_499, %dma_start3A_502] : memref<1000000x32xf32, #tpu.memory_space<hbm>> -> memref<1x32xf32, #tpu.memory_space<hbm>>
      %dma_start3A_504 = arith.constant 0 : i32
      %dma_start3A_505 = tpu.memref_slice %arg13[%add3A_497, %dma_start3A_504] : memref<128x32xf32, #tpu.memory_space<vmem>> -> memref<1x32xf32, #tpu.memory_space<vmem>>
      %dma_start3A_506 = arith.constant 0 : i32
      %dma_start3A_507 = tpu.memref_slice %arg5[%squeeze3A_499, %dma_start3A_506] : memref<1000000x32xf32, #tpu.memory_space<hbm>> -> memref<1x32xf32, #tpu.memory_space<hbm>>
      tpu.enqueue_dma source(%dma_start3A_507 : memref<1x32xf32, #tpu.memory_space<hbm>>) target(%dma_start3A_505 : memref<1x32xf32, #tpu.memory_space<vmem>>) target_semaphore(%arg19 : memref<!tpu.dma_semaphore, #tpu.memory_space<semaphore_mem>>)
      %slice3A_508 = vector.extract_strided_slice %get3A_77 {offsets = [13], sizes = [1], strides = [1]} : vector<16xi32> to vector<1xi32>
      %squeeze3A_509 = vector.extract %slice3A_508[0] : i32 from vector<1xi32>
      %dma_start3A_510 = arith.constant 0 : i32
      %dma_start3A_511 = tpu.memref_slice %arg14[%add3A_497, %dma_start3A_510] : memref<128x32xf32, #tpu.memory_space<vmem>> -> memref<1x32xf32, #tpu.memory_space<vmem>>
      %dma_start3A_512 = arith.constant 0 : i32
      %dma_start3A_513 = tpu.memref_slice %arg6[%squeeze3A_509, %dma_start3A_512] : memref<1000000x32xf32, #tpu.memory_space<hbm>> -> memref<1x32xf32, #tpu.memory_space<hbm>>
      %dma_start3A_514 = arith.constant 0 : i32
      %dma_start3A_515 = tpu.memref_slice %arg14[%add3A_497, %dma_start3A_514] : memref<128x32xf32, #tpu.memory_space<vmem>> -> memref<1x32xf32, #tpu.memory_space<vmem>>
      %dma_start3A_516 = arith.constant 0 : i32
      %dma_start3A_517 = tpu.memref_slice %arg6[%squeeze3A_509, %dma_start3A_516] : memref<1000000x32xf32, #tpu.memory_space<hbm>> -> memref<1x32xf32, #tpu.memory_space<hbm>>
      tpu.enqueue_dma source(%dma_start3A_517 : memref<1x32xf32, #tpu.memory_space<hbm>>) target(%dma_start3A_515 : memref<1x32xf32, #tpu.memory_space<vmem>>) target_semaphore(%arg19 : memref<!tpu.dma_semaphore, #tpu.memory_space<semaphore_mem>>)
      %slice3A_518 = vector.extract_strided_slice %get3A_82 {offsets = [13], sizes = [1], strides = [1]} : vector<16xi32> to vector<1xi32>
      %squeeze3A_519 = vector.extract %slice3A_518[0] : i32 from vector<1xi32>
      %dma_start3A_520 = arith.constant 0 : i32
      %dma_start3A_521 = tpu.memref_slice %arg15[%add3A_497, %dma_start3A_520] : memref<128x32xf32, #tpu.memory_space<vmem>> -> memref<1x32xf32, #tpu.memory_space<vmem>>
      %dma_start3A_522 = arith.constant 0 : i32
      %dma_start3A_523 = tpu.memref_slice %arg6[%squeeze3A_519, %dma_start3A_522] : memref<1000000x32xf32, #tpu.memory_space<hbm>> -> memref<1x32xf32, #tpu.memory_space<hbm>>
      %dma_start3A_524 = arith.constant 0 : i32
      %dma_start3A_525 = tpu.memref_slice %arg15[%add3A_497, %dma_start3A_524] : memref<128x32xf32, #tpu.memory_space<vmem>> -> memref<1x32xf32, #tpu.memory_space<vmem>>
      %dma_start3A_526 = arith.constant 0 : i32
      %dma_start3A_527 = tpu.memref_slice %arg6[%squeeze3A_519, %dma_start3A_526] : memref<1000000x32xf32, #tpu.memory_space<hbm>> -> memref<1x32xf32, #tpu.memory_space<hbm>>
      tpu.enqueue_dma source(%dma_start3A_527 : memref<1x32xf32, #tpu.memory_space<hbm>>) target(%dma_start3A_525 : memref<1x32xf32, #tpu.memory_space<vmem>>) target_semaphore(%arg19 : memref<!tpu.dma_semaphore, #tpu.memory_space<semaphore_mem>>)
      %add3A_528 = arith.constant 14 : i32
      %add3A_529 = arith.addi %mul3A_68, %add3A_528 : i32
      %slice3A_530 = vector.extract_strided_slice %get3A_72 {offsets = [14], sizes = [1], strides = [1]} : vector<16xi32> to vector<1xi32>
      %squeeze3A_531 = vector.extract %slice3A_530[0] : i32 from vector<1xi32>
      %dma_start3A_532 = arith.constant 0 : i32
      %dma_start3A_533 = tpu.memref_slice %arg13[%add3A_529, %dma_start3A_532] : memref<128x32xf32, #tpu.memory_space<vmem>> -> memref<1x32xf32, #tpu.memory_space<vmem>>
      %dma_start3A_534 = arith.constant 0 : i32
      %dma_start3A_535 = tpu.memref_slice %arg5[%squeeze3A_531, %dma_start3A_534] : memref<1000000x32xf32, #tpu.memory_space<hbm>> -> memref<1x32xf32, #tpu.memory_space<hbm>>
      %dma_start3A_536 = arith.constant 0 : i32
      %dma_start3A_537 = tpu.memref_slice %arg13[%add3A_529, %dma_start3A_536] : memref<128x32xf32, #tpu.memory_space<vmem>> -> memref<1x32xf32, #tpu.memory_space<vmem>>
      %dma_start3A_538 = arith.constant 0 : i32
      %dma_start3A_539 = tpu.memref_slice %arg5[%squeeze3A_531, %dma_start3A_538] : memref<1000000x32xf32, #tpu.memory_space<hbm>> -> memref<1x32xf32, #tpu.memory_space<hbm>>
      tpu.enqueue_dma source(%dma_start3A_539 : memref<1x32xf32, #tpu.memory_space<hbm>>) target(%dma_start3A_537 : memref<1x32xf32, #tpu.memory_space<vmem>>) target_semaphore(%arg19 : memref<!tpu.dma_semaphore, #tpu.memory_space<semaphore_mem>>)
      %slice3A_540 = vector.extract_strided_slice %get3A_77 {offsets = [14], sizes = [1], strides = [1]} : vector<16xi32> to vector<1xi32>
      %squeeze3A_541 = vector.extract %slice3A_540[0] : i32 from vector<1xi32>
      %dma_start3A_542 = arith.constant 0 : i32
      %dma_start3A_543 = tpu.memref_slice %arg14[%add3A_529, %dma_start3A_542] : memref<128x32xf32, #tpu.memory_space<vmem>> -> memref<1x32xf32, #tpu.memory_space<vmem>>
      %dma_start3A_544 = arith.constant 0 : i32
      %dma_start3A_545 = tpu.memref_slice %arg6[%squeeze3A_541, %dma_start3A_544] : memref<1000000x32xf32, #tpu.memory_space<hbm>> -> memref<1x32xf32, #tpu.memory_space<hbm>>
      %dma_start3A_546 = arith.constant 0 : i32
      %dma_start3A_547 = tpu.memref_slice %arg14[%add3A_529, %dma_start3A_546] : memref<128x32xf32, #tpu.memory_space<vmem>> -> memref<1x32xf32, #tpu.memory_space<vmem>>
      %dma_start3A_548 = arith.constant 0 : i32
      %dma_start3A_549 = tpu.memref_slice %arg6[%squeeze3A_541, %dma_start3A_548] : memref<1000000x32xf32, #tpu.memory_space<hbm>> -> memref<1x32xf32, #tpu.memory_space<hbm>>
      tpu.enqueue_dma source(%dma_start3A_549 : memref<1x32xf32, #tpu.memory_space<hbm>>) target(%dma_start3A_547 : memref<1x32xf32, #tpu.memory_space<vmem>>) target_semaphore(%arg19 : memref<!tpu.dma_semaphore, #tpu.memory_space<semaphore_mem>>)
      %slice3A_550 = vector.extract_strided_slice %get3A_82 {offsets = [14], sizes = [1], strides = [1]} : vector<16xi32> to vector<1xi32>
      %squeeze3A_551 = vector.extract %slice3A_550[0] : i32 from vector<1xi32>
      %dma_start3A_552 = arith.constant 0 : i32
      %dma_start3A_553 = tpu.memref_slice %arg15[%add3A_529, %dma_start3A_552] : memref<128x32xf32, #tpu.memory_space<vmem>> -> memref<1x32xf32, #tpu.memory_space<vmem>>
      %dma_start3A_554 = arith.constant 0 : i32
      %dma_start3A_555 = tpu.memref_slice %arg6[%squeeze3A_551, %dma_start3A_554] : memref<1000000x32xf32, #tpu.memory_space<hbm>> -> memref<1x32xf32, #tpu.memory_space<hbm>>
      %dma_start3A_556 = arith.constant 0 : i32
      %dma_start3A_557 = tpu.memref_slice %arg15[%add3A_529, %dma_start3A_556] : memref<128x32xf32, #tpu.memory_space<vmem>> -> memref<1x32xf32, #tpu.memory_space<vmem>>
      %dma_start3A_558 = arith.constant 0 : i32
      %dma_start3A_559 = tpu.memref_slice %arg6[%squeeze3A_551, %dma_start3A_558] : memref<1000000x32xf32, #tpu.memory_space<hbm>> -> memref<1x32xf32, #tpu.memory_space<hbm>>
      tpu.enqueue_dma source(%dma_start3A_559 : memref<1x32xf32, #tpu.memory_space<hbm>>) target(%dma_start3A_557 : memref<1x32xf32, #tpu.memory_space<vmem>>) target_semaphore(%arg19 : memref<!tpu.dma_semaphore, #tpu.memory_space<semaphore_mem>>)
      %add3A_560 = arith.constant 15 : i32
      %add3A_561 = arith.addi %mul3A_68, %add3A_560 : i32
      %slice3A_562 = vector.extract_strided_slice %get3A_72 {offsets = [15], sizes = [1], strides = [1]} : vector<16xi32> to vector<1xi32>
      %squeeze3A_563 = vector.extract %slice3A_562[0] : i32 from vector<1xi32>
      %dma_start3A_564 = arith.constant 0 : i32
      %dma_start3A_565 = tpu.memref_slice %arg13[%add3A_561, %dma_start3A_564] : memref<128x32xf32, #tpu.memory_space<vmem>> -> memref<1x32xf32, #tpu.memory_space<vmem>>
      %dma_start3A_566 = arith.constant 0 : i32
      %dma_start3A_567 = tpu.memref_slice %arg5[%squeeze3A_563, %dma_start3A_566] : memref<1000000x32xf32, #tpu.memory_space<hbm>> -> memref<1x32xf32, #tpu.memory_space<hbm>>
      %dma_start3A_568 = arith.constant 0 : i32
      %dma_start3A_569 = tpu.memref_slice %arg13[%add3A_561, %dma_start3A_568] : memref<128x32xf32, #tpu.memory_space<vmem>> -> memref<1x32xf32, #tpu.memory_space<vmem>>
      %dma_start3A_570 = arith.constant 0 : i32
      %dma_start3A_571 = tpu.memref_slice %arg5[%squeeze3A_563, %dma_start3A_570] : memref<1000000x32xf32, #tpu.memory_space<hbm>> -> memref<1x32xf32, #tpu.memory_space<hbm>>
      tpu.enqueue_dma source(%dma_start3A_571 : memref<1x32xf32, #tpu.memory_space<hbm>>) target(%dma_start3A_569 : memref<1x32xf32, #tpu.memory_space<vmem>>) target_semaphore(%arg19 : memref<!tpu.dma_semaphore, #tpu.memory_space<semaphore_mem>>)
      %slice3A_572 = vector.extract_strided_slice %get3A_77 {offsets = [15], sizes = [1], strides = [1]} : vector<16xi32> to vector<1xi32>
      %squeeze3A_573 = vector.extract %slice3A_572[0] : i32 from vector<1xi32>
      %dma_start3A_574 = arith.constant 0 : i32
      %dma_start3A_575 = tpu.memref_slice %arg14[%add3A_561, %dma_start3A_574] : memref<128x32xf32, #tpu.memory_space<vmem>> -> memref<1x32xf32, #tpu.memory_space<vmem>>
      %dma_start3A_576 = arith.constant 0 : i32
      %dma_start3A_577 = tpu.memref_slice %arg6[%squeeze3A_573, %dma_start3A_576] : memref<1000000x32xf32, #tpu.memory_space<hbm>> -> memref<1x32xf32, #tpu.memory_space<hbm>>
      %dma_start3A_578 = arith.constant 0 : i32
      %dma_start3A_579 = tpu.memref_slice %arg14[%add3A_561, %dma_start3A_578] : memref<128x32xf32, #tpu.memory_space<vmem>> -> memref<1x32xf32, #tpu.memory_space<vmem>>
      %dma_start3A_580 = arith.constant 0 : i32
      %dma_start3A_581 = tpu.memref_slice %arg6[%squeeze3A_573, %dma_start3A_580] : memref<1000000x32xf32, #tpu.memory_space<hbm>> -> memref<1x32xf32, #tpu.memory_space<hbm>>
      tpu.enqueue_dma source(%dma_start3A_581 : memref<1x32xf32, #tpu.memory_space<hbm>>) target(%dma_start3A_579 : memref<1x32xf32, #tpu.memory_space<vmem>>) target_semaphore(%arg19 : memref<!tpu.dma_semaphore, #tpu.memory_space<semaphore_mem>>)
      %slice3A_582 = vector.extract_strided_slice %get3A_82 {offsets = [15], sizes = [1], strides = [1]} : vector<16xi32> to vector<1xi32>
      %squeeze3A_583 = vector.extract %slice3A_582[0] : i32 from vector<1xi32>
      %dma_start3A_584 = arith.constant 0 : i32
      %dma_start3A_585 = tpu.memref_slice %arg15[%add3A_561, %dma_start3A_584] : memref<128x32xf32, #tpu.memory_space<vmem>> -> memref<1x32xf32, #tpu.memory_space<vmem>>
      %dma_start3A_586 = arith.constant 0 : i32
      %dma_start3A_587 = tpu.memref_slice %arg6[%squeeze3A_583, %dma_start3A_586] : memref<1000000x32xf32, #tpu.memory_space<hbm>> -> memref<1x32xf32, #tpu.memory_space<hbm>>
      %dma_start3A_588 = arith.constant 0 : i32
      %dma_start3A_589 = tpu.memref_slice %arg15[%add3A_561, %dma_start3A_588] : memref<128x32xf32, #tpu.memory_space<vmem>> -> memref<1x32xf32, #tpu.memory_space<vmem>>
      %dma_start3A_590 = arith.constant 0 : i32
      %dma_start3A_591 = tpu.memref_slice %arg6[%squeeze3A_583, %dma_start3A_590] : memref<1000000x32xf32, #tpu.memory_space<hbm>> -> memref<1x32xf32, #tpu.memory_space<hbm>>
      tpu.enqueue_dma source(%dma_start3A_591 : memref<1x32xf32, #tpu.memory_space<hbm>>) target(%dma_start3A_589 : memref<1x32xf32, #tpu.memory_space<vmem>>) target_semaphore(%arg19 : memref<!tpu.dma_semaphore, #tpu.memory_space<semaphore_mem>>)
    }
    %scan3A_7 = arith.constant 8 : i32
    %scan3A_8 = arith.constant 0 : i32
    %scan3A_9 = arith.constant 0 : i32
    %scan3A_10 = arith.constant 8 : i32
    %scan3A_11 = arith.addi %scan3A_9, %scan3A_10 : i32
    %scan3A_12 = arith.constant 1 : i32
    scf.for %scan3A_66 = %scan3A_9 to %scan3A_11 step %scan3A_12  : i32 {
      %mul3A_67 = arith.constant 16 : i32
      %mul3A_68 = arith.muli %scan3A_66, %mul3A_67 : i32
      %get3A = arith.constant 1 : i32
      %get3A_69 = arith.index_cast %get3A : i32 to index
      %get3A_70 = arith.index_cast %mul3A_68 : i32 to index
      %get3A_71 = tpu.vector_load %arg10[%get3A_69, %get3A_70] {strides = array<i32>} : memref<4x128xi32, #tpu.memory_space<vmem>>, vector<1x16xi32>,
      %get3A_72 = vector.shape_cast %get3A_71 : vector<1x16xi32> to vector<16xi32>
      %get3A_73 = arith.constant 1 : i32
      %get3A_74 = arith.index_cast %get3A_73 : i32 to index
      %get3A_75 = arith.index_cast %mul3A_68 : i32 to index
      %get3A_76 = tpu.vector_load %arg11[%get3A_74, %get3A_75] {strides = array<i32>} : memref<4x128xi32, #tpu.memory_space<vmem>>, vector<1x16xi32>,
      %get3A_77 = vector.shape_cast %get3A_76 : vector<1x16xi32> to vector<16xi32>
      %get3A_78 = arith.constant 1 : i32
      %get3A_79 = arith.index_cast %get3A_78 : i32 to index
      %get3A_80 = arith.index_cast %mul3A_68 : i32 to index
      %get3A_81 = tpu.vector_load %arg12[%get3A_79, %get3A_80] {strides = array<i32>} : memref<4x128xi32, #tpu.memory_space<vmem>>, vector<1x16xi32>,
      %get3A_82 = vector.shape_cast %get3A_81 : vector<1x16xi32> to vector<16xi32>
      %add3A_83 = arith.constant 0 : i32
      %add3A_84 = arith.addi %mul3A_68, %add3A_83 : i32
      %slice3A = vector.extract_strided_slice %get3A_72 {offsets = [0], sizes = [1], strides = [1]} : vector<16xi32> to vector<1xi32>
      %squeeze3A = vector.extract %slice3A[0] : i32 from vector<1xi32>
      %dma_start3A = arith.constant 0 : i32
      %dma_start3A_85 = tpu.memref_slice %arg16[%add3A_84, %dma_start3A] : memref<128x32xf32, #tpu.memory_space<vmem>> -> memref<1x32xf32, #tpu.memory_space<vmem>>
      %dma_start3A_86 = arith.constant 0 : i32
      %dma_start3A_87 = tpu.memref_slice %arg5[%squeeze3A, %dma_start3A_86] : memref<1000000x32xf32, #tpu.memory_space<hbm>> -> memref<1x32xf32, #tpu.memory_space<hbm>>
      %dma_start3A_88 = arith.constant 0 : i32
      %dma_start3A_89 = tpu.memref_slice %arg16[%add3A_84, %dma_start3A_88] : memref<128x32xf32, #tpu.memory_space<vmem>> -> memref<1x32xf32, #tpu.memory_space<vmem>>
      %dma_start3A_90 = arith.constant 0 : i32
      %dma_start3A_91 = tpu.memref_slice %arg5[%squeeze3A, %dma_start3A_90] : memref<1000000x32xf32, #tpu.memory_space<hbm>> -> memref<1x32xf32, #tpu.memory_space<hbm>>
      tpu.enqueue_dma source(%dma_start3A_91 : memref<1x32xf32, #tpu.memory_space<hbm>>) target(%dma_start3A_89 : memref<1x32xf32, #tpu.memory_space<vmem>>) target_semaphore(%arg20 : memref<!tpu.dma_semaphore, #tpu.memory_space<semaphore_mem>>)
      %slice3A_92 = vector.extract_strided_slice %get3A_77 {offsets = [0], sizes = [1], strides = [1]} : vector<16xi32> to vector<1xi32>
      %squeeze3A_93 = vector.extract %slice3A_92[0] : i32 from vector<1xi32>
      %dma_start3A_94 = arith.constant 0 : i32
      %dma_start3A_95 = tpu.memref_slice %arg17[%add3A_84, %dma_start3A_94] : memref<128x32xf32, #tpu.memory_space<vmem>> -> memref<1x32xf32, #tpu.memory_space<vmem>>
      %dma_start3A_96 = arith.constant 0 : i32
      %dma_start3A_97 = tpu.memref_slice %arg6[%squeeze3A_93, %dma_start3A_96] : memref<1000000x32xf32, #tpu.memory_space<hbm>> -> memref<1x32xf32, #tpu.memory_space<hbm>>
      %dma_start3A_98 = arith.constant 0 : i32
      %dma_start3A_99 = tpu.memref_slice %arg17[%add3A_84, %dma_start3A_98] : memref<128x32xf32, #tpu.memory_space<vmem>> -> memref<1x32xf32, #tpu.memory_space<vmem>>
      %dma_start3A_100 = arith.constant 0 : i32
      %dma_start3A_101 = tpu.memref_slice %arg6[%squeeze3A_93, %dma_start3A_100] : memref<1000000x32xf32, #tpu.memory_space<hbm>> -> memref<1x32xf32, #tpu.memory_space<hbm>>
      tpu.enqueue_dma source(%dma_start3A_101 : memref<1x32xf32, #tpu.memory_space<hbm>>) target(%dma_start3A_99 : memref<1x32xf32, #tpu.memory_space<vmem>>) target_semaphore(%arg20 : memref<!tpu.dma_semaphore, #tpu.memory_space<semaphore_mem>>)
      %slice3A_102 = vector.extract_strided_slice %get3A_82 {offsets = [0], sizes = [1], strides = [1]} : vector<16xi32> to vector<1xi32>
      %squeeze3A_103 = vector.extract %slice3A_102[0] : i32 from vector<1xi32>
      %dma_start3A_104 = arith.constant 0 : i32
      %dma_start3A_105 = tpu.memref_slice %arg18[%add3A_84, %dma_start3A_104] : memref<128x32xf32, #tpu.memory_space<vmem>> -> memref<1x32xf32, #tpu.memory_space<vmem>>
      %dma_start3A_106 = arith.constant 0 : i32
      %dma_start3A_107 = tpu.memref_slice %arg6[%squeeze3A_103, %dma_start3A_106] : memref<1000000x32xf32, #tpu.memory_space<hbm>> -> memref<1x32xf32, #tpu.memory_space<hbm>>
      %dma_start3A_108 = arith.constant 0 : i32
      %dma_start3A_109 = tpu.memref_slice %arg18[%add3A_84, %dma_start3A_108] : memref<128x32xf32, #tpu.memory_space<vmem>> -> memref<1x32xf32, #tpu.memory_space<vmem>>
      %dma_start3A_110 = arith.constant 0 : i32
      %dma_start3A_111 = tpu.memref_slice %arg6[%squeeze3A_103, %dma_start3A_110] : memref<1000000x32xf32, #tpu.memory_space<hbm>> -> memref<1x32xf32, #tpu.memory_space<hbm>>
      tpu.enqueue_dma source(%dma_start3A_111 : memref<1x32xf32, #tpu.memory_space<hbm>>) target(%dma_start3A_109 : memref<1x32xf32, #tpu.memory_space<vmem>>) target_semaphore(%arg20 : memref<!tpu.dma_semaphore, #tpu.memory_space<semaphore_mem>>)
      %add3A_112 = arith.constant 1 : i32
      %add3A_113 = arith.addi %mul3A_68, %add3A_112 : i32
      %slice3A_114 = vector.extract_strided_slice %get3A_72 {offsets = [1], sizes = [1], strides = [1]} : vector<16xi32> to vector<1xi32>
      %squeeze3A_115 = vector.extract %slice3A_114[0] : i32 from vector<1xi32>
      %dma_start3A_116 = arith.constant 0 : i32
      %dma_start3A_117 = tpu.memref_slice %arg16[%add3A_113, %dma_start3A_116] : memref<128x32xf32, #tpu.memory_space<vmem>> -> memref<1x32xf32, #tpu.memory_space<vmem>>
      %dma_start3A_118 = arith.constant 0 : i32
      %dma_start3A_119 = tpu.memref_slice %arg5[%squeeze3A_115, %dma_start3A_118] : memref<1000000x32xf32, #tpu.memory_space<hbm>> -> memref<1x32xf32, #tpu.memory_space<hbm>>
      %dma_start3A_120 = arith.constant 0 : i32
      %dma_start3A_121 = tpu.memref_slice %arg16[%add3A_113, %dma_start3A_120] : memref<128x32xf32, #tpu.memory_space<vmem>> -> memref<1x32xf32, #tpu.memory_space<vmem>>
      %dma_start3A_122 = arith.constant 0 : i32
      %dma_start3A_123 = tpu.memref_slice %arg5[%squeeze3A_115, %dma_start3A_122] : memref<1000000x32xf32, #tpu.memory_space<hbm>> -> memref<1x32xf32, #tpu.memory_space<hbm>>
      tpu.enqueue_dma source(%dma_start3A_123 : memref<1x32xf32, #tpu.memory_space<hbm>>) target(%dma_start3A_121 : memref<1x32xf32, #tpu.memory_space<vmem>>) target_semaphore(%arg20 : memref<!tpu.dma_semaphore, #tpu.memory_space<semaphore_mem>>)
      %slice3A_124 = vector.extract_strided_slice %get3A_77 {offsets = [1], sizes = [1], strides = [1]} : vector<16xi32> to vector<1xi32>
      %squeeze3A_125 = vector.extract %slice3A_124[0] : i32 from vector<1xi32>
      %dma_start3A_126 = arith.constant 0 : i32
      %dma_start3A_127 = tpu.memref_slice %arg17[%add3A_113, %dma_start3A_126] : memref<128x32xf32, #tpu.memory_space<vmem>> -> memref<1x32xf32, #tpu.memory_space<vmem>>
      %dma_start3A_128 = arith.constant 0 : i32
      %dma_start3A_129 = tpu.memref_slice %arg6[%squeeze3A_125, %dma_start3A_128] : memref<1000000x32xf32, #tpu.memory_space<hbm>> -> memref<1x32xf32, #tpu.memory_space<hbm>>
      %dma_start3A_130 = arith.constant 0 : i32
      %dma_start3A_131 = tpu.memref_slice %arg17[%add3A_113, %dma_start3A_130] : memref<128x32xf32, #tpu.memory_space<vmem>> -> memref<1x32xf32, #tpu.memory_space<vmem>>
      %dma_start3A_132 = arith.constant 0 : i32
      %dma_start3A_133 = tpu.memref_slice %arg6[%squeeze3A_125, %dma_start3A_132] : memref<1000000x32xf32, #tpu.memory_space<hbm>> -> memref<1x32xf32, #tpu.memory_space<hbm>>
      tpu.enqueue_dma source(%dma_start3A_133 : memref<1x32xf32, #tpu.memory_space<hbm>>) target(%dma_start3A_131 : memref<1x32xf32, #tpu.memory_space<vmem>>) target_semaphore(%arg20 : memref<!tpu.dma_semaphore, #tpu.memory_space<semaphore_mem>>)
      %slice3A_134 = vector.extract_strided_slice %get3A_82 {offsets = [1], sizes = [1], strides = [1]} : vector<16xi32> to vector<1xi32>
      %squeeze3A_135 = vector.extract %slice3A_134[0] : i32 from vector<1xi32>
      %dma_start3A_136 = arith.constant 0 : i32
      %dma_start3A_137 = tpu.memref_slice %arg18[%add3A_113, %dma_start3A_136] : memref<128x32xf32, #tpu.memory_space<vmem>> -> memref<1x32xf32, #tpu.memory_space<vmem>>
      %dma_start3A_138 = arith.constant 0 : i32
      %dma_start3A_139 = tpu.memref_slice %arg6[%squeeze3A_135, %dma_start3A_138] : memref<1000000x32xf32, #tpu.memory_space<hbm>> -> memref<1x32xf32, #tpu.memory_space<hbm>>
      %dma_start3A_140 = arith.constant 0 : i32
      %dma_start3A_141 = tpu.memref_slice %arg18[%add3A_113, %dma_start3A_140] : memref<128x32xf32, #tpu.memory_space<vmem>> -> memref<1x32xf32, #tpu.memory_space<vmem>>
      %dma_start3A_142 = arith.constant 0 : i32
      %dma_start3A_143 = tpu.memref_slice %arg6[%squeeze3A_135, %dma_start3A_142] : memref<1000000x32xf32, #tpu.memory_space<hbm>> -> memref<1x32xf32, #tpu.memory_space<hbm>>
      tpu.enqueue_dma source(%dma_start3A_143 : memref<1x32xf32, #tpu.memory_space<hbm>>) target(%dma_start3A_141 : memref<1x32xf32, #tpu.memory_space<vmem>>) target_semaphore(%arg20 : memref<!tpu.dma_semaphore, #tpu.memory_space<semaphore_mem>>)
      %add3A_144 = arith.constant 2 : i32
      %add3A_145 = arith.addi %mul3A_68, %add3A_144 : i32
      %slice3A_146 = vector.extract_strided_slice %get3A_72 {offsets = [2], sizes = [1], strides = [1]} : vector<16xi32> to vector<1xi32>
      %squeeze3A_147 = vector.extract %slice3A_146[0] : i32 from vector<1xi32>
      %dma_start3A_148 = arith.constant 0 : i32
      %dma_start3A_149 = tpu.memref_slice %arg16[%add3A_145, %dma_start3A_148] : memref<128x32xf32, #tpu.memory_space<vmem>> -> memref<1x32xf32, #tpu.memory_space<vmem>>
      %dma_start3A_150 = arith.constant 0 : i32
      %dma_start3A_151 = tpu.memref_slice %arg5[%squeeze3A_147, %dma_start3A_150] : memref<1000000x32xf32, #tpu.memory_space<hbm>> -> memref<1x32xf32, #tpu.memory_space<hbm>>
      %dma_start3A_152 = arith.constant 0 : i32
      %dma_start3A_153 = tpu.memref_slice %arg16[%add3A_145, %dma_start3A_152] : memref<128x32xf32, #tpu.memory_space<vmem>> -> memref<1x32xf32, #tpu.memory_space<vmem>>
      %dma_start3A_154 = arith.constant 0 : i32
      %dma_start3A_155 = tpu.memref_slice %arg5[%squeeze3A_147, %dma_start3A_154] : memref<1000000x32xf32, #tpu.memory_space<hbm>> -> memref<1x32xf32, #tpu.memory_space<hbm>>
      tpu.enqueue_dma source(%dma_start3A_155 : memref<1x32xf32, #tpu.memory_space<hbm>>) target(%dma_start3A_153 : memref<1x32xf32, #tpu.memory_space<vmem>>) target_semaphore(%arg20 : memref<!tpu.dma_semaphore, #tpu.memory_space<semaphore_mem>>)
      %slice3A_156 = vector.extract_strided_slice %get3A_77 {offsets = [2], sizes = [1], strides = [1]} : vector<16xi32> to vector<1xi32>
      %squeeze3A_157 = vector.extract %slice3A_156[0] : i32 from vector<1xi32>
      %dma_start3A_158 = arith.constant 0 : i32
      %dma_start3A_159 = tpu.memref_slice %arg17[%add3A_145, %dma_start3A_158] : memref<128x32xf32, #tpu.memory_space<vmem>> -> memref<1x32xf32, #tpu.memory_space<vmem>>
      %dma_start3A_160 = arith.constant 0 : i32
      %dma_start3A_161 = tpu.memref_slice %arg6[%squeeze3A_157, %dma_start3A_160] : memref<1000000x32xf32, #tpu.memory_space<hbm>> -> memref<1x32xf32, #tpu.memory_space<hbm>>
      %dma_start3A_162 = arith.constant 0 : i32
      %dma_start3A_163 = tpu.memref_slice %arg17[%add3A_145, %dma_start3A_162] : memref<128x32xf32, #tpu.memory_space<vmem>> -> memref<1x32xf32, #tpu.memory_space<vmem>>
      %dma_start3A_164 = arith.constant 0 : i32
      %dma_start3A_165 = tpu.memref_slice %arg6[%squeeze3A_157, %dma_start3A_164] : memref<1000000x32xf32, #tpu.memory_space<hbm>> -> memref<1x32xf32, #tpu.memory_space<hbm>>
      tpu.enqueue_dma source(%dma_start3A_165 : memref<1x32xf32, #tpu.memory_space<hbm>>) target(%dma_start3A_163 : memref<1x32xf32, #tpu.memory_space<vmem>>) target_semaphore(%arg20 : memref<!tpu.dma_semaphore, #tpu.memory_space<semaphore_mem>>)
      %slice3A_166 = vector.extract_strided_slice %get3A_82 {offsets = [2], sizes = [1], strides = [1]} : vector<16xi32> to vector<1xi32>
      %squeeze3A_167 = vector.extract %slice3A_166[0] : i32 from vector<1xi32>
      %dma_start3A_168 = arith.constant 0 : i32
      %dma_start3A_169 = tpu.memref_slice %arg18[%add3A_145, %dma_start3A_168] : memref<128x32xf32, #tpu.memory_space<vmem>> -> memref<1x32xf32, #tpu.memory_space<vmem>>
      %dma_start3A_170 = arith.constant 0 : i32
      %dma_start3A_171 = tpu.memref_slice %arg6[%squeeze3A_167, %dma_start3A_170] : memref<1000000x32xf32, #tpu.memory_space<hbm>> -> memref<1x32xf32, #tpu.memory_space<hbm>>
      %dma_start3A_172 = arith.constant 0 : i32
      %dma_start3A_173 = tpu.memref_slice %arg18[%add3A_145, %dma_start3A_172] : memref<128x32xf32, #tpu.memory_space<vmem>> -> memref<1x32xf32, #tpu.memory_space<vmem>>
      %dma_start3A_174 = arith.constant 0 : i32
      %dma_start3A_175 = tpu.memref_slice %arg6[%squeeze3A_167, %dma_start3A_174] : memref<1000000x32xf32, #tpu.memory_space<hbm>> -> memref<1x32xf32, #tpu.memory_space<hbm>>
      tpu.enqueue_dma source(%dma_start3A_175 : memref<1x32xf32, #tpu.memory_space<hbm>>) target(%dma_start3A_173 : memref<1x32xf32, #tpu.memory_space<vmem>>) target_semaphore(%arg20 : memref<!tpu.dma_semaphore, #tpu.memory_space<semaphore_mem>>)
      %add3A_176 = arith.constant 3 : i32
      %add3A_177 = arith.addi %mul3A_68, %add3A_176 : i32
      %slice3A_178 = vector.extract_strided_slice %get3A_72 {offsets = [3], sizes = [1], strides = [1]} : vector<16xi32> to vector<1xi32>
      %squeeze3A_179 = vector.extract %slice3A_178[0] : i32 from vector<1xi32>
      %dma_start3A_180 = arith.constant 0 : i32
      %dma_start3A_181 = tpu.memref_slice %arg16[%add3A_177, %dma_start3A_180] : memref<128x32xf32, #tpu.memory_space<vmem>> -> memref<1x32xf32, #tpu.memory_space<vmem>>
      %dma_start3A_182 = arith.constant 0 : i32
      %dma_start3A_183 = tpu.memref_slice %arg5[%squeeze3A_179, %dma_start3A_182] : memref<1000000x32xf32, #tpu.memory_space<hbm>> -> memref<1x32xf32, #tpu.memory_space<hbm>>
      %dma_start3A_184 = arith.constant 0 : i32
      %dma_start3A_185 = tpu.memref_slice %arg16[%add3A_177, %dma_start3A_184] : memref<128x32xf32, #tpu.memory_space<vmem>> -> memref<1x32xf32, #tpu.memory_space<vmem>>
      %dma_start3A_186 = arith.constant 0 : i32
      %dma_start3A_187 = tpu.memref_slice %arg5[%squeeze3A_179, %dma_start3A_186] : memref<1000000x32xf32, #tpu.memory_space<hbm>> -> memref<1x32xf32, #tpu.memory_space<hbm>>
      tpu.enqueue_dma source(%dma_start3A_187 : memref<1x32xf32, #tpu.memory_space<hbm>>) target(%dma_start3A_185 : memref<1x32xf32, #tpu.memory_space<vmem>>) target_semaphore(%arg20 : memref<!tpu.dma_semaphore, #tpu.memory_space<semaphore_mem>>)
      %slice3A_188 = vector.extract_strided_slice %get3A_77 {offsets = [3], sizes = [1], strides = [1]} : vector<16xi32> to vector<1xi32>
      %squeeze3A_189 = vector.extract %slice3A_188[0] : i32 from vector<1xi32>
      %dma_start3A_190 = arith.constant 0 : i32
      %dma_start3A_191 = tpu.memref_slice %arg17[%add3A_177, %dma_start3A_190] : memref<128x32xf32, #tpu.memory_space<vmem>> -> memref<1x32xf32, #tpu.memory_space<vmem>>
      %dma_start3A_192 = arith.constant 0 : i32
      %dma_start3A_193 = tpu.memref_slice %arg6[%squeeze3A_189, %dma_start3A_192] : memref<1000000x32xf32, #tpu.memory_space<hbm>> -> memref<1x32xf32, #tpu.memory_space<hbm>>
      %dma_start3A_194 = arith.constant 0 : i32
      %dma_start3A_195 = tpu.memref_slice %arg17[%add3A_177, %dma_start3A_194] : memref<128x32xf32, #tpu.memory_space<vmem>> -> memref<1x32xf32, #tpu.memory_space<vmem>>
      %dma_start3A_196 = arith.constant 0 : i32
      %dma_start3A_197 = tpu.memref_slice %arg6[%squeeze3A_189, %dma_start3A_196] : memref<1000000x32xf32, #tpu.memory_space<hbm>> -> memref<1x32xf32, #tpu.memory_space<hbm>>
      tpu.enqueue_dma source(%dma_start3A_197 : memref<1x32xf32, #tpu.memory_space<hbm>>) target(%dma_start3A_195 : memref<1x32xf32, #tpu.memory_space<vmem>>) target_semaphore(%arg20 : memref<!tpu.dma_semaphore, #tpu.memory_space<semaphore_mem>>)
      %slice3A_198 = vector.extract_strided_slice %get3A_82 {offsets = [3], sizes = [1], strides = [1]} : vector<16xi32> to vector<1xi32>
      %squeeze3A_199 = vector.extract %slice3A_198[0] : i32 from vector<1xi32>
      %dma_start3A_200 = arith.constant 0 : i32
      %dma_start3A_201 = tpu.memref_slice %arg18[%add3A_177, %dma_start3A_200] : memref<128x32xf32, #tpu.memory_space<vmem>> -> memref<1x32xf32, #tpu.memory_space<vmem>>
      %dma_start3A_202 = arith.constant 0 : i32
      %dma_start3A_203 = tpu.memref_slice %arg6[%squeeze3A_199, %dma_start3A_202] : memref<1000000x32xf32, #tpu.memory_space<hbm>> -> memref<1x32xf32, #tpu.memory_space<hbm>>
      %dma_start3A_204 = arith.constant 0 : i32
      %dma_start3A_205 = tpu.memref_slice %arg18[%add3A_177, %dma_start3A_204] : memref<128x32xf32, #tpu.memory_space<vmem>> -> memref<1x32xf32, #tpu.memory_space<vmem>>
      %dma_start3A_206 = arith.constant 0 : i32
      %dma_start3A_207 = tpu.memref_slice %arg6[%squeeze3A_199, %dma_start3A_206] : memref<1000000x32xf32, #tpu.memory_space<hbm>> -> memref<1x32xf32, #tpu.memory_space<hbm>>
      tpu.enqueue_dma source(%dma_start3A_207 : memref<1x32xf32, #tpu.memory_space<hbm>>) target(%dma_start3A_205 : memref<1x32xf32, #tpu.memory_space<vmem>>) target_semaphore(%arg20 : memref<!tpu.dma_semaphore, #tpu.memory_space<semaphore_mem>>)
      %add3A_208 = arith.constant 4 : i32
      %add3A_209 = arith.addi %mul3A_68, %add3A_208 : i32
      %slice3A_210 = vector.extract_strided_slice %get3A_72 {offsets = [4], sizes = [1], strides = [1]} : vector<16xi32> to vector<1xi32>
      %squeeze3A_211 = vector.extract %slice3A_210[0] : i32 from vector<1xi32>
      %dma_start3A_212 = arith.constant 0 : i32
      %dma_start3A_213 = tpu.memref_slice %arg16[%add3A_209, %dma_start3A_212] : memref<128x32xf32, #tpu.memory_space<vmem>> -> memref<1x32xf32, #tpu.memory_space<vmem>>
      %dma_start3A_214 = arith.constant 0 : i32
      %dma_start3A_215 = tpu.memref_slice %arg5[%squeeze3A_211, %dma_start3A_214] : memref<1000000x32xf32, #tpu.memory_space<hbm>> -> memref<1x32xf32, #tpu.memory_space<hbm>>
      %dma_start3A_216 = arith.constant 0 : i32
      %dma_start3A_217 = tpu.memref_slice %arg16[%add3A_209, %dma_start3A_216] : memref<128x32xf32, #tpu.memory_space<vmem>> -> memref<1x32xf32, #tpu.memory_space<vmem>>
      %dma_start3A_218 = arith.constant 0 : i32
      %dma_start3A_219 = tpu.memref_slice %arg5[%squeeze3A_211, %dma_start3A_218] : memref<1000000x32xf32, #tpu.memory_space<hbm>> -> memref<1x32xf32, #tpu.memory_space<hbm>>
      tpu.enqueue_dma source(%dma_start3A_219 : memref<1x32xf32, #tpu.memory_space<hbm>>) target(%dma_start3A_217 : memref<1x32xf32, #tpu.memory_space<vmem>>) target_semaphore(%arg20 : memref<!tpu.dma_semaphore, #tpu.memory_space<semaphore_mem>>)
      %slice3A_220 = vector.extract_strided_slice %get3A_77 {offsets = [4], sizes = [1], strides = [1]} : vector<16xi32> to vector<1xi32>
      %squeeze3A_221 = vector.extract %slice3A_220[0] : i32 from vector<1xi32>
      %dma_start3A_222 = arith.constant 0 : i32
      %dma_start3A_223 = tpu.memref_slice %arg17[%add3A_209, %dma_start3A_222] : memref<128x32xf32, #tpu.memory_space<vmem>> -> memref<1x32xf32, #tpu.memory_space<vmem>>
      %dma_start3A_224 = arith.constant 0 : i32
      %dma_start3A_225 = tpu.memref_slice %arg6[%squeeze3A_221, %dma_start3A_224] : memref<1000000x32xf32, #tpu.memory_space<hbm>> -> memref<1x32xf32, #tpu.memory_space<hbm>>
      %dma_start3A_226 = arith.constant 0 : i32
      %dma_start3A_227 = tpu.memref_slice %arg17[%add3A_209, %dma_start3A_226] : memref<128x32xf32, #tpu.memory_space<vmem>> -> memref<1x32xf32, #tpu.memory_space<vmem>>
      %dma_start3A_228 = arith.constant 0 : i32
      %dma_start3A_229 = tpu.memref_slice %arg6[%squeeze3A_221, %dma_start3A_228] : memref<1000000x32xf32, #tpu.memory_space<hbm>> -> memref<1x32xf32, #tpu.memory_space<hbm>>
      tpu.enqueue_dma source(%dma_start3A_229 : memref<1x32xf32, #tpu.memory_space<hbm>>) target(%dma_start3A_227 : memref<1x32xf32, #tpu.memory_space<vmem>>) target_semaphore(%arg20 : memref<!tpu.dma_semaphore, #tpu.memory_space<semaphore_mem>>)
      %slice3A_230 = vector.extract_strided_slice %get3A_82 {offsets = [4], sizes = [1], strides = [1]} : vector<16xi32> to vector<1xi32>
      %squeeze3A_231 = vector.extract %slice3A_230[0] : i32 from vector<1xi32>
      %dma_start3A_232 = arith.constant 0 : i32
      %dma_start3A_233 = tpu.memref_slice %arg18[%add3A_209, %dma_start3A_232] : memref<128x32xf32, #tpu.memory_space<vmem>> -> memref<1x32xf32, #tpu.memory_space<vmem>>
      %dma_start3A_234 = arith.constant 0 : i32
      %dma_start3A_235 = tpu.memref_slice %arg6[%squeeze3A_231, %dma_start3A_234] : memref<1000000x32xf32, #tpu.memory_space<hbm>> -> memref<1x32xf32, #tpu.memory_space<hbm>>
      %dma_start3A_236 = arith.constant 0 : i32
      %dma_start3A_237 = tpu.memref_slice %arg18[%add3A_209, %dma_start3A_236] : memref<128x32xf32, #tpu.memory_space<vmem>> -> memref<1x32xf32, #tpu.memory_space<vmem>>
      %dma_start3A_238 = arith.constant 0 : i32
      %dma_start3A_239 = tpu.memref_slice %arg6[%squeeze3A_231, %dma_start3A_238] : memref<1000000x32xf32, #tpu.memory_space<hbm>> -> memref<1x32xf32, #tpu.memory_space<hbm>>
      tpu.enqueue_dma source(%dma_start3A_239 : memref<1x32xf32, #tpu.memory_space<hbm>>) target(%dma_start3A_237 : memref<1x32xf32, #tpu.memory_space<vmem>>) target_semaphore(%arg20 : memref<!tpu.dma_semaphore, #tpu.memory_space<semaphore_mem>>)
      %add3A_240 = arith.constant 5 : i32
      %add3A_241 = arith.addi %mul3A_68, %add3A_240 : i32
      %slice3A_242 = vector.extract_strided_slice %get3A_72 {offsets = [5], sizes = [1], strides = [1]} : vector<16xi32> to vector<1xi32>
      %squeeze3A_243 = vector.extract %slice3A_242[0] : i32 from vector<1xi32>
      %dma_start3A_244 = arith.constant 0 : i32
      %dma_start3A_245 = tpu.memref_slice %arg16[%add3A_241, %dma_start3A_244] : memref<128x32xf32, #tpu.memory_space<vmem>> -> memref<1x32xf32, #tpu.memory_space<vmem>>
      %dma_start3A_246 = arith.constant 0 : i32
      %dma_start3A_247 = tpu.memref_slice %arg5[%squeeze3A_243, %dma_start3A_246] : memref<1000000x32xf32, #tpu.memory_space<hbm>> -> memref<1x32xf32, #tpu.memory_space<hbm>>
      %dma_start3A_248 = arith.constant 0 : i32
      %dma_start3A_249 = tpu.memref_slice %arg16[%add3A_241, %dma_start3A_248] : memref<128x32xf32, #tpu.memory_space<vmem>> -> memref<1x32xf32, #tpu.memory_space<vmem>>
      %dma_start3A_250 = arith.constant 0 : i32
      %dma_start3A_251 = tpu.memref_slice %arg5[%squeeze3A_243, %dma_start3A_250] : memref<1000000x32xf32, #tpu.memory_space<hbm>> -> memref<1x32xf32, #tpu.memory_space<hbm>>
      tpu.enqueue_dma source(%dma_start3A_251 : memref<1x32xf32, #tpu.memory_space<hbm>>) target(%dma_start3A_249 : memref<1x32xf32, #tpu.memory_space<vmem>>) target_semaphore(%arg20 : memref<!tpu.dma_semaphore, #tpu.memory_space<semaphore_mem>>)
      %slice3A_252 = vector.extract_strided_slice %get3A_77 {offsets = [5], sizes = [1], strides = [1]} : vector<16xi32> to vector<1xi32>
      %squeeze3A_253 = vector.extract %slice3A_252[0] : i32 from vector<1xi32>
      %dma_start3A_254 = arith.constant 0 : i32
      %dma_start3A_255 = tpu.memref_slice %arg17[%add3A_241, %dma_start3A_254] : memref<128x32xf32, #tpu.memory_space<vmem>> -> memref<1x32xf32, #tpu.memory_space<vmem>>
      %dma_start3A_256 = arith.constant 0 : i32
      %dma_start3A_257 = tpu.memref_slice %arg6[%squeeze3A_253, %dma_start3A_256] : memref<1000000x32xf32, #tpu.memory_space<hbm>> -> memref<1x32xf32, #tpu.memory_space<hbm>>
      %dma_start3A_258 = arith.constant 0 : i32
      %dma_start3A_259 = tpu.memref_slice %arg17[%add3A_241, %dma_start3A_258] : memref<128x32xf32, #tpu.memory_space<vmem>> -> memref<1x32xf32, #tpu.memory_space<vmem>>
      %dma_start3A_260 = arith.constant 0 : i32
      %dma_start3A_261 = tpu.memref_slice %arg6[%squeeze3A_253, %dma_start3A_260] : memref<1000000x32xf32, #tpu.memory_space<hbm>> -> memref<1x32xf32, #tpu.memory_space<hbm>>
      tpu.enqueue_dma source(%dma_start3A_261 : memref<1x32xf32, #tpu.memory_space<hbm>>) target(%dma_start3A_259 : memref<1x32xf32, #tpu.memory_space<vmem>>) target_semaphore(%arg20 : memref<!tpu.dma_semaphore, #tpu.memory_space<semaphore_mem>>)
      %slice3A_262 = vector.extract_strided_slice %get3A_82 {offsets = [5], sizes = [1], strides = [1]} : vector<16xi32> to vector<1xi32>
      %squeeze3A_263 = vector.extract %slice3A_262[0] : i32 from vector<1xi32>
      %dma_start3A_264 = arith.constant 0 : i32
      %dma_start3A_265 = tpu.memref_slice %arg18[%add3A_241, %dma_start3A_264] : memref<128x32xf32, #tpu.memory_space<vmem>> -> memref<1x32xf32, #tpu.memory_space<vmem>>
      %dma_start3A_266 = arith.constant 0 : i32
      %dma_start3A_267 = tpu.memref_slice %arg6[%squeeze3A_263, %dma_start3A_266] : memref<1000000x32xf32, #tpu.memory_space<hbm>> -> memref<1x32xf32, #tpu.memory_space<hbm>>
      %dma_start3A_268 = arith.constant 0 : i32
      %dma_start3A_269 = tpu.memref_slice %arg18[%add3A_241, %dma_start3A_268] : memref<128x32xf32, #tpu.memory_space<vmem>> -> memref<1x32xf32, #tpu.memory_space<vmem>>
      %dma_start3A_270 = arith.constant 0 : i32
      %dma_start3A_271 = tpu.memref_slice %arg6[%squeeze3A_263, %dma_start3A_270] : memref<1000000x32xf32, #tpu.memory_space<hbm>> -> memref<1x32xf32, #tpu.memory_space<hbm>>
      tpu.enqueue_dma source(%dma_start3A_271 : memref<1x32xf32, #tpu.memory_space<hbm>>) target(%dma_start3A_269 : memref<1x32xf32, #tpu.memory_space<vmem>>) target_semaphore(%arg20 : memref<!tpu.dma_semaphore, #tpu.memory_space<semaphore_mem>>)
      %add3A_272 = arith.constant 6 : i32
      %add3A_273 = arith.addi %mul3A_68, %add3A_272 : i32
      %slice3A_274 = vector.extract_strided_slice %get3A_72 {offsets = [6], sizes = [1], strides = [1]} : vector<16xi32> to vector<1xi32>
      %squeeze3A_275 = vector.extract %slice3A_274[0] : i32 from vector<1xi32>
      %dma_start3A_276 = arith.constant 0 : i32
      %dma_start3A_277 = tpu.memref_slice %arg16[%add3A_273, %dma_start3A_276] : memref<128x32xf32, #tpu.memory_space<vmem>> -> memref<1x32xf32, #tpu.memory_space<vmem>>
      %dma_start3A_278 = arith.constant 0 : i32
      %dma_start3A_279 = tpu.memref_slice %arg5[%squeeze3A_275, %dma_start3A_278] : memref<1000000x32xf32, #tpu.memory_space<hbm>> -> memref<1x32xf32, #tpu.memory_space<hbm>>
      %dma_start3A_280 = arith.constant 0 : i32
      %dma_start3A_281 = tpu.memref_slice %arg16[%add3A_273, %dma_start3A_280] : memref<128x32xf32, #tpu.memory_space<vmem>> -> memref<1x32xf32, #tpu.memory_space<vmem>>
      %dma_start3A_282 = arith.constant 0 : i32
      %dma_start3A_283 = tpu.memref_slice %arg5[%squeeze3A_275, %dma_start3A_282] : memref<1000000x32xf32, #tpu.memory_space<hbm>> -> memref<1x32xf32, #tpu.memory_space<hbm>>
      tpu.enqueue_dma source(%dma_start3A_283 : memref<1x32xf32, #tpu.memory_space<hbm>>) target(%dma_start3A_281 : memref<1x32xf32, #tpu.memory_space<vmem>>) target_semaphore(%arg20 : memref<!tpu.dma_semaphore, #tpu.memory_space<semaphore_mem>>)
      %slice3A_284 = vector.extract_strided_slice %get3A_77 {offsets = [6], sizes = [1], strides = [1]} : vector<16xi32> to vector<1xi32>
      %squeeze3A_285 = vector.extract %slice3A_284[0] : i32 from vector<1xi32>
      %dma_start3A_286 = arith.constant 0 : i32
      %dma_start3A_287 = tpu.memref_slice %arg17[%add3A_273, %dma_start3A_286] : memref<128x32xf32, #tpu.memory_space<vmem>> -> memref<1x32xf32, #tpu.memory_space<vmem>>
      %dma_start3A_288 = arith.constant 0 : i32
      %dma_start3A_289 = tpu.memref_slice %arg6[%squeeze3A_285, %dma_start3A_288] : memref<1000000x32xf32, #tpu.memory_space<hbm>> -> memref<1x32xf32, #tpu.memory_space<hbm>>
      %dma_start3A_290 = arith.constant 0 : i32
      %dma_start3A_291 = tpu.memref_slice %arg17[%add3A_273, %dma_start3A_290] : memref<128x32xf32, #tpu.memory_space<vmem>> -> memref<1x32xf32, #tpu.memory_space<vmem>>
      %dma_start3A_292 = arith.constant 0 : i32
      %dma_start3A_293 = tpu.memref_slice %arg6[%squeeze3A_285, %dma_start3A_292] : memref<1000000x32xf32, #tpu.memory_space<hbm>> -> memref<1x32xf32, #tpu.memory_space<hbm>>
      tpu.enqueue_dma source(%dma_start3A_293 : memref<1x32xf32, #tpu.memory_space<hbm>>) target(%dma_start3A_291 : memref<1x32xf32, #tpu.memory_space<vmem>>) target_semaphore(%arg20 : memref<!tpu.dma_semaphore, #tpu.memory_space<semaphore_mem>>)
      %slice3A_294 = vector.extract_strided_slice %get3A_82 {offsets = [6], sizes = [1], strides = [1]} : vector<16xi32> to vector<1xi32>
      %squeeze3A_295 = vector.extract %slice3A_294[0] : i32 from vector<1xi32>
      %dma_start3A_296 = arith.constant 0 : i32
      %dma_start3A_297 = tpu.memref_slice %arg18[%add3A_273, %dma_start3A_296] : memref<128x32xf32, #tpu.memory_space<vmem>> -> memref<1x32xf32, #tpu.memory_space<vmem>>
      %dma_start3A_298 = arith.constant 0 : i32
      %dma_start3A_299 = tpu.memref_slice %arg6[%squeeze3A_295, %dma_start3A_298] : memref<1000000x32xf32, #tpu.memory_space<hbm>> -> memref<1x32xf32, #tpu.memory_space<hbm>>
      %dma_start3A_300 = arith.constant 0 : i32
      %dma_start3A_301 = tpu.memref_slice %arg18[%add3A_273, %dma_start3A_300] : memref<128x32xf32, #tpu.memory_space<vmem>> -> memref<1x32xf32, #tpu.memory_space<vmem>>
      %dma_start3A_302 = arith.constant 0 : i32
      %dma_start3A_303 = tpu.memref_slice %arg6[%squeeze3A_295, %dma_start3A_302] : memref<1000000x32xf32, #tpu.memory_space<hbm>> -> memref<1x32xf32, #tpu.memory_space<hbm>>
      tpu.enqueue_dma source(%dma_start3A_303 : memref<1x32xf32, #tpu.memory_space<hbm>>) target(%dma_start3A_301 : memref<1x32xf32, #tpu.memory_space<vmem>>) target_semaphore(%arg20 : memref<!tpu.dma_semaphore, #tpu.memory_space<semaphore_mem>>)
      %add3A_304 = arith.constant 7 : i32
      %add3A_305 = arith.addi %mul3A_68, %add3A_304 : i32
      %slice3A_306 = vector.extract_strided_slice %get3A_72 {offsets = [7], sizes = [1], strides = [1]} : vector<16xi32> to vector<1xi32>
      %squeeze3A_307 = vector.extract %slice3A_306[0] : i32 from vector<1xi32>
      %dma_start3A_308 = arith.constant 0 : i32
      %dma_start3A_309 = tpu.memref_slice %arg16[%add3A_305, %dma_start3A_308] : memref<128x32xf32, #tpu.memory_space<vmem>> -> memref<1x32xf32, #tpu.memory_space<vmem>>
      %dma_start3A_310 = arith.constant 0 : i32
      %dma_start3A_311 = tpu.memref_slice %arg5[%squeeze3A_307, %dma_start3A_310] : memref<1000000x32xf32, #tpu.memory_space<hbm>> -> memref<1x32xf32, #tpu.memory_space<hbm>>
      %dma_start3A_312 = arith.constant 0 : i32
      %dma_start3A_313 = tpu.memref_slice %arg16[%add3A_305, %dma_start3A_312] : memref<128x32xf32, #tpu.memory_space<vmem>> -> memref<1x32xf32, #tpu.memory_space<vmem>>
      %dma_start3A_314 = arith.constant 0 : i32
      %dma_start3A_315 = tpu.memref_slice %arg5[%squeeze3A_307, %dma_start3A_314] : memref<1000000x32xf32, #tpu.memory_space<hbm>> -> memref<1x32xf32, #tpu.memory_space<hbm>>
      tpu.enqueue_dma source(%dma_start3A_315 : memref<1x32xf32, #tpu.memory_space<hbm>>) target(%dma_start3A_313 : memref<1x32xf32, #tpu.memory_space<vmem>>) target_semaphore(%arg20 : memref<!tpu.dma_semaphore, #tpu.memory_space<semaphore_mem>>)
      %slice3A_316 = vector.extract_strided_slice %get3A_77 {offsets = [7], sizes = [1], strides = [1]} : vector<16xi32> to vector<1xi32>
      %squeeze3A_317 = vector.extract %slice3A_316[0] : i32 from vector<1xi32>
      %dma_start3A_318 = arith.constant 0 : i32
      %dma_start3A_319 = tpu.memref_slice %arg17[%add3A_305, %dma_start3A_318] : memref<128x32xf32, #tpu.memory_space<vmem>> -> memref<1x32xf32, #tpu.memory_space<vmem>>
      %dma_start3A_320 = arith.constant 0 : i32
      %dma_start3A_321 = tpu.memref_slice %arg6[%squeeze3A_317, %dma_start3A_320] : memref<1000000x32xf32, #tpu.memory_space<hbm>> -> memref<1x32xf32, #tpu.memory_space<hbm>>
      %dma_start3A_322 = arith.constant 0 : i32
      %dma_start3A_323 = tpu.memref_slice %arg17[%add3A_305, %dma_start3A_322] : memref<128x32xf32, #tpu.memory_space<vmem>> -> memref<1x32xf32, #tpu.memory_space<vmem>>
      %dma_start3A_324 = arith.constant 0 : i32
      %dma_start3A_325 = tpu.memref_slice %arg6[%squeeze3A_317, %dma_start3A_324] : memref<1000000x32xf32, #tpu.memory_space<hbm>> -> memref<1x32xf32, #tpu.memory_space<hbm>>
      tpu.enqueue_dma source(%dma_start3A_325 : memref<1x32xf32, #tpu.memory_space<hbm>>) target(%dma_start3A_323 : memref<1x32xf32, #tpu.memory_space<vmem>>) target_semaphore(%arg20 : memref<!tpu.dma_semaphore, #tpu.memory_space<semaphore_mem>>)
      %slice3A_326 = vector.extract_strided_slice %get3A_82 {offsets = [7], sizes = [1], strides = [1]} : vector<16xi32> to vector<1xi32>
      %squeeze3A_327 = vector.extract %slice3A_326[0] : i32 from vector<1xi32>
      %dma_start3A_328 = arith.constant 0 : i32
      %dma_start3A_329 = tpu.memref_slice %arg18[%add3A_305, %dma_start3A_328] : memref<128x32xf32, #tpu.memory_space<vmem>> -> memref<1x32xf32, #tpu.memory_space<vmem>>
      %dma_start3A_330 = arith.constant 0 : i32
      %dma_start3A_331 = tpu.memref_slice %arg6[%squeeze3A_327, %dma_start3A_330] : memref<1000000x32xf32, #tpu.memory_space<hbm>> -> memref<1x32xf32, #tpu.memory_space<hbm>>
      %dma_start3A_332 = arith.constant 0 : i32
      %dma_start3A_333 = tpu.memref_slice %arg18[%add3A_305, %dma_start3A_332] : memref<128x32xf32, #tpu.memory_space<vmem>> -> memref<1x32xf32, #tpu.memory_space<vmem>>
      %dma_start3A_334 = arith.constant 0 : i32
      %dma_start3A_335 = tpu.memref_slice %arg6[%squeeze3A_327, %dma_start3A_334] : memref<1000000x32xf32, #tpu.memory_space<hbm>> -> memref<1x32xf32, #tpu.memory_space<hbm>>
      tpu.enqueue_dma source(%dma_start3A_335 : memref<1x32xf32, #tpu.memory_space<hbm>>) target(%dma_start3A_333 : memref<1x32xf32, #tpu.memory_space<vmem>>) target_semaphore(%arg20 : memref<!tpu.dma_semaphore, #tpu.memory_space<semaphore_mem>>)
      %add3A_336 = arith.constant 8 : i32
      %add3A_337 = arith.addi %mul3A_68, %add3A_336 : i32
      %slice3A_338 = vector.extract_strided_slice %get3A_72 {offsets = [8], sizes = [1], strides = [1]} : vector<16xi32> to vector<1xi32>
      %squeeze3A_339 = vector.extract %slice3A_338[0] : i32 from vector<1xi32>
      %dma_start3A_340 = arith.constant 0 : i32
      %dma_start3A_341 = tpu.memref_slice %arg16[%add3A_337, %dma_start3A_340] : memref<128x32xf32, #tpu.memory_space<vmem>> -> memref<1x32xf32, #tpu.memory_space<vmem>>
      %dma_start3A_342 = arith.constant 0 : i32
      %dma_start3A_343 = tpu.memref_slice %arg5[%squeeze3A_339, %dma_start3A_342] : memref<1000000x32xf32, #tpu.memory_space<hbm>> -> memref<1x32xf32, #tpu.memory_space<hbm>>
      %dma_start3A_344 = arith.constant 0 : i32
      %dma_start3A_345 = tpu.memref_slice %arg16[%add3A_337, %dma_start3A_344] : memref<128x32xf32, #tpu.memory_space<vmem>> -> memref<1x32xf32, #tpu.memory_space<vmem>>
      %dma_start3A_346 = arith.constant 0 : i32
      %dma_start3A_347 = tpu.memref_slice %arg5[%squeeze3A_339, %dma_start3A_346] : memref<1000000x32xf32, #tpu.memory_space<hbm>> -> memref<1x32xf32, #tpu.memory_space<hbm>>
      tpu.enqueue_dma source(%dma_start3A_347 : memref<1x32xf32, #tpu.memory_space<hbm>>) target(%dma_start3A_345 : memref<1x32xf32, #tpu.memory_space<vmem>>) target_semaphore(%arg20 : memref<!tpu.dma_semaphore, #tpu.memory_space<semaphore_mem>>)
      %slice3A_348 = vector.extract_strided_slice %get3A_77 {offsets = [8], sizes = [1], strides = [1]} : vector<16xi32> to vector<1xi32>
      %squeeze3A_349 = vector.extract %slice3A_348[0] : i32 from vector<1xi32>
      %dma_start3A_350 = arith.constant 0 : i32
      %dma_start3A_351 = tpu.memref_slice %arg17[%add3A_337, %dma_start3A_350] : memref<128x32xf32, #tpu.memory_space<vmem>> -> memref<1x32xf32, #tpu.memory_space<vmem>>
      %dma_start3A_352 = arith.constant 0 : i32
      %dma_start3A_353 = tpu.memref_slice %arg6[%squeeze3A_349, %dma_start3A_352] : memref<1000000x32xf32, #tpu.memory_space<hbm>> -> memref<1x32xf32, #tpu.memory_space<hbm>>
      %dma_start3A_354 = arith.constant 0 : i32
      %dma_start3A_355 = tpu.memref_slice %arg17[%add3A_337, %dma_start3A_354] : memref<128x32xf32, #tpu.memory_space<vmem>> -> memref<1x32xf32, #tpu.memory_space<vmem>>
      %dma_start3A_356 = arith.constant 0 : i32
      %dma_start3A_357 = tpu.memref_slice %arg6[%squeeze3A_349, %dma_start3A_356] : memref<1000000x32xf32, #tpu.memory_space<hbm>> -> memref<1x32xf32, #tpu.memory_space<hbm>>
      tpu.enqueue_dma source(%dma_start3A_357 : memref<1x32xf32, #tpu.memory_space<hbm>>) target(%dma_start3A_355 : memref<1x32xf32, #tpu.memory_space<vmem>>) target_semaphore(%arg20 : memref<!tpu.dma_semaphore, #tpu.memory_space<semaphore_mem>>)
      %slice3A_358 = vector.extract_strided_slice %get3A_82 {offsets = [8], sizes = [1], strides = [1]} : vector<16xi32> to vector<1xi32>
      %squeeze3A_359 = vector.extract %slice3A_358[0] : i32 from vector<1xi32>
      %dma_start3A_360 = arith.constant 0 : i32
      %dma_start3A_361 = tpu.memref_slice %arg18[%add3A_337, %dma_start3A_360] : memref<128x32xf32, #tpu.memory_space<vmem>> -> memref<1x32xf32, #tpu.memory_space<vmem>>
      %dma_start3A_362 = arith.constant 0 : i32
      %dma_start3A_363 = tpu.memref_slice %arg6[%squeeze3A_359, %dma_start3A_362] : memref<1000000x32xf32, #tpu.memory_space<hbm>> -> memref<1x32xf32, #tpu.memory_space<hbm>>
      %dma_start3A_364 = arith.constant 0 : i32
      %dma_start3A_365 = tpu.memref_slice %arg18[%add3A_337, %dma_start3A_364] : memref<128x32xf32, #tpu.memory_space<vmem>> -> memref<1x32xf32, #tpu.memory_space<vmem>>
      %dma_start3A_366 = arith.constant 0 : i32
      %dma_start3A_367 = tpu.memref_slice %arg6[%squeeze3A_359, %dma_start3A_366] : memref<1000000x32xf32, #tpu.memory_space<hbm>> -> memref<1x32xf32, #tpu.memory_space<hbm>>
      tpu.enqueue_dma source(%dma_start3A_367 : memref<1x32xf32, #tpu.memory_space<hbm>>) target(%dma_start3A_365 : memref<1x32xf32, #tpu.memory_space<vmem>>) target_semaphore(%arg20 : memref<!tpu.dma_semaphore, #tpu.memory_space<semaphore_mem>>)
      %add3A_368 = arith.constant 9 : i32
      %add3A_369 = arith.addi %mul3A_68, %add3A_368 : i32
      %slice3A_370 = vector.extract_strided_slice %get3A_72 {offsets = [9], sizes = [1], strides = [1]} : vector<16xi32> to vector<1xi32>
      %squeeze3A_371 = vector.extract %slice3A_370[0] : i32 from vector<1xi32>
      %dma_start3A_372 = arith.constant 0 : i32
      %dma_start3A_373 = tpu.memref_slice %arg16[%add3A_369, %dma_start3A_372] : memref<128x32xf32, #tpu.memory_space<vmem>> -> memref<1x32xf32, #tpu.memory_space<vmem>>
      %dma_start3A_374 = arith.constant 0 : i32
      %dma_start3A_375 = tpu.memref_slice %arg5[%squeeze3A_371, %dma_start3A_374] : memref<1000000x32xf32, #tpu.memory_space<hbm>> -> memref<1x32xf32, #tpu.memory_space<hbm>>
      %dma_start3A_376 = arith.constant 0 : i32
      %dma_start3A_377 = tpu.memref_slice %arg16[%add3A_369, %dma_start3A_376] : memref<128x32xf32, #tpu.memory_space<vmem>> -> memref<1x32xf32, #tpu.memory_space<vmem>>
      %dma_start3A_378 = arith.constant 0 : i32
      %dma_start3A_379 = tpu.memref_slice %arg5[%squeeze3A_371, %dma_start3A_378] : memref<1000000x32xf32, #tpu.memory_space<hbm>> -> memref<1x32xf32, #tpu.memory_space<hbm>>
      tpu.enqueue_dma source(%dma_start3A_379 : memref<1x32xf32, #tpu.memory_space<hbm>>) target(%dma_start3A_377 : memref<1x32xf32, #tpu.memory_space<vmem>>) target_semaphore(%arg20 : memref<!tpu.dma_semaphore, #tpu.memory_space<semaphore_mem>>)
      %slice3A_380 = vector.extract_strided_slice %get3A_77 {offsets = [9], sizes = [1], strides = [1]} : vector<16xi32> to vector<1xi32>
      %squeeze3A_381 = vector.extract %slice3A_380[0] : i32 from vector<1xi32>
      %dma_start3A_382 = arith.constant 0 : i32
      %dma_start3A_383 = tpu.memref_slice %arg17[%add3A_369, %dma_start3A_382] : memref<128x32xf32, #tpu.memory_space<vmem>> -> memref<1x32xf32, #tpu.memory_space<vmem>>
      %dma_start3A_384 = arith.constant 0 : i32
      %dma_start3A_385 = tpu.memref_slice %arg6[%squeeze3A_381, %dma_start3A_384] : memref<1000000x32xf32, #tpu.memory_space<hbm>> -> memref<1x32xf32, #tpu.memory_space<hbm>>
      %dma_start3A_386 = arith.constant 0 : i32
      %dma_start3A_387 = tpu.memref_slice %arg17[%add3A_369, %dma_start3A_386] : memref<128x32xf32, #tpu.memory_space<vmem>> -> memref<1x32xf32, #tpu.memory_space<vmem>>
      %dma_start3A_388 = arith.constant 0 : i32
      %dma_start3A_389 = tpu.memref_slice %arg6[%squeeze3A_381, %dma_start3A_388] : memref<1000000x32xf32, #tpu.memory_space<hbm>> -> memref<1x32xf32, #tpu.memory_space<hbm>>
      tpu.enqueue_dma source(%dma_start3A_389 : memref<1x32xf32, #tpu.memory_space<hbm>>) target(%dma_start3A_387 : memref<1x32xf32, #tpu.memory_space<vmem>>) target_semaphore(%arg20 : memref<!tpu.dma_semaphore, #tpu.memory_space<semaphore_mem>>)
      %slice3A_390 = vector.extract_strided_slice %get3A_82 {offsets = [9], sizes = [1], strides = [1]} : vector<16xi32> to vector<1xi32>
      %squeeze3A_391 = vector.extract %slice3A_390[0] : i32 from vector<1xi32>
      %dma_start3A_392 = arith.constant 0 : i32
      %dma_start3A_393 = tpu.memref_slice %arg18[%add3A_369, %dma_start3A_392] : memref<128x32xf32, #tpu.memory_space<vmem>> -> memref<1x32xf32, #tpu.memory_space<vmem>>
      %dma_start3A_394 = arith.constant 0 : i32
      %dma_start3A_395 = tpu.memref_slice %arg6[%squeeze3A_391, %dma_start3A_394] : memref<1000000x32xf32, #tpu.memory_space<hbm>> -> memref<1x32xf32, #tpu.memory_space<hbm>>
      %dma_start3A_396 = arith.constant 0 : i32
      %dma_start3A_397 = tpu.memref_slice %arg18[%add3A_369, %dma_start3A_396] : memref<128x32xf32, #tpu.memory_space<vmem>> -> memref<1x32xf32, #tpu.memory_space<vmem>>
      %dma_start3A_398 = arith.constant 0 : i32
      %dma_start3A_399 = tpu.memref_slice %arg6[%squeeze3A_391, %dma_start3A_398] : memref<1000000x32xf32, #tpu.memory_space<hbm>> -> memref<1x32xf32, #tpu.memory_space<hbm>>
      tpu.enqueue_dma source(%dma_start3A_399 : memref<1x32xf32, #tpu.memory_space<hbm>>) target(%dma_start3A_397 : memref<1x32xf32, #tpu.memory_space<vmem>>) target_semaphore(%arg20 : memref<!tpu.dma_semaphore, #tpu.memory_space<semaphore_mem>>)
      %add3A_400 = arith.constant 10 : i32
      %add3A_401 = arith.addi %mul3A_68, %add3A_400 : i32
      %slice3A_402 = vector.extract_strided_slice %get3A_72 {offsets = [10], sizes = [1], strides = [1]} : vector<16xi32> to vector<1xi32>
      %squeeze3A_403 = vector.extract %slice3A_402[0] : i32 from vector<1xi32>
      %dma_start3A_404 = arith.constant 0 : i32
      %dma_start3A_405 = tpu.memref_slice %arg16[%add3A_401, %dma_start3A_404] : memref<128x32xf32, #tpu.memory_space<vmem>> -> memref<1x32xf32, #tpu.memory_space<vmem>>
      %dma_start3A_406 = arith.constant 0 : i32
      %dma_start3A_407 = tpu.memref_slice %arg5[%squeeze3A_403, %dma_start3A_406] : memref<1000000x32xf32, #tpu.memory_space<hbm>> -> memref<1x32xf32, #tpu.memory_space<hbm>>
      %dma_start3A_408 = arith.constant 0 : i32
      %dma_start3A_409 = tpu.memref_slice %arg16[%add3A_401, %dma_start3A_408] : memref<128x32xf32, #tpu.memory_space<vmem>> -> memref<1x32xf32, #tpu.memory_space<vmem>>
      %dma_start3A_410 = arith.constant 0 : i32
      %dma_start3A_411 = tpu.memref_slice %arg5[%squeeze3A_403, %dma_start3A_410] : memref<1000000x32xf32, #tpu.memory_space<hbm>> -> memref<1x32xf32, #tpu.memory_space<hbm>>
      tpu.enqueue_dma source(%dma_start3A_411 : memref<1x32xf32, #tpu.memory_space<hbm>>) target(%dma_start3A_409 : memref<1x32xf32, #tpu.memory_space<vmem>>) target_semaphore(%arg20 : memref<!tpu.dma_semaphore, #tpu.memory_space<semaphore_mem>>)
      %slice3A_412 = vector.extract_strided_slice %get3A_77 {offsets = [10], sizes = [1], strides = [1]} : vector<16xi32> to vector<1xi32>
      %squeeze3A_413 = vector.extract %slice3A_412[0] : i32 from vector<1xi32>
      %dma_start3A_414 = arith.constant 0 : i32
      %dma_start3A_415 = tpu.memref_slice %arg17[%add3A_401, %dma_start3A_414] : memref<128x32xf32, #tpu.memory_space<vmem>> -> memref<1x32xf32, #tpu.memory_space<vmem>>
      %dma_start3A_416 = arith.constant 0 : i32
      %dma_start3A_417 = tpu.memref_slice %arg6[%squeeze3A_413, %dma_start3A_416] : memref<1000000x32xf32, #tpu.memory_space<hbm>> -> memref<1x32xf32, #tpu.memory_space<hbm>>
      %dma_start3A_418 = arith.constant 0 : i32
      %dma_start3A_419 = tpu.memref_slice %arg17[%add3A_401, %dma_start3A_418] : memref<128x32xf32, #tpu.memory_space<vmem>> -> memref<1x32xf32, #tpu.memory_space<vmem>>
      %dma_start3A_420 = arith.constant 0 : i32
      %dma_start3A_421 = tpu.memref_slice %arg6[%squeeze3A_413, %dma_start3A_420] : memref<1000000x32xf32, #tpu.memory_space<hbm>> -> memref<1x32xf32, #tpu.memory_space<hbm>>
      tpu.enqueue_dma source(%dma_start3A_421 : memref<1x32xf32, #tpu.memory_space<hbm>>) target(%dma_start3A_419 : memref<1x32xf32, #tpu.memory_space<vmem>>) target_semaphore(%arg20 : memref<!tpu.dma_semaphore, #tpu.memory_space<semaphore_mem>>)
      %slice3A_422 = vector.extract_strided_slice %get3A_82 {offsets = [10], sizes = [1], strides = [1]} : vector<16xi32> to vector<1xi32>
      %squeeze3A_423 = vector.extract %slice3A_422[0] : i32 from vector<1xi32>
      %dma_start3A_424 = arith.constant 0 : i32
      %dma_start3A_425 = tpu.memref_slice %arg18[%add3A_401, %dma_start3A_424] : memref<128x32xf32, #tpu.memory_space<vmem>> -> memref<1x32xf32, #tpu.memory_space<vmem>>
      %dma_start3A_426 = arith.constant 0 : i32
      %dma_start3A_427 = tpu.memref_slice %arg6[%squeeze3A_423, %dma_start3A_426] : memref<1000000x32xf32, #tpu.memory_space<hbm>> -> memref<1x32xf32, #tpu.memory_space<hbm>>
      %dma_start3A_428 = arith.constant 0 : i32
      %dma_start3A_429 = tpu.memref_slice %arg18[%add3A_401, %dma_start3A_428] : memref<128x32xf32, #tpu.memory_space<vmem>> -> memref<1x32xf32, #tpu.memory_space<vmem>>
      %dma_start3A_430 = arith.constant 0 : i32
      %dma_start3A_431 = tpu.memref_slice %arg6[%squeeze3A_423, %dma_start3A_430] : memref<1000000x32xf32, #tpu.memory_space<hbm>> -> memref<1x32xf32, #tpu.memory_space<hbm>>
      tpu.enqueue_dma source(%dma_start3A_431 : memref<1x32xf32, #tpu.memory_space<hbm>>) target(%dma_start3A_429 : memref<1x32xf32, #tpu.memory_space<vmem>>) target_semaphore(%arg20 : memref<!tpu.dma_semaphore, #tpu.memory_space<semaphore_mem>>)
      %add3A_432 = arith.constant 11 : i32
      %add3A_433 = arith.addi %mul3A_68, %add3A_432 : i32
      %slice3A_434 = vector.extract_strided_slice %get3A_72 {offsets = [11], sizes = [1], strides = [1]} : vector<16xi32> to vector<1xi32>
      %squeeze3A_435 = vector.extract %slice3A_434[0] : i32 from vector<1xi32>
      %dma_start3A_436 = arith.constant 0 : i32
      %dma_start3A_437 = tpu.memref_slice %arg16[%add3A_433, %dma_start3A_436] : memref<128x32xf32, #tpu.memory_space<vmem>> -> memref<1x32xf32, #tpu.memory_space<vmem>>
      %dma_start3A_438 = arith.constant 0 : i32
      %dma_start3A_439 = tpu.memref_slice %arg5[%squeeze3A_435, %dma_start3A_438] : memref<1000000x32xf32, #tpu.memory_space<hbm>> -> memref<1x32xf32, #tpu.memory_space<hbm>>
      %dma_start3A_440 = arith.constant 0 : i32
      %dma_start3A_441 = tpu.memref_slice %arg16[%add3A_433, %dma_start3A_440] : memref<128x32xf32, #tpu.memory_space<vmem>> -> memref<1x32xf32, #tpu.memory_space<vmem>>
      %dma_start3A_442 = arith.constant 0 : i32
      %dma_start3A_443 = tpu.memref_slice %arg5[%squeeze3A_435, %dma_start3A_442] : memref<1000000x32xf32, #tpu.memory_space<hbm>> -> memref<1x32xf32, #tpu.memory_space<hbm>>
      tpu.enqueue_dma source(%dma_start3A_443 : memref<1x32xf32, #tpu.memory_space<hbm>>) target(%dma_start3A_441 : memref<1x32xf32, #tpu.memory_space<vmem>>) target_semaphore(%arg20 : memref<!tpu.dma_semaphore, #tpu.memory_space<semaphore_mem>>)
      %slice3A_444 = vector.extract_strided_slice %get3A_77 {offsets = [11], sizes = [1], strides = [1]} : vector<16xi32> to vector<1xi32>
      %squeeze3A_445 = vector.extract %slice3A_444[0] : i32 from vector<1xi32>
      %dma_start3A_446 = arith.constant 0 : i32
      %dma_start3A_447 = tpu.memref_slice %arg17[%add3A_433, %dma_start3A_446] : memref<128x32xf32, #tpu.memory_space<vmem>> -> memref<1x32xf32, #tpu.memory_space<vmem>>
      %dma_start3A_448 = arith.constant 0 : i32
      %dma_start3A_449 = tpu.memref_slice %arg6[%squeeze3A_445, %dma_start3A_448] : memref<1000000x32xf32, #tpu.memory_space<hbm>> -> memref<1x32xf32, #tpu.memory_space<hbm>>
      %dma_start3A_450 = arith.constant 0 : i32
      %dma_start3A_451 = tpu.memref_slice %arg17[%add3A_433, %dma_start3A_450] : memref<128x32xf32, #tpu.memory_space<vmem>> -> memref<1x32xf32, #tpu.memory_space<vmem>>
      %dma_start3A_452 = arith.constant 0 : i32
      %dma_start3A_453 = tpu.memref_slice %arg6[%squeeze3A_445, %dma_start3A_452] : memref<1000000x32xf32, #tpu.memory_space<hbm>> -> memref<1x32xf32, #tpu.memory_space<hbm>>
      tpu.enqueue_dma source(%dma_start3A_453 : memref<1x32xf32, #tpu.memory_space<hbm>>) target(%dma_start3A_451 : memref<1x32xf32, #tpu.memory_space<vmem>>) target_semaphore(%arg20 : memref<!tpu.dma_semaphore, #tpu.memory_space<semaphore_mem>>)
      %slice3A_454 = vector.extract_strided_slice %get3A_82 {offsets = [11], sizes = [1], strides = [1]} : vector<16xi32> to vector<1xi32>
      %squeeze3A_455 = vector.extract %slice3A_454[0] : i32 from vector<1xi32>
      %dma_start3A_456 = arith.constant 0 : i32
      %dma_start3A_457 = tpu.memref_slice %arg18[%add3A_433, %dma_start3A_456] : memref<128x32xf32, #tpu.memory_space<vmem>> -> memref<1x32xf32, #tpu.memory_space<vmem>>
      %dma_start3A_458 = arith.constant 0 : i32
      %dma_start3A_459 = tpu.memref_slice %arg6[%squeeze3A_455, %dma_start3A_458] : memref<1000000x32xf32, #tpu.memory_space<hbm>> -> memref<1x32xf32, #tpu.memory_space<hbm>>
      %dma_start3A_460 = arith.constant 0 : i32
      %dma_start3A_461 = tpu.memref_slice %arg18[%add3A_433, %dma_start3A_460] : memref<128x32xf32, #tpu.memory_space<vmem>> -> memref<1x32xf32, #tpu.memory_space<vmem>>
      %dma_start3A_462 = arith.constant 0 : i32
      %dma_start3A_463 = tpu.memref_slice %arg6[%squeeze3A_455, %dma_start3A_462] : memref<1000000x32xf32, #tpu.memory_space<hbm>> -> memref<1x32xf32, #tpu.memory_space<hbm>>
      tpu.enqueue_dma source(%dma_start3A_463 : memref<1x32xf32, #tpu.memory_space<hbm>>) target(%dma_start3A_461 : memref<1x32xf32, #tpu.memory_space<vmem>>) target_semaphore(%arg20 : memref<!tpu.dma_semaphore, #tpu.memory_space<semaphore_mem>>)
      %add3A_464 = arith.constant 12 : i32
      %add3A_465 = arith.addi %mul3A_68, %add3A_464 : i32
      %slice3A_466 = vector.extract_strided_slice %get3A_72 {offsets = [12], sizes = [1], strides = [1]} : vector<16xi32> to vector<1xi32>
      %squeeze3A_467 = vector.extract %slice3A_466[0] : i32 from vector<1xi32>
      %dma_start3A_468 = arith.constant 0 : i32
      %dma_start3A_469 = tpu.memref_slice %arg16[%add3A_465, %dma_start3A_468] : memref<128x32xf32, #tpu.memory_space<vmem>> -> memref<1x32xf32, #tpu.memory_space<vmem>>
      %dma_start3A_470 = arith.constant 0 : i32
      %dma_start3A_471 = tpu.memref_slice %arg5[%squeeze3A_467, %dma_start3A_470] : memref<1000000x32xf32, #tpu.memory_space<hbm>> -> memref<1x32xf32, #tpu.memory_space<hbm>>
      %dma_start3A_472 = arith.constant 0 : i32
      %dma_start3A_473 = tpu.memref_slice %arg16[%add3A_465, %dma_start3A_472] : memref<128x32xf32, #tpu.memory_space<vmem>> -> memref<1x32xf32, #tpu.memory_space<vmem>>
      %dma_start3A_474 = arith.constant 0 : i32
      %dma_start3A_475 = tpu.memref_slice %arg5[%squeeze3A_467, %dma_start3A_474] : memref<1000000x32xf32, #tpu.memory_space<hbm>> -> memref<1x32xf32, #tpu.memory_space<hbm>>
      tpu.enqueue_dma source(%dma_start3A_475 : memref<1x32xf32, #tpu.memory_space<hbm>>) target(%dma_start3A_473 : memref<1x32xf32, #tpu.memory_space<vmem>>) target_semaphore(%arg20 : memref<!tpu.dma_semaphore, #tpu.memory_space<semaphore_mem>>)
      %slice3A_476 = vector.extract_strided_slice %get3A_77 {offsets = [12], sizes = [1], strides = [1]} : vector<16xi32> to vector<1xi32>
      %squeeze3A_477 = vector.extract %slice3A_476[0] : i32 from vector<1xi32>
      %dma_start3A_478 = arith.constant 0 : i32
      %dma_start3A_479 = tpu.memref_slice %arg17[%add3A_465, %dma_start3A_478] : memref<128x32xf32, #tpu.memory_space<vmem>> -> memref<1x32xf32, #tpu.memory_space<vmem>>
      %dma_start3A_480 = arith.constant 0 : i32
      %dma_start3A_481 = tpu.memref_slice %arg6[%squeeze3A_477, %dma_start3A_480] : memref<1000000x32xf32, #tpu.memory_space<hbm>> -> memref<1x32xf32, #tpu.memory_space<hbm>>
      %dma_start3A_482 = arith.constant 0 : i32
      %dma_start3A_483 = tpu.memref_slice %arg17[%add3A_465, %dma_start3A_482] : memref<128x32xf32, #tpu.memory_space<vmem>> -> memref<1x32xf32, #tpu.memory_space<vmem>>
      %dma_start3A_484 = arith.constant 0 : i32
      %dma_start3A_485 = tpu.memref_slice %arg6[%squeeze3A_477, %dma_start3A_484] : memref<1000000x32xf32, #tpu.memory_space<hbm>> -> memref<1x32xf32, #tpu.memory_space<hbm>>
      tpu.enqueue_dma source(%dma_start3A_485 : memref<1x32xf32, #tpu.memory_space<hbm>>) target(%dma_start3A_483 : memref<1x32xf32, #tpu.memory_space<vmem>>) target_semaphore(%arg20 : memref<!tpu.dma_semaphore, #tpu.memory_space<semaphore_mem>>)
      %slice3A_486 = vector.extract_strided_slice %get3A_82 {offsets = [12], sizes = [1], strides = [1]} : vector<16xi32> to vector<1xi32>
      %squeeze3A_487 = vector.extract %slice3A_486[0] : i32 from vector<1xi32>
      %dma_start3A_488 = arith.constant 0 : i32
      %dma_start3A_489 = tpu.memref_slice %arg18[%add3A_465, %dma_start3A_488] : memref<128x32xf32, #tpu.memory_space<vmem>> -> memref<1x32xf32, #tpu.memory_space<vmem>>
      %dma_start3A_490 = arith.constant 0 : i32
      %dma_start3A_491 = tpu.memref_slice %arg6[%squeeze3A_487, %dma_start3A_490] : memref<1000000x32xf32, #tpu.memory_space<hbm>> -> memref<1x32xf32, #tpu.memory_space<hbm>>
      %dma_start3A_492 = arith.constant 0 : i32
      %dma_start3A_493 = tpu.memref_slice %arg18[%add3A_465, %dma_start3A_492] : memref<128x32xf32, #tpu.memory_space<vmem>> -> memref<1x32xf32, #tpu.memory_space<vmem>>
      %dma_start3A_494 = arith.constant 0 : i32
      %dma_start3A_495 = tpu.memref_slice %arg6[%squeeze3A_487, %dma_start3A_494] : memref<1000000x32xf32, #tpu.memory_space<hbm>> -> memref<1x32xf32, #tpu.memory_space<hbm>>
      tpu.enqueue_dma source(%dma_start3A_495 : memref<1x32xf32, #tpu.memory_space<hbm>>) target(%dma_start3A_493 : memref<1x32xf32, #tpu.memory_space<vmem>>) target_semaphore(%arg20 : memref<!tpu.dma_semaphore, #tpu.memory_space<semaphore_mem>>)
      %add3A_496 = arith.constant 13 : i32
      %add3A_497 = arith.addi %mul3A_68, %add3A_496 : i32
      %slice3A_498 = vector.extract_strided_slice %get3A_72 {offsets = [13], sizes = [1], strides = [1]} : vector<16xi32> to vector<1xi32>
      %squeeze3A_499 = vector.extract %slice3A_498[0] : i32 from vector<1xi32>
      %dma_start3A_500 = arith.constant 0 : i32
      %dma_start3A_501 = tpu.memref_slice %arg16[%add3A_497, %dma_start3A_500] : memref<128x32xf32, #tpu.memory_space<vmem>> -> memref<1x32xf32, #tpu.memory_space<vmem>>
      %dma_start3A_502 = arith.constant 0 : i32
      %dma_start3A_503 = tpu.memref_slice %arg5[%squeeze3A_499, %dma_start3A_502] : memref<1000000x32xf32, #tpu.memory_space<hbm>> -> memref<1x32xf32, #tpu.memory_space<hbm>>
      %dma_start3A_504 = arith.constant 0 : i32
      %dma_start3A_505 = tpu.memref_slice %arg16[%add3A_497, %dma_start3A_504] : memref<128x32xf32, #tpu.memory_space<vmem>> -> memref<1x32xf32, #tpu.memory_space<vmem>>
      %dma_start3A_506 = arith.constant 0 : i32
      %dma_start3A_507 = tpu.memref_slice %arg5[%squeeze3A_499, %dma_start3A_506] : memref<1000000x32xf32, #tpu.memory_space<hbm>> -> memref<1x32xf32, #tpu.memory_space<hbm>>
      tpu.enqueue_dma source(%dma_start3A_507 : memref<1x32xf32, #tpu.memory_space<hbm>>) target(%dma_start3A_505 : memref<1x32xf32, #tpu.memory_space<vmem>>) target_semaphore(%arg20 : memref<!tpu.dma_semaphore, #tpu.memory_space<semaphore_mem>>)
      %slice3A_508 = vector.extract_strided_slice %get3A_77 {offsets = [13], sizes = [1], strides = [1]} : vector<16xi32> to vector<1xi32>
      %squeeze3A_509 = vector.extract %slice3A_508[0] : i32 from vector<1xi32>
      %dma_start3A_510 = arith.constant 0 : i32
      %dma_start3A_511 = tpu.memref_slice %arg17[%add3A_497, %dma_start3A_510] : memref<128x32xf32, #tpu.memory_space<vmem>> -> memref<1x32xf32, #tpu.memory_space<vmem>>
      %dma_start3A_512 = arith.constant 0 : i32
      %dma_start3A_513 = tpu.memref_slice %arg6[%squeeze3A_509, %dma_start3A_512] : memref<1000000x32xf32, #tpu.memory_space<hbm>> -> memref<1x32xf32, #tpu.memory_space<hbm>>
      %dma_start3A_514 = arith.constant 0 : i32
      %dma_start3A_515 = tpu.memref_slice %arg17[%add3A_497, %dma_start3A_514] : memref<128x32xf32, #tpu.memory_space<vmem>> -> memref<1x32xf32, #tpu.memory_space<vmem>>
      %dma_start3A_516 = arith.constant 0 : i32
      %dma_start3A_517 = tpu.memref_slice %arg6[%squeeze3A_509, %dma_start3A_516] : memref<1000000x32xf32, #tpu.memory_space<hbm>> -> memref<1x32xf32, #tpu.memory_space<hbm>>
      tpu.enqueue_dma source(%dma_start3A_517 : memref<1x32xf32, #tpu.memory_space<hbm>>) target(%dma_start3A_515 : memref<1x32xf32, #tpu.memory_space<vmem>>) target_semaphore(%arg20 : memref<!tpu.dma_semaphore, #tpu.memory_space<semaphore_mem>>)
      %slice3A_518 = vector.extract_strided_slice %get3A_82 {offsets = [13], sizes = [1], strides = [1]} : vector<16xi32> to vector<1xi32>
      %squeeze3A_519 = vector.extract %slice3A_518[0] : i32 from vector<1xi32>
      %dma_start3A_520 = arith.constant 0 : i32
      %dma_start3A_521 = tpu.memref_slice %arg18[%add3A_497, %dma_start3A_520] : memref<128x32xf32, #tpu.memory_space<vmem>> -> memref<1x32xf32, #tpu.memory_space<vmem>>
      %dma_start3A_522 = arith.constant 0 : i32
      %dma_start3A_523 = tpu.memref_slice %arg6[%squeeze3A_519, %dma_start3A_522] : memref<1000000x32xf32, #tpu.memory_space<hbm>> -> memref<1x32xf32, #tpu.memory_space<hbm>>
      %dma_start3A_524 = arith.constant 0 : i32
      %dma_start3A_525 = tpu.memref_slice %arg18[%add3A_497, %dma_start3A_524] : memref<128x32xf32, #tpu.memory_space<vmem>> -> memref<1x32xf32, #tpu.memory_space<vmem>>
      %dma_start3A_526 = arith.constant 0 : i32
      %dma_start3A_527 = tpu.memref_slice %arg6[%squeeze3A_519, %dma_start3A_526] : memref<1000000x32xf32, #tpu.memory_space<hbm>> -> memref<1x32xf32, #tpu.memory_space<hbm>>
      tpu.enqueue_dma source(%dma_start3A_527 : memref<1x32xf32, #tpu.memory_space<hbm>>) target(%dma_start3A_525 : memref<1x32xf32, #tpu.memory_space<vmem>>) target_semaphore(%arg20 : memref<!tpu.dma_semaphore, #tpu.memory_space<semaphore_mem>>)
      %add3A_528 = arith.constant 14 : i32
      %add3A_529 = arith.addi %mul3A_68, %add3A_528 : i32
      %slice3A_530 = vector.extract_strided_slice %get3A_72 {offsets = [14], sizes = [1], strides = [1]} : vector<16xi32> to vector<1xi32>
      %squeeze3A_531 = vector.extract %slice3A_530[0] : i32 from vector<1xi32>
      %dma_start3A_532 = arith.constant 0 : i32
      %dma_start3A_533 = tpu.memref_slice %arg16[%add3A_529, %dma_start3A_532] : memref<128x32xf32, #tpu.memory_space<vmem>> -> memref<1x32xf32, #tpu.memory_space<vmem>>
      %dma_start3A_534 = arith.constant 0 : i32
      %dma_start3A_535 = tpu.memref_slice %arg5[%squeeze3A_531, %dma_start3A_534] : memref<1000000x32xf32, #tpu.memory_space<hbm>> -> memref<1x32xf32, #tpu.memory_space<hbm>>
      %dma_start3A_536 = arith.constant 0 : i32
      %dma_start3A_537 = tpu.memref_slice %arg16[%add3A_529, %dma_start3A_536] : memref<128x32xf32, #tpu.memory_space<vmem>> -> memref<1x32xf32, #tpu.memory_space<vmem>>
      %dma_start3A_538 = arith.constant 0 : i32
      %dma_start3A_539 = tpu.memref_slice %arg5[%squeeze3A_531, %dma_start3A_538] : memref<1000000x32xf32, #tpu.memory_space<hbm>> -> memref<1x32xf32, #tpu.memory_space<hbm>>
      tpu.enqueue_dma source(%dma_start3A_539 : memref<1x32xf32, #tpu.memory_space<hbm>>) target(%dma_start3A_537 : memref<1x32xf32, #tpu.memory_space<vmem>>) target_semaphore(%arg20 : memref<!tpu.dma_semaphore, #tpu.memory_space<semaphore_mem>>)
      %slice3A_540 = vector.extract_strided_slice %get3A_77 {offsets = [14], sizes = [1], strides = [1]} : vector<16xi32> to vector<1xi32>
      %squeeze3A_541 = vector.extract %slice3A_540[0] : i32 from vector<1xi32>
      %dma_start3A_542 = arith.constant 0 : i32
      %dma_start3A_543 = tpu.memref_slice %arg17[%add3A_529, %dma_start3A_542] : memref<128x32xf32, #tpu.memory_space<vmem>> -> memref<1x32xf32, #tpu.memory_space<vmem>>
      %dma_start3A_544 = arith.constant 0 : i32
      %dma_start3A_545 = tpu.memref_slice %arg6[%squeeze3A_541, %dma_start3A_544] : memref<1000000x32xf32, #tpu.memory_space<hbm>> -> memref<1x32xf32, #tpu.memory_space<hbm>>
      %dma_start3A_546 = arith.constant 0 : i32
      %dma_start3A_547 = tpu.memref_slice %arg17[%add3A_529, %dma_start3A_546] : memref<128x32xf32, #tpu.memory_space<vmem>> -> memref<1x32xf32, #tpu.memory_space<vmem>>
      %dma_start3A_548 = arith.constant 0 : i32
      %dma_start3A_549 = tpu.memref_slice %arg6[%squeeze3A_541, %dma_start3A_548] : memref<1000000x32xf32, #tpu.memory_space<hbm>> -> memref<1x32xf32, #tpu.memory_space<hbm>>
      tpu.enqueue_dma source(%dma_start3A_549 : memref<1x32xf32, #tpu.memory_space<hbm>>) target(%dma_start3A_547 : memref<1x32xf32, #tpu.memory_space<vmem>>) target_semaphore(%arg20 : memref<!tpu.dma_semaphore, #tpu.memory_space<semaphore_mem>>)
      %slice3A_550 = vector.extract_strided_slice %get3A_82 {offsets = [14], sizes = [1], strides = [1]} : vector<16xi32> to vector<1xi32>
      %squeeze3A_551 = vector.extract %slice3A_550[0] : i32 from vector<1xi32>
      %dma_start3A_552 = arith.constant 0 : i32
      %dma_start3A_553 = tpu.memref_slice %arg18[%add3A_529, %dma_start3A_552] : memref<128x32xf32, #tpu.memory_space<vmem>> -> memref<1x32xf32, #tpu.memory_space<vmem>>
      %dma_start3A_554 = arith.constant 0 : i32
      %dma_start3A_555 = tpu.memref_slice %arg6[%squeeze3A_551, %dma_start3A_554] : memref<1000000x32xf32, #tpu.memory_space<hbm>> -> memref<1x32xf32, #tpu.memory_space<hbm>>
      %dma_start3A_556 = arith.constant 0 : i32
      %dma_start3A_557 = tpu.memref_slice %arg18[%add3A_529, %dma_start3A_556] : memref<128x32xf32, #tpu.memory_space<vmem>> -> memref<1x32xf32, #tpu.memory_space<vmem>>
      %dma_start3A_558 = arith.constant 0 : i32
      %dma_start3A_559 = tpu.memref_slice %arg6[%squeeze3A_551, %dma_start3A_558] : memref<1000000x32xf32, #tpu.memory_space<hbm>> -> memref<1x32xf32, #tpu.memory_space<hbm>>
      tpu.enqueue_dma source(%dma_start3A_559 : memref<1x32xf32, #tpu.memory_space<hbm>>) target(%dma_start3A_557 : memref<1x32xf32, #tpu.memory_space<vmem>>) target_semaphore(%arg20 : memref<!tpu.dma_semaphore, #tpu.memory_space<semaphore_mem>>)
      %add3A_560 = arith.constant 15 : i32
      %add3A_561 = arith.addi %mul3A_68, %add3A_560 : i32
      %slice3A_562 = vector.extract_strided_slice %get3A_72 {offsets = [15], sizes = [1], strides = [1]} : vector<16xi32> to vector<1xi32>
      %squeeze3A_563 = vector.extract %slice3A_562[0] : i32 from vector<1xi32>
      %dma_start3A_564 = arith.constant 0 : i32
      %dma_start3A_565 = tpu.memref_slice %arg16[%add3A_561, %dma_start3A_564] : memref<128x32xf32, #tpu.memory_space<vmem>> -> memref<1x32xf32, #tpu.memory_space<vmem>>
      %dma_start3A_566 = arith.constant 0 : i32
      %dma_start3A_567 = tpu.memref_slice %arg5[%squeeze3A_563, %dma_start3A_566] : memref<1000000x32xf32, #tpu.memory_space<hbm>> -> memref<1x32xf32, #tpu.memory_space<hbm>>
      %dma_start3A_568 = arith.constant 0 : i32
      %dma_start3A_569 = tpu.memref_slice %arg16[%add3A_561, %dma_start3A_568] : memref<128x32xf32, #tpu.memory_space<vmem>> -> memref<1x32xf32, #tpu.memory_space<vmem>>
      %dma_start3A_570 = arith.constant 0 : i32
      %dma_start3A_571 = tpu.memref_slice %arg5[%squeeze3A_563, %dma_start3A_570] : memref<1000000x32xf32, #tpu.memory_space<hbm>> -> memref<1x32xf32, #tpu.memory_space<hbm>>
      tpu.enqueue_dma source(%dma_start3A_571 : memref<1x32xf32, #tpu.memory_space<hbm>>) target(%dma_start3A_569 : memref<1x32xf32, #tpu.memory_space<vmem>>) target_semaphore(%arg20 : memref<!tpu.dma_semaphore, #tpu.memory_space<semaphore_mem>>)
      %slice3A_572 = vector.extract_strided_slice %get3A_77 {offsets = [15], sizes = [1], strides = [1]} : vector<16xi32> to vector<1xi32>
      %squeeze3A_573 = vector.extract %slice3A_572[0] : i32 from vector<1xi32>
      %dma_start3A_574 = arith.constant 0 : i32
      %dma_start3A_575 = tpu.memref_slice %arg17[%add3A_561, %dma_start3A_574] : memref<128x32xf32, #tpu.memory_space<vmem>> -> memref<1x32xf32, #tpu.memory_space<vmem>>
      %dma_start3A_576 = arith.constant 0 : i32
      %dma_start3A_577 = tpu.memref_slice %arg6[%squeeze3A_573, %dma_start3A_576] : memref<1000000x32xf32, #tpu.memory_space<hbm>> -> memref<1x32xf32, #tpu.memory_space<hbm>>
      %dma_start3A_578 = arith.constant 0 : i32
      %dma_start3A_579 = tpu.memref_slice %arg17[%add3A_561, %dma_start3A_578] : memref<128x32xf32, #tpu.memory_space<vmem>> -> memref<1x32xf32, #tpu.memory_space<vmem>>
      %dma_start3A_580 = arith.constant 0 : i32
      %dma_start3A_581 = tpu.memref_slice %arg6[%squeeze3A_573, %dma_start3A_580] : memref<1000000x32xf32, #tpu.memory_space<hbm>> -> memref<1x32xf32, #tpu.memory_space<hbm>>
      tpu.enqueue_dma source(%dma_start3A_581 : memref<1x32xf32, #tpu.memory_space<hbm>>) target(%dma_start3A_579 : memref<1x32xf32, #tpu.memory_space<vmem>>) target_semaphore(%arg20 : memref<!tpu.dma_semaphore, #tpu.memory_space<semaphore_mem>>)
      %slice3A_582 = vector.extract_strided_slice %get3A_82 {offsets = [15], sizes = [1], strides = [1]} : vector<16xi32> to vector<1xi32>
      %squeeze3A_583 = vector.extract %slice3A_582[0] : i32 from vector<1xi32>
      %dma_start3A_584 = arith.constant 0 : i32
      %dma_start3A_585 = tpu.memref_slice %arg18[%add3A_561, %dma_start3A_584] : memref<128x32xf32, #tpu.memory_space<vmem>> -> memref<1x32xf32, #tpu.memory_space<vmem>>
      %dma_start3A_586 = arith.constant 0 : i32
      %dma_start3A_587 = tpu.memref_slice %arg6[%squeeze3A_583, %dma_start3A_586] : memref<1000000x32xf32, #tpu.memory_space<hbm>> -> memref<1x32xf32, #tpu.memory_space<hbm>>
      %dma_start3A_588 = arith.constant 0 : i32
      %dma_start3A_589 = tpu.memref_slice %arg18[%add3A_561, %dma_start3A_588] : memref<128x32xf32, #tpu.memory_space<vmem>> -> memref<1x32xf32, #tpu.memory_space<vmem>>
      %dma_start3A_590 = arith.constant 0 : i32
      %dma_start3A_591 = tpu.memref_slice %arg6[%squeeze3A_583, %dma_start3A_590] : memref<1000000x32xf32, #tpu.memory_space<hbm>> -> memref<1x32xf32, #tpu.memory_space<hbm>>
      tpu.enqueue_dma source(%dma_start3A_591 : memref<1x32xf32, #tpu.memory_space<hbm>>) target(%dma_start3A_589 : memref<1x32xf32, #tpu.memory_space<vmem>>) target_semaphore(%arg20 : memref<!tpu.dma_semaphore, #tpu.memory_space<semaphore_mem>>)
    }
    %scan3A_13 = arith.constant 8 : i32
    %scan3A_14 = arith.constant 0 : i32
    %scan3A_15 = arith.constant 0 : i32
    %scan3A_16 = arith.constant 128 : i32
    %scan3A_17 = arith.addi %scan3A_15, %scan3A_16 : i32
    %scan3A_18 = arith.constant 1 : i32
    scf.for %scan3A_66 = %scan3A_15 to %scan3A_17 step %scan3A_18  : i32 {
      %dma_wait3A = arith.constant 0 : i32
      %dma_wait3A_67 = arith.constant 0 : i32
      %dma_wait3A_68 = tpu.memref_slice %arg13[%dma_wait3A, %dma_wait3A_67] : memref<128x32xf32, #tpu.memory_space<vmem>> -> memref<1x32xf32, #tpu.memory_space<vmem>>
      %dma_wait3A_69 = arith.constant 0 : i32
      %dma_wait3A_70 = arith.constant 0 : i32
      %dma_wait3A_71 = tpu.memref_slice %arg5[%dma_wait3A_69, %dma_wait3A_70] : memref<1000000x32xf32, #tpu.memory_space<hbm>> -> memref<1x32xf32, #tpu.memory_space<hbm>>
      %dma_wait3A_72 = arith.constant 0 : i32
      %dma_wait3A_73 = arith.constant 0 : i32
      %dma_wait3A_74 = tpu.memref_slice %arg13[%dma_wait3A_72, %dma_wait3A_73] : memref<128x32xf32, #tpu.memory_space<vmem>> -> memref<1x32xf32, #tpu.memory_space<vmem>>
      %dma_wait3A_75 = arith.constant 0 : i32
      %dma_wait3A_76 = arith.constant 0 : i32
      %dma_wait3A_77 = tpu.memref_slice %arg5[%dma_wait3A_75, %dma_wait3A_76] : memref<1000000x32xf32, #tpu.memory_space<hbm>> -> memref<1x32xf32, #tpu.memory_space<hbm>>
      tpu.wait_dma2 semaphore(%arg19 : memref<!tpu.dma_semaphore, #tpu.memory_space<semaphore_mem>>) src(%dma_wait3A_77 : memref<1x32xf32, #tpu.memory_space<hbm>>) dst(%dma_wait3A_74 : memref<1x32xf32, #tpu.memory_space<vmem>>)
      %dma_wait3A_78 = arith.constant 0 : i32
      %dma_wait3A_79 = arith.constant 0 : i32
      %dma_wait3A_80 = tpu.memref_slice %arg14[%dma_wait3A_78, %dma_wait3A_79] : memref<128x32xf32, #tpu.memory_space<vmem>> -> memref<1x32xf32, #tpu.memory_space<vmem>>
      %dma_wait3A_81 = arith.constant 0 : i32
      %dma_wait3A_82 = arith.constant 0 : i32
      %dma_wait3A_83 = tpu.memref_slice %arg6[%dma_wait3A_81, %dma_wait3A_82] : memref<1000000x32xf32, #tpu.memory_space<hbm>> -> memref<1x32xf32, #tpu.memory_space<hbm>>
      %dma_wait3A_84 = arith.constant 0 : i32
      %dma_wait3A_85 = arith.constant 0 : i32
      %dma_wait3A_86 = tpu.memref_slice %arg14[%dma_wait3A_84, %dma_wait3A_85] : memref<128x32xf32, #tpu.memory_space<vmem>> -> memref<1x32xf32, #tpu.memory_space<vmem>>
      %dma_wait3A_87 = arith.constant 0 : i32
      %dma_wait3A_88 = arith.constant 0 : i32
      %dma_wait3A_89 = tpu.memref_slice %arg6[%dma_wait3A_87, %dma_wait3A_88] : memref<1000000x32xf32, #tpu.memory_space<hbm>> -> memref<1x32xf32, #tpu.memory_space<hbm>>
      tpu.wait_dma2 semaphore(%arg19 : memref<!tpu.dma_semaphore, #tpu.memory_space<semaphore_mem>>) src(%dma_wait3A_89 : memref<1x32xf32, #tpu.memory_space<hbm>>) dst(%dma_wait3A_86 : memref<1x32xf32, #tpu.memory_space<vmem>>)
      %dma_wait3A_90 = arith.constant 0 : i32
      %dma_wait3A_91 = arith.constant 0 : i32
      %dma_wait3A_92 = tpu.memref_slice %arg15[%dma_wait3A_90, %dma_wait3A_91] : memref<128x32xf32, #tpu.memory_space<vmem>> -> memref<1x32xf32, #tpu.memory_space<vmem>>
      %dma_wait3A_93 = arith.constant 0 : i32
      %dma_wait3A_94 = arith.constant 0 : i32
      %dma_wait3A_95 = tpu.memref_slice %arg6[%dma_wait3A_93, %dma_wait3A_94] : memref<1000000x32xf32, #tpu.memory_space<hbm>> -> memref<1x32xf32, #tpu.memory_space<hbm>>
      %dma_wait3A_96 = arith.constant 0 : i32
      %dma_wait3A_97 = arith.constant 0 : i32
      %dma_wait3A_98 = tpu.memref_slice %arg15[%dma_wait3A_96, %dma_wait3A_97] : memref<128x32xf32, #tpu.memory_space<vmem>> -> memref<1x32xf32, #tpu.memory_space<vmem>>
      %dma_wait3A_99 = arith.constant 0 : i32
      %dma_wait3A_100 = arith.constant 0 : i32
      %dma_wait3A_101 = tpu.memref_slice %arg6[%dma_wait3A_99, %dma_wait3A_100] : memref<1000000x32xf32, #tpu.memory_space<hbm>> -> memref<1x32xf32, #tpu.memory_space<hbm>>
      tpu.wait_dma2 semaphore(%arg19 : memref<!tpu.dma_semaphore, #tpu.memory_space<semaphore_mem>>) src(%dma_wait3A_101 : memref<1x32xf32, #tpu.memory_space<hbm>>) dst(%dma_wait3A_98 : memref<1x32xf32, #tpu.memory_space<vmem>>)
    }
    %scan3A_19 = arith.constant 128 : i32
    %mul3A_20 = arith.constant 512 : i32
    %mul3A_21 = arith.muli %add3A, %mul3A_20 : i32
    %add3A_22 = arith.constant 0 : i32
    %add3A_23 = arith.addi %mul3A_21, %add3A_22 : i32
    "tpu.region"() ({
      %run_scoped3A = tpu.sem_alloc : memref<!tpu.dma_semaphore, #tpu.memory_space<semaphore_mem>>
      %dma_start3A = arith.constant 0 : i32
      %dma_start3A_66 = tpu.memref_slice %arg7[%add3A_23, %dma_start3A] : memref<16384x32xf32, #tpu.memory_space<hbm>> -> memref<128x32xf32, #tpu.memory_space<hbm>>
      %dma_start3A_67 = arith.constant 0 : i32
      %dma_start3A_68 = tpu.memref_slice %arg7[%add3A_23, %dma_start3A_67] : memref<16384x32xf32, #tpu.memory_space<hbm>> -> memref<128x32xf32, #tpu.memory_space<hbm>>
      tpu.enqueue_dma source(%arg13 : memref<128x32xf32, #tpu.memory_space<vmem>>) target(%dma_start3A_68 : memref<128x32xf32, #tpu.memory_space<hbm>>) target_semaphore(%run_scoped3A : memref<!tpu.dma_semaphore, #tpu.memory_space<semaphore_mem>>)
      %dma_wait3A = arith.constant 0 : i32
      %dma_wait3A_69 = tpu.memref_slice %arg7[%add3A_23, %dma_wait3A] : memref<16384x32xf32, #tpu.memory_space<hbm>> -> memref<128x32xf32, #tpu.memory_space<hbm>>
      %dma_wait3A_70 = arith.constant 0 : i32
      %dma_wait3A_71 = tpu.memref_slice %arg7[%add3A_23, %dma_wait3A_70] : memref<16384x32xf32, #tpu.memory_space<hbm>> -> memref<128x32xf32, #tpu.memory_space<hbm>>
      tpu.wait_dma2 semaphore(%run_scoped3A : memref<!tpu.dma_semaphore, #tpu.memory_space<semaphore_mem>>) src(%arg13 : memref<128x32xf32, #tpu.memory_space<vmem>>) dst(%dma_wait3A_71 : memref<128x32xf32, #tpu.memory_space<hbm>>)
      tpu.yield
    }) : () -> ()
    "tpu.region"() ({
      %run_scoped3A = tpu.sem_alloc : memref<!tpu.dma_semaphore, #tpu.memory_space<semaphore_mem>>
      %dma_start3A = arith.constant 0 : i32
      %dma_start3A_66 = tpu.memref_slice %arg8[%add3A_23, %dma_start3A] : memref<16384x32xf32, #tpu.memory_space<hbm>> -> memref<128x32xf32, #tpu.memory_space<hbm>>
      %dma_start3A_67 = arith.constant 0 : i32
      %dma_start3A_68 = tpu.memref_slice %arg8[%add3A_23, %dma_start3A_67] : memref<16384x32xf32, #tpu.memory_space<hbm>> -> memref<128x32xf32, #tpu.memory_space<hbm>>
      tpu.enqueue_dma source(%arg14 : memref<128x32xf32, #tpu.memory_space<vmem>>) target(%dma_start3A_68 : memref<128x32xf32, #tpu.memory_space<hbm>>) target_semaphore(%run_scoped3A : memref<!tpu.dma_semaphore, #tpu.memory_space<semaphore_mem>>)
      %dma_wait3A = arith.constant 0 : i32
      %dma_wait3A_69 = tpu.memref_slice %arg8[%add3A_23, %dma_wait3A] : memref<16384x32xf32, #tpu.memory_space<hbm>> -> memref<128x32xf32, #tpu.memory_space<hbm>>
      %dma_wait3A_70 = arith.constant 0 : i32
      %dma_wait3A_71 = tpu.memref_slice %arg8[%add3A_23, %dma_wait3A_70] : memref<16384x32xf32, #tpu.memory_space<hbm>> -> memref<128x32xf32, #tpu.memory_space<hbm>>
      tpu.wait_dma2 semaphore(%run_scoped3A : memref<!tpu.dma_semaphore, #tpu.memory_space<semaphore_mem>>) src(%arg14 : memref<128x32xf32, #tpu.memory_space<vmem>>) dst(%dma_wait3A_71 : memref<128x32xf32, #tpu.memory_space<hbm>>)
      tpu.yield
    }) : () -> ()
    "tpu.region"() ({
      %run_scoped3A = tpu.sem_alloc : memref<!tpu.dma_semaphore, #tpu.memory_space<semaphore_mem>>
      %dma_start3A = arith.constant 0 : i32
      %dma_start3A_66 = tpu.memref_slice %arg9[%add3A_23, %dma_start3A] : memref<16384x32xf32, #tpu.memory_space<hbm>> -> memref<128x32xf32, #tpu.memory_space<hbm>>
      %dma_start3A_67 = arith.constant 0 : i32
      %dma_start3A_68 = tpu.memref_slice %arg9[%add3A_23, %dma_start3A_67] : memref<16384x32xf32, #tpu.memory_space<hbm>> -> memref<128x32xf32, #tpu.memory_space<hbm>>
      tpu.enqueue_dma source(%arg15 : memref<128x32xf32, #tpu.memory_space<vmem>>) target(%dma_start3A_68 : memref<128x32xf32, #tpu.memory_space<hbm>>) target_semaphore(%run_scoped3A : memref<!tpu.dma_semaphore, #tpu.memory_space<semaphore_mem>>)
      %dma_wait3A = arith.constant 0 : i32
      %dma_wait3A_69 = tpu.memref_slice %arg9[%add3A_23, %dma_wait3A] : memref<16384x32xf32, #tpu.memory_space<hbm>> -> memref<128x32xf32, #tpu.memory_space<hbm>>
      %dma_wait3A_70 = arith.constant 0 : i32
      %dma_wait3A_71 = tpu.memref_slice %arg9[%add3A_23, %dma_wait3A_70] : memref<16384x32xf32, #tpu.memory_space<hbm>> -> memref<128x32xf32, #tpu.memory_space<hbm>>
      tpu.wait_dma2 semaphore(%run_scoped3A : memref<!tpu.dma_semaphore, #tpu.memory_space<semaphore_mem>>) src(%arg15 : memref<128x32xf32, #tpu.memory_space<vmem>>) dst(%dma_wait3A_71 : memref<128x32xf32, #tpu.memory_space<hbm>>)
      tpu.yield
    }) : () -> ()
    %scan3A_24 = arith.constant 0 : i32
    %scan3A_25 = arith.constant 0 : i32
    %scan3A_26 = arith.constant 8 : i32
    %scan3A_27 = arith.addi %scan3A_25, %scan3A_26 : i32
    %scan3A_28 = arith.constant 1 : i32
    scf.for %scan3A_66 = %scan3A_25 to %scan3A_27 step %scan3A_28  : i32 {
      %mul3A_67 = arith.constant 16 : i32
      %mul3A_68 = arith.muli %scan3A_66, %mul3A_67 : i32
      %get3A = arith.constant 2 : i32
      %get3A_69 = arith.index_cast %get3A : i32 to index
      %get3A_70 = arith.index_cast %mul3A_68 : i32 to index
      %get3A_71 = tpu.vector_load %arg10[%get3A_69, %get3A_70] {strides = array<i32>} : memref<4x128xi32, #tpu.memory_space<vmem>>, vector<1x16xi32>,
      %get3A_72 = vector.shape_cast %get3A_71 : vector<1x16xi32> to vector<16xi32>
      %get3A_73 = arith.constant 2 : i32
      %get3A_74 = arith.index_cast %get3A_73 : i32 to index
      %get3A_75 = arith.index_cast %mul3A_68 : i32 to index
      %get3A_76 = tpu.vector_load %arg11[%get3A_74, %get3A_75] {strides = array<i32>} : memref<4x128xi32, #tpu.memory_space<vmem>>, vector<1x16xi32>,
      %get3A_77 = vector.shape_cast %get3A_76 : vector<1x16xi32> to vector<16xi32>
      %get3A_78 = arith.constant 2 : i32
      %get3A_79 = arith.index_cast %get3A_78 : i32 to index
      %get3A_80 = arith.index_cast %mul3A_68 : i32 to index
      %get3A_81 = tpu.vector_load %arg12[%get3A_79, %get3A_80] {strides = array<i32>} : memref<4x128xi32, #tpu.memory_space<vmem>>, vector<1x16xi32>,
      %get3A_82 = vector.shape_cast %get3A_81 : vector<1x16xi32> to vector<16xi32>
      %add3A_83 = arith.constant 0 : i32
      %add3A_84 = arith.addi %mul3A_68, %add3A_83 : i32
      %slice3A = vector.extract_strided_slice %get3A_72 {offsets = [0], sizes = [1], strides = [1]} : vector<16xi32> to vector<1xi32>
      %squeeze3A = vector.extract %slice3A[0] : i32 from vector<1xi32>
      %dma_start3A = arith.constant 0 : i32
      %dma_start3A_85 = tpu.memref_slice %arg13[%add3A_84, %dma_start3A] : memref<128x32xf32, #tpu.memory_space<vmem>> -> memref<1x32xf32, #tpu.memory_space<vmem>>
      %dma_start3A_86 = arith.constant 0 : i32
      %dma_start3A_87 = tpu.memref_slice %arg5[%squeeze3A, %dma_start3A_86] : memref<1000000x32xf32, #tpu.memory_space<hbm>> -> memref<1x32xf32, #tpu.memory_space<hbm>>
      %dma_start3A_88 = arith.constant 0 : i32
      %dma_start3A_89 = tpu.memref_slice %arg13[%add3A_84, %dma_start3A_88] : memref<128x32xf32, #tpu.memory_space<vmem>> -> memref<1x32xf32, #tpu.memory_space<vmem>>
      %dma_start3A_90 = arith.constant 0 : i32
      %dma_start3A_91 = tpu.memref_slice %arg5[%squeeze3A, %dma_start3A_90] : memref<1000000x32xf32, #tpu.memory_space<hbm>> -> memref<1x32xf32, #tpu.memory_space<hbm>>
      tpu.enqueue_dma source(%dma_start3A_91 : memref<1x32xf32, #tpu.memory_space<hbm>>) target(%dma_start3A_89 : memref<1x32xf32, #tpu.memory_space<vmem>>) target_semaphore(%arg19 : memref<!tpu.dma_semaphore, #tpu.memory_space<semaphore_mem>>)
      %slice3A_92 = vector.extract_strided_slice %get3A_77 {offsets = [0], sizes = [1], strides = [1]} : vector<16xi32> to vector<1xi32>
      %squeeze3A_93 = vector.extract %slice3A_92[0] : i32 from vector<1xi32>
      %dma_start3A_94 = arith.constant 0 : i32
      %dma_start3A_95 = tpu.memref_slice %arg14[%add3A_84, %dma_start3A_94] : memref<128x32xf32, #tpu.memory_space<vmem>> -> memref<1x32xf32, #tpu.memory_space<vmem>>
      %dma_start3A_96 = arith.constant 0 : i32
      %dma_start3A_97 = tpu.memref_slice %arg6[%squeeze3A_93, %dma_start3A_96] : memref<1000000x32xf32, #tpu.memory_space<hbm>> -> memref<1x32xf32, #tpu.memory_space<hbm>>
      %dma_start3A_98 = arith.constant 0 : i32
      %dma_start3A_99 = tpu.memref_slice %arg14[%add3A_84, %dma_start3A_98] : memref<128x32xf32, #tpu.memory_space<vmem>> -> memref<1x32xf32, #tpu.memory_space<vmem>>
      %dma_start3A_100 = arith.constant 0 : i32
      %dma_start3A_101 = tpu.memref_slice %arg6[%squeeze3A_93, %dma_start3A_100] : memref<1000000x32xf32, #tpu.memory_space<hbm>> -> memref<1x32xf32, #tpu.memory_space<hbm>>
      tpu.enqueue_dma source(%dma_start3A_101 : memref<1x32xf32, #tpu.memory_space<hbm>>) target(%dma_start3A_99 : memref<1x32xf32, #tpu.memory_space<vmem>>) target_semaphore(%arg19 : memref<!tpu.dma_semaphore, #tpu.memory_space<semaphore_mem>>)
      %slice3A_102 = vector.extract_strided_slice %get3A_82 {offsets = [0], sizes = [1], strides = [1]} : vector<16xi32> to vector<1xi32>
      %squeeze3A_103 = vector.extract %slice3A_102[0] : i32 from vector<1xi32>
      %dma_start3A_104 = arith.constant 0 : i32
      %dma_start3A_105 = tpu.memref_slice %arg15[%add3A_84, %dma_start3A_104] : memref<128x32xf32, #tpu.memory_space<vmem>> -> memref<1x32xf32, #tpu.memory_space<vmem>>
      %dma_start3A_106 = arith.constant 0 : i32
      %dma_start3A_107 = tpu.memref_slice %arg6[%squeeze3A_103, %dma_start3A_106] : memref<1000000x32xf32, #tpu.memory_space<hbm>> -> memref<1x32xf32, #tpu.memory_space<hbm>>
      %dma_start3A_108 = arith.constant 0 : i32
      %dma_start3A_109 = tpu.memref_slice %arg15[%add3A_84, %dma_start3A_108] : memref<128x32xf32, #tpu.memory_space<vmem>> -> memref<1x32xf32, #tpu.memory_space<vmem>>
      %dma_start3A_110 = arith.constant 0 : i32
      %dma_start3A_111 = tpu.memref_slice %arg6[%squeeze3A_103, %dma_start3A_110] : memref<1000000x32xf32, #tpu.memory_space<hbm>> -> memref<1x32xf32, #tpu.memory_space<hbm>>
      tpu.enqueue_dma source(%dma_start3A_111 : memref<1x32xf32, #tpu.memory_space<hbm>>) target(%dma_start3A_109 : memref<1x32xf32, #tpu.memory_space<vmem>>) target_semaphore(%arg19 : memref<!tpu.dma_semaphore, #tpu.memory_space<semaphore_mem>>)
      %add3A_112 = arith.constant 1 : i32
      %add3A_113 = arith.addi %mul3A_68, %add3A_112 : i32
      %slice3A_114 = vector.extract_strided_slice %get3A_72 {offsets = [1], sizes = [1], strides = [1]} : vector<16xi32> to vector<1xi32>
      %squeeze3A_115 = vector.extract %slice3A_114[0] : i32 from vector<1xi32>
      %dma_start3A_116 = arith.constant 0 : i32
      %dma_start3A_117 = tpu.memref_slice %arg13[%add3A_113, %dma_start3A_116] : memref<128x32xf32, #tpu.memory_space<vmem>> -> memref<1x32xf32, #tpu.memory_space<vmem>>
      %dma_start3A_118 = arith.constant 0 : i32
      %dma_start3A_119 = tpu.memref_slice %arg5[%squeeze3A_115, %dma_start3A_118] : memref<1000000x32xf32, #tpu.memory_space<hbm>> -> memref<1x32xf32, #tpu.memory_space<hbm>>
      %dma_start3A_120 = arith.constant 0 : i32
      %dma_start3A_121 = tpu.memref_slice %arg13[%add3A_113, %dma_start3A_120] : memref<128x32xf32, #tpu.memory_space<vmem>> -> memref<1x32xf32, #tpu.memory_space<vmem>>
      %dma_start3A_122 = arith.constant 0 : i32
      %dma_start3A_123 = tpu.memref_slice %arg5[%squeeze3A_115, %dma_start3A_122] : memref<1000000x32xf32, #tpu.memory_space<hbm>> -> memref<1x32xf32, #tpu.memory_space<hbm>>
      tpu.enqueue_dma source(%dma_start3A_123 : memref<1x32xf32, #tpu.memory_space<hbm>>) target(%dma_start3A_121 : memref<1x32xf32, #tpu.memory_space<vmem>>) target_semaphore(%arg19 : memref<!tpu.dma_semaphore, #tpu.memory_space<semaphore_mem>>)
      %slice3A_124 = vector.extract_strided_slice %get3A_77 {offsets = [1], sizes = [1], strides = [1]} : vector<16xi32> to vector<1xi32>
      %squeeze3A_125 = vector.extract %slice3A_124[0] : i32 from vector<1xi32>
      %dma_start3A_126 = arith.constant 0 : i32
      %dma_start3A_127 = tpu.memref_slice %arg14[%add3A_113, %dma_start3A_126] : memref<128x32xf32, #tpu.memory_space<vmem>> -> memref<1x32xf32, #tpu.memory_space<vmem>>
      %dma_start3A_128 = arith.constant 0 : i32
      %dma_start3A_129 = tpu.memref_slice %arg6[%squeeze3A_125, %dma_start3A_128] : memref<1000000x32xf32, #tpu.memory_space<hbm>> -> memref<1x32xf32, #tpu.memory_space<hbm>>
      %dma_start3A_130 = arith.constant 0 : i32
      %dma_start3A_131 = tpu.memref_slice %arg14[%add3A_113, %dma_start3A_130] : memref<128x32xf32, #tpu.memory_space<vmem>> -> memref<1x32xf32, #tpu.memory_space<vmem>>
      %dma_start3A_132 = arith.constant 0 : i32
      %dma_start3A_133 = tpu.memref_slice %arg6[%squeeze3A_125, %dma_start3A_132] : memref<1000000x32xf32, #tpu.memory_space<hbm>> -> memref<1x32xf32, #tpu.memory_space<hbm>>
      tpu.enqueue_dma source(%dma_start3A_133 : memref<1x32xf32, #tpu.memory_space<hbm>>) target(%dma_start3A_131 : memref<1x32xf32, #tpu.memory_space<vmem>>) target_semaphore(%arg19 : memref<!tpu.dma_semaphore, #tpu.memory_space<semaphore_mem>>)
      %slice3A_134 = vector.extract_strided_slice %get3A_82 {offsets = [1], sizes = [1], strides = [1]} : vector<16xi32> to vector<1xi32>
      %squeeze3A_135 = vector.extract %slice3A_134[0] : i32 from vector<1xi32>
      %dma_start3A_136 = arith.constant 0 : i32
      %dma_start3A_137 = tpu.memref_slice %arg15[%add3A_113, %dma_start3A_136] : memref<128x32xf32, #tpu.memory_space<vmem>> -> memref<1x32xf32, #tpu.memory_space<vmem>>
      %dma_start3A_138 = arith.constant 0 : i32
      %dma_start3A_139 = tpu.memref_slice %arg6[%squeeze3A_135, %dma_start3A_138] : memref<1000000x32xf32, #tpu.memory_space<hbm>> -> memref<1x32xf32, #tpu.memory_space<hbm>>
      %dma_start3A_140 = arith.constant 0 : i32
      %dma_start3A_141 = tpu.memref_slice %arg15[%add3A_113, %dma_start3A_140] : memref<128x32xf32, #tpu.memory_space<vmem>> -> memref<1x32xf32, #tpu.memory_space<vmem>>
      %dma_start3A_142 = arith.constant 0 : i32
      %dma_start3A_143 = tpu.memref_slice %arg6[%squeeze3A_135, %dma_start3A_142] : memref<1000000x32xf32, #tpu.memory_space<hbm>> -> memref<1x32xf32, #tpu.memory_space<hbm>>
      tpu.enqueue_dma source(%dma_start3A_143 : memref<1x32xf32, #tpu.memory_space<hbm>>) target(%dma_start3A_141 : memref<1x32xf32, #tpu.memory_space<vmem>>) target_semaphore(%arg19 : memref<!tpu.dma_semaphore, #tpu.memory_space<semaphore_mem>>)
      %add3A_144 = arith.constant 2 : i32
      %add3A_145 = arith.addi %mul3A_68, %add3A_144 : i32
      %slice3A_146 = vector.extract_strided_slice %get3A_72 {offsets = [2], sizes = [1], strides = [1]} : vector<16xi32> to vector<1xi32>
      %squeeze3A_147 = vector.extract %slice3A_146[0] : i32 from vector<1xi32>
      %dma_start3A_148 = arith.constant 0 : i32
      %dma_start3A_149 = tpu.memref_slice %arg13[%add3A_145, %dma_start3A_148] : memref<128x32xf32, #tpu.memory_space<vmem>> -> memref<1x32xf32, #tpu.memory_space<vmem>>
      %dma_start3A_150 = arith.constant 0 : i32
      %dma_start3A_151 = tpu.memref_slice %arg5[%squeeze3A_147, %dma_start3A_150] : memref<1000000x32xf32, #tpu.memory_space<hbm>> -> memref<1x32xf32, #tpu.memory_space<hbm>>
      %dma_start3A_152 = arith.constant 0 : i32
      %dma_start3A_153 = tpu.memref_slice %arg13[%add3A_145, %dma_start3A_152] : memref<128x32xf32, #tpu.memory_space<vmem>> -> memref<1x32xf32, #tpu.memory_space<vmem>>
      %dma_start3A_154 = arith.constant 0 : i32
      %dma_start3A_155 = tpu.memref_slice %arg5[%squeeze3A_147, %dma_start3A_154] : memref<1000000x32xf32, #tpu.memory_space<hbm>> -> memref<1x32xf32, #tpu.memory_space<hbm>>
      tpu.enqueue_dma source(%dma_start3A_155 : memref<1x32xf32, #tpu.memory_space<hbm>>) target(%dma_start3A_153 : memref<1x32xf32, #tpu.memory_space<vmem>>) target_semaphore(%arg19 : memref<!tpu.dma_semaphore, #tpu.memory_space<semaphore_mem>>)
      %slice3A_156 = vector.extract_strided_slice %get3A_77 {offsets = [2], sizes = [1], strides = [1]} : vector<16xi32> to vector<1xi32>
      %squeeze3A_157 = vector.extract %slice3A_156[0] : i32 from vector<1xi32>
      %dma_start3A_158 = arith.constant 0 : i32
      %dma_start3A_159 = tpu.memref_slice %arg14[%add3A_145, %dma_start3A_158] : memref<128x32xf32, #tpu.memory_space<vmem>> -> memref<1x32xf32, #tpu.memory_space<vmem>>
      %dma_start3A_160 = arith.constant 0 : i32
      %dma_start3A_161 = tpu.memref_slice %arg6[%squeeze3A_157, %dma_start3A_160] : memref<1000000x32xf32, #tpu.memory_space<hbm>> -> memref<1x32xf32, #tpu.memory_space<hbm>>
      %dma_start3A_162 = arith.constant 0 : i32
      %dma_start3A_163 = tpu.memref_slice %arg14[%add3A_145, %dma_start3A_162] : memref<128x32xf32, #tpu.memory_space<vmem>> -> memref<1x32xf32, #tpu.memory_space<vmem>>
      %dma_start3A_164 = arith.constant 0 : i32
      %dma_start3A_165 = tpu.memref_slice %arg6[%squeeze3A_157, %dma_start3A_164] : memref<1000000x32xf32, #tpu.memory_space<hbm>> -> memref<1x32xf32, #tpu.memory_space<hbm>>
      tpu.enqueue_dma source(%dma_start3A_165 : memref<1x32xf32, #tpu.memory_space<hbm>>) target(%dma_start3A_163 : memref<1x32xf32, #tpu.memory_space<vmem>>) target_semaphore(%arg19 : memref<!tpu.dma_semaphore, #tpu.memory_space<semaphore_mem>>)
      %slice3A_166 = vector.extract_strided_slice %get3A_82 {offsets = [2], sizes = [1], strides = [1]} : vector<16xi32> to vector<1xi32>
      %squeeze3A_167 = vector.extract %slice3A_166[0] : i32 from vector<1xi32>
      %dma_start3A_168 = arith.constant 0 : i32
      %dma_start3A_169 = tpu.memref_slice %arg15[%add3A_145, %dma_start3A_168] : memref<128x32xf32, #tpu.memory_space<vmem>> -> memref<1x32xf32, #tpu.memory_space<vmem>>
      %dma_start3A_170 = arith.constant 0 : i32
      %dma_start3A_171 = tpu.memref_slice %arg6[%squeeze3A_167, %dma_start3A_170] : memref<1000000x32xf32, #tpu.memory_space<hbm>> -> memref<1x32xf32, #tpu.memory_space<hbm>>
      %dma_start3A_172 = arith.constant 0 : i32
      %dma_start3A_173 = tpu.memref_slice %arg15[%add3A_145, %dma_start3A_172] : memref<128x32xf32, #tpu.memory_space<vmem>> -> memref<1x32xf32, #tpu.memory_space<vmem>>
      %dma_start3A_174 = arith.constant 0 : i32
      %dma_start3A_175 = tpu.memref_slice %arg6[%squeeze3A_167, %dma_start3A_174] : memref<1000000x32xf32, #tpu.memory_space<hbm>> -> memref<1x32xf32, #tpu.memory_space<hbm>>
      tpu.enqueue_dma source(%dma_start3A_175 : memref<1x32xf32, #tpu.memory_space<hbm>>) target(%dma_start3A_173 : memref<1x32xf32, #tpu.memory_space<vmem>>) target_semaphore(%arg19 : memref<!tpu.dma_semaphore, #tpu.memory_space<semaphore_mem>>)
      %add3A_176 = arith.constant 3 : i32
      %add3A_177 = arith.addi %mul3A_68, %add3A_176 : i32
      %slice3A_178 = vector.extract_strided_slice %get3A_72 {offsets = [3], sizes = [1], strides = [1]} : vector<16xi32> to vector<1xi32>
      %squeeze3A_179 = vector.extract %slice3A_178[0] : i32 from vector<1xi32>
      %dma_start3A_180 = arith.constant 0 : i32
      %dma_start3A_181 = tpu.memref_slice %arg13[%add3A_177, %dma_start3A_180] : memref<128x32xf32, #tpu.memory_space<vmem>> -> memref<1x32xf32, #tpu.memory_space<vmem>>
      %dma_start3A_182 = arith.constant 0 : i32
      %dma_start3A_183 = tpu.memref_slice %arg5[%squeeze3A_179, %dma_start3A_182] : memref<1000000x32xf32, #tpu.memory_space<hbm>> -> memref<1x32xf32, #tpu.memory_space<hbm>>
      %dma_start3A_184 = arith.constant 0 : i32
      %dma_start3A_185 = tpu.memref_slice %arg13[%add3A_177, %dma_start3A_184] : memref<128x32xf32, #tpu.memory_space<vmem>> -> memref<1x32xf32, #tpu.memory_space<vmem>>
      %dma_start3A_186 = arith.constant 0 : i32
      %dma_start3A_187 = tpu.memref_slice %arg5[%squeeze3A_179, %dma_start3A_186] : memref<1000000x32xf32, #tpu.memory_space<hbm>> -> memref<1x32xf32, #tpu.memory_space<hbm>>
      tpu.enqueue_dma source(%dma_start3A_187 : memref<1x32xf32, #tpu.memory_space<hbm>>) target(%dma_start3A_185 : memref<1x32xf32, #tpu.memory_space<vmem>>) target_semaphore(%arg19 : memref<!tpu.dma_semaphore, #tpu.memory_space<semaphore_mem>>)
      %slice3A_188 = vector.extract_strided_slice %get3A_77 {offsets = [3], sizes = [1], strides = [1]} : vector<16xi32> to vector<1xi32>
      %squeeze3A_189 = vector.extract %slice3A_188[0] : i32 from vector<1xi32>
      %dma_start3A_190 = arith.constant 0 : i32
      %dma_start3A_191 = tpu.memref_slice %arg14[%add3A_177, %dma_start3A_190] : memref<128x32xf32, #tpu.memory_space<vmem>> -> memref<1x32xf32, #tpu.memory_space<vmem>>
      %dma_start3A_192 = arith.constant 0 : i32
      %dma_start3A_193 = tpu.memref_slice %arg6[%squeeze3A_189, %dma_start3A_192] : memref<1000000x32xf32, #tpu.memory_space<hbm>> -> memref<1x32xf32, #tpu.memory_space<hbm>>
      %dma_start3A_194 = arith.constant 0 : i32
      %dma_start3A_195 = tpu.memref_slice %arg14[%add3A_177, %dma_start3A_194] : memref<128x32xf32, #tpu.memory_space<vmem>> -> memref<1x32xf32, #tpu.memory_space<vmem>>
      %dma_start3A_196 = arith.constant 0 : i32
      %dma_start3A_197 = tpu.memref_slice %arg6[%squeeze3A_189, %dma_start3A_196] : memref<1000000x32xf32, #tpu.memory_space<hbm>> -> memref<1x32xf32, #tpu.memory_space<hbm>>
      tpu.enqueue_dma source(%dma_start3A_197 : memref<1x32xf32, #tpu.memory_space<hbm>>) target(%dma_start3A_195 : memref<1x32xf32, #tpu.memory_space<vmem>>) target_semaphore(%arg19 : memref<!tpu.dma_semaphore, #tpu.memory_space<semaphore_mem>>)
      %slice3A_198 = vector.extract_strided_slice %get3A_82 {offsets = [3], sizes = [1], strides = [1]} : vector<16xi32> to vector<1xi32>
      %squeeze3A_199 = vector.extract %slice3A_198[0] : i32 from vector<1xi32>
      %dma_start3A_200 = arith.constant 0 : i32
      %dma_start3A_201 = tpu.memref_slice %arg15[%add3A_177, %dma_start3A_200] : memref<128x32xf32, #tpu.memory_space<vmem>> -> memref<1x32xf32, #tpu.memory_space<vmem>>
      %dma_start3A_202 = arith.constant 0 : i32
      %dma_start3A_203 = tpu.memref_slice %arg6[%squeeze3A_199, %dma_start3A_202] : memref<1000000x32xf32, #tpu.memory_space<hbm>> -> memref<1x32xf32, #tpu.memory_space<hbm>>
      %dma_start3A_204 = arith.constant 0 : i32
      %dma_start3A_205 = tpu.memref_slice %arg15[%add3A_177, %dma_start3A_204] : memref<128x32xf32, #tpu.memory_space<vmem>> -> memref<1x32xf32, #tpu.memory_space<vmem>>
      %dma_start3A_206 = arith.constant 0 : i32
      %dma_start3A_207 = tpu.memref_slice %arg6[%squeeze3A_199, %dma_start3A_206] : memref<1000000x32xf32, #tpu.memory_space<hbm>> -> memref<1x32xf32, #tpu.memory_space<hbm>>
      tpu.enqueue_dma source(%dma_start3A_207 : memref<1x32xf32, #tpu.memory_space<hbm>>) target(%dma_start3A_205 : memref<1x32xf32, #tpu.memory_space<vmem>>) target_semaphore(%arg19 : memref<!tpu.dma_semaphore, #tpu.memory_space<semaphore_mem>>)
      %add3A_208 = arith.constant 4 : i32
      %add3A_209 = arith.addi %mul3A_68, %add3A_208 : i32
      %slice3A_210 = vector.extract_strided_slice %get3A_72 {offsets = [4], sizes = [1], strides = [1]} : vector<16xi32> to vector<1xi32>
      %squeeze3A_211 = vector.extract %slice3A_210[0] : i32 from vector<1xi32>
      %dma_start3A_212 = arith.constant 0 : i32
      %dma_start3A_213 = tpu.memref_slice %arg13[%add3A_209, %dma_start3A_212] : memref<128x32xf32, #tpu.memory_space<vmem>> -> memref<1x32xf32, #tpu.memory_space<vmem>>
      %dma_start3A_214 = arith.constant 0 : i32
      %dma_start3A_215 = tpu.memref_slice %arg5[%squeeze3A_211, %dma_start3A_214] : memref<1000000x32xf32, #tpu.memory_space<hbm>> -> memref<1x32xf32, #tpu.memory_space<hbm>>
      %dma_start3A_216 = arith.constant 0 : i32
      %dma_start3A_217 = tpu.memref_slice %arg13[%add3A_209, %dma_start3A_216] : memref<128x32xf32, #tpu.memory_space<vmem>> -> memref<1x32xf32, #tpu.memory_space<vmem>>
      %dma_start3A_218 = arith.constant 0 : i32
      %dma_start3A_219 = tpu.memref_slice %arg5[%squeeze3A_211, %dma_start3A_218] : memref<1000000x32xf32, #tpu.memory_space<hbm>> -> memref<1x32xf32, #tpu.memory_space<hbm>>
      tpu.enqueue_dma source(%dma_start3A_219 : memref<1x32xf32, #tpu.memory_space<hbm>>) target(%dma_start3A_217 : memref<1x32xf32, #tpu.memory_space<vmem>>) target_semaphore(%arg19 : memref<!tpu.dma_semaphore, #tpu.memory_space<semaphore_mem>>)
      %slice3A_220 = vector.extract_strided_slice %get3A_77 {offsets = [4], sizes = [1], strides = [1]} : vector<16xi32> to vector<1xi32>
      %squeeze3A_221 = vector.extract %slice3A_220[0] : i32 from vector<1xi32>
      %dma_start3A_222 = arith.constant 0 : i32
      %dma_start3A_223 = tpu.memref_slice %arg14[%add3A_209, %dma_start3A_222] : memref<128x32xf32, #tpu.memory_space<vmem>> -> memref<1x32xf32, #tpu.memory_space<vmem>>
      %dma_start3A_224 = arith.constant 0 : i32
      %dma_start3A_225 = tpu.memref_slice %arg6[%squeeze3A_221, %dma_start3A_224] : memref<1000000x32xf32, #tpu.memory_space<hbm>> -> memref<1x32xf32, #tpu.memory_space<hbm>>
      %dma_start3A_226 = arith.constant 0 : i32
      %dma_start3A_227 = tpu.memref_slice %arg14[%add3A_209, %dma_start3A_226] : memref<128x32xf32, #tpu.memory_space<vmem>> -> memref<1x32xf32, #tpu.memory_space<vmem>>
      %dma_start3A_228 = arith.constant 0 : i32
      %dma_start3A_229 = tpu.memref_slice %arg6[%squeeze3A_221, %dma_start3A_228] : memref<1000000x32xf32, #tpu.memory_space<hbm>> -> memref<1x32xf32, #tpu.memory_space<hbm>>
      tpu.enqueue_dma source(%dma_start3A_229 : memref<1x32xf32, #tpu.memory_space<hbm>>) target(%dma_start3A_227 : memref<1x32xf32, #tpu.memory_space<vmem>>) target_semaphore(%arg19 : memref<!tpu.dma_semaphore, #tpu.memory_space<semaphore_mem>>)
      %slice3A_230 = vector.extract_strided_slice %get3A_82 {offsets = [4], sizes = [1], strides = [1]} : vector<16xi32> to vector<1xi32>
      %squeeze3A_231 = vector.extract %slice3A_230[0] : i32 from vector<1xi32>
      %dma_start3A_232 = arith.constant 0 : i32
      %dma_start3A_233 = tpu.memref_slice %arg15[%add3A_209, %dma_start3A_232] : memref<128x32xf32, #tpu.memory_space<vmem>> -> memref<1x32xf32, #tpu.memory_space<vmem>>
      %dma_start3A_234 = arith.constant 0 : i32
      %dma_start3A_235 = tpu.memref_slice %arg6[%squeeze3A_231, %dma_start3A_234] : memref<1000000x32xf32, #tpu.memory_space<hbm>> -> memref<1x32xf32, #tpu.memory_space<hbm>>
      %dma_start3A_236 = arith.constant 0 : i32
      %dma_start3A_237 = tpu.memref_slice %arg15[%add3A_209, %dma_start3A_236] : memref<128x32xf32, #tpu.memory_space<vmem>> -> memref<1x32xf32, #tpu.memory_space<vmem>>
      %dma_start3A_238 = arith.constant 0 : i32
      %dma_start3A_239 = tpu.memref_slice %arg6[%squeeze3A_231, %dma_start3A_238] : memref<1000000x32xf32, #tpu.memory_space<hbm>> -> memref<1x32xf32, #tpu.memory_space<hbm>>
      tpu.enqueue_dma source(%dma_start3A_239 : memref<1x32xf32, #tpu.memory_space<hbm>>) target(%dma_start3A_237 : memref<1x32xf32, #tpu.memory_space<vmem>>) target_semaphore(%arg19 : memref<!tpu.dma_semaphore, #tpu.memory_space<semaphore_mem>>)
      %add3A_240 = arith.constant 5 : i32
      %add3A_241 = arith.addi %mul3A_68, %add3A_240 : i32
      %slice3A_242 = vector.extract_strided_slice %get3A_72 {offsets = [5], sizes = [1], strides = [1]} : vector<16xi32> to vector<1xi32>
      %squeeze3A_243 = vector.extract %slice3A_242[0] : i32 from vector<1xi32>
      %dma_start3A_244 = arith.constant 0 : i32
      %dma_start3A_245 = tpu.memref_slice %arg13[%add3A_241, %dma_start3A_244] : memref<128x32xf32, #tpu.memory_space<vmem>> -> memref<1x32xf32, #tpu.memory_space<vmem>>
      %dma_start3A_246 = arith.constant 0 : i32
      %dma_start3A_247 = tpu.memref_slice %arg5[%squeeze3A_243, %dma_start3A_246] : memref<1000000x32xf32, #tpu.memory_space<hbm>> -> memref<1x32xf32, #tpu.memory_space<hbm>>
      %dma_start3A_248 = arith.constant 0 : i32
      %dma_start3A_249 = tpu.memref_slice %arg13[%add3A_241, %dma_start3A_248] : memref<128x32xf32, #tpu.memory_space<vmem>> -> memref<1x32xf32, #tpu.memory_space<vmem>>
      %dma_start3A_250 = arith.constant 0 : i32
      %dma_start3A_251 = tpu.memref_slice %arg5[%squeeze3A_243, %dma_start3A_250] : memref<1000000x32xf32, #tpu.memory_space<hbm>> -> memref<1x32xf32, #tpu.memory_space<hbm>>
      tpu.enqueue_dma source(%dma_start3A_251 : memref<1x32xf32, #tpu.memory_space<hbm>>) target(%dma_start3A_249 : memref<1x32xf32, #tpu.memory_space<vmem>>) target_semaphore(%arg19 : memref<!tpu.dma_semaphore, #tpu.memory_space<semaphore_mem>>)
      %slice3A_252 = vector.extract_strided_slice %get3A_77 {offsets = [5], sizes = [1], strides = [1]} : vector<16xi32> to vector<1xi32>
      %squeeze3A_253 = vector.extract %slice3A_252[0] : i32 from vector<1xi32>
      %dma_start3A_254 = arith.constant 0 : i32
      %dma_start3A_255 = tpu.memref_slice %arg14[%add3A_241, %dma_start3A_254] : memref<128x32xf32, #tpu.memory_space<vmem>> -> memref<1x32xf32, #tpu.memory_space<vmem>>
      %dma_start3A_256 = arith.constant 0 : i32
      %dma_start3A_257 = tpu.memref_slice %arg6[%squeeze3A_253, %dma_start3A_256] : memref<1000000x32xf32, #tpu.memory_space<hbm>> -> memref<1x32xf32, #tpu.memory_space<hbm>>
      %dma_start3A_258 = arith.constant 0 : i32
      %dma_start3A_259 = tpu.memref_slice %arg14[%add3A_241, %dma_start3A_258] : memref<128x32xf32, #tpu.memory_space<vmem>> -> memref<1x32xf32, #tpu.memory_space<vmem>>
      %dma_start3A_260 = arith.constant 0 : i32
      %dma_start3A_261 = tpu.memref_slice %arg6[%squeeze3A_253, %dma_start3A_260] : memref<1000000x32xf32, #tpu.memory_space<hbm>> -> memref<1x32xf32, #tpu.memory_space<hbm>>
      tpu.enqueue_dma source(%dma_start3A_261 : memref<1x32xf32, #tpu.memory_space<hbm>>) target(%dma_start3A_259 : memref<1x32xf32, #tpu.memory_space<vmem>>) target_semaphore(%arg19 : memref<!tpu.dma_semaphore, #tpu.memory_space<semaphore_mem>>)
      %slice3A_262 = vector.extract_strided_slice %get3A_82 {offsets = [5], sizes = [1], strides = [1]} : vector<16xi32> to vector<1xi32>
      %squeeze3A_263 = vector.extract %slice3A_262[0] : i32 from vector<1xi32>
      %dma_start3A_264 = arith.constant 0 : i32
      %dma_start3A_265 = tpu.memref_slice %arg15[%add3A_241, %dma_start3A_264] : memref<128x32xf32, #tpu.memory_space<vmem>> -> memref<1x32xf32, #tpu.memory_space<vmem>>
      %dma_start3A_266 = arith.constant 0 : i32
      %dma_start3A_267 = tpu.memref_slice %arg6[%squeeze3A_263, %dma_start3A_266] : memref<1000000x32xf32, #tpu.memory_space<hbm>> -> memref<1x32xf32, #tpu.memory_space<hbm>>
      %dma_start3A_268 = arith.constant 0 : i32
      %dma_start3A_269 = tpu.memref_slice %arg15[%add3A_241, %dma_start3A_268] : memref<128x32xf32, #tpu.memory_space<vmem>> -> memref<1x32xf32, #tpu.memory_space<vmem>>
      %dma_start3A_270 = arith.constant 0 : i32
      %dma_start3A_271 = tpu.memref_slice %arg6[%squeeze3A_263, %dma_start3A_270] : memref<1000000x32xf32, #tpu.memory_space<hbm>> -> memref<1x32xf32, #tpu.memory_space<hbm>>
      tpu.enqueue_dma source(%dma_start3A_271 : memref<1x32xf32, #tpu.memory_space<hbm>>) target(%dma_start3A_269 : memref<1x32xf32, #tpu.memory_space<vmem>>) target_semaphore(%arg19 : memref<!tpu.dma_semaphore, #tpu.memory_space<semaphore_mem>>)
      %add3A_272 = arith.constant 6 : i32
      %add3A_273 = arith.addi %mul3A_68, %add3A_272 : i32
      %slice3A_274 = vector.extract_strided_slice %get3A_72 {offsets = [6], sizes = [1], strides = [1]} : vector<16xi32> to vector<1xi32>
      %squeeze3A_275 = vector.extract %slice3A_274[0] : i32 from vector<1xi32>
      %dma_start3A_276 = arith.constant 0 : i32
      %dma_start3A_277 = tpu.memref_slice %arg13[%add3A_273, %dma_start3A_276] : memref<128x32xf32, #tpu.memory_space<vmem>> -> memref<1x32xf32, #tpu.memory_space<vmem>>
      %dma_start3A_278 = arith.constant 0 : i32
      %dma_start3A_279 = tpu.memref_slice %arg5[%squeeze3A_275, %dma_start3A_278] : memref<1000000x32xf32, #tpu.memory_space<hbm>> -> memref<1x32xf32, #tpu.memory_space<hbm>>
      %dma_start3A_280 = arith.constant 0 : i32
      %dma_start3A_281 = tpu.memref_slice %arg13[%add3A_273, %dma_start3A_280] : memref<128x32xf32, #tpu.memory_space<vmem>> -> memref<1x32xf32, #tpu.memory_space<vmem>>
      %dma_start3A_282 = arith.constant 0 : i32
      %dma_start3A_283 = tpu.memref_slice %arg5[%squeeze3A_275, %dma_start3A_282] : memref<1000000x32xf32, #tpu.memory_space<hbm>> -> memref<1x32xf32, #tpu.memory_space<hbm>>
      tpu.enqueue_dma source(%dma_start3A_283 : memref<1x32xf32, #tpu.memory_space<hbm>>) target(%dma_start3A_281 : memref<1x32xf32, #tpu.memory_space<vmem>>) target_semaphore(%arg19 : memref<!tpu.dma_semaphore, #tpu.memory_space<semaphore_mem>>)
      %slice3A_284 = vector.extract_strided_slice %get3A_77 {offsets = [6], sizes = [1], strides = [1]} : vector<16xi32> to vector<1xi32>
      %squeeze3A_285 = vector.extract %slice3A_284[0] : i32 from vector<1xi32>
      %dma_start3A_286 = arith.constant 0 : i32
      %dma_start3A_287 = tpu.memref_slice %arg14[%add3A_273, %dma_start3A_286] : memref<128x32xf32, #tpu.memory_space<vmem>> -> memref<1x32xf32, #tpu.memory_space<vmem>>
      %dma_start3A_288 = arith.constant 0 : i32
      %dma_start3A_289 = tpu.memref_slice %arg6[%squeeze3A_285, %dma_start3A_288] : memref<1000000x32xf32, #tpu.memory_space<hbm>> -> memref<1x32xf32, #tpu.memory_space<hbm>>
      %dma_start3A_290 = arith.constant 0 : i32
      %dma_start3A_291 = tpu.memref_slice %arg14[%add3A_273, %dma_start3A_290] : memref<128x32xf32, #tpu.memory_space<vmem>> -> memref<1x32xf32, #tpu.memory_space<vmem>>
      %dma_start3A_292 = arith.constant 0 : i32
      %dma_start3A_293 = tpu.memref_slice %arg6[%squeeze3A_285, %dma_start3A_292] : memref<1000000x32xf32, #tpu.memory_space<hbm>> -> memref<1x32xf32, #tpu.memory_space<hbm>>
      tpu.enqueue_dma source(%dma_start3A_293 : memref<1x32xf32, #tpu.memory_space<hbm>>) target(%dma_start3A_291 : memref<1x32xf32, #tpu.memory_space<vmem>>) target_semaphore(%arg19 : memref<!tpu.dma_semaphore, #tpu.memory_space<semaphore_mem>>)
      %slice3A_294 = vector.extract_strided_slice %get3A_82 {offsets = [6], sizes = [1], strides = [1]} : vector<16xi32> to vector<1xi32>
      %squeeze3A_295 = vector.extract %slice3A_294[0] : i32 from vector<1xi32>
      %dma_start3A_296 = arith.constant 0 : i32
      %dma_start3A_297 = tpu.memref_slice %arg15[%add3A_273, %dma_start3A_296] : memref<128x32xf32, #tpu.memory_space<vmem>> -> memref<1x32xf32, #tpu.memory_space<vmem>>
      %dma_start3A_298 = arith.constant 0 : i32
      %dma_start3A_299 = tpu.memref_slice %arg6[%squeeze3A_295, %dma_start3A_298] : memref<1000000x32xf32, #tpu.memory_space<hbm>> -> memref<1x32xf32, #tpu.memory_space<hbm>>
      %dma_start3A_300 = arith.constant 0 : i32
      %dma_start3A_301 = tpu.memref_slice %arg15[%add3A_273, %dma_start3A_300] : memref<128x32xf32, #tpu.memory_space<vmem>> -> memref<1x32xf32, #tpu.memory_space<vmem>>
      %dma_start3A_302 = arith.constant 0 : i32
      %dma_start3A_303 = tpu.memref_slice %arg6[%squeeze3A_295, %dma_start3A_302] : memref<1000000x32xf32, #tpu.memory_space<hbm>> -> memref<1x32xf32, #tpu.memory_space<hbm>>
      tpu.enqueue_dma source(%dma_start3A_303 : memref<1x32xf32, #tpu.memory_space<hbm>>) target(%dma_start3A_301 : memref<1x32xf32, #tpu.memory_space<vmem>>) target_semaphore(%arg19 : memref<!tpu.dma_semaphore, #tpu.memory_space<semaphore_mem>>)
      %add3A_304 = arith.constant 7 : i32
      %add3A_305 = arith.addi %mul3A_68, %add3A_304 : i32
      %slice3A_306 = vector.extract_strided_slice %get3A_72 {offsets = [7], sizes = [1], strides = [1]} : vector<16xi32> to vector<1xi32>
      %squeeze3A_307 = vector.extract %slice3A_306[0] : i32 from vector<1xi32>
      %dma_start3A_308 = arith.constant 0 : i32
      %dma_start3A_309 = tpu.memref_slice %arg13[%add3A_305, %dma_start3A_308] : memref<128x32xf32, #tpu.memory_space<vmem>> -> memref<1x32xf32, #tpu.memory_space<vmem>>
      %dma_start3A_310 = arith.constant 0 : i32
      %dma_start3A_311 = tpu.memref_slice %arg5[%squeeze3A_307, %dma_start3A_310] : memref<1000000x32xf32, #tpu.memory_space<hbm>> -> memref<1x32xf32, #tpu.memory_space<hbm>>
      %dma_start3A_312 = arith.constant 0 : i32
      %dma_start3A_313 = tpu.memref_slice %arg13[%add3A_305, %dma_start3A_312] : memref<128x32xf32, #tpu.memory_space<vmem>> -> memref<1x32xf32, #tpu.memory_space<vmem>>
      %dma_start3A_314 = arith.constant 0 : i32
      %dma_start3A_315 = tpu.memref_slice %arg5[%squeeze3A_307, %dma_start3A_314] : memref<1000000x32xf32, #tpu.memory_space<hbm>> -> memref<1x32xf32, #tpu.memory_space<hbm>>
      tpu.enqueue_dma source(%dma_start3A_315 : memref<1x32xf32, #tpu.memory_space<hbm>>) target(%dma_start3A_313 : memref<1x32xf32, #tpu.memory_space<vmem>>) target_semaphore(%arg19 : memref<!tpu.dma_semaphore, #tpu.memory_space<semaphore_mem>>)
      %slice3A_316 = vector.extract_strided_slice %get3A_77 {offsets = [7], sizes = [1], strides = [1]} : vector<16xi32> to vector<1xi32>
      %squeeze3A_317 = vector.extract %slice3A_316[0] : i32 from vector<1xi32>
      %dma_start3A_318 = arith.constant 0 : i32
      %dma_start3A_319 = tpu.memref_slice %arg14[%add3A_305, %dma_start3A_318] : memref<128x32xf32, #tpu.memory_space<vmem>> -> memref<1x32xf32, #tpu.memory_space<vmem>>
      %dma_start3A_320 = arith.constant 0 : i32
      %dma_start3A_321 = tpu.memref_slice %arg6[%squeeze3A_317, %dma_start3A_320] : memref<1000000x32xf32, #tpu.memory_space<hbm>> -> memref<1x32xf32, #tpu.memory_space<hbm>>
      %dma_start3A_322 = arith.constant 0 : i32
      %dma_start3A_323 = tpu.memref_slice %arg14[%add3A_305, %dma_start3A_322] : memref<128x32xf32, #tpu.memory_space<vmem>> -> memref<1x32xf32, #tpu.memory_space<vmem>>
      %dma_start3A_324 = arith.constant 0 : i32
      %dma_start3A_325 = tpu.memref_slice %arg6[%squeeze3A_317, %dma_start3A_324] : memref<1000000x32xf32, #tpu.memory_space<hbm>> -> memref<1x32xf32, #tpu.memory_space<hbm>>
      tpu.enqueue_dma source(%dma_start3A_325 : memref<1x32xf32, #tpu.memory_space<hbm>>) target(%dma_start3A_323 : memref<1x32xf32, #tpu.memory_space<vmem>>) target_semaphore(%arg19 : memref<!tpu.dma_semaphore, #tpu.memory_space<semaphore_mem>>)
      %slice3A_326 = vector.extract_strided_slice %get3A_82 {offsets = [7], sizes = [1], strides = [1]} : vector<16xi32> to vector<1xi32>
      %squeeze3A_327 = vector.extract %slice3A_326[0] : i32 from vector<1xi32>
      %dma_start3A_328 = arith.constant 0 : i32
      %dma_start3A_329 = tpu.memref_slice %arg15[%add3A_305, %dma_start3A_328] : memref<128x32xf32, #tpu.memory_space<vmem>> -> memref<1x32xf32, #tpu.memory_space<vmem>>
      %dma_start3A_330 = arith.constant 0 : i32
      %dma_start3A_331 = tpu.memref_slice %arg6[%squeeze3A_327, %dma_start3A_330] : memref<1000000x32xf32, #tpu.memory_space<hbm>> -> memref<1x32xf32, #tpu.memory_space<hbm>>
      %dma_start3A_332 = arith.constant 0 : i32
      %dma_start3A_333 = tpu.memref_slice %arg15[%add3A_305, %dma_start3A_332] : memref<128x32xf32, #tpu.memory_space<vmem>> -> memref<1x32xf32, #tpu.memory_space<vmem>>
      %dma_start3A_334 = arith.constant 0 : i32
      %dma_start3A_335 = tpu.memref_slice %arg6[%squeeze3A_327, %dma_start3A_334] : memref<1000000x32xf32, #tpu.memory_space<hbm>> -> memref<1x32xf32, #tpu.memory_space<hbm>>
      tpu.enqueue_dma source(%dma_start3A_335 : memref<1x32xf32, #tpu.memory_space<hbm>>) target(%dma_start3A_333 : memref<1x32xf32, #tpu.memory_space<vmem>>) target_semaphore(%arg19 : memref<!tpu.dma_semaphore, #tpu.memory_space<semaphore_mem>>)
      %add3A_336 = arith.constant 8 : i32
      %add3A_337 = arith.addi %mul3A_68, %add3A_336 : i32
      %slice3A_338 = vector.extract_strided_slice %get3A_72 {offsets = [8], sizes = [1], strides = [1]} : vector<16xi32> to vector<1xi32>
      %squeeze3A_339 = vector.extract %slice3A_338[0] : i32 from vector<1xi32>
      %dma_start3A_340 = arith.constant 0 : i32
      %dma_start3A_341 = tpu.memref_slice %arg13[%add3A_337, %dma_start3A_340] : memref<128x32xf32, #tpu.memory_space<vmem>> -> memref<1x32xf32, #tpu.memory_space<vmem>>
      %dma_start3A_342 = arith.constant 0 : i32
      %dma_start3A_343 = tpu.memref_slice %arg5[%squeeze3A_339, %dma_start3A_342] : memref<1000000x32xf32, #tpu.memory_space<hbm>> -> memref<1x32xf32, #tpu.memory_space<hbm>>
      %dma_start3A_344 = arith.constant 0 : i32
      %dma_start3A_345 = tpu.memref_slice %arg13[%add3A_337, %dma_start3A_344] : memref<128x32xf32, #tpu.memory_space<vmem>> -> memref<1x32xf32, #tpu.memory_space<vmem>>
      %dma_start3A_346 = arith.constant 0 : i32
      %dma_start3A_347 = tpu.memref_slice %arg5[%squeeze3A_339, %dma_start3A_346] : memref<1000000x32xf32, #tpu.memory_space<hbm>> -> memref<1x32xf32, #tpu.memory_space<hbm>>
      tpu.enqueue_dma source(%dma_start3A_347 : memref<1x32xf32, #tpu.memory_space<hbm>>) target(%dma_start3A_345 : memref<1x32xf32, #tpu.memory_space<vmem>>) target_semaphore(%arg19 : memref<!tpu.dma_semaphore, #tpu.memory_space<semaphore_mem>>)
      %slice3A_348 = vector.extract_strided_slice %get3A_77 {offsets = [8], sizes = [1], strides = [1]} : vector<16xi32> to vector<1xi32>
      %squeeze3A_349 = vector.extract %slice3A_348[0] : i32 from vector<1xi32>
      %dma_start3A_350 = arith.constant 0 : i32
      %dma_start3A_351 = tpu.memref_slice %arg14[%add3A_337, %dma_start3A_350] : memref<128x32xf32, #tpu.memory_space<vmem>> -> memref<1x32xf32, #tpu.memory_space<vmem>>
      %dma_start3A_352 = arith.constant 0 : i32
      %dma_start3A_353 = tpu.memref_slice %arg6[%squeeze3A_349, %dma_start3A_352] : memref<1000000x32xf32, #tpu.memory_space<hbm>> -> memref<1x32xf32, #tpu.memory_space<hbm>>
      %dma_start3A_354 = arith.constant 0 : i32
      %dma_start3A_355 = tpu.memref_slice %arg14[%add3A_337, %dma_start3A_354] : memref<128x32xf32, #tpu.memory_space<vmem>> -> memref<1x32xf32, #tpu.memory_space<vmem>>
      %dma_start3A_356 = arith.constant 0 : i32
      %dma_start3A_357 = tpu.memref_slice %arg6[%squeeze3A_349, %dma_start3A_356] : memref<1000000x32xf32, #tpu.memory_space<hbm>> -> memref<1x32xf32, #tpu.memory_space<hbm>>
      tpu.enqueue_dma source(%dma_start3A_357 : memref<1x32xf32, #tpu.memory_space<hbm>>) target(%dma_start3A_355 : memref<1x32xf32, #tpu.memory_space<vmem>>) target_semaphore(%arg19 : memref<!tpu.dma_semaphore, #tpu.memory_space<semaphore_mem>>)
      %slice3A_358 = vector.extract_strided_slice %get3A_82 {offsets = [8], sizes = [1], strides = [1]} : vector<16xi32> to vector<1xi32>
      %squeeze3A_359 = vector.extract %slice3A_358[0] : i32 from vector<1xi32>
      %dma_start3A_360 = arith.constant 0 : i32
      %dma_start3A_361 = tpu.memref_slice %arg15[%add3A_337, %dma_start3A_360] : memref<128x32xf32, #tpu.memory_space<vmem>> -> memref<1x32xf32, #tpu.memory_space<vmem>>
      %dma_start3A_362 = arith.constant 0 : i32
      %dma_start3A_363 = tpu.memref_slice %arg6[%squeeze3A_359, %dma_start3A_362] : memref<1000000x32xf32, #tpu.memory_space<hbm>> -> memref<1x32xf32, #tpu.memory_space<hbm>>
      %dma_start3A_364 = arith.constant 0 : i32
      %dma_start3A_365 = tpu.memref_slice %arg15[%add3A_337, %dma_start3A_364] : memref<128x32xf32, #tpu.memory_space<vmem>> -> memref<1x32xf32, #tpu.memory_space<vmem>>
      %dma_start3A_366 = arith.constant 0 : i32
      %dma_start3A_367 = tpu.memref_slice %arg6[%squeeze3A_359, %dma_start3A_366] : memref<1000000x32xf32, #tpu.memory_space<hbm>> -> memref<1x32xf32, #tpu.memory_space<hbm>>
      tpu.enqueue_dma source(%dma_start3A_367 : memref<1x32xf32, #tpu.memory_space<hbm>>) target(%dma_start3A_365 : memref<1x32xf32, #tpu.memory_space<vmem>>) target_semaphore(%arg19 : memref<!tpu.dma_semaphore, #tpu.memory_space<semaphore_mem>>)
      %add3A_368 = arith.constant 9 : i32
      %add3A_369 = arith.addi %mul3A_68, %add3A_368 : i32
      %slice3A_370 = vector.extract_strided_slice %get3A_72 {offsets = [9], sizes = [1], strides = [1]} : vector<16xi32> to vector<1xi32>
      %squeeze3A_371 = vector.extract %slice3A_370[0] : i32 from vector<1xi32>
      %dma_start3A_372 = arith.constant 0 : i32
      %dma_start3A_373 = tpu.memref_slice %arg13[%add3A_369, %dma_start3A_372] : memref<128x32xf32, #tpu.memory_space<vmem>> -> memref<1x32xf32, #tpu.memory_space<vmem>>
      %dma_start3A_374 = arith.constant 0 : i32
      %dma_start3A_375 = tpu.memref_slice %arg5[%squeeze3A_371, %dma_start3A_374] : memref<1000000x32xf32, #tpu.memory_space<hbm>> -> memref<1x32xf32, #tpu.memory_space<hbm>>
      %dma_start3A_376 = arith.constant 0 : i32
      %dma_start3A_377 = tpu.memref_slice %arg13[%add3A_369, %dma_start3A_376] : memref<128x32xf32, #tpu.memory_space<vmem>> -> memref<1x32xf32, #tpu.memory_space<vmem>>
      %dma_start3A_378 = arith.constant 0 : i32
      %dma_start3A_379 = tpu.memref_slice %arg5[%squeeze3A_371, %dma_start3A_378] : memref<1000000x32xf32, #tpu.memory_space<hbm>> -> memref<1x32xf32, #tpu.memory_space<hbm>>
      tpu.enqueue_dma source(%dma_start3A_379 : memref<1x32xf32, #tpu.memory_space<hbm>>) target(%dma_start3A_377 : memref<1x32xf32, #tpu.memory_space<vmem>>) target_semaphore(%arg19 : memref<!tpu.dma_semaphore, #tpu.memory_space<semaphore_mem>>)
      %slice3A_380 = vector.extract_strided_slice %get3A_77 {offsets = [9], sizes = [1], strides = [1]} : vector<16xi32> to vector<1xi32>
      %squeeze3A_381 = vector.extract %slice3A_380[0] : i32 from vector<1xi32>
      %dma_start3A_382 = arith.constant 0 : i32
      %dma_start3A_383 = tpu.memref_slice %arg14[%add3A_369, %dma_start3A_382] : memref<128x32xf32, #tpu.memory_space<vmem>> -> memref<1x32xf32, #tpu.memory_space<vmem>>
      %dma_start3A_384 = arith.constant 0 : i32
      %dma_start3A_385 = tpu.memref_slice %arg6[%squeeze3A_381, %dma_start3A_384] : memref<1000000x32xf32, #tpu.memory_space<hbm>> -> memref<1x32xf32, #tpu.memory_space<hbm>>
      %dma_start3A_386 = arith.constant 0 : i32
      %dma_start3A_387 = tpu.memref_slice %arg14[%add3A_369, %dma_start3A_386] : memref<128x32xf32, #tpu.memory_space<vmem>> -> memref<1x32xf32, #tpu.memory_space<vmem>>
      %dma_start3A_388 = arith.constant 0 : i32
      %dma_start3A_389 = tpu.memref_slice %arg6[%squeeze3A_381, %dma_start3A_388] : memref<1000000x32xf32, #tpu.memory_space<hbm>> -> memref<1x32xf32, #tpu.memory_space<hbm>>
      tpu.enqueue_dma source(%dma_start3A_389 : memref<1x32xf32, #tpu.memory_space<hbm>>) target(%dma_start3A_387 : memref<1x32xf32, #tpu.memory_space<vmem>>) target_semaphore(%arg19 : memref<!tpu.dma_semaphore, #tpu.memory_space<semaphore_mem>>)
      %slice3A_390 = vector.extract_strided_slice %get3A_82 {offsets = [9], sizes = [1], strides = [1]} : vector<16xi32> to vector<1xi32>
      %squeeze3A_391 = vector.extract %slice3A_390[0] : i32 from vector<1xi32>
      %dma_start3A_392 = arith.constant 0 : i32
      %dma_start3A_393 = tpu.memref_slice %arg15[%add3A_369, %dma_start3A_392] : memref<128x32xf32, #tpu.memory_space<vmem>> -> memref<1x32xf32, #tpu.memory_space<vmem>>
      %dma_start3A_394 = arith.constant 0 : i32
      %dma_start3A_395 = tpu.memref_slice %arg6[%squeeze3A_391, %dma_start3A_394] : memref<1000000x32xf32, #tpu.memory_space<hbm>> -> memref<1x32xf32, #tpu.memory_space<hbm>>
      %dma_start3A_396 = arith.constant 0 : i32
      %dma_start3A_397 = tpu.memref_slice %arg15[%add3A_369, %dma_start3A_396] : memref<128x32xf32, #tpu.memory_space<vmem>> -> memref<1x32xf32, #tpu.memory_space<vmem>>
      %dma_start3A_398 = arith.constant 0 : i32
      %dma_start3A_399 = tpu.memref_slice %arg6[%squeeze3A_391, %dma_start3A_398] : memref<1000000x32xf32, #tpu.memory_space<hbm>> -> memref<1x32xf32, #tpu.memory_space<hbm>>
      tpu.enqueue_dma source(%dma_start3A_399 : memref<1x32xf32, #tpu.memory_space<hbm>>) target(%dma_start3A_397 : memref<1x32xf32, #tpu.memory_space<vmem>>) target_semaphore(%arg19 : memref<!tpu.dma_semaphore, #tpu.memory_space<semaphore_mem>>)
      %add3A_400 = arith.constant 10 : i32
      %add3A_401 = arith.addi %mul3A_68, %add3A_400 : i32
      %slice3A_402 = vector.extract_strided_slice %get3A_72 {offsets = [10], sizes = [1], strides = [1]} : vector<16xi32> to vector<1xi32>
      %squeeze3A_403 = vector.extract %slice3A_402[0] : i32 from vector<1xi32>
      %dma_start3A_404 = arith.constant 0 : i32
      %dma_start3A_405 = tpu.memref_slice %arg13[%add3A_401, %dma_start3A_404] : memref<128x32xf32, #tpu.memory_space<vmem>> -> memref<1x32xf32, #tpu.memory_space<vmem>>
      %dma_start3A_406 = arith.constant 0 : i32
      %dma_start3A_407 = tpu.memref_slice %arg5[%squeeze3A_403, %dma_start3A_406] : memref<1000000x32xf32, #tpu.memory_space<hbm>> -> memref<1x32xf32, #tpu.memory_space<hbm>>
      %dma_start3A_408 = arith.constant 0 : i32
      %dma_start3A_409 = tpu.memref_slice %arg13[%add3A_401, %dma_start3A_408] : memref<128x32xf32, #tpu.memory_space<vmem>> -> memref<1x32xf32, #tpu.memory_space<vmem>>
      %dma_start3A_410 = arith.constant 0 : i32
      %dma_start3A_411 = tpu.memref_slice %arg5[%squeeze3A_403, %dma_start3A_410] : memref<1000000x32xf32, #tpu.memory_space<hbm>> -> memref<1x32xf32, #tpu.memory_space<hbm>>
      tpu.enqueue_dma source(%dma_start3A_411 : memref<1x32xf32, #tpu.memory_space<hbm>>) target(%dma_start3A_409 : memref<1x32xf32, #tpu.memory_space<vmem>>) target_semaphore(%arg19 : memref<!tpu.dma_semaphore, #tpu.memory_space<semaphore_mem>>)
      %slice3A_412 = vector.extract_strided_slice %get3A_77 {offsets = [10], sizes = [1], strides = [1]} : vector<16xi32> to vector<1xi32>
      %squeeze3A_413 = vector.extract %slice3A_412[0] : i32 from vector<1xi32>
      %dma_start3A_414 = arith.constant 0 : i32
      %dma_start3A_415 = tpu.memref_slice %arg14[%add3A_401, %dma_start3A_414] : memref<128x32xf32, #tpu.memory_space<vmem>> -> memref<1x32xf32, #tpu.memory_space<vmem>>
      %dma_start3A_416 = arith.constant 0 : i32
      %dma_start3A_417 = tpu.memref_slice %arg6[%squeeze3A_413, %dma_start3A_416] : memref<1000000x32xf32, #tpu.memory_space<hbm>> -> memref<1x32xf32, #tpu.memory_space<hbm>>
      %dma_start3A_418 = arith.constant 0 : i32
      %dma_start3A_419 = tpu.memref_slice %arg14[%add3A_401, %dma_start3A_418] : memref<128x32xf32, #tpu.memory_space<vmem>> -> memref<1x32xf32, #tpu.memory_space<vmem>>
      %dma_start3A_420 = arith.constant 0 : i32
      %dma_start3A_421 = tpu.memref_slice %arg6[%squeeze3A_413, %dma_start3A_420] : memref<1000000x32xf32, #tpu.memory_space<hbm>> -> memref<1x32xf32, #tpu.memory_space<hbm>>
      tpu.enqueue_dma source(%dma_start3A_421 : memref<1x32xf32, #tpu.memory_space<hbm>>) target(%dma_start3A_419 : memref<1x32xf32, #tpu.memory_space<vmem>>) target_semaphore(%arg19 : memref<!tpu.dma_semaphore, #tpu.memory_space<semaphore_mem>>)
      %slice3A_422 = vector.extract_strided_slice %get3A_82 {offsets = [10], sizes = [1], strides = [1]} : vector<16xi32> to vector<1xi32>
      %squeeze3A_423 = vector.extract %slice3A_422[0] : i32 from vector<1xi32>
      %dma_start3A_424 = arith.constant 0 : i32
      %dma_start3A_425 = tpu.memref_slice %arg15[%add3A_401, %dma_start3A_424] : memref<128x32xf32, #tpu.memory_space<vmem>> -> memref<1x32xf32, #tpu.memory_space<vmem>>
      %dma_start3A_426 = arith.constant 0 : i32
      %dma_start3A_427 = tpu.memref_slice %arg6[%squeeze3A_423, %dma_start3A_426] : memref<1000000x32xf32, #tpu.memory_space<hbm>> -> memref<1x32xf32, #tpu.memory_space<hbm>>
      %dma_start3A_428 = arith.constant 0 : i32
      %dma_start3A_429 = tpu.memref_slice %arg15[%add3A_401, %dma_start3A_428] : memref<128x32xf32, #tpu.memory_space<vmem>> -> memref<1x32xf32, #tpu.memory_space<vmem>>
      %dma_start3A_430 = arith.constant 0 : i32
      %dma_start3A_431 = tpu.memref_slice %arg6[%squeeze3A_423, %dma_start3A_430] : memref<1000000x32xf32, #tpu.memory_space<hbm>> -> memref<1x32xf32, #tpu.memory_space<hbm>>
      tpu.enqueue_dma source(%dma_start3A_431 : memref<1x32xf32, #tpu.memory_space<hbm>>) target(%dma_start3A_429 : memref<1x32xf32, #tpu.memory_space<vmem>>) target_semaphore(%arg19 : memref<!tpu.dma_semaphore, #tpu.memory_space<semaphore_mem>>)
      %add3A_432 = arith.constant 11 : i32
      %add3A_433 = arith.addi %mul3A_68, %add3A_432 : i32
      %slice3A_434 = vector.extract_strided_slice %get3A_72 {offsets = [11], sizes = [1], strides = [1]} : vector<16xi32> to vector<1xi32>
      %squeeze3A_435 = vector.extract %slice3A_434[0] : i32 from vector<1xi32>
      %dma_start3A_436 = arith.constant 0 : i32
      %dma_start3A_437 = tpu.memref_slice %arg13[%add3A_433, %dma_start3A_436] : memref<128x32xf32, #tpu.memory_space<vmem>> -> memref<1x32xf32, #tpu.memory_space<vmem>>
      %dma_start3A_438 = arith.constant 0 : i32
      %dma_start3A_439 = tpu.memref_slice %arg5[%squeeze3A_435, %dma_start3A_438] : memref<1000000x32xf32, #tpu.memory_space<hbm>> -> memref<1x32xf32, #tpu.memory_space<hbm>>
      %dma_start3A_440 = arith.constant 0 : i32
      %dma_start3A_441 = tpu.memref_slice %arg13[%add3A_433, %dma_start3A_440] : memref<128x32xf32, #tpu.memory_space<vmem>> -> memref<1x32xf32, #tpu.memory_space<vmem>>
      %dma_start3A_442 = arith.constant 0 : i32
      %dma_start3A_443 = tpu.memref_slice %arg5[%squeeze3A_435, %dma_start3A_442] : memref<1000000x32xf32, #tpu.memory_space<hbm>> -> memref<1x32xf32, #tpu.memory_space<hbm>>
      tpu.enqueue_dma source(%dma_start3A_443 : memref<1x32xf32, #tpu.memory_space<hbm>>) target(%dma_start3A_441 : memref<1x32xf32, #tpu.memory_space<vmem>>) target_semaphore(%arg19 : memref<!tpu.dma_semaphore, #tpu.memory_space<semaphore_mem>>)
      %slice3A_444 = vector.extract_strided_slice %get3A_77 {offsets = [11], sizes = [1], strides = [1]} : vector<16xi32> to vector<1xi32>
      %squeeze3A_445 = vector.extract %slice3A_444[0] : i32 from vector<1xi32>
      %dma_start3A_446 = arith.constant 0 : i32
      %dma_start3A_447 = tpu.memref_slice %arg14[%add3A_433, %dma_start3A_446] : memref<128x32xf32, #tpu.memory_space<vmem>> -> memref<1x32xf32, #tpu.memory_space<vmem>>
      %dma_start3A_448 = arith.constant 0 : i32
      %dma_start3A_449 = tpu.memref_slice %arg6[%squeeze3A_445, %dma_start3A_448] : memref<1000000x32xf32, #tpu.memory_space<hbm>> -> memref<1x32xf32, #tpu.memory_space<hbm>>
      %dma_start3A_450 = arith.constant 0 : i32
      %dma_start3A_451 = tpu.memref_slice %arg14[%add3A_433, %dma_start3A_450] : memref<128x32xf32, #tpu.memory_space<vmem>> -> memref<1x32xf32, #tpu.memory_space<vmem>>
      %dma_start3A_452 = arith.constant 0 : i32
      %dma_start3A_453 = tpu.memref_slice %arg6[%squeeze3A_445, %dma_start3A_452] : memref<1000000x32xf32, #tpu.memory_space<hbm>> -> memref<1x32xf32, #tpu.memory_space<hbm>>
      tpu.enqueue_dma source(%dma_start3A_453 : memref<1x32xf32, #tpu.memory_space<hbm>>) target(%dma_start3A_451 : memref<1x32xf32, #tpu.memory_space<vmem>>) target_semaphore(%arg19 : memref<!tpu.dma_semaphore, #tpu.memory_space<semaphore_mem>>)
      %slice3A_454 = vector.extract_strided_slice %get3A_82 {offsets = [11], sizes = [1], strides = [1]} : vector<16xi32> to vector<1xi32>
      %squeeze3A_455 = vector.extract %slice3A_454[0] : i32 from vector<1xi32>
      %dma_start3A_456 = arith.constant 0 : i32
      %dma_start3A_457 = tpu.memref_slice %arg15[%add3A_433, %dma_start3A_456] : memref<128x32xf32, #tpu.memory_space<vmem>> -> memref<1x32xf32, #tpu.memory_space<vmem>>
      %dma_start3A_458 = arith.constant 0 : i32
      %dma_start3A_459 = tpu.memref_slice %arg6[%squeeze3A_455, %dma_start3A_458] : memref<1000000x32xf32, #tpu.memory_space<hbm>> -> memref<1x32xf32, #tpu.memory_space<hbm>>
      %dma_start3A_460 = arith.constant 0 : i32
      %dma_start3A_461 = tpu.memref_slice %arg15[%add3A_433, %dma_start3A_460] : memref<128x32xf32, #tpu.memory_space<vmem>> -> memref<1x32xf32, #tpu.memory_space<vmem>>
      %dma_start3A_462 = arith.constant 0 : i32
      %dma_start3A_463 = tpu.memref_slice %arg6[%squeeze3A_455, %dma_start3A_462] : memref<1000000x32xf32, #tpu.memory_space<hbm>> -> memref<1x32xf32, #tpu.memory_space<hbm>>
      tpu.enqueue_dma source(%dma_start3A_463 : memref<1x32xf32, #tpu.memory_space<hbm>>) target(%dma_start3A_461 : memref<1x32xf32, #tpu.memory_space<vmem>>) target_semaphore(%arg19 : memref<!tpu.dma_semaphore, #tpu.memory_space<semaphore_mem>>)
      %add3A_464 = arith.constant 12 : i32
      %add3A_465 = arith.addi %mul3A_68, %add3A_464 : i32
      %slice3A_466 = vector.extract_strided_slice %get3A_72 {offsets = [12], sizes = [1], strides = [1]} : vector<16xi32> to vector<1xi32>
      %squeeze3A_467 = vector.extract %slice3A_466[0] : i32 from vector<1xi32>
      %dma_start3A_468 = arith.constant 0 : i32
      %dma_start3A_469 = tpu.memref_slice %arg13[%add3A_465, %dma_start3A_468] : memref<128x32xf32, #tpu.memory_space<vmem>> -> memref<1x32xf32, #tpu.memory_space<vmem>>
      %dma_start3A_470 = arith.constant 0 : i32
      %dma_start3A_471 = tpu.memref_slice %arg5[%squeeze3A_467, %dma_start3A_470] : memref<1000000x32xf32, #tpu.memory_space<hbm>> -> memref<1x32xf32, #tpu.memory_space<hbm>>
      %dma_start3A_472 = arith.constant 0 : i32
      %dma_start3A_473 = tpu.memref_slice %arg13[%add3A_465, %dma_start3A_472] : memref<128x32xf32, #tpu.memory_space<vmem>> -> memref<1x32xf32, #tpu.memory_space<vmem>>
      %dma_start3A_474 = arith.constant 0 : i32
      %dma_start3A_475 = tpu.memref_slice %arg5[%squeeze3A_467, %dma_start3A_474] : memref<1000000x32xf32, #tpu.memory_space<hbm>> -> memref<1x32xf32, #tpu.memory_space<hbm>>
      tpu.enqueue_dma source(%dma_start3A_475 : memref<1x32xf32, #tpu.memory_space<hbm>>) target(%dma_start3A_473 : memref<1x32xf32, #tpu.memory_space<vmem>>) target_semaphore(%arg19 : memref<!tpu.dma_semaphore, #tpu.memory_space<semaphore_mem>>)
      %slice3A_476 = vector.extract_strided_slice %get3A_77 {offsets = [12], sizes = [1], strides = [1]} : vector<16xi32> to vector<1xi32>
      %squeeze3A_477 = vector.extract %slice3A_476[0] : i32 from vector<1xi32>
      %dma_start3A_478 = arith.constant 0 : i32
      %dma_start3A_479 = tpu.memref_slice %arg14[%add3A_465, %dma_start3A_478] : memref<128x32xf32, #tpu.memory_space<vmem>> -> memref<1x32xf32, #tpu.memory_space<vmem>>
      %dma_start3A_480 = arith.constant 0 : i32
      %dma_start3A_481 = tpu.memref_slice %arg6[%squeeze3A_477, %dma_start3A_480] : memref<1000000x32xf32, #tpu.memory_space<hbm>> -> memref<1x32xf32, #tpu.memory_space<hbm>>
      %dma_start3A_482 = arith.constant 0 : i32
      %dma_start3A_483 = tpu.memref_slice %arg14[%add3A_465, %dma_start3A_482] : memref<128x32xf32, #tpu.memory_space<vmem>> -> memref<1x32xf32, #tpu.memory_space<vmem>>
      %dma_start3A_484 = arith.constant 0 : i32
      %dma_start3A_485 = tpu.memref_slice %arg6[%squeeze3A_477, %dma_start3A_484] : memref<1000000x32xf32, #tpu.memory_space<hbm>> -> memref<1x32xf32, #tpu.memory_space<hbm>>
      tpu.enqueue_dma source(%dma_start3A_485 : memref<1x32xf32, #tpu.memory_space<hbm>>) target(%dma_start3A_483 : memref<1x32xf32, #tpu.memory_space<vmem>>) target_semaphore(%arg19 : memref<!tpu.dma_semaphore, #tpu.memory_space<semaphore_mem>>)
      %slice3A_486 = vector.extract_strided_slice %get3A_82 {offsets = [12], sizes = [1], strides = [1]} : vector<16xi32> to vector<1xi32>
      %squeeze3A_487 = vector.extract %slice3A_486[0] : i32 from vector<1xi32>
      %dma_start3A_488 = arith.constant 0 : i32
      %dma_start3A_489 = tpu.memref_slice %arg15[%add3A_465, %dma_start3A_488] : memref<128x32xf32, #tpu.memory_space<vmem>> -> memref<1x32xf32, #tpu.memory_space<vmem>>
      %dma_start3A_490 = arith.constant 0 : i32
      %dma_start3A_491 = tpu.memref_slice %arg6[%squeeze3A_487, %dma_start3A_490] : memref<1000000x32xf32, #tpu.memory_space<hbm>> -> memref<1x32xf32, #tpu.memory_space<hbm>>
      %dma_start3A_492 = arith.constant 0 : i32
      %dma_start3A_493 = tpu.memref_slice %arg15[%add3A_465, %dma_start3A_492] : memref<128x32xf32, #tpu.memory_space<vmem>> -> memref<1x32xf32, #tpu.memory_space<vmem>>
      %dma_start3A_494 = arith.constant 0 : i32
      %dma_start3A_495 = tpu.memref_slice %arg6[%squeeze3A_487, %dma_start3A_494] : memref<1000000x32xf32, #tpu.memory_space<hbm>> -> memref<1x32xf32, #tpu.memory_space<hbm>>
      tpu.enqueue_dma source(%dma_start3A_495 : memref<1x32xf32, #tpu.memory_space<hbm>>) target(%dma_start3A_493 : memref<1x32xf32, #tpu.memory_space<vmem>>) target_semaphore(%arg19 : memref<!tpu.dma_semaphore, #tpu.memory_space<semaphore_mem>>)
      %add3A_496 = arith.constant 13 : i32
      %add3A_497 = arith.addi %mul3A_68, %add3A_496 : i32
      %slice3A_498 = vector.extract_strided_slice %get3A_72 {offsets = [13], sizes = [1], strides = [1]} : vector<16xi32> to vector<1xi32>
      %squeeze3A_499 = vector.extract %slice3A_498[0] : i32 from vector<1xi32>
      %dma_start3A_500 = arith.constant 0 : i32
      %dma_start3A_501 = tpu.memref_slice %arg13[%add3A_497, %dma_start3A_500] : memref<128x32xf32, #tpu.memory_space<vmem>> -> memref<1x32xf32, #tpu.memory_space<vmem>>
      %dma_start3A_502 = arith.constant 0 : i32
      %dma_start3A_503 = tpu.memref_slice %arg5[%squeeze3A_499, %dma_start3A_502] : memref<1000000x32xf32, #tpu.memory_space<hbm>> -> memref<1x32xf32, #tpu.memory_space<hbm>>
      %dma_start3A_504 = arith.constant 0 : i32
      %dma_start3A_505 = tpu.memref_slice %arg13[%add3A_497, %dma_start3A_504] : memref<128x32xf32, #tpu.memory_space<vmem>> -> memref<1x32xf32, #tpu.memory_space<vmem>>
      %dma_start3A_506 = arith.constant 0 : i32
      %dma_start3A_507 = tpu.memref_slice %arg5[%squeeze3A_499, %dma_start3A_506] : memref<1000000x32xf32, #tpu.memory_space<hbm>> -> memref<1x32xf32, #tpu.memory_space<hbm>>
      tpu.enqueue_dma source(%dma_start3A_507 : memref<1x32xf32, #tpu.memory_space<hbm>>) target(%dma_start3A_505 : memref<1x32xf32, #tpu.memory_space<vmem>>) target_semaphore(%arg19 : memref<!tpu.dma_semaphore, #tpu.memory_space<semaphore_mem>>)
      %slice3A_508 = vector.extract_strided_slice %get3A_77 {offsets = [13], sizes = [1], strides = [1]} : vector<16xi32> to vector<1xi32>
      %squeeze3A_509 = vector.extract %slice3A_508[0] : i32 from vector<1xi32>
      %dma_start3A_510 = arith.constant 0 : i32
      %dma_start3A_511 = tpu.memref_slice %arg14[%add3A_497, %dma_start3A_510] : memref<128x32xf32, #tpu.memory_space<vmem>> -> memref<1x32xf32, #tpu.memory_space<vmem>>
      %dma_start3A_512 = arith.constant 0 : i32
      %dma_start3A_513 = tpu.memref_slice %arg6[%squeeze3A_509, %dma_start3A_512] : memref<1000000x32xf32, #tpu.memory_space<hbm>> -> memref<1x32xf32, #tpu.memory_space<hbm>>
      %dma_start3A_514 = arith.constant 0 : i32
      %dma_start3A_515 = tpu.memref_slice %arg14[%add3A_497, %dma_start3A_514] : memref<128x32xf32, #tpu.memory_space<vmem>> -> memref<1x32xf32, #tpu.memory_space<vmem>>
      %dma_start3A_516 = arith.constant 0 : i32
      %dma_start3A_517 = tpu.memref_slice %arg6[%squeeze3A_509, %dma_start3A_516] : memref<1000000x32xf32, #tpu.memory_space<hbm>> -> memref<1x32xf32, #tpu.memory_space<hbm>>
      tpu.enqueue_dma source(%dma_start3A_517 : memref<1x32xf32, #tpu.memory_space<hbm>>) target(%dma_start3A_515 : memref<1x32xf32, #tpu.memory_space<vmem>>) target_semaphore(%arg19 : memref<!tpu.dma_semaphore, #tpu.memory_space<semaphore_mem>>)
      %slice3A_518 = vector.extract_strided_slice %get3A_82 {offsets = [13], sizes = [1], strides = [1]} : vector<16xi32> to vector<1xi32>
      %squeeze3A_519 = vector.extract %slice3A_518[0] : i32 from vector<1xi32>
      %dma_start3A_520 = arith.constant 0 : i32
      %dma_start3A_521 = tpu.memref_slice %arg15[%add3A_497, %dma_start3A_520] : memref<128x32xf32, #tpu.memory_space<vmem>> -> memref<1x32xf32, #tpu.memory_space<vmem>>
      %dma_start3A_522 = arith.constant 0 : i32
      %dma_start3A_523 = tpu.memref_slice %arg6[%squeeze3A_519, %dma_start3A_522] : memref<1000000x32xf32, #tpu.memory_space<hbm>> -> memref<1x32xf32, #tpu.memory_space<hbm>>
      %dma_start3A_524 = arith.constant 0 : i32
      %dma_start3A_525 = tpu.memref_slice %arg15[%add3A_497, %dma_start3A_524] : memref<128x32xf32, #tpu.memory_space<vmem>> -> memref<1x32xf32, #tpu.memory_space<vmem>>
      %dma_start3A_526 = arith.constant 0 : i32
      %dma_start3A_527 = tpu.memref_slice %arg6[%squeeze3A_519, %dma_start3A_526] : memref<1000000x32xf32, #tpu.memory_space<hbm>> -> memref<1x32xf32, #tpu.memory_space<hbm>>
      tpu.enqueue_dma source(%dma_start3A_527 : memref<1x32xf32, #tpu.memory_space<hbm>>) target(%dma_start3A_525 : memref<1x32xf32, #tpu.memory_space<vmem>>) target_semaphore(%arg19 : memref<!tpu.dma_semaphore, #tpu.memory_space<semaphore_mem>>)
      %add3A_528 = arith.constant 14 : i32
      %add3A_529 = arith.addi %mul3A_68, %add3A_528 : i32
      %slice3A_530 = vector.extract_strided_slice %get3A_72 {offsets = [14], sizes = [1], strides = [1]} : vector<16xi32> to vector<1xi32>
      %squeeze3A_531 = vector.extract %slice3A_530[0] : i32 from vector<1xi32>
      %dma_start3A_532 = arith.constant 0 : i32
      %dma_start3A_533 = tpu.memref_slice %arg13[%add3A_529, %dma_start3A_532] : memref<128x32xf32, #tpu.memory_space<vmem>> -> memref<1x32xf32, #tpu.memory_space<vmem>>
      %dma_start3A_534 = arith.constant 0 : i32
      %dma_start3A_535 = tpu.memref_slice %arg5[%squeeze3A_531, %dma_start3A_534] : memref<1000000x32xf32, #tpu.memory_space<hbm>> -> memref<1x32xf32, #tpu.memory_space<hbm>>
      %dma_start3A_536 = arith.constant 0 : i32
      %dma_start3A_537 = tpu.memref_slice %arg13[%add3A_529, %dma_start3A_536] : memref<128x32xf32, #tpu.memory_space<vmem>> -> memref<1x32xf32, #tpu.memory_space<vmem>>
      %dma_start3A_538 = arith.constant 0 : i32
      %dma_start3A_539 = tpu.memref_slice %arg5[%squeeze3A_531, %dma_start3A_538] : memref<1000000x32xf32, #tpu.memory_space<hbm>> -> memref<1x32xf32, #tpu.memory_space<hbm>>
      tpu.enqueue_dma source(%dma_start3A_539 : memref<1x32xf32, #tpu.memory_space<hbm>>) target(%dma_start3A_537 : memref<1x32xf32, #tpu.memory_space<vmem>>) target_semaphore(%arg19 : memref<!tpu.dma_semaphore, #tpu.memory_space<semaphore_mem>>)
      %slice3A_540 = vector.extract_strided_slice %get3A_77 {offsets = [14], sizes = [1], strides = [1]} : vector<16xi32> to vector<1xi32>
      %squeeze3A_541 = vector.extract %slice3A_540[0] : i32 from vector<1xi32>
      %dma_start3A_542 = arith.constant 0 : i32
      %dma_start3A_543 = tpu.memref_slice %arg14[%add3A_529, %dma_start3A_542] : memref<128x32xf32, #tpu.memory_space<vmem>> -> memref<1x32xf32, #tpu.memory_space<vmem>>
      %dma_start3A_544 = arith.constant 0 : i32
      %dma_start3A_545 = tpu.memref_slice %arg6[%squeeze3A_541, %dma_start3A_544] : memref<1000000x32xf32, #tpu.memory_space<hbm>> -> memref<1x32xf32, #tpu.memory_space<hbm>>
      %dma_start3A_546 = arith.constant 0 : i32
      %dma_start3A_547 = tpu.memref_slice %arg14[%add3A_529, %dma_start3A_546] : memref<128x32xf32, #tpu.memory_space<vmem>> -> memref<1x32xf32, #tpu.memory_space<vmem>>
      %dma_start3A_548 = arith.constant 0 : i32
      %dma_start3A_549 = tpu.memref_slice %arg6[%squeeze3A_541, %dma_start3A_548] : memref<1000000x32xf32, #tpu.memory_space<hbm>> -> memref<1x32xf32, #tpu.memory_space<hbm>>
      tpu.enqueue_dma source(%dma_start3A_549 : memref<1x32xf32, #tpu.memory_space<hbm>>) target(%dma_start3A_547 : memref<1x32xf32, #tpu.memory_space<vmem>>) target_semaphore(%arg19 : memref<!tpu.dma_semaphore, #tpu.memory_space<semaphore_mem>>)
      %slice3A_550 = vector.extract_strided_slice %get3A_82 {offsets = [14], sizes = [1], strides = [1]} : vector<16xi32> to vector<1xi32>
      %squeeze3A_551 = vector.extract %slice3A_550[0] : i32 from vector<1xi32>
      %dma_start3A_552 = arith.constant 0 : i32
      %dma_start3A_553 = tpu.memref_slice %arg15[%add3A_529, %dma_start3A_552] : memref<128x32xf32, #tpu.memory_space<vmem>> -> memref<1x32xf32, #tpu.memory_space<vmem>>
      %dma_start3A_554 = arith.constant 0 : i32
      %dma_start3A_555 = tpu.memref_slice %arg6[%squeeze3A_551, %dma_start3A_554] : memref<1000000x32xf32, #tpu.memory_space<hbm>> -> memref<1x32xf32, #tpu.memory_space<hbm>>
      %dma_start3A_556 = arith.constant 0 : i32
      %dma_start3A_557 = tpu.memref_slice %arg15[%add3A_529, %dma_start3A_556] : memref<128x32xf32, #tpu.memory_space<vmem>> -> memref<1x32xf32, #tpu.memory_space<vmem>>
      %dma_start3A_558 = arith.constant 0 : i32
      %dma_start3A_559 = tpu.memref_slice %arg6[%squeeze3A_551, %dma_start3A_558] : memref<1000000x32xf32, #tpu.memory_space<hbm>> -> memref<1x32xf32, #tpu.memory_space<hbm>>
      tpu.enqueue_dma source(%dma_start3A_559 : memref<1x32xf32, #tpu.memory_space<hbm>>) target(%dma_start3A_557 : memref<1x32xf32, #tpu.memory_space<vmem>>) target_semaphore(%arg19 : memref<!tpu.dma_semaphore, #tpu.memory_space<semaphore_mem>>)
      %add3A_560 = arith.constant 15 : i32
      %add3A_561 = arith.addi %mul3A_68, %add3A_560 : i32
      %slice3A_562 = vector.extract_strided_slice %get3A_72 {offsets = [15], sizes = [1], strides = [1]} : vector<16xi32> to vector<1xi32>
      %squeeze3A_563 = vector.extract %slice3A_562[0] : i32 from vector<1xi32>
      %dma_start3A_564 = arith.constant 0 : i32
      %dma_start3A_565 = tpu.memref_slice %arg13[%add3A_561, %dma_start3A_564] : memref<128x32xf32, #tpu.memory_space<vmem>> -> memref<1x32xf32, #tpu.memory_space<vmem>>
      %dma_start3A_566 = arith.constant 0 : i32
      %dma_start3A_567 = tpu.memref_slice %arg5[%squeeze3A_563, %dma_start3A_566] : memref<1000000x32xf32, #tpu.memory_space<hbm>> -> memref<1x32xf32, #tpu.memory_space<hbm>>
      %dma_start3A_568 = arith.constant 0 : i32
      %dma_start3A_569 = tpu.memref_slice %arg13[%add3A_561, %dma_start3A_568] : memref<128x32xf32, #tpu.memory_space<vmem>> -> memref<1x32xf32, #tpu.memory_space<vmem>>
      %dma_start3A_570 = arith.constant 0 : i32
      %dma_start3A_571 = tpu.memref_slice %arg5[%squeeze3A_563, %dma_start3A_570] : memref<1000000x32xf32, #tpu.memory_space<hbm>> -> memref<1x32xf32, #tpu.memory_space<hbm>>
      tpu.enqueue_dma source(%dma_start3A_571 : memref<1x32xf32, #tpu.memory_space<hbm>>) target(%dma_start3A_569 : memref<1x32xf32, #tpu.memory_space<vmem>>) target_semaphore(%arg19 : memref<!tpu.dma_semaphore, #tpu.memory_space<semaphore_mem>>)
      %slice3A_572 = vector.extract_strided_slice %get3A_77 {offsets = [15], sizes = [1], strides = [1]} : vector<16xi32> to vector<1xi32>
      %squeeze3A_573 = vector.extract %slice3A_572[0] : i32 from vector<1xi32>
      %dma_start3A_574 = arith.constant 0 : i32
      %dma_start3A_575 = tpu.memref_slice %arg14[%add3A_561, %dma_start3A_574] : memref<128x32xf32, #tpu.memory_space<vmem>> -> memref<1x32xf32, #tpu.memory_space<vmem>>
      %dma_start3A_576 = arith.constant 0 : i32
      %dma_start3A_577 = tpu.memref_slice %arg6[%squeeze3A_573, %dma_start3A_576] : memref<1000000x32xf32, #tpu.memory_space<hbm>> -> memref<1x32xf32, #tpu.memory_space<hbm>>
      %dma_start3A_578 = arith.constant 0 : i32
      %dma_start3A_579 = tpu.memref_slice %arg14[%add3A_561, %dma_start3A_578] : memref<128x32xf32, #tpu.memory_space<vmem>> -> memref<1x32xf32, #tpu.memory_space<vmem>>
      %dma_start3A_580 = arith.constant 0 : i32
      %dma_start3A_581 = tpu.memref_slice %arg6[%squeeze3A_573, %dma_start3A_580] : memref<1000000x32xf32, #tpu.memory_space<hbm>> -> memref<1x32xf32, #tpu.memory_space<hbm>>
      tpu.enqueue_dma source(%dma_start3A_581 : memref<1x32xf32, #tpu.memory_space<hbm>>) target(%dma_start3A_579 : memref<1x32xf32, #tpu.memory_space<vmem>>) target_semaphore(%arg19 : memref<!tpu.dma_semaphore, #tpu.memory_space<semaphore_mem>>)
      %slice3A_582 = vector.extract_strided_slice %get3A_82 {offsets = [15], sizes = [1], strides = [1]} : vector<16xi32> to vector<1xi32>
      %squeeze3A_583 = vector.extract %slice3A_582[0] : i32 from vector<1xi32>
      %dma_start3A_584 = arith.constant 0 : i32
      %dma_start3A_585 = tpu.memref_slice %arg15[%add3A_561, %dma_start3A_584] : memref<128x32xf32, #tpu.memory_space<vmem>> -> memref<1x32xf32, #tpu.memory_space<vmem>>
      %dma_start3A_586 = arith.constant 0 : i32
      %dma_start3A_587 = tpu.memref_slice %arg6[%squeeze3A_583, %dma_start3A_586] : memref<1000000x32xf32, #tpu.memory_space<hbm>> -> memref<1x32xf32, #tpu.memory_space<hbm>>
      %dma_start3A_588 = arith.constant 0 : i32
      %dma_start3A_589 = tpu.memref_slice %arg15[%add3A_561, %dma_start3A_588] : memref<128x32xf32, #tpu.memory_space<vmem>> -> memref<1x32xf32, #tpu.memory_space<vmem>>
      %dma_start3A_590 = arith.constant 0 : i32
      %dma_start3A_591 = tpu.memref_slice %arg6[%squeeze3A_583, %dma_start3A_590] : memref<1000000x32xf32, #tpu.memory_space<hbm>> -> memref<1x32xf32, #tpu.memory_space<hbm>>
      tpu.enqueue_dma source(%dma_start3A_591 : memref<1x32xf32, #tpu.memory_space<hbm>>) target(%dma_start3A_589 : memref<1x32xf32, #tpu.memory_space<vmem>>) target_semaphore(%arg19 : memref<!tpu.dma_semaphore, #tpu.memory_space<semaphore_mem>>)
    }
    %scan3A_29 = arith.constant 8 : i32
    %scan3A_30 = arith.constant 0 : i32
    %scan3A_31 = arith.constant 0 : i32
    %scan3A_32 = arith.constant 128 : i32
    %scan3A_33 = arith.addi %scan3A_31, %scan3A_32 : i32
    %scan3A_34 = arith.constant 1 : i32
    scf.for %scan3A_66 = %scan3A_31 to %scan3A_33 step %scan3A_34  : i32 {
      %dma_wait3A = arith.constant 0 : i32
      %dma_wait3A_67 = arith.constant 0 : i32
      %dma_wait3A_68 = tpu.memref_slice %arg16[%dma_wait3A, %dma_wait3A_67] : memref<128x32xf32, #tpu.memory_space<vmem>> -> memref<1x32xf32, #tpu.memory_space<vmem>>
      %dma_wait3A_69 = arith.constant 0 : i32
      %dma_wait3A_70 = arith.constant 0 : i32
      %dma_wait3A_71 = tpu.memref_slice %arg5[%dma_wait3A_69, %dma_wait3A_70] : memref<1000000x32xf32, #tpu.memory_space<hbm>> -> memref<1x32xf32, #tpu.memory_space<hbm>>
      %dma_wait3A_72 = arith.constant 0 : i32
      %dma_wait3A_73 = arith.constant 0 : i32
      %dma_wait3A_74 = tpu.memref_slice %arg16[%dma_wait3A_72, %dma_wait3A_73] : memref<128x32xf32, #tpu.memory_space<vmem>> -> memref<1x32xf32, #tpu.memory_space<vmem>>
      %dma_wait3A_75 = arith.constant 0 : i32
      %dma_wait3A_76 = arith.constant 0 : i32
      %dma_wait3A_77 = tpu.memref_slice %arg5[%dma_wait3A_75, %dma_wait3A_76] : memref<1000000x32xf32, #tpu.memory_space<hbm>> -> memref<1x32xf32, #tpu.memory_space<hbm>>
      tpu.wait_dma2 semaphore(%arg20 : memref<!tpu.dma_semaphore, #tpu.memory_space<semaphore_mem>>) src(%dma_wait3A_77 : memref<1x32xf32, #tpu.memory_space<hbm>>) dst(%dma_wait3A_74 : memref<1x32xf32, #tpu.memory_space<vmem>>)
      %dma_wait3A_78 = arith.constant 0 : i32
      %dma_wait3A_79 = arith.constant 0 : i32
      %dma_wait3A_80 = tpu.memref_slice %arg17[%dma_wait3A_78, %dma_wait3A_79] : memref<128x32xf32, #tpu.memory_space<vmem>> -> memref<1x32xf32, #tpu.memory_space<vmem>>
      %dma_wait3A_81 = arith.constant 0 : i32
      %dma_wait3A_82 = arith.constant 0 : i32
      %dma_wait3A_83 = tpu.memref_slice %arg6[%dma_wait3A_81, %dma_wait3A_82] : memref<1000000x32xf32, #tpu.memory_space<hbm>> -> memref<1x32xf32, #tpu.memory_space<hbm>>
      %dma_wait3A_84 = arith.constant 0 : i32
      %dma_wait3A_85 = arith.constant 0 : i32
      %dma_wait3A_86 = tpu.memref_slice %arg17[%dma_wait3A_84, %dma_wait3A_85] : memref<128x32xf32, #tpu.memory_space<vmem>> -> memref<1x32xf32, #tpu.memory_space<vmem>>
      %dma_wait3A_87 = arith.constant 0 : i32
      %dma_wait3A_88 = arith.constant 0 : i32
      %dma_wait3A_89 = tpu.memref_slice %arg6[%dma_wait3A_87, %dma_wait3A_88] : memref<1000000x32xf32, #tpu.memory_space<hbm>> -> memref<1x32xf32, #tpu.memory_space<hbm>>
      tpu.wait_dma2 semaphore(%arg20 : memref<!tpu.dma_semaphore, #tpu.memory_space<semaphore_mem>>) src(%dma_wait3A_89 : memref<1x32xf32, #tpu.memory_space<hbm>>) dst(%dma_wait3A_86 : memref<1x32xf32, #tpu.memory_space<vmem>>)
      %dma_wait3A_90 = arith.constant 0 : i32
      %dma_wait3A_91 = arith.constant 0 : i32
      %dma_wait3A_92 = tpu.memref_slice %arg18[%dma_wait3A_90, %dma_wait3A_91] : memref<128x32xf32, #tpu.memory_space<vmem>> -> memref<1x32xf32, #tpu.memory_space<vmem>>
      %dma_wait3A_93 = arith.constant 0 : i32
      %dma_wait3A_94 = arith.constant 0 : i32
      %dma_wait3A_95 = tpu.memref_slice %arg6[%dma_wait3A_93, %dma_wait3A_94] : memref<1000000x32xf32, #tpu.memory_space<hbm>> -> memref<1x32xf32, #tpu.memory_space<hbm>>
      %dma_wait3A_96 = arith.constant 0 : i32
      %dma_wait3A_97 = arith.constant 0 : i32
      %dma_wait3A_98 = tpu.memref_slice %arg18[%dma_wait3A_96, %dma_wait3A_97] : memref<128x32xf32, #tpu.memory_space<vmem>> -> memref<1x32xf32, #tpu.memory_space<vmem>>
      %dma_wait3A_99 = arith.constant 0 : i32
      %dma_wait3A_100 = arith.constant 0 : i32
      %dma_wait3A_101 = tpu.memref_slice %arg6[%dma_wait3A_99, %dma_wait3A_100] : memref<1000000x32xf32, #tpu.memory_space<hbm>> -> memref<1x32xf32, #tpu.memory_space<hbm>>
      tpu.wait_dma2 semaphore(%arg20 : memref<!tpu.dma_semaphore, #tpu.memory_space<semaphore_mem>>) src(%dma_wait3A_101 : memref<1x32xf32, #tpu.memory_space<hbm>>) dst(%dma_wait3A_98 : memref<1x32xf32, #tpu.memory_space<vmem>>)
    }
    %scan3A_35 = arith.constant 128 : i32
    %mul3A_36 = arith.constant 512 : i32
    %mul3A_37 = arith.muli %add3A, %mul3A_36 : i32
    %add3A_38 = arith.constant 128 : i32
    %add3A_39 = arith.addi %mul3A_37, %add3A_38 : i32
    "tpu.region"() ({
      %run_scoped3A = tpu.sem_alloc : memref<!tpu.dma_semaphore, #tpu.memory_space<semaphore_mem>>
      %dma_start3A = arith.constant 0 : i32
      %dma_start3A_66 = tpu.memref_slice %arg7[%add3A_39, %dma_start3A] : memref<16384x32xf32, #tpu.memory_space<hbm>> -> memref<128x32xf32, #tpu.memory_space<hbm>>
      %dma_start3A_67 = arith.constant 0 : i32
      %dma_start3A_68 = tpu.memref_slice %arg7[%add3A_39, %dma_start3A_67] : memref<16384x32xf32, #tpu.memory_space<hbm>> -> memref<128x32xf32, #tpu.memory_space<hbm>>
      tpu.enqueue_dma source(%arg16 : memref<128x32xf32, #tpu.memory_space<vmem>>) target(%dma_start3A_68 : memref<128x32xf32, #tpu.memory_space<hbm>>) target_semaphore(%run_scoped3A : memref<!tpu.dma_semaphore, #tpu.memory_space<semaphore_mem>>)
      %dma_wait3A = arith.constant 0 : i32
      %dma_wait3A_69 = tpu.memref_slice %arg7[%add3A_39, %dma_wait3A] : memref<16384x32xf32, #tpu.memory_space<hbm>> -> memref<128x32xf32, #tpu.memory_space<hbm>>
      %dma_wait3A_70 = arith.constant 0 : i32
      %dma_wait3A_71 = tpu.memref_slice %arg7[%add3A_39, %dma_wait3A_70] : memref<16384x32xf32, #tpu.memory_space<hbm>> -> memref<128x32xf32, #tpu.memory_space<hbm>>
      tpu.wait_dma2 semaphore(%run_scoped3A : memref<!tpu.dma_semaphore, #tpu.memory_space<semaphore_mem>>) src(%arg16 : memref<128x32xf32, #tpu.memory_space<vmem>>) dst(%dma_wait3A_71 : memref<128x32xf32, #tpu.memory_space<hbm>>)
      tpu.yield
    }) : () -> ()
    "tpu.region"() ({
      %run_scoped3A = tpu.sem_alloc : memref<!tpu.dma_semaphore, #tpu.memory_space<semaphore_mem>>
      %dma_start3A = arith.constant 0 : i32
      %dma_start3A_66 = tpu.memref_slice %arg8[%add3A_39, %dma_start3A] : memref<16384x32xf32, #tpu.memory_space<hbm>> -> memref<128x32xf32, #tpu.memory_space<hbm>>
      %dma_start3A_67 = arith.constant 0 : i32
      %dma_start3A_68 = tpu.memref_slice %arg8[%add3A_39, %dma_start3A_67] : memref<16384x32xf32, #tpu.memory_space<hbm>> -> memref<128x32xf32, #tpu.memory_space<hbm>>
      tpu.enqueue_dma source(%arg17 : memref<128x32xf32, #tpu.memory_space<vmem>>) target(%dma_start3A_68 : memref<128x32xf32, #tpu.memory_space<hbm>>) target_semaphore(%run_scoped3A : memref<!tpu.dma_semaphore, #tpu.memory_space<semaphore_mem>>)
      %dma_wait3A = arith.constant 0 : i32
      %dma_wait3A_69 = tpu.memref_slice %arg8[%add3A_39, %dma_wait3A] : memref<16384x32xf32, #tpu.memory_space<hbm>> -> memref<128x32xf32, #tpu.memory_space<hbm>>
      %dma_wait3A_70 = arith.constant 0 : i32
      %dma_wait3A_71 = tpu.memref_slice %arg8[%add3A_39, %dma_wait3A_70] : memref<16384x32xf32, #tpu.memory_space<hbm>> -> memref<128x32xf32, #tpu.memory_space<hbm>>
      tpu.wait_dma2 semaphore(%run_scoped3A : memref<!tpu.dma_semaphore, #tpu.memory_space<semaphore_mem>>) src(%arg17 : memref<128x32xf32, #tpu.memory_space<vmem>>) dst(%dma_wait3A_71 : memref<128x32xf32, #tpu.memory_space<hbm>>)
      tpu.yield
    }) : () -> ()
    "tpu.region"() ({
      %run_scoped3A = tpu.sem_alloc : memref<!tpu.dma_semaphore, #tpu.memory_space<semaphore_mem>>
      %dma_start3A = arith.constant 0 : i32
      %dma_start3A_66 = tpu.memref_slice %arg9[%add3A_39, %dma_start3A] : memref<16384x32xf32, #tpu.memory_space<hbm>> -> memref<128x32xf32, #tpu.memory_space<hbm>>
      %dma_start3A_67 = arith.constant 0 : i32
      %dma_start3A_68 = tpu.memref_slice %arg9[%add3A_39, %dma_start3A_67] : memref<16384x32xf32, #tpu.memory_space<hbm>> -> memref<128x32xf32, #tpu.memory_space<hbm>>
      tpu.enqueue_dma source(%arg18 : memref<128x32xf32, #tpu.memory_space<vmem>>) target(%dma_start3A_68 : memref<128x32xf32, #tpu.memory_space<hbm>>) target_semaphore(%run_scoped3A : memref<!tpu.dma_semaphore, #tpu.memory_space<semaphore_mem>>)
      %dma_wait3A = arith.constant 0 : i32
      %dma_wait3A_69 = tpu.memref_slice %arg9[%add3A_39, %dma_wait3A] : memref<16384x32xf32, #tpu.memory_space<hbm>> -> memref<128x32xf32, #tpu.memory_space<hbm>>
      %dma_wait3A_70 = arith.constant 0 : i32
      %dma_wait3A_71 = tpu.memref_slice %arg9[%add3A_39, %dma_wait3A_70] : memref<16384x32xf32, #tpu.memory_space<hbm>> -> memref<128x32xf32, #tpu.memory_space<hbm>>
      tpu.wait_dma2 semaphore(%run_scoped3A : memref<!tpu.dma_semaphore, #tpu.memory_space<semaphore_mem>>) src(%arg18 : memref<128x32xf32, #tpu.memory_space<vmem>>) dst(%dma_wait3A_71 : memref<128x32xf32, #tpu.memory_space<hbm>>)
      tpu.yield
    }) : () -> ()
    %scan3A_40 = arith.constant 0 : i32
    %scan3A_41 = arith.constant 0 : i32
    %scan3A_42 = arith.constant 8 : i32
    %scan3A_43 = arith.addi %scan3A_41, %scan3A_42 : i32
    %scan3A_44 = arith.constant 1 : i32
    scf.for %scan3A_66 = %scan3A_41 to %scan3A_43 step %scan3A_44  : i32 {
      %mul3A_67 = arith.constant 16 : i32
      %mul3A_68 = arith.muli %scan3A_66, %mul3A_67 : i32
      %get3A = arith.constant 3 : i32
      %get3A_69 = arith.index_cast %get3A : i32 to index
      %get3A_70 = arith.index_cast %mul3A_68 : i32 to index
      %get3A_71 = tpu.vector_load %arg10[%get3A_69, %get3A_70] {strides = array<i32>} : memref<4x128xi32, #tpu.memory_space<vmem>>, vector<1x16xi32>,
      %get3A_72 = vector.shape_cast %get3A_71 : vector<1x16xi32> to vector<16xi32>
      %get3A_73 = arith.constant 3 : i32
      %get3A_74 = arith.index_cast %get3A_73 : i32 to index
      %get3A_75 = arith.index_cast %mul3A_68 : i32 to index
      %get3A_76 = tpu.vector_load %arg11[%get3A_74, %get3A_75] {strides = array<i32>} : memref<4x128xi32, #tpu.memory_space<vmem>>, vector<1x16xi32>,
      %get3A_77 = vector.shape_cast %get3A_76 : vector<1x16xi32> to vector<16xi32>
      %get3A_78 = arith.constant 3 : i32
      %get3A_79 = arith.index_cast %get3A_78 : i32 to index
      %get3A_80 = arith.index_cast %mul3A_68 : i32 to index
      %get3A_81 = tpu.vector_load %arg12[%get3A_79, %get3A_80] {strides = array<i32>} : memref<4x128xi32, #tpu.memory_space<vmem>>, vector<1x16xi32>,
      %get3A_82 = vector.shape_cast %get3A_81 : vector<1x16xi32> to vector<16xi32>
      %add3A_83 = arith.constant 0 : i32
      %add3A_84 = arith.addi %mul3A_68, %add3A_83 : i32
      %slice3A = vector.extract_strided_slice %get3A_72 {offsets = [0], sizes = [1], strides = [1]} : vector<16xi32> to vector<1xi32>
      %squeeze3A = vector.extract %slice3A[0] : i32 from vector<1xi32>
      %dma_start3A = arith.constant 0 : i32
      %dma_start3A_85 = tpu.memref_slice %arg16[%add3A_84, %dma_start3A] : memref<128x32xf32, #tpu.memory_space<vmem>> -> memref<1x32xf32, #tpu.memory_space<vmem>>
      %dma_start3A_86 = arith.constant 0 : i32
      %dma_start3A_87 = tpu.memref_slice %arg5[%squeeze3A, %dma_start3A_86] : memref<1000000x32xf32, #tpu.memory_space<hbm>> -> memref<1x32xf32, #tpu.memory_space<hbm>>
      %dma_start3A_88 = arith.constant 0 : i32
      %dma_start3A_89 = tpu.memref_slice %arg16[%add3A_84, %dma_start3A_88] : memref<128x32xf32, #tpu.memory_space<vmem>> -> memref<1x32xf32, #tpu.memory_space<vmem>>
      %dma_start3A_90 = arith.constant 0 : i32
      %dma_start3A_91 = tpu.memref_slice %arg5[%squeeze3A, %dma_start3A_90] : memref<1000000x32xf32, #tpu.memory_space<hbm>> -> memref<1x32xf32, #tpu.memory_space<hbm>>
      tpu.enqueue_dma source(%dma_start3A_91 : memref<1x32xf32, #tpu.memory_space<hbm>>) target(%dma_start3A_89 : memref<1x32xf32, #tpu.memory_space<vmem>>) target_semaphore(%arg20 : memref<!tpu.dma_semaphore, #tpu.memory_space<semaphore_mem>>)
      %slice3A_92 = vector.extract_strided_slice %get3A_77 {offsets = [0], sizes = [1], strides = [1]} : vector<16xi32> to vector<1xi32>
      %squeeze3A_93 = vector.extract %slice3A_92[0] : i32 from vector<1xi32>
      %dma_start3A_94 = arith.constant 0 : i32
      %dma_start3A_95 = tpu.memref_slice %arg17[%add3A_84, %dma_start3A_94] : memref<128x32xf32, #tpu.memory_space<vmem>> -> memref<1x32xf32, #tpu.memory_space<vmem>>
      %dma_start3A_96 = arith.constant 0 : i32
      %dma_start3A_97 = tpu.memref_slice %arg6[%squeeze3A_93, %dma_start3A_96] : memref<1000000x32xf32, #tpu.memory_space<hbm>> -> memref<1x32xf32, #tpu.memory_space<hbm>>
      %dma_start3A_98 = arith.constant 0 : i32
      %dma_start3A_99 = tpu.memref_slice %arg17[%add3A_84, %dma_start3A_98] : memref<128x32xf32, #tpu.memory_space<vmem>> -> memref<1x32xf32, #tpu.memory_space<vmem>>
      %dma_start3A_100 = arith.constant 0 : i32
      %dma_start3A_101 = tpu.memref_slice %arg6[%squeeze3A_93, %dma_start3A_100] : memref<1000000x32xf32, #tpu.memory_space<hbm>> -> memref<1x32xf32, #tpu.memory_space<hbm>>
      tpu.enqueue_dma source(%dma_start3A_101 : memref<1x32xf32, #tpu.memory_space<hbm>>) target(%dma_start3A_99 : memref<1x32xf32, #tpu.memory_space<vmem>>) target_semaphore(%arg20 : memref<!tpu.dma_semaphore, #tpu.memory_space<semaphore_mem>>)
      %slice3A_102 = vector.extract_strided_slice %get3A_82 {offsets = [0], sizes = [1], strides = [1]} : vector<16xi32> to vector<1xi32>
      %squeeze3A_103 = vector.extract %slice3A_102[0] : i32 from vector<1xi32>
      %dma_start3A_104 = arith.constant 0 : i32
      %dma_start3A_105 = tpu.memref_slice %arg18[%add3A_84, %dma_start3A_104] : memref<128x32xf32, #tpu.memory_space<vmem>> -> memref<1x32xf32, #tpu.memory_space<vmem>>
      %dma_start3A_106 = arith.constant 0 : i32
      %dma_start3A_107 = tpu.memref_slice %arg6[%squeeze3A_103, %dma_start3A_106] : memref<1000000x32xf32, #tpu.memory_space<hbm>> -> memref<1x32xf32, #tpu.memory_space<hbm>>
      %dma_start3A_108 = arith.constant 0 : i32
      %dma_start3A_109 = tpu.memref_slice %arg18[%add3A_84, %dma_start3A_108] : memref<128x32xf32, #tpu.memory_space<vmem>> -> memref<1x32xf32, #tpu.memory_space<vmem>>
      %dma_start3A_110 = arith.constant 0 : i32
      %dma_start3A_111 = tpu.memref_slice %arg6[%squeeze3A_103, %dma_start3A_110] : memref<1000000x32xf32, #tpu.memory_space<hbm>> -> memref<1x32xf32, #tpu.memory_space<hbm>>
      tpu.enqueue_dma source(%dma_start3A_111 : memref<1x32xf32, #tpu.memory_space<hbm>>) target(%dma_start3A_109 : memref<1x32xf32, #tpu.memory_space<vmem>>) target_semaphore(%arg20 : memref<!tpu.dma_semaphore, #tpu.memory_space<semaphore_mem>>)
      %add3A_112 = arith.constant 1 : i32
      %add3A_113 = arith.addi %mul3A_68, %add3A_112 : i32
      %slice3A_114 = vector.extract_strided_slice %get3A_72 {offsets = [1], sizes = [1], strides = [1]} : vector<16xi32> to vector<1xi32>
      %squeeze3A_115 = vector.extract %slice3A_114[0] : i32 from vector<1xi32>
      %dma_start3A_116 = arith.constant 0 : i32
      %dma_start3A_117 = tpu.memref_slice %arg16[%add3A_113, %dma_start3A_116] : memref<128x32xf32, #tpu.memory_space<vmem>> -> memref<1x32xf32, #tpu.memory_space<vmem>>
      %dma_start3A_118 = arith.constant 0 : i32
      %dma_start3A_119 = tpu.memref_slice %arg5[%squeeze3A_115, %dma_start3A_118] : memref<1000000x32xf32, #tpu.memory_space<hbm>> -> memref<1x32xf32, #tpu.memory_space<hbm>>
      %dma_start3A_120 = arith.constant 0 : i32
      %dma_start3A_121 = tpu.memref_slice %arg16[%add3A_113, %dma_start3A_120] : memref<128x32xf32, #tpu.memory_space<vmem>> -> memref<1x32xf32, #tpu.memory_space<vmem>>
      %dma_start3A_122 = arith.constant 0 : i32
      %dma_start3A_123 = tpu.memref_slice %arg5[%squeeze3A_115, %dma_start3A_122] : memref<1000000x32xf32, #tpu.memory_space<hbm>> -> memref<1x32xf32, #tpu.memory_space<hbm>>
      tpu.enqueue_dma source(%dma_start3A_123 : memref<1x32xf32, #tpu.memory_space<hbm>>) target(%dma_start3A_121 : memref<1x32xf32, #tpu.memory_space<vmem>>) target_semaphore(%arg20 : memref<!tpu.dma_semaphore, #tpu.memory_space<semaphore_mem>>)
      %slice3A_124 = vector.extract_strided_slice %get3A_77 {offsets = [1], sizes = [1], strides = [1]} : vector<16xi32> to vector<1xi32>
      %squeeze3A_125 = vector.extract %slice3A_124[0] : i32 from vector<1xi32>
      %dma_start3A_126 = arith.constant 0 : i32
      %dma_start3A_127 = tpu.memref_slice %arg17[%add3A_113, %dma_start3A_126] : memref<128x32xf32, #tpu.memory_space<vmem>> -> memref<1x32xf32, #tpu.memory_space<vmem>>
      %dma_start3A_128 = arith.constant 0 : i32
      %dma_start3A_129 = tpu.memref_slice %arg6[%squeeze3A_125, %dma_start3A_128] : memref<1000000x32xf32, #tpu.memory_space<hbm>> -> memref<1x32xf32, #tpu.memory_space<hbm>>
      %dma_start3A_130 = arith.constant 0 : i32
      %dma_start3A_131 = tpu.memref_slice %arg17[%add3A_113, %dma_start3A_130] : memref<128x32xf32, #tpu.memory_space<vmem>> -> memref<1x32xf32, #tpu.memory_space<vmem>>
      %dma_start3A_132 = arith.constant 0 : i32
      %dma_start3A_133 = tpu.memref_slice %arg6[%squeeze3A_125, %dma_start3A_132] : memref<1000000x32xf32, #tpu.memory_space<hbm>> -> memref<1x32xf32, #tpu.memory_space<hbm>>
      tpu.enqueue_dma source(%dma_start3A_133 : memref<1x32xf32, #tpu.memory_space<hbm>>) target(%dma_start3A_131 : memref<1x32xf32, #tpu.memory_space<vmem>>) target_semaphore(%arg20 : memref<!tpu.dma_semaphore, #tpu.memory_space<semaphore_mem>>)
      %slice3A_134 = vector.extract_strided_slice %get3A_82 {offsets = [1], sizes = [1], strides = [1]} : vector<16xi32> to vector<1xi32>
      %squeeze3A_135 = vector.extract %slice3A_134[0] : i32 from vector<1xi32>
      %dma_start3A_136 = arith.constant 0 : i32
      %dma_start3A_137 = tpu.memref_slice %arg18[%add3A_113, %dma_start3A_136] : memref<128x32xf32, #tpu.memory_space<vmem>> -> memref<1x32xf32, #tpu.memory_space<vmem>>
      %dma_start3A_138 = arith.constant 0 : i32
      %dma_start3A_139 = tpu.memref_slice %arg6[%squeeze3A_135, %dma_start3A_138] : memref<1000000x32xf32, #tpu.memory_space<hbm>> -> memref<1x32xf32, #tpu.memory_space<hbm>>
      %dma_start3A_140 = arith.constant 0 : i32
      %dma_start3A_141 = tpu.memref_slice %arg18[%add3A_113, %dma_start3A_140] : memref<128x32xf32, #tpu.memory_space<vmem>> -> memref<1x32xf32, #tpu.memory_space<vmem>>
      %dma_start3A_142 = arith.constant 0 : i32
      %dma_start3A_143 = tpu.memref_slice %arg6[%squeeze3A_135, %dma_start3A_142] : memref<1000000x32xf32, #tpu.memory_space<hbm>> -> memref<1x32xf32, #tpu.memory_space<hbm>>
      tpu.enqueue_dma source(%dma_start3A_143 : memref<1x32xf32, #tpu.memory_space<hbm>>) target(%dma_start3A_141 : memref<1x32xf32, #tpu.memory_space<vmem>>) target_semaphore(%arg20 : memref<!tpu.dma_semaphore, #tpu.memory_space<semaphore_mem>>)
      %add3A_144 = arith.constant 2 : i32
      %add3A_145 = arith.addi %mul3A_68, %add3A_144 : i32
      %slice3A_146 = vector.extract_strided_slice %get3A_72 {offsets = [2], sizes = [1], strides = [1]} : vector<16xi32> to vector<1xi32>
      %squeeze3A_147 = vector.extract %slice3A_146[0] : i32 from vector<1xi32>
      %dma_start3A_148 = arith.constant 0 : i32
      %dma_start3A_149 = tpu.memref_slice %arg16[%add3A_145, %dma_start3A_148] : memref<128x32xf32, #tpu.memory_space<vmem>> -> memref<1x32xf32, #tpu.memory_space<vmem>>
      %dma_start3A_150 = arith.constant 0 : i32
      %dma_start3A_151 = tpu.memref_slice %arg5[%squeeze3A_147, %dma_start3A_150] : memref<1000000x32xf32, #tpu.memory_space<hbm>> -> memref<1x32xf32, #tpu.memory_space<hbm>>
      %dma_start3A_152 = arith.constant 0 : i32
      %dma_start3A_153 = tpu.memref_slice %arg16[%add3A_145, %dma_start3A_152] : memref<128x32xf32, #tpu.memory_space<vmem>> -> memref<1x32xf32, #tpu.memory_space<vmem>>
      %dma_start3A_154 = arith.constant 0 : i32
      %dma_start3A_155 = tpu.memref_slice %arg5[%squeeze3A_147, %dma_start3A_154] : memref<1000000x32xf32, #tpu.memory_space<hbm>> -> memref<1x32xf32, #tpu.memory_space<hbm>>
      tpu.enqueue_dma source(%dma_start3A_155 : memref<1x32xf32, #tpu.memory_space<hbm>>) target(%dma_start3A_153 : memref<1x32xf32, #tpu.memory_space<vmem>>) target_semaphore(%arg20 : memref<!tpu.dma_semaphore, #tpu.memory_space<semaphore_mem>>)
      %slice3A_156 = vector.extract_strided_slice %get3A_77 {offsets = [2], sizes = [1], strides = [1]} : vector<16xi32> to vector<1xi32>
      %squeeze3A_157 = vector.extract %slice3A_156[0] : i32 from vector<1xi32>
      %dma_start3A_158 = arith.constant 0 : i32
      %dma_start3A_159 = tpu.memref_slice %arg17[%add3A_145, %dma_start3A_158] : memref<128x32xf32, #tpu.memory_space<vmem>> -> memref<1x32xf32, #tpu.memory_space<vmem>>
      %dma_start3A_160 = arith.constant 0 : i32
      %dma_start3A_161 = tpu.memref_slice %arg6[%squeeze3A_157, %dma_start3A_160] : memref<1000000x32xf32, #tpu.memory_space<hbm>> -> memref<1x32xf32, #tpu.memory_space<hbm>>
      %dma_start3A_162 = arith.constant 0 : i32
      %dma_start3A_163 = tpu.memref_slice %arg17[%add3A_145, %dma_start3A_162] : memref<128x32xf32, #tpu.memory_space<vmem>> -> memref<1x32xf32, #tpu.memory_space<vmem>>
      %dma_start3A_164 = arith.constant 0 : i32
      %dma_start3A_165 = tpu.memref_slice %arg6[%squeeze3A_157, %dma_start3A_164] : memref<1000000x32xf32, #tpu.memory_space<hbm>> -> memref<1x32xf32, #tpu.memory_space<hbm>>
      tpu.enqueue_dma source(%dma_start3A_165 : memref<1x32xf32, #tpu.memory_space<hbm>>) target(%dma_start3A_163 : memref<1x32xf32, #tpu.memory_space<vmem>>) target_semaphore(%arg20 : memref<!tpu.dma_semaphore, #tpu.memory_space<semaphore_mem>>)
      %slice3A_166 = vector.extract_strided_slice %get3A_82 {offsets = [2], sizes = [1], strides = [1]} : vector<16xi32> to vector<1xi32>
      %squeeze3A_167 = vector.extract %slice3A_166[0] : i32 from vector<1xi32>
      %dma_start3A_168 = arith.constant 0 : i32
      %dma_start3A_169 = tpu.memref_slice %arg18[%add3A_145, %dma_start3A_168] : memref<128x32xf32, #tpu.memory_space<vmem>> -> memref<1x32xf32, #tpu.memory_space<vmem>>
      %dma_start3A_170 = arith.constant 0 : i32
      %dma_start3A_171 = tpu.memref_slice %arg6[%squeeze3A_167, %dma_start3A_170] : memref<1000000x32xf32, #tpu.memory_space<hbm>> -> memref<1x32xf32, #tpu.memory_space<hbm>>
      %dma_start3A_172 = arith.constant 0 : i32
      %dma_start3A_173 = tpu.memref_slice %arg18[%add3A_145, %dma_start3A_172] : memref<128x32xf32, #tpu.memory_space<vmem>> -> memref<1x32xf32, #tpu.memory_space<vmem>>
      %dma_start3A_174 = arith.constant 0 : i32
      %dma_start3A_175 = tpu.memref_slice %arg6[%squeeze3A_167, %dma_start3A_174] : memref<1000000x32xf32, #tpu.memory_space<hbm>> -> memref<1x32xf32, #tpu.memory_space<hbm>>
      tpu.enqueue_dma source(%dma_start3A_175 : memref<1x32xf32, #tpu.memory_space<hbm>>) target(%dma_start3A_173 : memref<1x32xf32, #tpu.memory_space<vmem>>) target_semaphore(%arg20 : memref<!tpu.dma_semaphore, #tpu.memory_space<semaphore_mem>>)
      %add3A_176 = arith.constant 3 : i32
      %add3A_177 = arith.addi %mul3A_68, %add3A_176 : i32
      %slice3A_178 = vector.extract_strided_slice %get3A_72 {offsets = [3], sizes = [1], strides = [1]} : vector<16xi32> to vector<1xi32>
      %squeeze3A_179 = vector.extract %slice3A_178[0] : i32 from vector<1xi32>
      %dma_start3A_180 = arith.constant 0 : i32
      %dma_start3A_181 = tpu.memref_slice %arg16[%add3A_177, %dma_start3A_180] : memref<128x32xf32, #tpu.memory_space<vmem>> -> memref<1x32xf32, #tpu.memory_space<vmem>>
      %dma_start3A_182 = arith.constant 0 : i32
      %dma_start3A_183 = tpu.memref_slice %arg5[%squeeze3A_179, %dma_start3A_182] : memref<1000000x32xf32, #tpu.memory_space<hbm>> -> memref<1x32xf32, #tpu.memory_space<hbm>>
      %dma_start3A_184 = arith.constant 0 : i32
      %dma_start3A_185 = tpu.memref_slice %arg16[%add3A_177, %dma_start3A_184] : memref<128x32xf32, #tpu.memory_space<vmem>> -> memref<1x32xf32, #tpu.memory_space<vmem>>
      %dma_start3A_186 = arith.constant 0 : i32
      %dma_start3A_187 = tpu.memref_slice %arg5[%squeeze3A_179, %dma_start3A_186] : memref<1000000x32xf32, #tpu.memory_space<hbm>> -> memref<1x32xf32, #tpu.memory_space<hbm>>
      tpu.enqueue_dma source(%dma_start3A_187 : memref<1x32xf32, #tpu.memory_space<hbm>>) target(%dma_start3A_185 : memref<1x32xf32, #tpu.memory_space<vmem>>) target_semaphore(%arg20 : memref<!tpu.dma_semaphore, #tpu.memory_space<semaphore_mem>>)
      %slice3A_188 = vector.extract_strided_slice %get3A_77 {offsets = [3], sizes = [1], strides = [1]} : vector<16xi32> to vector<1xi32>
      %squeeze3A_189 = vector.extract %slice3A_188[0] : i32 from vector<1xi32>
      %dma_start3A_190 = arith.constant 0 : i32
      %dma_start3A_191 = tpu.memref_slice %arg17[%add3A_177, %dma_start3A_190] : memref<128x32xf32, #tpu.memory_space<vmem>> -> memref<1x32xf32, #tpu.memory_space<vmem>>
      %dma_start3A_192 = arith.constant 0 : i32
      %dma_start3A_193 = tpu.memref_slice %arg6[%squeeze3A_189, %dma_start3A_192] : memref<1000000x32xf32, #tpu.memory_space<hbm>> -> memref<1x32xf32, #tpu.memory_space<hbm>>
      %dma_start3A_194 = arith.constant 0 : i32
      %dma_start3A_195 = tpu.memref_slice %arg17[%add3A_177, %dma_start3A_194] : memref<128x32xf32, #tpu.memory_space<vmem>> -> memref<1x32xf32, #tpu.memory_space<vmem>>
      %dma_start3A_196 = arith.constant 0 : i32
      %dma_start3A_197 = tpu.memref_slice %arg6[%squeeze3A_189, %dma_start3A_196] : memref<1000000x32xf32, #tpu.memory_space<hbm>> -> memref<1x32xf32, #tpu.memory_space<hbm>>
      tpu.enqueue_dma source(%dma_start3A_197 : memref<1x32xf32, #tpu.memory_space<hbm>>) target(%dma_start3A_195 : memref<1x32xf32, #tpu.memory_space<vmem>>) target_semaphore(%arg20 : memref<!tpu.dma_semaphore, #tpu.memory_space<semaphore_mem>>)
      %slice3A_198 = vector.extract_strided_slice %get3A_82 {offsets = [3], sizes = [1], strides = [1]} : vector<16xi32> to vector<1xi32>
      %squeeze3A_199 = vector.extract %slice3A_198[0] : i32 from vector<1xi32>
      %dma_start3A_200 = arith.constant 0 : i32
      %dma_start3A_201 = tpu.memref_slice %arg18[%add3A_177, %dma_start3A_200] : memref<128x32xf32, #tpu.memory_space<vmem>> -> memref<1x32xf32, #tpu.memory_space<vmem>>
      %dma_start3A_202 = arith.constant 0 : i32
      %dma_start3A_203 = tpu.memref_slice %arg6[%squeeze3A_199, %dma_start3A_202] : memref<1000000x32xf32, #tpu.memory_space<hbm>> -> memref<1x32xf32, #tpu.memory_space<hbm>>
      %dma_start3A_204 = arith.constant 0 : i32
      %dma_start3A_205 = tpu.memref_slice %arg18[%add3A_177, %dma_start3A_204] : memref<128x32xf32, #tpu.memory_space<vmem>> -> memref<1x32xf32, #tpu.memory_space<vmem>>
      %dma_start3A_206 = arith.constant 0 : i32
      %dma_start3A_207 = tpu.memref_slice %arg6[%squeeze3A_199, %dma_start3A_206] : memref<1000000x32xf32, #tpu.memory_space<hbm>> -> memref<1x32xf32, #tpu.memory_space<hbm>>
      tpu.enqueue_dma source(%dma_start3A_207 : memref<1x32xf32, #tpu.memory_space<hbm>>) target(%dma_start3A_205 : memref<1x32xf32, #tpu.memory_space<vmem>>) target_semaphore(%arg20 : memref<!tpu.dma_semaphore, #tpu.memory_space<semaphore_mem>>)
      %add3A_208 = arith.constant 4 : i32
      %add3A_209 = arith.addi %mul3A_68, %add3A_208 : i32
      %slice3A_210 = vector.extract_strided_slice %get3A_72 {offsets = [4], sizes = [1], strides = [1]} : vector<16xi32> to vector<1xi32>
      %squeeze3A_211 = vector.extract %slice3A_210[0] : i32 from vector<1xi32>
      %dma_start3A_212 = arith.constant 0 : i32
      %dma_start3A_213 = tpu.memref_slice %arg16[%add3A_209, %dma_start3A_212] : memref<128x32xf32, #tpu.memory_space<vmem>> -> memref<1x32xf32, #tpu.memory_space<vmem>>
      %dma_start3A_214 = arith.constant 0 : i32
      %dma_start3A_215 = tpu.memref_slice %arg5[%squeeze3A_211, %dma_start3A_214] : memref<1000000x32xf32, #tpu.memory_space<hbm>> -> memref<1x32xf32, #tpu.memory_space<hbm>>
      %dma_start3A_216 = arith.constant 0 : i32
      %dma_start3A_217 = tpu.memref_slice %arg16[%add3A_209, %dma_start3A_216] : memref<128x32xf32, #tpu.memory_space<vmem>> -> memref<1x32xf32, #tpu.memory_space<vmem>>
      %dma_start3A_218 = arith.constant 0 : i32
      %dma_start3A_219 = tpu.memref_slice %arg5[%squeeze3A_211, %dma_start3A_218] : memref<1000000x32xf32, #tpu.memory_space<hbm>> -> memref<1x32xf32, #tpu.memory_space<hbm>>
      tpu.enqueue_dma source(%dma_start3A_219 : memref<1x32xf32, #tpu.memory_space<hbm>>) target(%dma_start3A_217 : memref<1x32xf32, #tpu.memory_space<vmem>>) target_semaphore(%arg20 : memref<!tpu.dma_semaphore, #tpu.memory_space<semaphore_mem>>)
      %slice3A_220 = vector.extract_strided_slice %get3A_77 {offsets = [4], sizes = [1], strides = [1]} : vector<16xi32> to vector<1xi32>
      %squeeze3A_221 = vector.extract %slice3A_220[0] : i32 from vector<1xi32>
      %dma_start3A_222 = arith.constant 0 : i32
      %dma_start3A_223 = tpu.memref_slice %arg17[%add3A_209, %dma_start3A_222] : memref<128x32xf32, #tpu.memory_space<vmem>> -> memref<1x32xf32, #tpu.memory_space<vmem>>
      %dma_start3A_224 = arith.constant 0 : i32
      %dma_start3A_225 = tpu.memref_slice %arg6[%squeeze3A_221, %dma_start3A_224] : memref<1000000x32xf32, #tpu.memory_space<hbm>> -> memref<1x32xf32, #tpu.memory_space<hbm>>
      %dma_start3A_226 = arith.constant 0 : i32
      %dma_start3A_227 = tpu.memref_slice %arg17[%add3A_209, %dma_start3A_226] : memref<128x32xf32, #tpu.memory_space<vmem>> -> memref<1x32xf32, #tpu.memory_space<vmem>>
      %dma_start3A_228 = arith.constant 0 : i32
      %dma_start3A_229 = tpu.memref_slice %arg6[%squeeze3A_221, %dma_start3A_228] : memref<1000000x32xf32, #tpu.memory_space<hbm>> -> memref<1x32xf32, #tpu.memory_space<hbm>>
      tpu.enqueue_dma source(%dma_start3A_229 : memref<1x32xf32, #tpu.memory_space<hbm>>) target(%dma_start3A_227 : memref<1x32xf32, #tpu.memory_space<vmem>>) target_semaphore(%arg20 : memref<!tpu.dma_semaphore, #tpu.memory_space<semaphore_mem>>)
      %slice3A_230 = vector.extract_strided_slice %get3A_82 {offsets = [4], sizes = [1], strides = [1]} : vector<16xi32> to vector<1xi32>
      %squeeze3A_231 = vector.extract %slice3A_230[0] : i32 from vector<1xi32>
      %dma_start3A_232 = arith.constant 0 : i32
      %dma_start3A_233 = tpu.memref_slice %arg18[%add3A_209, %dma_start3A_232] : memref<128x32xf32, #tpu.memory_space<vmem>> -> memref<1x32xf32, #tpu.memory_space<vmem>>
      %dma_start3A_234 = arith.constant 0 : i32
      %dma_start3A_235 = tpu.memref_slice %arg6[%squeeze3A_231, %dma_start3A_234] : memref<1000000x32xf32, #tpu.memory_space<hbm>> -> memref<1x32xf32, #tpu.memory_space<hbm>>
      %dma_start3A_236 = arith.constant 0 : i32
      %dma_start3A_237 = tpu.memref_slice %arg18[%add3A_209, %dma_start3A_236] : memref<128x32xf32, #tpu.memory_space<vmem>> -> memref<1x32xf32, #tpu.memory_space<vmem>>
      %dma_start3A_238 = arith.constant 0 : i32
      %dma_start3A_239 = tpu.memref_slice %arg6[%squeeze3A_231, %dma_start3A_238] : memref<1000000x32xf32, #tpu.memory_space<hbm>> -> memref<1x32xf32, #tpu.memory_space<hbm>>
      tpu.enqueue_dma source(%dma_start3A_239 : memref<1x32xf32, #tpu.memory_space<hbm>>) target(%dma_start3A_237 : memref<1x32xf32, #tpu.memory_space<vmem>>) target_semaphore(%arg20 : memref<!tpu.dma_semaphore, #tpu.memory_space<semaphore_mem>>)
      %add3A_240 = arith.constant 5 : i32
      %add3A_241 = arith.addi %mul3A_68, %add3A_240 : i32
      %slice3A_242 = vector.extract_strided_slice %get3A_72 {offsets = [5], sizes = [1], strides = [1]} : vector<16xi32> to vector<1xi32>
      %squeeze3A_243 = vector.extract %slice3A_242[0] : i32 from vector<1xi32>
      %dma_start3A_244 = arith.constant 0 : i32
      %dma_start3A_245 = tpu.memref_slice %arg16[%add3A_241, %dma_start3A_244] : memref<128x32xf32, #tpu.memory_space<vmem>> -> memref<1x32xf32, #tpu.memory_space<vmem>>
      %dma_start3A_246 = arith.constant 0 : i32
      %dma_start3A_247 = tpu.memref_slice %arg5[%squeeze3A_243, %dma_start3A_246] : memref<1000000x32xf32, #tpu.memory_space<hbm>> -> memref<1x32xf32, #tpu.memory_space<hbm>>
      %dma_start3A_248 = arith.constant 0 : i32
      %dma_start3A_249 = tpu.memref_slice %arg16[%add3A_241, %dma_start3A_248] : memref<128x32xf32, #tpu.memory_space<vmem>> -> memref<1x32xf32, #tpu.memory_space<vmem>>
      %dma_start3A_250 = arith.constant 0 : i32
      %dma_start3A_251 = tpu.memref_slice %arg5[%squeeze3A_243, %dma_start3A_250] : memref<1000000x32xf32, #tpu.memory_space<hbm>> -> memref<1x32xf32, #tpu.memory_space<hbm>>
      tpu.enqueue_dma source(%dma_start3A_251 : memref<1x32xf32, #tpu.memory_space<hbm>>) target(%dma_start3A_249 : memref<1x32xf32, #tpu.memory_space<vmem>>) target_semaphore(%arg20 : memref<!tpu.dma_semaphore, #tpu.memory_space<semaphore_mem>>)
      %slice3A_252 = vector.extract_strided_slice %get3A_77 {offsets = [5], sizes = [1], strides = [1]} : vector<16xi32> to vector<1xi32>
      %squeeze3A_253 = vector.extract %slice3A_252[0] : i32 from vector<1xi32>
      %dma_start3A_254 = arith.constant 0 : i32
      %dma_start3A_255 = tpu.memref_slice %arg17[%add3A_241, %dma_start3A_254] : memref<128x32xf32, #tpu.memory_space<vmem>> -> memref<1x32xf32, #tpu.memory_space<vmem>>
      %dma_start3A_256 = arith.constant 0 : i32
      %dma_start3A_257 = tpu.memref_slice %arg6[%squeeze3A_253, %dma_start3A_256] : memref<1000000x32xf32, #tpu.memory_space<hbm>> -> memref<1x32xf32, #tpu.memory_space<hbm>>
      %dma_start3A_258 = arith.constant 0 : i32
      %dma_start3A_259 = tpu.memref_slice %arg17[%add3A_241, %dma_start3A_258] : memref<128x32xf32, #tpu.memory_space<vmem>> -> memref<1x32xf32, #tpu.memory_space<vmem>>
      %dma_start3A_260 = arith.constant 0 : i32
      %dma_start3A_261 = tpu.memref_slice %arg6[%squeeze3A_253, %dma_start3A_260] : memref<1000000x32xf32, #tpu.memory_space<hbm>> -> memref<1x32xf32, #tpu.memory_space<hbm>>
      tpu.enqueue_dma source(%dma_start3A_261 : memref<1x32xf32, #tpu.memory_space<hbm>>) target(%dma_start3A_259 : memref<1x32xf32, #tpu.memory_space<vmem>>) target_semaphore(%arg20 : memref<!tpu.dma_semaphore, #tpu.memory_space<semaphore_mem>>)
      %slice3A_262 = vector.extract_strided_slice %get3A_82 {offsets = [5], sizes = [1], strides = [1]} : vector<16xi32> to vector<1xi32>
      %squeeze3A_263 = vector.extract %slice3A_262[0] : i32 from vector<1xi32>
      %dma_start3A_264 = arith.constant 0 : i32
      %dma_start3A_265 = tpu.memref_slice %arg18[%add3A_241, %dma_start3A_264] : memref<128x32xf32, #tpu.memory_space<vmem>> -> memref<1x32xf32, #tpu.memory_space<vmem>>
      %dma_start3A_266 = arith.constant 0 : i32
      %dma_start3A_267 = tpu.memref_slice %arg6[%squeeze3A_263, %dma_start3A_266] : memref<1000000x32xf32, #tpu.memory_space<hbm>> -> memref<1x32xf32, #tpu.memory_space<hbm>>
      %dma_start3A_268 = arith.constant 0 : i32
      %dma_start3A_269 = tpu.memref_slice %arg18[%add3A_241, %dma_start3A_268] : memref<128x32xf32, #tpu.memory_space<vmem>> -> memref<1x32xf32, #tpu.memory_space<vmem>>
      %dma_start3A_270 = arith.constant 0 : i32
      %dma_start3A_271 = tpu.memref_slice %arg6[%squeeze3A_263, %dma_start3A_270] : memref<1000000x32xf32, #tpu.memory_space<hbm>> -> memref<1x32xf32, #tpu.memory_space<hbm>>
      tpu.enqueue_dma source(%dma_start3A_271 : memref<1x32xf32, #tpu.memory_space<hbm>>) target(%dma_start3A_269 : memref<1x32xf32, #tpu.memory_space<vmem>>) target_semaphore(%arg20 : memref<!tpu.dma_semaphore, #tpu.memory_space<semaphore_mem>>)
      %add3A_272 = arith.constant 6 : i32
      %add3A_273 = arith.addi %mul3A_68, %add3A_272 : i32
      %slice3A_274 = vector.extract_strided_slice %get3A_72 {offsets = [6], sizes = [1], strides = [1]} : vector<16xi32> to vector<1xi32>
      %squeeze3A_275 = vector.extract %slice3A_274[0] : i32 from vector<1xi32>
      %dma_start3A_276 = arith.constant 0 : i32
      %dma_start3A_277 = tpu.memref_slice %arg16[%add3A_273, %dma_start3A_276] : memref<128x32xf32, #tpu.memory_space<vmem>> -> memref<1x32xf32, #tpu.memory_space<vmem>>
      %dma_start3A_278 = arith.constant 0 : i32
      %dma_start3A_279 = tpu.memref_slice %arg5[%squeeze3A_275, %dma_start3A_278] : memref<1000000x32xf32, #tpu.memory_space<hbm>> -> memref<1x32xf32, #tpu.memory_space<hbm>>
      %dma_start3A_280 = arith.constant 0 : i32
      %dma_start3A_281 = tpu.memref_slice %arg16[%add3A_273, %dma_start3A_280] : memref<128x32xf32, #tpu.memory_space<vmem>> -> memref<1x32xf32, #tpu.memory_space<vmem>>
      %dma_start3A_282 = arith.constant 0 : i32
      %dma_start3A_283 = tpu.memref_slice %arg5[%squeeze3A_275, %dma_start3A_282] : memref<1000000x32xf32, #tpu.memory_space<hbm>> -> memref<1x32xf32, #tpu.memory_space<hbm>>
      tpu.enqueue_dma source(%dma_start3A_283 : memref<1x32xf32, #tpu.memory_space<hbm>>) target(%dma_start3A_281 : memref<1x32xf32, #tpu.memory_space<vmem>>) target_semaphore(%arg20 : memref<!tpu.dma_semaphore, #tpu.memory_space<semaphore_mem>>)
      %slice3A_284 = vector.extract_strided_slice %get3A_77 {offsets = [6], sizes = [1], strides = [1]} : vector<16xi32> to vector<1xi32>
      %squeeze3A_285 = vector.extract %slice3A_284[0] : i32 from vector<1xi32>
      %dma_start3A_286 = arith.constant 0 : i32
      %dma_start3A_287 = tpu.memref_slice %arg17[%add3A_273, %dma_start3A_286] : memref<128x32xf32, #tpu.memory_space<vmem>> -> memref<1x32xf32, #tpu.memory_space<vmem>>
      %dma_start3A_288 = arith.constant 0 : i32
      %dma_start3A_289 = tpu.memref_slice %arg6[%squeeze3A_285, %dma_start3A_288] : memref<1000000x32xf32, #tpu.memory_space<hbm>> -> memref<1x32xf32, #tpu.memory_space<hbm>>
      %dma_start3A_290 = arith.constant 0 : i32
      %dma_start3A_291 = tpu.memref_slice %arg17[%add3A_273, %dma_start3A_290] : memref<128x32xf32, #tpu.memory_space<vmem>> -> memref<1x32xf32, #tpu.memory_space<vmem>>
      %dma_start3A_292 = arith.constant 0 : i32
      %dma_start3A_293 = tpu.memref_slice %arg6[%squeeze3A_285, %dma_start3A_292] : memref<1000000x32xf32, #tpu.memory_space<hbm>> -> memref<1x32xf32, #tpu.memory_space<hbm>>
      tpu.enqueue_dma source(%dma_start3A_293 : memref<1x32xf32, #tpu.memory_space<hbm>>) target(%dma_start3A_291 : memref<1x32xf32, #tpu.memory_space<vmem>>) target_semaphore(%arg20 : memref<!tpu.dma_semaphore, #tpu.memory_space<semaphore_mem>>)
      %slice3A_294 = vector.extract_strided_slice %get3A_82 {offsets = [6], sizes = [1], strides = [1]} : vector<16xi32> to vector<1xi32>
      %squeeze3A_295 = vector.extract %slice3A_294[0] : i32 from vector<1xi32>
      %dma_start3A_296 = arith.constant 0 : i32
      %dma_start3A_297 = tpu.memref_slice %arg18[%add3A_273, %dma_start3A_296] : memref<128x32xf32, #tpu.memory_space<vmem>> -> memref<1x32xf32, #tpu.memory_space<vmem>>
      %dma_start3A_298 = arith.constant 0 : i32
      %dma_start3A_299 = tpu.memref_slice %arg6[%squeeze3A_295, %dma_start3A_298] : memref<1000000x32xf32, #tpu.memory_space<hbm>> -> memref<1x32xf32, #tpu.memory_space<hbm>>
      %dma_start3A_300 = arith.constant 0 : i32
      %dma_start3A_301 = tpu.memref_slice %arg18[%add3A_273, %dma_start3A_300] : memref<128x32xf32, #tpu.memory_space<vmem>> -> memref<1x32xf32, #tpu.memory_space<vmem>>
      %dma_start3A_302 = arith.constant 0 : i32
      %dma_start3A_303 = tpu.memref_slice %arg6[%squeeze3A_295, %dma_start3A_302] : memref<1000000x32xf32, #tpu.memory_space<hbm>> -> memref<1x32xf32, #tpu.memory_space<hbm>>
      tpu.enqueue_dma source(%dma_start3A_303 : memref<1x32xf32, #tpu.memory_space<hbm>>) target(%dma_start3A_301 : memref<1x32xf32, #tpu.memory_space<vmem>>) target_semaphore(%arg20 : memref<!tpu.dma_semaphore, #tpu.memory_space<semaphore_mem>>)
      %add3A_304 = arith.constant 7 : i32
      %add3A_305 = arith.addi %mul3A_68, %add3A_304 : i32
      %slice3A_306 = vector.extract_strided_slice %get3A_72 {offsets = [7], sizes = [1], strides = [1]} : vector<16xi32> to vector<1xi32>
      %squeeze3A_307 = vector.extract %slice3A_306[0] : i32 from vector<1xi32>
      %dma_start3A_308 = arith.constant 0 : i32
      %dma_start3A_309 = tpu.memref_slice %arg16[%add3A_305, %dma_start3A_308] : memref<128x32xf32, #tpu.memory_space<vmem>> -> memref<1x32xf32, #tpu.memory_space<vmem>>
      %dma_start3A_310 = arith.constant 0 : i32
      %dma_start3A_311 = tpu.memref_slice %arg5[%squeeze3A_307, %dma_start3A_310] : memref<1000000x32xf32, #tpu.memory_space<hbm>> -> memref<1x32xf32, #tpu.memory_space<hbm>>
      %dma_start3A_312 = arith.constant 0 : i32
      %dma_start3A_313 = tpu.memref_slice %arg16[%add3A_305, %dma_start3A_312] : memref<128x32xf32, #tpu.memory_space<vmem>> -> memref<1x32xf32, #tpu.memory_space<vmem>>
      %dma_start3A_314 = arith.constant 0 : i32
      %dma_start3A_315 = tpu.memref_slice %arg5[%squeeze3A_307, %dma_start3A_314] : memref<1000000x32xf32, #tpu.memory_space<hbm>> -> memref<1x32xf32, #tpu.memory_space<hbm>>
      tpu.enqueue_dma source(%dma_start3A_315 : memref<1x32xf32, #tpu.memory_space<hbm>>) target(%dma_start3A_313 : memref<1x32xf32, #tpu.memory_space<vmem>>) target_semaphore(%arg20 : memref<!tpu.dma_semaphore, #tpu.memory_space<semaphore_mem>>)
      %slice3A_316 = vector.extract_strided_slice %get3A_77 {offsets = [7], sizes = [1], strides = [1]} : vector<16xi32> to vector<1xi32>
      %squeeze3A_317 = vector.extract %slice3A_316[0] : i32 from vector<1xi32>
      %dma_start3A_318 = arith.constant 0 : i32
      %dma_start3A_319 = tpu.memref_slice %arg17[%add3A_305, %dma_start3A_318] : memref<128x32xf32, #tpu.memory_space<vmem>> -> memref<1x32xf32, #tpu.memory_space<vmem>>
      %dma_start3A_320 = arith.constant 0 : i32
      %dma_start3A_321 = tpu.memref_slice %arg6[%squeeze3A_317, %dma_start3A_320] : memref<1000000x32xf32, #tpu.memory_space<hbm>> -> memref<1x32xf32, #tpu.memory_space<hbm>>
      %dma_start3A_322 = arith.constant 0 : i32
      %dma_start3A_323 = tpu.memref_slice %arg17[%add3A_305, %dma_start3A_322] : memref<128x32xf32, #tpu.memory_space<vmem>> -> memref<1x32xf32, #tpu.memory_space<vmem>>
      %dma_start3A_324 = arith.constant 0 : i32
      %dma_start3A_325 = tpu.memref_slice %arg6[%squeeze3A_317, %dma_start3A_324] : memref<1000000x32xf32, #tpu.memory_space<hbm>> -> memref<1x32xf32, #tpu.memory_space<hbm>>
      tpu.enqueue_dma source(%dma_start3A_325 : memref<1x32xf32, #tpu.memory_space<hbm>>) target(%dma_start3A_323 : memref<1x32xf32, #tpu.memory_space<vmem>>) target_semaphore(%arg20 : memref<!tpu.dma_semaphore, #tpu.memory_space<semaphore_mem>>)
      %slice3A_326 = vector.extract_strided_slice %get3A_82 {offsets = [7], sizes = [1], strides = [1]} : vector<16xi32> to vector<1xi32>
      %squeeze3A_327 = vector.extract %slice3A_326[0] : i32 from vector<1xi32>
      %dma_start3A_328 = arith.constant 0 : i32
      %dma_start3A_329 = tpu.memref_slice %arg18[%add3A_305, %dma_start3A_328] : memref<128x32xf32, #tpu.memory_space<vmem>> -> memref<1x32xf32, #tpu.memory_space<vmem>>
      %dma_start3A_330 = arith.constant 0 : i32
      %dma_start3A_331 = tpu.memref_slice %arg6[%squeeze3A_327, %dma_start3A_330] : memref<1000000x32xf32, #tpu.memory_space<hbm>> -> memref<1x32xf32, #tpu.memory_space<hbm>>
      %dma_start3A_332 = arith.constant 0 : i32
      %dma_start3A_333 = tpu.memref_slice %arg18[%add3A_305, %dma_start3A_332] : memref<128x32xf32, #tpu.memory_space<vmem>> -> memref<1x32xf32, #tpu.memory_space<vmem>>
      %dma_start3A_334 = arith.constant 0 : i32
      %dma_start3A_335 = tpu.memref_slice %arg6[%squeeze3A_327, %dma_start3A_334] : memref<1000000x32xf32, #tpu.memory_space<hbm>> -> memref<1x32xf32, #tpu.memory_space<hbm>>
      tpu.enqueue_dma source(%dma_start3A_335 : memref<1x32xf32, #tpu.memory_space<hbm>>) target(%dma_start3A_333 : memref<1x32xf32, #tpu.memory_space<vmem>>) target_semaphore(%arg20 : memref<!tpu.dma_semaphore, #tpu.memory_space<semaphore_mem>>)
      %add3A_336 = arith.constant 8 : i32
      %add3A_337 = arith.addi %mul3A_68, %add3A_336 : i32
      %slice3A_338 = vector.extract_strided_slice %get3A_72 {offsets = [8], sizes = [1], strides = [1]} : vector<16xi32> to vector<1xi32>
      %squeeze3A_339 = vector.extract %slice3A_338[0] : i32 from vector<1xi32>
      %dma_start3A_340 = arith.constant 0 : i32
      %dma_start3A_341 = tpu.memref_slice %arg16[%add3A_337, %dma_start3A_340] : memref<128x32xf32, #tpu.memory_space<vmem>> -> memref<1x32xf32, #tpu.memory_space<vmem>>
      %dma_start3A_342 = arith.constant 0 : i32
      %dma_start3A_343 = tpu.memref_slice %arg5[%squeeze3A_339, %dma_start3A_342] : memref<1000000x32xf32, #tpu.memory_space<hbm>> -> memref<1x32xf32, #tpu.memory_space<hbm>>
      %dma_start3A_344 = arith.constant 0 : i32
      %dma_start3A_345 = tpu.memref_slice %arg16[%add3A_337, %dma_start3A_344] : memref<128x32xf32, #tpu.memory_space<vmem>> -> memref<1x32xf32, #tpu.memory_space<vmem>>
      %dma_start3A_346 = arith.constant 0 : i32
      %dma_start3A_347 = tpu.memref_slice %arg5[%squeeze3A_339, %dma_start3A_346] : memref<1000000x32xf32, #tpu.memory_space<hbm>> -> memref<1x32xf32, #tpu.memory_space<hbm>>
      tpu.enqueue_dma source(%dma_start3A_347 : memref<1x32xf32, #tpu.memory_space<hbm>>) target(%dma_start3A_345 : memref<1x32xf32, #tpu.memory_space<vmem>>) target_semaphore(%arg20 : memref<!tpu.dma_semaphore, #tpu.memory_space<semaphore_mem>>)
      %slice3A_348 = vector.extract_strided_slice %get3A_77 {offsets = [8], sizes = [1], strides = [1]} : vector<16xi32> to vector<1xi32>
      %squeeze3A_349 = vector.extract %slice3A_348[0] : i32 from vector<1xi32>
      %dma_start3A_350 = arith.constant 0 : i32
      %dma_start3A_351 = tpu.memref_slice %arg17[%add3A_337, %dma_start3A_350] : memref<128x32xf32, #tpu.memory_space<vmem>> -> memref<1x32xf32, #tpu.memory_space<vmem>>
      %dma_start3A_352 = arith.constant 0 : i32
      %dma_start3A_353 = tpu.memref_slice %arg6[%squeeze3A_349, %dma_start3A_352] : memref<1000000x32xf32, #tpu.memory_space<hbm>> -> memref<1x32xf32, #tpu.memory_space<hbm>>
      %dma_start3A_354 = arith.constant 0 : i32
      %dma_start3A_355 = tpu.memref_slice %arg17[%add3A_337, %dma_start3A_354] : memref<128x32xf32, #tpu.memory_space<vmem>> -> memref<1x32xf32, #tpu.memory_space<vmem>>
      %dma_start3A_356 = arith.constant 0 : i32
      %dma_start3A_357 = tpu.memref_slice %arg6[%squeeze3A_349, %dma_start3A_356] : memref<1000000x32xf32, #tpu.memory_space<hbm>> -> memref<1x32xf32, #tpu.memory_space<hbm>>
      tpu.enqueue_dma source(%dma_start3A_357 : memref<1x32xf32, #tpu.memory_space<hbm>>) target(%dma_start3A_355 : memref<1x32xf32, #tpu.memory_space<vmem>>) target_semaphore(%arg20 : memref<!tpu.dma_semaphore, #tpu.memory_space<semaphore_mem>>)
      %slice3A_358 = vector.extract_strided_slice %get3A_82 {offsets = [8], sizes = [1], strides = [1]} : vector<16xi32> to vector<1xi32>
      %squeeze3A_359 = vector.extract %slice3A_358[0] : i32 from vector<1xi32>
      %dma_start3A_360 = arith.constant 0 : i32
      %dma_start3A_361 = tpu.memref_slice %arg18[%add3A_337, %dma_start3A_360] : memref<128x32xf32, #tpu.memory_space<vmem>> -> memref<1x32xf32, #tpu.memory_space<vmem>>
      %dma_start3A_362 = arith.constant 0 : i32
      %dma_start3A_363 = tpu.memref_slice %arg6[%squeeze3A_359, %dma_start3A_362] : memref<1000000x32xf32, #tpu.memory_space<hbm>> -> memref<1x32xf32, #tpu.memory_space<hbm>>
      %dma_start3A_364 = arith.constant 0 : i32
      %dma_start3A_365 = tpu.memref_slice %arg18[%add3A_337, %dma_start3A_364] : memref<128x32xf32, #tpu.memory_space<vmem>> -> memref<1x32xf32, #tpu.memory_space<vmem>>
      %dma_start3A_366 = arith.constant 0 : i32
      %dma_start3A_367 = tpu.memref_slice %arg6[%squeeze3A_359, %dma_start3A_366] : memref<1000000x32xf32, #tpu.memory_space<hbm>> -> memref<1x32xf32, #tpu.memory_space<hbm>>
      tpu.enqueue_dma source(%dma_start3A_367 : memref<1x32xf32, #tpu.memory_space<hbm>>) target(%dma_start3A_365 : memref<1x32xf32, #tpu.memory_space<vmem>>) target_semaphore(%arg20 : memref<!tpu.dma_semaphore, #tpu.memory_space<semaphore_mem>>)
      %add3A_368 = arith.constant 9 : i32
      %add3A_369 = arith.addi %mul3A_68, %add3A_368 : i32
      %slice3A_370 = vector.extract_strided_slice %get3A_72 {offsets = [9], sizes = [1], strides = [1]} : vector<16xi32> to vector<1xi32>
      %squeeze3A_371 = vector.extract %slice3A_370[0] : i32 from vector<1xi32>
      %dma_start3A_372 = arith.constant 0 : i32
      %dma_start3A_373 = tpu.memref_slice %arg16[%add3A_369, %dma_start3A_372] : memref<128x32xf32, #tpu.memory_space<vmem>> -> memref<1x32xf32, #tpu.memory_space<vmem>>
      %dma_start3A_374 = arith.constant 0 : i32
      %dma_start3A_375 = tpu.memref_slice %arg5[%squeeze3A_371, %dma_start3A_374] : memref<1000000x32xf32, #tpu.memory_space<hbm>> -> memref<1x32xf32, #tpu.memory_space<hbm>>
      %dma_start3A_376 = arith.constant 0 : i32
      %dma_start3A_377 = tpu.memref_slice %arg16[%add3A_369, %dma_start3A_376] : memref<128x32xf32, #tpu.memory_space<vmem>> -> memref<1x32xf32, #tpu.memory_space<vmem>>
      %dma_start3A_378 = arith.constant 0 : i32
      %dma_start3A_379 = tpu.memref_slice %arg5[%squeeze3A_371, %dma_start3A_378] : memref<1000000x32xf32, #tpu.memory_space<hbm>> -> memref<1x32xf32, #tpu.memory_space<hbm>>
      tpu.enqueue_dma source(%dma_start3A_379 : memref<1x32xf32, #tpu.memory_space<hbm>>) target(%dma_start3A_377 : memref<1x32xf32, #tpu.memory_space<vmem>>) target_semaphore(%arg20 : memref<!tpu.dma_semaphore, #tpu.memory_space<semaphore_mem>>)
      %slice3A_380 = vector.extract_strided_slice %get3A_77 {offsets = [9], sizes = [1], strides = [1]} : vector<16xi32> to vector<1xi32>
      %squeeze3A_381 = vector.extract %slice3A_380[0] : i32 from vector<1xi32>
      %dma_start3A_382 = arith.constant 0 : i32
      %dma_start3A_383 = tpu.memref_slice %arg17[%add3A_369, %dma_start3A_382] : memref<128x32xf32, #tpu.memory_space<vmem>> -> memref<1x32xf32, #tpu.memory_space<vmem>>
      %dma_start3A_384 = arith.constant 0 : i32
      %dma_start3A_385 = tpu.memref_slice %arg6[%squeeze3A_381, %dma_start3A_384] : memref<1000000x32xf32, #tpu.memory_space<hbm>> -> memref<1x32xf32, #tpu.memory_space<hbm>>
      %dma_start3A_386 = arith.constant 0 : i32
      %dma_start3A_387 = tpu.memref_slice %arg17[%add3A_369, %dma_start3A_386] : memref<128x32xf32, #tpu.memory_space<vmem>> -> memref<1x32xf32, #tpu.memory_space<vmem>>
      %dma_start3A_388 = arith.constant 0 : i32
      %dma_start3A_389 = tpu.memref_slice %arg6[%squeeze3A_381, %dma_start3A_388] : memref<1000000x32xf32, #tpu.memory_space<hbm>> -> memref<1x32xf32, #tpu.memory_space<hbm>>
      tpu.enqueue_dma source(%dma_start3A_389 : memref<1x32xf32, #tpu.memory_space<hbm>>) target(%dma_start3A_387 : memref<1x32xf32, #tpu.memory_space<vmem>>) target_semaphore(%arg20 : memref<!tpu.dma_semaphore, #tpu.memory_space<semaphore_mem>>)
      %slice3A_390 = vector.extract_strided_slice %get3A_82 {offsets = [9], sizes = [1], strides = [1]} : vector<16xi32> to vector<1xi32>
      %squeeze3A_391 = vector.extract %slice3A_390[0] : i32 from vector<1xi32>
      %dma_start3A_392 = arith.constant 0 : i32
      %dma_start3A_393 = tpu.memref_slice %arg18[%add3A_369, %dma_start3A_392] : memref<128x32xf32, #tpu.memory_space<vmem>> -> memref<1x32xf32, #tpu.memory_space<vmem>>
      %dma_start3A_394 = arith.constant 0 : i32
      %dma_start3A_395 = tpu.memref_slice %arg6[%squeeze3A_391, %dma_start3A_394] : memref<1000000x32xf32, #tpu.memory_space<hbm>> -> memref<1x32xf32, #tpu.memory_space<hbm>>
      %dma_start3A_396 = arith.constant 0 : i32
      %dma_start3A_397 = tpu.memref_slice %arg18[%add3A_369, %dma_start3A_396] : memref<128x32xf32, #tpu.memory_space<vmem>> -> memref<1x32xf32, #tpu.memory_space<vmem>>
      %dma_start3A_398 = arith.constant 0 : i32
      %dma_start3A_399 = tpu.memref_slice %arg6[%squeeze3A_391, %dma_start3A_398] : memref<1000000x32xf32, #tpu.memory_space<hbm>> -> memref<1x32xf32, #tpu.memory_space<hbm>>
      tpu.enqueue_dma source(%dma_start3A_399 : memref<1x32xf32, #tpu.memory_space<hbm>>) target(%dma_start3A_397 : memref<1x32xf32, #tpu.memory_space<vmem>>) target_semaphore(%arg20 : memref<!tpu.dma_semaphore, #tpu.memory_space<semaphore_mem>>)
      %add3A_400 = arith.constant 10 : i32
      %add3A_401 = arith.addi %mul3A_68, %add3A_400 : i32
      %slice3A_402 = vector.extract_strided_slice %get3A_72 {offsets = [10], sizes = [1], strides = [1]} : vector<16xi32> to vector<1xi32>
      %squeeze3A_403 = vector.extract %slice3A_402[0] : i32 from vector<1xi32>
      %dma_start3A_404 = arith.constant 0 : i32
      %dma_start3A_405 = tpu.memref_slice %arg16[%add3A_401, %dma_start3A_404] : memref<128x32xf32, #tpu.memory_space<vmem>> -> memref<1x32xf32, #tpu.memory_space<vmem>>
      %dma_start3A_406 = arith.constant 0 : i32
      %dma_start3A_407 = tpu.memref_slice %arg5[%squeeze3A_403, %dma_start3A_406] : memref<1000000x32xf32, #tpu.memory_space<hbm>> -> memref<1x32xf32, #tpu.memory_space<hbm>>
      %dma_start3A_408 = arith.constant 0 : i32
      %dma_start3A_409 = tpu.memref_slice %arg16[%add3A_401, %dma_start3A_408] : memref<128x32xf32, #tpu.memory_space<vmem>> -> memref<1x32xf32, #tpu.memory_space<vmem>>
      %dma_start3A_410 = arith.constant 0 : i32
      %dma_start3A_411 = tpu.memref_slice %arg5[%squeeze3A_403, %dma_start3A_410] : memref<1000000x32xf32, #tpu.memory_space<hbm>> -> memref<1x32xf32, #tpu.memory_space<hbm>>
      tpu.enqueue_dma source(%dma_start3A_411 : memref<1x32xf32, #tpu.memory_space<hbm>>) target(%dma_start3A_409 : memref<1x32xf32, #tpu.memory_space<vmem>>) target_semaphore(%arg20 : memref<!tpu.dma_semaphore, #tpu.memory_space<semaphore_mem>>)
      %slice3A_412 = vector.extract_strided_slice %get3A_77 {offsets = [10], sizes = [1], strides = [1]} : vector<16xi32> to vector<1xi32>
      %squeeze3A_413 = vector.extract %slice3A_412[0] : i32 from vector<1xi32>
      %dma_start3A_414 = arith.constant 0 : i32
      %dma_start3A_415 = tpu.memref_slice %arg17[%add3A_401, %dma_start3A_414] : memref<128x32xf32, #tpu.memory_space<vmem>> -> memref<1x32xf32, #tpu.memory_space<vmem>>
      %dma_start3A_416 = arith.constant 0 : i32
      %dma_start3A_417 = tpu.memref_slice %arg6[%squeeze3A_413, %dma_start3A_416] : memref<1000000x32xf32, #tpu.memory_space<hbm>> -> memref<1x32xf32, #tpu.memory_space<hbm>>
      %dma_start3A_418 = arith.constant 0 : i32
      %dma_start3A_419 = tpu.memref_slice %arg17[%add3A_401, %dma_start3A_418] : memref<128x32xf32, #tpu.memory_space<vmem>> -> memref<1x32xf32, #tpu.memory_space<vmem>>
      %dma_start3A_420 = arith.constant 0 : i32
      %dma_start3A_421 = tpu.memref_slice %arg6[%squeeze3A_413, %dma_start3A_420] : memref<1000000x32xf32, #tpu.memory_space<hbm>> -> memref<1x32xf32, #tpu.memory_space<hbm>>
      tpu.enqueue_dma source(%dma_start3A_421 : memref<1x32xf32, #tpu.memory_space<hbm>>) target(%dma_start3A_419 : memref<1x32xf32, #tpu.memory_space<vmem>>) target_semaphore(%arg20 : memref<!tpu.dma_semaphore, #tpu.memory_space<semaphore_mem>>)
      %slice3A_422 = vector.extract_strided_slice %get3A_82 {offsets = [10], sizes = [1], strides = [1]} : vector<16xi32> to vector<1xi32>
      %squeeze3A_423 = vector.extract %slice3A_422[0] : i32 from vector<1xi32>
      %dma_start3A_424 = arith.constant 0 : i32
      %dma_start3A_425 = tpu.memref_slice %arg18[%add3A_401, %dma_start3A_424] : memref<128x32xf32, #tpu.memory_space<vmem>> -> memref<1x32xf32, #tpu.memory_space<vmem>>
      %dma_start3A_426 = arith.constant 0 : i32
      %dma_start3A_427 = tpu.memref_slice %arg6[%squeeze3A_423, %dma_start3A_426] : memref<1000000x32xf32, #tpu.memory_space<hbm>> -> memref<1x32xf32, #tpu.memory_space<hbm>>
      %dma_start3A_428 = arith.constant 0 : i32
      %dma_start3A_429 = tpu.memref_slice %arg18[%add3A_401, %dma_start3A_428] : memref<128x32xf32, #tpu.memory_space<vmem>> -> memref<1x32xf32, #tpu.memory_space<vmem>>
      %dma_start3A_430 = arith.constant 0 : i32
      %dma_start3A_431 = tpu.memref_slice %arg6[%squeeze3A_423, %dma_start3A_430] : memref<1000000x32xf32, #tpu.memory_space<hbm>> -> memref<1x32xf32, #tpu.memory_space<hbm>>
      tpu.enqueue_dma source(%dma_start3A_431 : memref<1x32xf32, #tpu.memory_space<hbm>>) target(%dma_start3A_429 : memref<1x32xf32, #tpu.memory_space<vmem>>) target_semaphore(%arg20 : memref<!tpu.dma_semaphore, #tpu.memory_space<semaphore_mem>>)
      %add3A_432 = arith.constant 11 : i32
      %add3A_433 = arith.addi %mul3A_68, %add3A_432 : i32
      %slice3A_434 = vector.extract_strided_slice %get3A_72 {offsets = [11], sizes = [1], strides = [1]} : vector<16xi32> to vector<1xi32>
      %squeeze3A_435 = vector.extract %slice3A_434[0] : i32 from vector<1xi32>
      %dma_start3A_436 = arith.constant 0 : i32
      %dma_start3A_437 = tpu.memref_slice %arg16[%add3A_433, %dma_start3A_436] : memref<128x32xf32, #tpu.memory_space<vmem>> -> memref<1x32xf32, #tpu.memory_space<vmem>>
      %dma_start3A_438 = arith.constant 0 : i32
      %dma_start3A_439 = tpu.memref_slice %arg5[%squeeze3A_435, %dma_start3A_438] : memref<1000000x32xf32, #tpu.memory_space<hbm>> -> memref<1x32xf32, #tpu.memory_space<hbm>>
      %dma_start3A_440 = arith.constant 0 : i32
      %dma_start3A_441 = tpu.memref_slice %arg16[%add3A_433, %dma_start3A_440] : memref<128x32xf32, #tpu.memory_space<vmem>> -> memref<1x32xf32, #tpu.memory_space<vmem>>
      %dma_start3A_442 = arith.constant 0 : i32
      %dma_start3A_443 = tpu.memref_slice %arg5[%squeeze3A_435, %dma_start3A_442] : memref<1000000x32xf32, #tpu.memory_space<hbm>> -> memref<1x32xf32, #tpu.memory_space<hbm>>
      tpu.enqueue_dma source(%dma_start3A_443 : memref<1x32xf32, #tpu.memory_space<hbm>>) target(%dma_start3A_441 : memref<1x32xf32, #tpu.memory_space<vmem>>) target_semaphore(%arg20 : memref<!tpu.dma_semaphore, #tpu.memory_space<semaphore_mem>>)
      %slice3A_444 = vector.extract_strided_slice %get3A_77 {offsets = [11], sizes = [1], strides = [1]} : vector<16xi32> to vector<1xi32>
      %squeeze3A_445 = vector.extract %slice3A_444[0] : i32 from vector<1xi32>
      %dma_start3A_446 = arith.constant 0 : i32
      %dma_start3A_447 = tpu.memref_slice %arg17[%add3A_433, %dma_start3A_446] : memref<128x32xf32, #tpu.memory_space<vmem>> -> memref<1x32xf32, #tpu.memory_space<vmem>>
      %dma_start3A_448 = arith.constant 0 : i32
      %dma_start3A_449 = tpu.memref_slice %arg6[%squeeze3A_445, %dma_start3A_448] : memref<1000000x32xf32, #tpu.memory_space<hbm>> -> memref<1x32xf32, #tpu.memory_space<hbm>>
      %dma_start3A_450 = arith.constant 0 : i32
      %dma_start3A_451 = tpu.memref_slice %arg17[%add3A_433, %dma_start3A_450] : memref<128x32xf32, #tpu.memory_space<vmem>> -> memref<1x32xf32, #tpu.memory_space<vmem>>
      %dma_start3A_452 = arith.constant 0 : i32
      %dma_start3A_453 = tpu.memref_slice %arg6[%squeeze3A_445, %dma_start3A_452] : memref<1000000x32xf32, #tpu.memory_space<hbm>> -> memref<1x32xf32, #tpu.memory_space<hbm>>
      tpu.enqueue_dma source(%dma_start3A_453 : memref<1x32xf32, #tpu.memory_space<hbm>>) target(%dma_start3A_451 : memref<1x32xf32, #tpu.memory_space<vmem>>) target_semaphore(%arg20 : memref<!tpu.dma_semaphore, #tpu.memory_space<semaphore_mem>>)
      %slice3A_454 = vector.extract_strided_slice %get3A_82 {offsets = [11], sizes = [1], strides = [1]} : vector<16xi32> to vector<1xi32>
      %squeeze3A_455 = vector.extract %slice3A_454[0] : i32 from vector<1xi32>
      %dma_start3A_456 = arith.constant 0 : i32
      %dma_start3A_457 = tpu.memref_slice %arg18[%add3A_433, %dma_start3A_456] : memref<128x32xf32, #tpu.memory_space<vmem>> -> memref<1x32xf32, #tpu.memory_space<vmem>>
      %dma_start3A_458 = arith.constant 0 : i32
      %dma_start3A_459 = tpu.memref_slice %arg6[%squeeze3A_455, %dma_start3A_458] : memref<1000000x32xf32, #tpu.memory_space<hbm>> -> memref<1x32xf32, #tpu.memory_space<hbm>>
      %dma_start3A_460 = arith.constant 0 : i32
      %dma_start3A_461 = tpu.memref_slice %arg18[%add3A_433, %dma_start3A_460] : memref<128x32xf32, #tpu.memory_space<vmem>> -> memref<1x32xf32, #tpu.memory_space<vmem>>
      %dma_start3A_462 = arith.constant 0 : i32
      %dma_start3A_463 = tpu.memref_slice %arg6[%squeeze3A_455, %dma_start3A_462] : memref<1000000x32xf32, #tpu.memory_space<hbm>> -> memref<1x32xf32, #tpu.memory_space<hbm>>
      tpu.enqueue_dma source(%dma_start3A_463 : memref<1x32xf32, #tpu.memory_space<hbm>>) target(%dma_start3A_461 : memref<1x32xf32, #tpu.memory_space<vmem>>) target_semaphore(%arg20 : memref<!tpu.dma_semaphore, #tpu.memory_space<semaphore_mem>>)
      %add3A_464 = arith.constant 12 : i32
      %add3A_465 = arith.addi %mul3A_68, %add3A_464 : i32
      %slice3A_466 = vector.extract_strided_slice %get3A_72 {offsets = [12], sizes = [1], strides = [1]} : vector<16xi32> to vector<1xi32>
      %squeeze3A_467 = vector.extract %slice3A_466[0] : i32 from vector<1xi32>
      %dma_start3A_468 = arith.constant 0 : i32
      %dma_start3A_469 = tpu.memref_slice %arg16[%add3A_465, %dma_start3A_468] : memref<128x32xf32, #tpu.memory_space<vmem>> -> memref<1x32xf32, #tpu.memory_space<vmem>>
      %dma_start3A_470 = arith.constant 0 : i32
      %dma_start3A_471 = tpu.memref_slice %arg5[%squeeze3A_467, %dma_start3A_470] : memref<1000000x32xf32, #tpu.memory_space<hbm>> -> memref<1x32xf32, #tpu.memory_space<hbm>>
      %dma_start3A_472 = arith.constant 0 : i32
      %dma_start3A_473 = tpu.memref_slice %arg16[%add3A_465, %dma_start3A_472] : memref<128x32xf32, #tpu.memory_space<vmem>> -> memref<1x32xf32, #tpu.memory_space<vmem>>
      %dma_start3A_474 = arith.constant 0 : i32
      %dma_start3A_475 = tpu.memref_slice %arg5[%squeeze3A_467, %dma_start3A_474] : memref<1000000x32xf32, #tpu.memory_space<hbm>> -> memref<1x32xf32, #tpu.memory_space<hbm>>
      tpu.enqueue_dma source(%dma_start3A_475 : memref<1x32xf32, #tpu.memory_space<hbm>>) target(%dma_start3A_473 : memref<1x32xf32, #tpu.memory_space<vmem>>) target_semaphore(%arg20 : memref<!tpu.dma_semaphore, #tpu.memory_space<semaphore_mem>>)
      %slice3A_476 = vector.extract_strided_slice %get3A_77 {offsets = [12], sizes = [1], strides = [1]} : vector<16xi32> to vector<1xi32>
      %squeeze3A_477 = vector.extract %slice3A_476[0] : i32 from vector<1xi32>
      %dma_start3A_478 = arith.constant 0 : i32
      %dma_start3A_479 = tpu.memref_slice %arg17[%add3A_465, %dma_start3A_478] : memref<128x32xf32, #tpu.memory_space<vmem>> -> memref<1x32xf32, #tpu.memory_space<vmem>>
      %dma_start3A_480 = arith.constant 0 : i32
      %dma_start3A_481 = tpu.memref_slice %arg6[%squeeze3A_477, %dma_start3A_480] : memref<1000000x32xf32, #tpu.memory_space<hbm>> -> memref<1x32xf32, #tpu.memory_space<hbm>>
      %dma_start3A_482 = arith.constant 0 : i32
      %dma_start3A_483 = tpu.memref_slice %arg17[%add3A_465, %dma_start3A_482] : memref<128x32xf32, #tpu.memory_space<vmem>> -> memref<1x32xf32, #tpu.memory_space<vmem>>
      %dma_start3A_484 = arith.constant 0 : i32
      %dma_start3A_485 = tpu.memref_slice %arg6[%squeeze3A_477, %dma_start3A_484] : memref<1000000x32xf32, #tpu.memory_space<hbm>> -> memref<1x32xf32, #tpu.memory_space<hbm>>
      tpu.enqueue_dma source(%dma_start3A_485 : memref<1x32xf32, #tpu.memory_space<hbm>>) target(%dma_start3A_483 : memref<1x32xf32, #tpu.memory_space<vmem>>) target_semaphore(%arg20 : memref<!tpu.dma_semaphore, #tpu.memory_space<semaphore_mem>>)
      %slice3A_486 = vector.extract_strided_slice %get3A_82 {offsets = [12], sizes = [1], strides = [1]} : vector<16xi32> to vector<1xi32>
      %squeeze3A_487 = vector.extract %slice3A_486[0] : i32 from vector<1xi32>
      %dma_start3A_488 = arith.constant 0 : i32
      %dma_start3A_489 = tpu.memref_slice %arg18[%add3A_465, %dma_start3A_488] : memref<128x32xf32, #tpu.memory_space<vmem>> -> memref<1x32xf32, #tpu.memory_space<vmem>>
      %dma_start3A_490 = arith.constant 0 : i32
      %dma_start3A_491 = tpu.memref_slice %arg6[%squeeze3A_487, %dma_start3A_490] : memref<1000000x32xf32, #tpu.memory_space<hbm>> -> memref<1x32xf32, #tpu.memory_space<hbm>>
      %dma_start3A_492 = arith.constant 0 : i32
      %dma_start3A_493 = tpu.memref_slice %arg18[%add3A_465, %dma_start3A_492] : memref<128x32xf32, #tpu.memory_space<vmem>> -> memref<1x32xf32, #tpu.memory_space<vmem>>
      %dma_start3A_494 = arith.constant 0 : i32
      %dma_start3A_495 = tpu.memref_slice %arg6[%squeeze3A_487, %dma_start3A_494] : memref<1000000x32xf32, #tpu.memory_space<hbm>> -> memref<1x32xf32, #tpu.memory_space<hbm>>
      tpu.enqueue_dma source(%dma_start3A_495 : memref<1x32xf32, #tpu.memory_space<hbm>>) target(%dma_start3A_493 : memref<1x32xf32, #tpu.memory_space<vmem>>) target_semaphore(%arg20 : memref<!tpu.dma_semaphore, #tpu.memory_space<semaphore_mem>>)
      %add3A_496 = arith.constant 13 : i32
      %add3A_497 = arith.addi %mul3A_68, %add3A_496 : i32
      %slice3A_498 = vector.extract_strided_slice %get3A_72 {offsets = [13], sizes = [1], strides = [1]} : vector<16xi32> to vector<1xi32>
      %squeeze3A_499 = vector.extract %slice3A_498[0] : i32 from vector<1xi32>
      %dma_start3A_500 = arith.constant 0 : i32
      %dma_start3A_501 = tpu.memref_slice %arg16[%add3A_497, %dma_start3A_500] : memref<128x32xf32, #tpu.memory_space<vmem>> -> memref<1x32xf32, #tpu.memory_space<vmem>>
      %dma_start3A_502 = arith.constant 0 : i32
      %dma_start3A_503 = tpu.memref_slice %arg5[%squeeze3A_499, %dma_start3A_502] : memref<1000000x32xf32, #tpu.memory_space<hbm>> -> memref<1x32xf32, #tpu.memory_space<hbm>>
      %dma_start3A_504 = arith.constant 0 : i32
      %dma_start3A_505 = tpu.memref_slice %arg16[%add3A_497, %dma_start3A_504] : memref<128x32xf32, #tpu.memory_space<vmem>> -> memref<1x32xf32, #tpu.memory_space<vmem>>
      %dma_start3A_506 = arith.constant 0 : i32
      %dma_start3A_507 = tpu.memref_slice %arg5[%squeeze3A_499, %dma_start3A_506] : memref<1000000x32xf32, #tpu.memory_space<hbm>> -> memref<1x32xf32, #tpu.memory_space<hbm>>
      tpu.enqueue_dma source(%dma_start3A_507 : memref<1x32xf32, #tpu.memory_space<hbm>>) target(%dma_start3A_505 : memref<1x32xf32, #tpu.memory_space<vmem>>) target_semaphore(%arg20 : memref<!tpu.dma_semaphore, #tpu.memory_space<semaphore_mem>>)
      %slice3A_508 = vector.extract_strided_slice %get3A_77 {offsets = [13], sizes = [1], strides = [1]} : vector<16xi32> to vector<1xi32>
      %squeeze3A_509 = vector.extract %slice3A_508[0] : i32 from vector<1xi32>
      %dma_start3A_510 = arith.constant 0 : i32
      %dma_start3A_511 = tpu.memref_slice %arg17[%add3A_497, %dma_start3A_510] : memref<128x32xf32, #tpu.memory_space<vmem>> -> memref<1x32xf32, #tpu.memory_space<vmem>>
      %dma_start3A_512 = arith.constant 0 : i32
      %dma_start3A_513 = tpu.memref_slice %arg6[%squeeze3A_509, %dma_start3A_512] : memref<1000000x32xf32, #tpu.memory_space<hbm>> -> memref<1x32xf32, #tpu.memory_space<hbm>>
      %dma_start3A_514 = arith.constant 0 : i32
      %dma_start3A_515 = tpu.memref_slice %arg17[%add3A_497, %dma_start3A_514] : memref<128x32xf32, #tpu.memory_space<vmem>> -> memref<1x32xf32, #tpu.memory_space<vmem>>
      %dma_start3A_516 = arith.constant 0 : i32
      %dma_start3A_517 = tpu.memref_slice %arg6[%squeeze3A_509, %dma_start3A_516] : memref<1000000x32xf32, #tpu.memory_space<hbm>> -> memref<1x32xf32, #tpu.memory_space<hbm>>
      tpu.enqueue_dma source(%dma_start3A_517 : memref<1x32xf32, #tpu.memory_space<hbm>>) target(%dma_start3A_515 : memref<1x32xf32, #tpu.memory_space<vmem>>) target_semaphore(%arg20 : memref<!tpu.dma_semaphore, #tpu.memory_space<semaphore_mem>>)
      %slice3A_518 = vector.extract_strided_slice %get3A_82 {offsets = [13], sizes = [1], strides = [1]} : vector<16xi32> to vector<1xi32>
      %squeeze3A_519 = vector.extract %slice3A_518[0] : i32 from vector<1xi32>
      %dma_start3A_520 = arith.constant 0 : i32
      %dma_start3A_521 = tpu.memref_slice %arg18[%add3A_497, %dma_start3A_520] : memref<128x32xf32, #tpu.memory_space<vmem>> -> memref<1x32xf32, #tpu.memory_space<vmem>>
      %dma_start3A_522 = arith.constant 0 : i32
      %dma_start3A_523 = tpu.memref_slice %arg6[%squeeze3A_519, %dma_start3A_522] : memref<1000000x32xf32, #tpu.memory_space<hbm>> -> memref<1x32xf32, #tpu.memory_space<hbm>>
      %dma_start3A_524 = arith.constant 0 : i32
      %dma_start3A_525 = tpu.memref_slice %arg18[%add3A_497, %dma_start3A_524] : memref<128x32xf32, #tpu.memory_space<vmem>> -> memref<1x32xf32, #tpu.memory_space<vmem>>
      %dma_start3A_526 = arith.constant 0 : i32
      %dma_start3A_527 = tpu.memref_slice %arg6[%squeeze3A_519, %dma_start3A_526] : memref<1000000x32xf32, #tpu.memory_space<hbm>> -> memref<1x32xf32, #tpu.memory_space<hbm>>
      tpu.enqueue_dma source(%dma_start3A_527 : memref<1x32xf32, #tpu.memory_space<hbm>>) target(%dma_start3A_525 : memref<1x32xf32, #tpu.memory_space<vmem>>) target_semaphore(%arg20 : memref<!tpu.dma_semaphore, #tpu.memory_space<semaphore_mem>>)
      %add3A_528 = arith.constant 14 : i32
      %add3A_529 = arith.addi %mul3A_68, %add3A_528 : i32
      %slice3A_530 = vector.extract_strided_slice %get3A_72 {offsets = [14], sizes = [1], strides = [1]} : vector<16xi32> to vector<1xi32>
      %squeeze3A_531 = vector.extract %slice3A_530[0] : i32 from vector<1xi32>
      %dma_start3A_532 = arith.constant 0 : i32
      %dma_start3A_533 = tpu.memref_slice %arg16[%add3A_529, %dma_start3A_532] : memref<128x32xf32, #tpu.memory_space<vmem>> -> memref<1x32xf32, #tpu.memory_space<vmem>>
      %dma_start3A_534 = arith.constant 0 : i32
      %dma_start3A_535 = tpu.memref_slice %arg5[%squeeze3A_531, %dma_start3A_534] : memref<1000000x32xf32, #tpu.memory_space<hbm>> -> memref<1x32xf32, #tpu.memory_space<hbm>>
      %dma_start3A_536 = arith.constant 0 : i32
      %dma_start3A_537 = tpu.memref_slice %arg16[%add3A_529, %dma_start3A_536] : memref<128x32xf32, #tpu.memory_space<vmem>> -> memref<1x32xf32, #tpu.memory_space<vmem>>
      %dma_start3A_538 = arith.constant 0 : i32
      %dma_start3A_539 = tpu.memref_slice %arg5[%squeeze3A_531, %dma_start3A_538] : memref<1000000x32xf32, #tpu.memory_space<hbm>> -> memref<1x32xf32, #tpu.memory_space<hbm>>
      tpu.enqueue_dma source(%dma_start3A_539 : memref<1x32xf32, #tpu.memory_space<hbm>>) target(%dma_start3A_537 : memref<1x32xf32, #tpu.memory_space<vmem>>) target_semaphore(%arg20 : memref<!tpu.dma_semaphore, #tpu.memory_space<semaphore_mem>>)
      %slice3A_540 = vector.extract_strided_slice %get3A_77 {offsets = [14], sizes = [1], strides = [1]} : vector<16xi32> to vector<1xi32>
      %squeeze3A_541 = vector.extract %slice3A_540[0] : i32 from vector<1xi32>
      %dma_start3A_542 = arith.constant 0 : i32
      %dma_start3A_543 = tpu.memref_slice %arg17[%add3A_529, %dma_start3A_542] : memref<128x32xf32, #tpu.memory_space<vmem>> -> memref<1x32xf32, #tpu.memory_space<vmem>>
      %dma_start3A_544 = arith.constant 0 : i32
      %dma_start3A_545 = tpu.memref_slice %arg6[%squeeze3A_541, %dma_start3A_544] : memref<1000000x32xf32, #tpu.memory_space<hbm>> -> memref<1x32xf32, #tpu.memory_space<hbm>>
      %dma_start3A_546 = arith.constant 0 : i32
      %dma_start3A_547 = tpu.memref_slice %arg17[%add3A_529, %dma_start3A_546] : memref<128x32xf32, #tpu.memory_space<vmem>> -> memref<1x32xf32, #tpu.memory_space<vmem>>
      %dma_start3A_548 = arith.constant 0 : i32
      %dma_start3A_549 = tpu.memref_slice %arg6[%squeeze3A_541, %dma_start3A_548] : memref<1000000x32xf32, #tpu.memory_space<hbm>> -> memref<1x32xf32, #tpu.memory_space<hbm>>
      tpu.enqueue_dma source(%dma_start3A_549 : memref<1x32xf32, #tpu.memory_space<hbm>>) target(%dma_start3A_547 : memref<1x32xf32, #tpu.memory_space<vmem>>) target_semaphore(%arg20 : memref<!tpu.dma_semaphore, #tpu.memory_space<semaphore_mem>>)
      %slice3A_550 = vector.extract_strided_slice %get3A_82 {offsets = [14], sizes = [1], strides = [1]} : vector<16xi32> to vector<1xi32>
      %squeeze3A_551 = vector.extract %slice3A_550[0] : i32 from vector<1xi32>
      %dma_start3A_552 = arith.constant 0 : i32
      %dma_start3A_553 = tpu.memref_slice %arg18[%add3A_529, %dma_start3A_552] : memref<128x32xf32, #tpu.memory_space<vmem>> -> memref<1x32xf32, #tpu.memory_space<vmem>>
      %dma_start3A_554 = arith.constant 0 : i32
      %dma_start3A_555 = tpu.memref_slice %arg6[%squeeze3A_551, %dma_start3A_554] : memref<1000000x32xf32, #tpu.memory_space<hbm>> -> memref<1x32xf32, #tpu.memory_space<hbm>>
      %dma_start3A_556 = arith.constant 0 : i32
      %dma_start3A_557 = tpu.memref_slice %arg18[%add3A_529, %dma_start3A_556] : memref<128x32xf32, #tpu.memory_space<vmem>> -> memref<1x32xf32, #tpu.memory_space<vmem>>
      %dma_start3A_558 = arith.constant 0 : i32
      %dma_start3A_559 = tpu.memref_slice %arg6[%squeeze3A_551, %dma_start3A_558] : memref<1000000x32xf32, #tpu.memory_space<hbm>> -> memref<1x32xf32, #tpu.memory_space<hbm>>
      tpu.enqueue_dma source(%dma_start3A_559 : memref<1x32xf32, #tpu.memory_space<hbm>>) target(%dma_start3A_557 : memref<1x32xf32, #tpu.memory_space<vmem>>) target_semaphore(%arg20 : memref<!tpu.dma_semaphore, #tpu.memory_space<semaphore_mem>>)
      %add3A_560 = arith.constant 15 : i32
      %add3A_561 = arith.addi %mul3A_68, %add3A_560 : i32
      %slice3A_562 = vector.extract_strided_slice %get3A_72 {offsets = [15], sizes = [1], strides = [1]} : vector<16xi32> to vector<1xi32>
      %squeeze3A_563 = vector.extract %slice3A_562[0] : i32 from vector<1xi32>
      %dma_start3A_564 = arith.constant 0 : i32
      %dma_start3A_565 = tpu.memref_slice %arg16[%add3A_561, %dma_start3A_564] : memref<128x32xf32, #tpu.memory_space<vmem>> -> memref<1x32xf32, #tpu.memory_space<vmem>>
      %dma_start3A_566 = arith.constant 0 : i32
      %dma_start3A_567 = tpu.memref_slice %arg5[%squeeze3A_563, %dma_start3A_566] : memref<1000000x32xf32, #tpu.memory_space<hbm>> -> memref<1x32xf32, #tpu.memory_space<hbm>>
      %dma_start3A_568 = arith.constant 0 : i32
      %dma_start3A_569 = tpu.memref_slice %arg16[%add3A_561, %dma_start3A_568] : memref<128x32xf32, #tpu.memory_space<vmem>> -> memref<1x32xf32, #tpu.memory_space<vmem>>
      %dma_start3A_570 = arith.constant 0 : i32
      %dma_start3A_571 = tpu.memref_slice %arg5[%squeeze3A_563, %dma_start3A_570] : memref<1000000x32xf32, #tpu.memory_space<hbm>> -> memref<1x32xf32, #tpu.memory_space<hbm>>
      tpu.enqueue_dma source(%dma_start3A_571 : memref<1x32xf32, #tpu.memory_space<hbm>>) target(%dma_start3A_569 : memref<1x32xf32, #tpu.memory_space<vmem>>) target_semaphore(%arg20 : memref<!tpu.dma_semaphore, #tpu.memory_space<semaphore_mem>>)
      %slice3A_572 = vector.extract_strided_slice %get3A_77 {offsets = [15], sizes = [1], strides = [1]} : vector<16xi32> to vector<1xi32>
      %squeeze3A_573 = vector.extract %slice3A_572[0] : i32 from vector<1xi32>
      %dma_start3A_574 = arith.constant 0 : i32
      %dma_start3A_575 = tpu.memref_slice %arg17[%add3A_561, %dma_start3A_574] : memref<128x32xf32, #tpu.memory_space<vmem>> -> memref<1x32xf32, #tpu.memory_space<vmem>>
      %dma_start3A_576 = arith.constant 0 : i32
      %dma_start3A_577 = tpu.memref_slice %arg6[%squeeze3A_573, %dma_start3A_576] : memref<1000000x32xf32, #tpu.memory_space<hbm>> -> memref<1x32xf32, #tpu.memory_space<hbm>>
      %dma_start3A_578 = arith.constant 0 : i32
      %dma_start3A_579 = tpu.memref_slice %arg17[%add3A_561, %dma_start3A_578] : memref<128x32xf32, #tpu.memory_space<vmem>> -> memref<1x32xf32, #tpu.memory_space<vmem>>
      %dma_start3A_580 = arith.constant 0 : i32
      %dma_start3A_581 = tpu.memref_slice %arg6[%squeeze3A_573, %dma_start3A_580] : memref<1000000x32xf32, #tpu.memory_space<hbm>> -> memref<1x32xf32, #tpu.memory_space<hbm>>
      tpu.enqueue_dma source(%dma_start3A_581 : memref<1x32xf32, #tpu.memory_space<hbm>>) target(%dma_start3A_579 : memref<1x32xf32, #tpu.memory_space<vmem>>) target_semaphore(%arg20 : memref<!tpu.dma_semaphore, #tpu.memory_space<semaphore_mem>>)
      %slice3A_582 = vector.extract_strided_slice %get3A_82 {offsets = [15], sizes = [1], strides = [1]} : vector<16xi32> to vector<1xi32>
      %squeeze3A_583 = vector.extract %slice3A_582[0] : i32 from vector<1xi32>
      %dma_start3A_584 = arith.constant 0 : i32
      %dma_start3A_585 = tpu.memref_slice %arg18[%add3A_561, %dma_start3A_584] : memref<128x32xf32, #tpu.memory_space<vmem>> -> memref<1x32xf32, #tpu.memory_space<vmem>>
      %dma_start3A_586 = arith.constant 0 : i32
      %dma_start3A_587 = tpu.memref_slice %arg6[%squeeze3A_583, %dma_start3A_586] : memref<1000000x32xf32, #tpu.memory_space<hbm>> -> memref<1x32xf32, #tpu.memory_space<hbm>>
      %dma_start3A_588 = arith.constant 0 : i32
      %dma_start3A_589 = tpu.memref_slice %arg18[%add3A_561, %dma_start3A_588] : memref<128x32xf32, #tpu.memory_space<vmem>> -> memref<1x32xf32, #tpu.memory_space<vmem>>
      %dma_start3A_590 = arith.constant 0 : i32
      %dma_start3A_591 = tpu.memref_slice %arg6[%squeeze3A_583, %dma_start3A_590] : memref<1000000x32xf32, #tpu.memory_space<hbm>> -> memref<1x32xf32, #tpu.memory_space<hbm>>
      tpu.enqueue_dma source(%dma_start3A_591 : memref<1x32xf32, #tpu.memory_space<hbm>>) target(%dma_start3A_589 : memref<1x32xf32, #tpu.memory_space<vmem>>) target_semaphore(%arg20 : memref<!tpu.dma_semaphore, #tpu.memory_space<semaphore_mem>>)
    }
    %scan3A_45 = arith.constant 8 : i32
    %scan3A_46 = arith.constant 0 : i32
    %scan3A_47 = arith.constant 0 : i32
    %scan3A_48 = arith.constant 128 : i32
    %scan3A_49 = arith.addi %scan3A_47, %scan3A_48 : i32
    %scan3A_50 = arith.constant 1 : i32
    scf.for %scan3A_66 = %scan3A_47 to %scan3A_49 step %scan3A_50  : i32 {
      %dma_wait3A = arith.constant 0 : i32
      %dma_wait3A_67 = arith.constant 0 : i32
      %dma_wait3A_68 = tpu.memref_slice %arg13[%dma_wait3A, %dma_wait3A_67] : memref<128x32xf32, #tpu.memory_space<vmem>> -> memref<1x32xf32, #tpu.memory_space<vmem>>
      %dma_wait3A_69 = arith.constant 0 : i32
      %dma_wait3A_70 = arith.constant 0 : i32
      %dma_wait3A_71 = tpu.memref_slice %arg5[%dma_wait3A_69, %dma_wait3A_70] : memref<1000000x32xf32, #tpu.memory_space<hbm>> -> memref<1x32xf32, #tpu.memory_space<hbm>>
      %dma_wait3A_72 = arith.constant 0 : i32
      %dma_wait3A_73 = arith.constant 0 : i32
      %dma_wait3A_74 = tpu.memref_slice %arg13[%dma_wait3A_72, %dma_wait3A_73] : memref<128x32xf32, #tpu.memory_space<vmem>> -> memref<1x32xf32, #tpu.memory_space<vmem>>
      %dma_wait3A_75 = arith.constant 0 : i32
      %dma_wait3A_76 = arith.constant 0 : i32
      %dma_wait3A_77 = tpu.memref_slice %arg5[%dma_wait3A_75, %dma_wait3A_76] : memref<1000000x32xf32, #tpu.memory_space<hbm>> -> memref<1x32xf32, #tpu.memory_space<hbm>>
      tpu.wait_dma2 semaphore(%arg19 : memref<!tpu.dma_semaphore, #tpu.memory_space<semaphore_mem>>) src(%dma_wait3A_77 : memref<1x32xf32, #tpu.memory_space<hbm>>) dst(%dma_wait3A_74 : memref<1x32xf32, #tpu.memory_space<vmem>>)
      %dma_wait3A_78 = arith.constant 0 : i32
      %dma_wait3A_79 = arith.constant 0 : i32
      %dma_wait3A_80 = tpu.memref_slice %arg14[%dma_wait3A_78, %dma_wait3A_79] : memref<128x32xf32, #tpu.memory_space<vmem>> -> memref<1x32xf32, #tpu.memory_space<vmem>>
      %dma_wait3A_81 = arith.constant 0 : i32
      %dma_wait3A_82 = arith.constant 0 : i32
      %dma_wait3A_83 = tpu.memref_slice %arg6[%dma_wait3A_81, %dma_wait3A_82] : memref<1000000x32xf32, #tpu.memory_space<hbm>> -> memref<1x32xf32, #tpu.memory_space<hbm>>
      %dma_wait3A_84 = arith.constant 0 : i32
      %dma_wait3A_85 = arith.constant 0 : i32
      %dma_wait3A_86 = tpu.memref_slice %arg14[%dma_wait3A_84, %dma_wait3A_85] : memref<128x32xf32, #tpu.memory_space<vmem>> -> memref<1x32xf32, #tpu.memory_space<vmem>>
      %dma_wait3A_87 = arith.constant 0 : i32
      %dma_wait3A_88 = arith.constant 0 : i32
      %dma_wait3A_89 = tpu.memref_slice %arg6[%dma_wait3A_87, %dma_wait3A_88] : memref<1000000x32xf32, #tpu.memory_space<hbm>> -> memref<1x32xf32, #tpu.memory_space<hbm>>
      tpu.wait_dma2 semaphore(%arg19 : memref<!tpu.dma_semaphore, #tpu.memory_space<semaphore_mem>>) src(%dma_wait3A_89 : memref<1x32xf32, #tpu.memory_space<hbm>>) dst(%dma_wait3A_86 : memref<1x32xf32, #tpu.memory_space<vmem>>)
      %dma_wait3A_90 = arith.constant 0 : i32
      %dma_wait3A_91 = arith.constant 0 : i32
      %dma_wait3A_92 = tpu.memref_slice %arg15[%dma_wait3A_90, %dma_wait3A_91] : memref<128x32xf32, #tpu.memory_space<vmem>> -> memref<1x32xf32, #tpu.memory_space<vmem>>
      %dma_wait3A_93 = arith.constant 0 : i32
      %dma_wait3A_94 = arith.constant 0 : i32
      %dma_wait3A_95 = tpu.memref_slice %arg6[%dma_wait3A_93, %dma_wait3A_94] : memref<1000000x32xf32, #tpu.memory_space<hbm>> -> memref<1x32xf32, #tpu.memory_space<hbm>>
      %dma_wait3A_96 = arith.constant 0 : i32
      %dma_wait3A_97 = arith.constant 0 : i32
      %dma_wait3A_98 = tpu.memref_slice %arg15[%dma_wait3A_96, %dma_wait3A_97] : memref<128x32xf32, #tpu.memory_space<vmem>> -> memref<1x32xf32, #tpu.memory_space<vmem>>
      %dma_wait3A_99 = arith.constant 0 : i32
      %dma_wait3A_100 = arith.constant 0 : i32
      %dma_wait3A_101 = tpu.memref_slice %arg6[%dma_wait3A_99, %dma_wait3A_100] : memref<1000000x32xf32, #tpu.memory_space<hbm>> -> memref<1x32xf32, #tpu.memory_space<hbm>>
      tpu.wait_dma2 semaphore(%arg19 : memref<!tpu.dma_semaphore, #tpu.memory_space<semaphore_mem>>) src(%dma_wait3A_101 : memref<1x32xf32, #tpu.memory_space<hbm>>) dst(%dma_wait3A_98 : memref<1x32xf32, #tpu.memory_space<vmem>>)
    }
    %scan3A_51 = arith.constant 128 : i32
    %mul3A_52 = arith.constant 512 : i32
    %mul3A_53 = arith.muli %add3A, %mul3A_52 : i32
    %add3A_54 = arith.constant 256 : i32
    %add3A_55 = arith.addi %mul3A_53, %add3A_54 : i32
    "tpu.region"() ({
      %run_scoped3A = tpu.sem_alloc : memref<!tpu.dma_semaphore, #tpu.memory_space<semaphore_mem>>
      %dma_start3A = arith.constant 0 : i32
      %dma_start3A_66 = tpu.memref_slice %arg7[%add3A_55, %dma_start3A] : memref<16384x32xf32, #tpu.memory_space<hbm>> -> memref<128x32xf32, #tpu.memory_space<hbm>>
      %dma_start3A_67 = arith.constant 0 : i32
      %dma_start3A_68 = tpu.memref_slice %arg7[%add3A_55, %dma_start3A_67] : memref<16384x32xf32, #tpu.memory_space<hbm>> -> memref<128x32xf32, #tpu.memory_space<hbm>>
      tpu.enqueue_dma source(%arg13 : memref<128x32xf32, #tpu.memory_space<vmem>>) target(%dma_start3A_68 : memref<128x32xf32, #tpu.memory_space<hbm>>) target_semaphore(%run_scoped3A : memref<!tpu.dma_semaphore, #tpu.memory_space<semaphore_mem>>)
      %dma_wait3A = arith.constant 0 : i32
      %dma_wait3A_69 = tpu.memref_slice %arg7[%add3A_55, %dma_wait3A] : memref<16384x32xf32, #tpu.memory_space<hbm>> -> memref<128x32xf32, #tpu.memory_space<hbm>>
      %dma_wait3A_70 = arith.constant 0 : i32
      %dma_wait3A_71 = tpu.memref_slice %arg7[%add3A_55, %dma_wait3A_70] : memref<16384x32xf32, #tpu.memory_space<hbm>> -> memref<128x32xf32, #tpu.memory_space<hbm>>
      tpu.wait_dma2 semaphore(%run_scoped3A : memref<!tpu.dma_semaphore, #tpu.memory_space<semaphore_mem>>) src(%arg13 : memref<128x32xf32, #tpu.memory_space<vmem>>) dst(%dma_wait3A_71 : memref<128x32xf32, #tpu.memory_space<hbm>>)
      tpu.yield
    }) : () -> ()
    "tpu.region"() ({
      %run_scoped3A = tpu.sem_alloc : memref<!tpu.dma_semaphore, #tpu.memory_space<semaphore_mem>>
      %dma_start3A = arith.constant 0 : i32
      %dma_start3A_66 = tpu.memref_slice %arg8[%add3A_55, %dma_start3A] : memref<16384x32xf32, #tpu.memory_space<hbm>> -> memref<128x32xf32, #tpu.memory_space<hbm>>
      %dma_start3A_67 = arith.constant 0 : i32
      %dma_start3A_68 = tpu.memref_slice %arg8[%add3A_55, %dma_start3A_67] : memref<16384x32xf32, #tpu.memory_space<hbm>> -> memref<128x32xf32, #tpu.memory_space<hbm>>
      tpu.enqueue_dma source(%arg14 : memref<128x32xf32, #tpu.memory_space<vmem>>) target(%dma_start3A_68 : memref<128x32xf32, #tpu.memory_space<hbm>>) target_semaphore(%run_scoped3A : memref<!tpu.dma_semaphore, #tpu.memory_space<semaphore_mem>>)
      %dma_wait3A = arith.constant 0 : i32
      %dma_wait3A_69 = tpu.memref_slice %arg8[%add3A_55, %dma_wait3A] : memref<16384x32xf32, #tpu.memory_space<hbm>> -> memref<128x32xf32, #tpu.memory_space<hbm>>
      %dma_wait3A_70 = arith.constant 0 : i32
      %dma_wait3A_71 = tpu.memref_slice %arg8[%add3A_55, %dma_wait3A_70] : memref<16384x32xf32, #tpu.memory_space<hbm>> -> memref<128x32xf32, #tpu.memory_space<hbm>>
      tpu.wait_dma2 semaphore(%run_scoped3A : memref<!tpu.dma_semaphore, #tpu.memory_space<semaphore_mem>>) src(%arg14 : memref<128x32xf32, #tpu.memory_space<vmem>>) dst(%dma_wait3A_71 : memref<128x32xf32, #tpu.memory_space<hbm>>)
      tpu.yield
    }) : () -> ()
    "tpu.region"() ({
      %run_scoped3A = tpu.sem_alloc : memref<!tpu.dma_semaphore, #tpu.memory_space<semaphore_mem>>
      %dma_start3A = arith.constant 0 : i32
      %dma_start3A_66 = tpu.memref_slice %arg9[%add3A_55, %dma_start3A] : memref<16384x32xf32, #tpu.memory_space<hbm>> -> memref<128x32xf32, #tpu.memory_space<hbm>>
      %dma_start3A_67 = arith.constant 0 : i32
      %dma_start3A_68 = tpu.memref_slice %arg9[%add3A_55, %dma_start3A_67] : memref<16384x32xf32, #tpu.memory_space<hbm>> -> memref<128x32xf32, #tpu.memory_space<hbm>>
      tpu.enqueue_dma source(%arg15 : memref<128x32xf32, #tpu.memory_space<vmem>>) target(%dma_start3A_68 : memref<128x32xf32, #tpu.memory_space<hbm>>) target_semaphore(%run_scoped3A : memref<!tpu.dma_semaphore, #tpu.memory_space<semaphore_mem>>)
      %dma_wait3A = arith.constant 0 : i32
      %dma_wait3A_69 = tpu.memref_slice %arg9[%add3A_55, %dma_wait3A] : memref<16384x32xf32, #tpu.memory_space<hbm>> -> memref<128x32xf32, #tpu.memory_space<hbm>>
      %dma_wait3A_70 = arith.constant 0 : i32
      %dma_wait3A_71 = tpu.memref_slice %arg9[%add3A_55, %dma_wait3A_70] : memref<16384x32xf32, #tpu.memory_space<hbm>> -> memref<128x32xf32, #tpu.memory_space<hbm>>
      tpu.wait_dma2 semaphore(%run_scoped3A : memref<!tpu.dma_semaphore, #tpu.memory_space<semaphore_mem>>) src(%arg15 : memref<128x32xf32, #tpu.memory_space<vmem>>) dst(%dma_wait3A_71 : memref<128x32xf32, #tpu.memory_space<hbm>>)
      tpu.yield
    }) : () -> ()
    %scan3A_56 = arith.constant 0 : i32
    %scan3A_57 = arith.constant 0 : i32
    %scan3A_58 = arith.constant 128 : i32
    %scan3A_59 = arith.addi %scan3A_57, %scan3A_58 : i32
    %scan3A_60 = arith.constant 1 : i32
    scf.for %scan3A_66 = %scan3A_57 to %scan3A_59 step %scan3A_60  : i32 {
      %dma_wait3A = arith.constant 0 : i32
      %dma_wait3A_67 = arith.constant 0 : i32
      %dma_wait3A_68 = tpu.memref_slice %arg16[%dma_wait3A, %dma_wait3A_67] : memref<128x32xf32, #tpu.memory_space<vmem>> -> memref<1x32xf32, #tpu.memory_space<vmem>>
      %dma_wait3A_69 = arith.constant 0 : i32
      %dma_wait3A_70 = arith.constant 0 : i32
      %dma_wait3A_71 = tpu.memref_slice %arg5[%dma_wait3A_69, %dma_wait3A_70] : memref<1000000x32xf32, #tpu.memory_space<hbm>> -> memref<1x32xf32, #tpu.memory_space<hbm>>
      %dma_wait3A_72 = arith.constant 0 : i32
      %dma_wait3A_73 = arith.constant 0 : i32
      %dma_wait3A_74 = tpu.memref_slice %arg16[%dma_wait3A_72, %dma_wait3A_73] : memref<128x32xf32, #tpu.memory_space<vmem>> -> memref<1x32xf32, #tpu.memory_space<vmem>>
      %dma_wait3A_75 = arith.constant 0 : i32
      %dma_wait3A_76 = arith.constant 0 : i32
      %dma_wait3A_77 = tpu.memref_slice %arg5[%dma_wait3A_75, %dma_wait3A_76] : memref<1000000x32xf32, #tpu.memory_space<hbm>> -> memref<1x32xf32, #tpu.memory_space<hbm>>
      tpu.wait_dma2 semaphore(%arg20 : memref<!tpu.dma_semaphore, #tpu.memory_space<semaphore_mem>>) src(%dma_wait3A_77 : memref<1x32xf32, #tpu.memory_space<hbm>>) dst(%dma_wait3A_74 : memref<1x32xf32, #tpu.memory_space<vmem>>)
      %dma_wait3A_78 = arith.constant 0 : i32
      %dma_wait3A_79 = arith.constant 0 : i32
      %dma_wait3A_80 = tpu.memref_slice %arg17[%dma_wait3A_78, %dma_wait3A_79] : memref<128x32xf32, #tpu.memory_space<vmem>> -> memref<1x32xf32, #tpu.memory_space<vmem>>
      %dma_wait3A_81 = arith.constant 0 : i32
      %dma_wait3A_82 = arith.constant 0 : i32
      %dma_wait3A_83 = tpu.memref_slice %arg6[%dma_wait3A_81, %dma_wait3A_82] : memref<1000000x32xf32, #tpu.memory_space<hbm>> -> memref<1x32xf32, #tpu.memory_space<hbm>>
      %dma_wait3A_84 = arith.constant 0 : i32
      %dma_wait3A_85 = arith.constant 0 : i32
      %dma_wait3A_86 = tpu.memref_slice %arg17[%dma_wait3A_84, %dma_wait3A_85] : memref<128x32xf32, #tpu.memory_space<vmem>> -> memref<1x32xf32, #tpu.memory_space<vmem>>
      %dma_wait3A_87 = arith.constant 0 : i32
      %dma_wait3A_88 = arith.constant 0 : i32
      %dma_wait3A_89 = tpu.memref_slice %arg6[%dma_wait3A_87, %dma_wait3A_88] : memref<1000000x32xf32, #tpu.memory_space<hbm>> -> memref<1x32xf32, #tpu.memory_space<hbm>>
      tpu.wait_dma2 semaphore(%arg20 : memref<!tpu.dma_semaphore, #tpu.memory_space<semaphore_mem>>) src(%dma_wait3A_89 : memref<1x32xf32, #tpu.memory_space<hbm>>) dst(%dma_wait3A_86 : memref<1x32xf32, #tpu.memory_space<vmem>>)
      %dma_wait3A_90 = arith.constant 0 : i32
      %dma_wait3A_91 = arith.constant 0 : i32
      %dma_wait3A_92 = tpu.memref_slice %arg18[%dma_wait3A_90, %dma_wait3A_91] : memref<128x32xf32, #tpu.memory_space<vmem>> -> memref<1x32xf32, #tpu.memory_space<vmem>>
      %dma_wait3A_93 = arith.constant 0 : i32
      %dma_wait3A_94 = arith.constant 0 : i32
      %dma_wait3A_95 = tpu.memref_slice %arg6[%dma_wait3A_93, %dma_wait3A_94] : memref<1000000x32xf32, #tpu.memory_space<hbm>> -> memref<1x32xf32, #tpu.memory_space<hbm>>
      %dma_wait3A_96 = arith.constant 0 : i32
      %dma_wait3A_97 = arith.constant 0 : i32
      %dma_wait3A_98 = tpu.memref_slice %arg18[%dma_wait3A_96, %dma_wait3A_97] : memref<128x32xf32, #tpu.memory_space<vmem>> -> memref<1x32xf32, #tpu.memory_space<vmem>>
      %dma_wait3A_99 = arith.constant 0 : i32
      %dma_wait3A_100 = arith.constant 0 : i32
      %dma_wait3A_101 = tpu.memref_slice %arg6[%dma_wait3A_99, %dma_wait3A_100] : memref<1000000x32xf32, #tpu.memory_space<hbm>> -> memref<1x32xf32, #tpu.memory_space<hbm>>
      tpu.wait_dma2 semaphore(%arg20 : memref<!tpu.dma_semaphore, #tpu.memory_space<semaphore_mem>>) src(%dma_wait3A_101 : memref<1x32xf32, #tpu.memory_space<hbm>>) dst(%dma_wait3A_98 : memref<1x32xf32, #tpu.memory_space<vmem>>)
    }
    %scan3A_61 = arith.constant 128 : i32
    %mul3A_62 = arith.constant 512 : i32
    %mul3A_63 = arith.muli %add3A, %mul3A_62 : i32
    %add3A_64 = arith.constant 384 : i32
    %add3A_65 = arith.addi %mul3A_63, %add3A_64 : i32
    "tpu.region"() ({
      %run_scoped3A = tpu.sem_alloc : memref<!tpu.dma_semaphore, #tpu.memory_space<semaphore_mem>>
      %dma_start3A = arith.constant 0 : i32
      %dma_start3A_66 = tpu.memref_slice %arg7[%add3A_65, %dma_start3A] : memref<16384x32xf32, #tpu.memory_space<hbm>> -> memref<128x32xf32, #tpu.memory_space<hbm>>
      %dma_start3A_67 = arith.constant 0 : i32
      %dma_start3A_68 = tpu.memref_slice %arg7[%add3A_65, %dma_start3A_67] : memref<16384x32xf32, #tpu.memory_space<hbm>> -> memref<128x32xf32, #tpu.memory_space<hbm>>
      tpu.enqueue_dma source(%arg16 : memref<128x32xf32, #tpu.memory_space<vmem>>) target(%dma_start3A_68 : memref<128x32xf32, #tpu.memory_space<hbm>>) target_semaphore(%run_scoped3A : memref<!tpu.dma_semaphore, #tpu.memory_space<semaphore_mem>>)
      %dma_wait3A = arith.constant 0 : i32
      %dma_wait3A_69 = tpu.memref_slice %arg7[%add3A_65, %dma_wait3A] : memref<16384x32xf32, #tpu.memory_space<hbm>> -> memref<128x32xf32, #tpu.memory_space<hbm>>
      %dma_wait3A_70 = arith.constant 0 : i32
      %dma_wait3A_71 = tpu.memref_slice %arg7[%add3A_65, %dma_wait3A_70] : memref<16384x32xf32, #tpu.memory_space<hbm>> -> memref<128x32xf32, #tpu.memory_space<hbm>>
      tpu.wait_dma2 semaphore(%run_scoped3A : memref<!tpu.dma_semaphore, #tpu.memory_space<semaphore_mem>>) src(%arg16 : memref<128x32xf32, #tpu.memory_space<vmem>>) dst(%dma_wait3A_71 : memref<128x32xf32, #tpu.memory_space<hbm>>)
      tpu.yield
    }) : () -> ()
    "tpu.region"() ({
      %run_scoped3A = tpu.sem_alloc : memref<!tpu.dma_semaphore, #tpu.memory_space<semaphore_mem>>
      %dma_start3A = arith.constant 0 : i32
      %dma_start3A_66 = tpu.memref_slice %arg8[%add3A_65, %dma_start3A] : memref<16384x32xf32, #tpu.memory_space<hbm>> -> memref<128x32xf32, #tpu.memory_space<hbm>>
      %dma_start3A_67 = arith.constant 0 : i32
      %dma_start3A_68 = tpu.memref_slice %arg8[%add3A_65, %dma_start3A_67] : memref<16384x32xf32, #tpu.memory_space<hbm>> -> memref<128x32xf32, #tpu.memory_space<hbm>>
      tpu.enqueue_dma source(%arg17 : memref<128x32xf32, #tpu.memory_space<vmem>>) target(%dma_start3A_68 : memref<128x32xf32, #tpu.memory_space<hbm>>) target_semaphore(%run_scoped3A : memref<!tpu.dma_semaphore, #tpu.memory_space<semaphore_mem>>)
      %dma_wait3A = arith.constant 0 : i32
      %dma_wait3A_69 = tpu.memref_slice %arg8[%add3A_65, %dma_wait3A] : memref<16384x32xf32, #tpu.memory_space<hbm>> -> memref<128x32xf32, #tpu.memory_space<hbm>>
      %dma_wait3A_70 = arith.constant 0 : i32
      %dma_wait3A_71 = tpu.memref_slice %arg8[%add3A_65, %dma_wait3A_70] : memref<16384x32xf32, #tpu.memory_space<hbm>> -> memref<128x32xf32, #tpu.memory_space<hbm>>
      tpu.wait_dma2 semaphore(%run_scoped3A : memref<!tpu.dma_semaphore, #tpu.memory_space<semaphore_mem>>) src(%arg17 : memref<128x32xf32, #tpu.memory_space<vmem>>) dst(%dma_wait3A_71 : memref<128x32xf32, #tpu.memory_space<hbm>>)
      tpu.yield
    }) : () -> ()
    "tpu.region"() ({
      %run_scoped3A = tpu.sem_alloc : memref<!tpu.dma_semaphore, #tpu.memory_space<semaphore_mem>>
      %dma_start3A = arith.constant 0 : i32
      %dma_start3A_66 = tpu.memref_slice %arg9[%add3A_65, %dma_start3A] : memref<16384x32xf32, #tpu.memory_space<hbm>> -> memref<128x32xf32, #tpu.memory_space<hbm>>
      %dma_start3A_67 = arith.constant 0 : i32
      %dma_start3A_68 = tpu.memref_slice %arg9[%add3A_65, %dma_start3A_67] : memref<16384x32xf32, #tpu.memory_space<hbm>> -> memref<128x32xf32, #tpu.memory_space<hbm>>
      tpu.enqueue_dma source(%arg18 : memref<128x32xf32, #tpu.memory_space<vmem>>) target(%dma_start3A_68 : memref<128x32xf32, #tpu.memory_space<hbm>>) target_semaphore(%run_scoped3A : memref<!tpu.dma_semaphore, #tpu.memory_space<semaphore_mem>>)
      %dma_wait3A = arith.constant 0 : i32
      %dma_wait3A_69 = tpu.memref_slice %arg9[%add3A_65, %dma_wait3A] : memref<16384x32xf32, #tpu.memory_space<hbm>> -> memref<128x32xf32, #tpu.memory_space<hbm>>
      %dma_wait3A_70 = arith.constant 0 : i32
      %dma_wait3A_71 = tpu.memref_slice %arg9[%add3A_65, %dma_wait3A_70] : memref<16384x32xf32, #tpu.memory_space<hbm>> -> memref<128x32xf32, #tpu.memory_space<hbm>>
      tpu.wait_dma2 semaphore(%run_scoped3A : memref<!tpu.dma_semaphore, #tpu.memory_space<semaphore_mem>>) src(%arg18 : memref<128x32xf32, #tpu.memory_space<vmem>>) dst(%dma_wait3A_71 : memref<128x32xf32, #tpu.memory_space<hbm>>)
      tpu.yield
    }) : () -> ()
    return
  }
}

module attributes {stable_mosaic.version = 14 : i64} {
  func.func @_dot_body(%arg0: i32, %arg1: memref<2048x32xf32, #tpu.memory_space<vmem>>, %arg2: memref<2048x32xf32, #tpu.memory_space<vmem>>, %arg3: memref<2048x32xf32, #tpu.memory_space<vmem>>, %arg4: memref<2048x1xf32, #tpu.memory_space<vmem>>, %arg5: memref<2048x1xf32, #tpu.memory_space<vmem>>) attributes {dimension_semantics = [#tpu.dimension_semantics<arbitrary>], iteration_bounds = array<i64: 8>, scalar_prefetch = 0 : i64, scratch_operands = 0 : i64, tpu.core_type = #tpu.core_type<tc>, window_params = [{transform_indices = @transform_0, window_bounds = array<i64: 2048, 32>}, {transform_indices = @transform_1, window_bounds = array<i64: 2048, 32>}, {transform_indices = @transform_2, window_bounds = array<i64: 2048, 32>}, {transform_indices = @transform_3, window_bounds = array<i64: 2048, 1>}, {transform_indices = @transform_4, window_bounds = array<i64: 2048, 1>}]} {
    %get3A = arith.constant 0 : index
    %get3A_0 = arith.constant 0 : index
    %get3A_1 = vector.load %arg1[%get3A, %get3A_0] : memref<2048x32xf32, #tpu.memory_space<vmem>>, vector<2048x32xf32>
    %broadcast_in_dim3A = arith.constant 1.000000e+00 : f32
    %broadcast_in_dim3A_2 = vector.broadcast %broadcast_in_dim3A : f32 to vector<32x1xf32>
    %get3A_3 = arith.constant 0 : index
    %get3A_4 = arith.constant 0 : index
    %get3A_5 = vector.load %arg2[%get3A_3, %get3A_4] : memref<2048x32xf32, #tpu.memory_space<vmem>>, vector<2048x32xf32>
    %mul3A = arith.mulf %get3A_1, %get3A_5 : vector<2048x32xf32>
    %dot_general3A = arith.constant dense<0.000000e+00> : vector<2048x1xf32>
    %dot_general3A_6 = tpu.matmul %mul3A, %broadcast_in_dim3A_2, %dot_general3A {dimension_numbers = #tpu.dot_dimension_numbers<[1], [0], [0], [1], [0, 0, 1, 1], [], []>, precision = #tpu.contract_precision<fp32>, transpose_lhs_hint = false} : vector<2048x32xf32>, vector<32x1xf32>, vector<2048x1xf32> -> vector<2048x1xf32>
    %swap3A = arith.constant 0 : index
    %swap3A_7 = arith.constant 0 : index
    %swap3A_8 = vector.load %arg4[%swap3A, %swap3A_7] : memref<2048x1xf32, #tpu.memory_space<vmem>>, vector<2048x1xf32>
    tpu.vector_store %arg4[%swap3A, %swap3A_7], %dot_general3A_6 {strides = array<i32>} : memref<2048x1xf32, #tpu.memory_space<vmem>>, vector<2048x1xf32>,
    %get3A_9 = arith.constant 0 : index
    %get3A_10 = arith.constant 0 : index
    %get3A_11 = vector.load %arg3[%get3A_9, %get3A_10] : memref<2048x32xf32, #tpu.memory_space<vmem>>, vector<2048x32xf32>
    %mul3A_12 = arith.mulf %get3A_1, %get3A_11 : vector<2048x32xf32>
    %dot_general3A_13 = arith.constant dense<0.000000e+00> : vector<2048x1xf32>
    %dot_general3A_14 = tpu.matmul %mul3A_12, %broadcast_in_dim3A_2, %dot_general3A_13 {dimension_numbers = #tpu.dot_dimension_numbers<[1], [0], [0], [1], [0, 0, 1, 1], [], []>, precision = #tpu.contract_precision<fp32>, transpose_lhs_hint = false} : vector<2048x32xf32>, vector<32x1xf32>, vector<2048x1xf32> -> vector<2048x1xf32>
    %swap3A_15 = arith.constant 0 : index
    %swap3A_16 = arith.constant 0 : index
    %swap3A_17 = vector.load %arg5[%swap3A_15, %swap3A_16] : memref<2048x1xf32, #tpu.memory_space<vmem>>, vector<2048x1xf32>
    tpu.vector_store %arg5[%swap3A_15, %swap3A_16], %dot_general3A_14 {strides = array<i32>} : memref<2048x1xf32, #tpu.memory_space<vmem>>, vector<2048x1xf32>,
    return
  }
  func.func @transform_0(%arg0: i32) -> (i32, i32) {
    %c0_i32 = arith.constant 0 : i32
    %c0_i32_0 = arith.constant 0 : i32
    return %arg0, %c0_i32 : i32, i32
  }
  func.func @transform_1(%arg0: i32) -> (i32, i32) {
    %c0_i32 = arith.constant 0 : i32
    %c0_i32_0 = arith.constant 0 : i32
    return %arg0, %c0_i32 : i32, i32
  }
  func.func @transform_2(%arg0: i32) -> (i32, i32) {
    %c0_i32 = arith.constant 0 : i32
    %c0_i32_0 = arith.constant 0 : i32
    return %arg0, %c0_i32 : i32, i32
  }
  func.func @transform_3(%arg0: i32) -> (i32, i32) {
    %c0_i32 = arith.constant 0 : i32
    %c0_i32_0 = arith.constant 0 : i32
    return %arg0, %c0_i32 : i32, i32
  }
  func.func @transform_4(%arg0: i32) -> (i32, i32) {
    %c0_i32 = arith.constant 0 : i32
    %c0_i32_0 = arith.constant 0 : i32
    return %arg0, %c0_i32 : i32, i32
  }
}

</mosaic_0001>

<sc_bundles>
// kernel: kernel.4.cloned.1.call-start
scs
__scs_entry_jumppad:
0x0: {  	(pc) =	sbr.rel $0x88, $3  }
0x1: {  	(tag) =	ssettag $0x0;
	lr =	simm.s32 $0x1  }
0x2: {  	[smem:$0x3F9C] =	sst lr;
	_ =	strace $0xD0000000  }
0x3: {  	_ = 	snop  }
0x4: {  	_ = 	snop  }
0x5: {  	_ = 	snop  }
0x6: {  	_ = 	snop  }
0x7: {  	_ = 	snop  }
__scs_overlays_trampoline_lowered:
0x8: {  	[smem:$0x3FAB] =	sst s0  }
0x9: {  	[smem:$0x3FAC] =	sst s1  }
0xa: {  	[smem:$0x3FAD] =	sst s2  }
0xb: {  	[smem:$0x3FAE] =	sst s3  }
0xc: {  	[smem:$0x3FAF] =	sst s4  }
0xd: {  	[smem:$0x3FB0] =	sst s5  }
0xe: {  	[smem:$0x3FB1] =	sst s6  }
0xf: {  	[smem:$0x3FB2] =	sst s7  }
0x10: {  	[smem:$0x3FB3] =	sst s8  }
0x11: {  	[smem:$0x3FB4] =	sst s9;
	s0 =	simm.s32 @!p0 $0x0  }
0x12: {  	s1 =	sld [smem:$0x3F9A];
	s0 =	simm.s32 @p0 $0x1  }
0x13: {  	[smem:$0x3FB5] =	sst s0;
	s0 =	simm.s32 @!p1 $0x0  }
0x14: {  	s2 =	sld [smem:$0x3F99];
	s0 =	simm.s32 @p1 $0x1  }
0x15: {  	[smem:$0x3FB6] =	sst s0;
	s0 =	simm.s32 @!p2 $0x0  }
0x16: {  	s3 =	sld [smem:$0x3FDB];
	s0 =	simm.s32 @p2 $0x1  }
0x17: {  	s4 =	simm.s32 $0x1BF5;
	[smem:$0x3FB8] =	sst s0  }
0x18: {  	s0 =	sld [smem:$0x3F9B];
	_ =	swait.ge [sflag:s4], $0x0  }
0x19: {  	s7 =	sld [smem:$0x3F9C]  }
0x1a: {  	s8 =	sadd.s32 $0xFFFFE003, lr  }
0x1b: {  	s9 =	sadd.s32 $0xFFFFFEF7, lr;
	s5 =	simm.s32 $0xFFFFFFFF;
	p2 =	slt.u32 s8, $0xFFFFF086  }
0x1c: {  	p1 =	slt.u32 s9, $0xF7A;
	s5 =	simm.s32 @!p2 $0x0  }
0x1d: {  	s5 =	simm.s32 @p1 $0x1;
	p0 =	seq.s32 s7, s2  }
0x1e: {  	s7 =	smul.u32 @!p0 $0xF7A, s2;
	p2 =	seq.s32 @!p0 s5, $0x0  }
0x1f: {  	s9 =	smul.u32 $0xF7A, s1;
	s8 =	simm.s32 @!p0 $0x1BF5;
	p2 =	por !p2, p0  }
0x20: {  	[sflag:s8] =	ssyncset.s32 @!p0 $0xFFFFF086;
	s6 =	sadd.s32 @!p0 s3, s7;
	s7 =	simm.s32 @!p0 $0x108  }
0x21: {  	s3 =	sadd.s32 s3, s9;
	s6 =	sadd.s32 @!p0 $0x88, s6;
	s7 =	simm.s32 @p2 $0x1082  }
0x22: {  	[simem:s7], [sflag:s8] =	dma.local @!p0 [hbm:s6], $0xF7A  }
0x23: {  	s9 =	sor.u32 $0xD0000000, s2;
	s6 =	simm.s32 $0x108;
	_ =	swait.ge @!p0 [sflag:s8], $0x0  }
0x24: {  	s3 =	sadd.s32 $0x88, s3;
	s6 =	simm.s32 @!p1 $0x1082;
	[sflag:s4] =	ssyncset.s32 $0xFFFFF086  }
0x25: {  	[simem:s6], [sflag:s4] =	dma.local [hbm:s3], $0xF7A  }
0x26: {  	[smem:$0x3F9C] =	sst s1;
	(tag) =	ssettag s2;
	_ =	strace s9  }
0x27: {  	s1 =	sld [smem:$0x3FAC]  }
0x28: {  	s2 =	sld [smem:$0x3FAD]  }
0x29: {  	s4 =	sld [smem:$0x3FAF]  }
0x2a: {  	p0 =	seq.s32 s5, $0x0;
	s5 =	sld [smem:$0x3FB0]  }
0x2b: {  	s6 =	sld [smem:$0x3FB1]  }
0x2c: {  	s7 =	sld [smem:$0x3FB2]  }
0x2d: {  	s3 =	simm.s32 $0x108;
	s8 =	sld [smem:$0x3FB3]  }
0x2e: {  	s3 =	simm.s32 @!p0 $0x1082;
	s9 =	sld [smem:$0x3FB4]  }
0x2f: {  	lr =	sadd.s32 s0, s3;
	s0 =	sld [smem:$0x3FAB]  }
0x30: {  	s3 =	sld [smem:$0x3FAE]  }
0x31: {  	[smem:$0x3FB7] =	sst s10  }
0x32: {  	s10 =	sld [smem:$0x3FB5];
	_ =	sdelay $0x3  }
0x33: {  	p0 =	seq.s32 s10, $0x1;
	s10 =	sld [smem:$0x3FB7];
	_ =	sdelay $0x3  }
0x34: {  	[smem:$0x3FB7] =	sst s10  }
0x35: {  	s10 =	sld [smem:$0x3FB6];
	_ =	sdelay $0x3  }
0x36: {  	p1 =	seq.s32 s10, $0x1;
	s10 =	sld [smem:$0x3FB7];
	_ =	sdelay $0x3  }
0x37: {  	[smem:$0x3FB7] =	sst s10  }
0x38: {  	s10 =	sld [smem:$0x3FB8]  }
0x39: {  	_ = 	snop;
	(pc) =	sbr.ind lr, $3  }
0x3a: {  	_ = 	snop  }
0x3b: {  	_ = 	snop  }
0x3c: {  	p2 =	seq.s32 s10, $0x1;
	s10 =	sld [smem:$0x3FB7]  }
0x3d: {  	_ =	shalt  }
0x3e: {  	_ =	shalt  }
0x3f: {  	_ =	shalt  }
0x40: {  	_ =	shalt  }
0x41: {  	_ =	shalt  }
0x42: {  	_ =	shalt  }
0x43: {  	_ =	shalt  }
0x44: {  	_ =	shalt  }
0x45: {  	_ =	shalt  }
0x46: {  	_ =	shalt  }
0x47: {  	_ =	shalt  }
0x48: {  	_ =	shalt  }
0x49: {  	_ =	shalt  }
0x4a: {  	_ =	shalt  }
0x4b: {  	_ =	shalt  }
0x4c: {  	_ =	shalt  }
0x4d: {  	_ =	shalt  }
0x4e: {  	_ =	shalt  }
0x4f: {  	_ =	shalt  }
0x50: {  	_ =	shalt  }
0x51: {  	_ =	shalt  }
0x52: {  	_ =	shalt  }
0x53: {  	_ =	shalt  }
0x54: {  	_ =	shalt  }
0x55: {  	_ =	shalt  }
0x56: {  	_ =	shalt  }
0x57: {  	_ =	shalt  }
0x58: {  	_ =	shalt  }
0x59: {  	_ =	shalt  }
0x5a: {  	_ =	shalt  }
0x5b: {  	_ =	shalt  }
0x5c: {  	_ =	shalt  }
0x5d: {  	_ =	shalt  }
0x5e: {  	_ =	shalt  }
0x5f: {  	_ =	shalt  }
0x60: {  	_ =	shalt  }
0x61: {  	_ =	shalt  }
0x62: {  	_ =	shalt  }
0x63: {  	_ =	shalt  }
0x64: {  	_ =	shalt  }
0x65: {  	_ =	shalt  }
0x66: {  	_ =	shalt  }
0x67: {  	_ =	shalt  }
0x68: {  	_ =	shalt  }
0x69: {  	_ =	shalt  }
0x6a: {  	_ =	shalt  }
0x6b: {  	_ =	shalt  }
0x6c: {  	_ =	shalt  }
0x6d: {  	_ =	shalt  }
0x6e: {  	_ =	shalt  }
0x6f: {  	_ =	shalt  }
0x70: {  	_ =	shalt  }
0x71: {  	_ =	shalt  }
0x72: {  	_ =	shalt  }
0x73: {  	_ =	shalt  }
0x74: {  	_ =	shalt  }
0x75: {  	_ =	shalt  }
0x76: {  	_ =	shalt  }
0x77: {  	_ =	shalt  }
0x78: {  	_ =	shalt  }
0x79: {  	_ =	shalt  }
0x7a: {  	_ =	shalt  }
0x7b: {  	_ =	shalt  }
0x7c: {  	_ =	shalt  }
0x7d: {  	_ =	shalt  }
0x7e: {  	_ =	shalt  }
0x7f: {  	_ =	shalt  }
0x80: {  	_ =	shalt  }
0x81: {  	_ =	shalt  }
0x82: {  	_ =	shalt  }
0x83: {  	_ =	shalt  }
0x84: {  	_ =	shalt  }
0x85: {  	_ =	shalt  }
0x86: {  	_ =	shalt  }
0x87: {  	_ =	shalt  }
.Lfunc_end0:
.L_simem_size_0:
called_computation_lowered:
.L_overlay_start_0:
0x88: {  	s2 =	sld [smem:$0x3FD9]  }
0x89: {  	s3 =	sld [smem:$0x3FFE];
	_ =	sdelay $0x1  }
0x8a: {  	s1 =	srdreg.scid  }
0x8b: {  	s0 =	sand.u32 $0x1, s1  }
0x8c: {  	s16 =	sshll.u32 s0, $0xA;
	s2 =	sadd.s32 s3, s2  }
0x8d: {  	s2 =	sadd.s32 s2, s16  }
0x8e: {  	[smem:$0x3FC3] =	sst s2  }
0x8f: {  	_ = 	snop  }
0x90: {  	(tm) =	ssettm $0x1  }
0x91: {  	s17 =	sld [smem:$0x3FFB];
	_ =	sdelay $0x3  }
0x92: {  	_ =	strace s17  }
0x93: {  	s2 =	sld [smem:$0x3FFC];
	_ =	sdelay $0x3  }
0x94: {  	_ =	strace s2  }
0x95: {  	s2 =	sld [smem:$0x3FFD];
	_ =	sdelay $0x3  }
0x96: {  	_ =	strace s2  }
0x97: {  	_ =	strace $0x8FFFFFFF  }
0x98: {  	s18 =	sld [smem:$0x3FDB];
	_ =	sdelay $0x1  }
0x99: {  	s19 =	simm.s32 $_scs_section_size  }
0x9a: {  	s4 =	simm.s32 $_size__tile_overlayer_lowered;
	s5 =	simm.s32 $_tile_overlayer_lowered  }
0x9b: {  	s22 =	simm.s32 $0x1BFF;
	s21 =	sshll.u32 s5, $0x1;
	s2 =	sadd.s32 s19, s18  }
0x9c: {  	s6 =	simm.s32 $0x0;
	s20 =	sshll.u32 s4, $0x1;
	s4 =	sadd.s32 s21, s2  }
0x9d: {  	[timem:s6], [sflag:s22] =	dma.local [hbm:s4], s20  }
0x9e: {  	_ =	swait.ge [sflag:s22], s20  }
0x9f: {  	s3 =	ssub.s32 $0x0, s20;
	[sflag:s22] =	ssyncset.done $0x0  }
0xa0: {  	[sflag:s22] =	ssyncadd.s32 s3;
	_ =	sdelay $0x1  }
0xa1: {  	s23 =	simm.s32 $0x1B8B  }
0xa2: {  	_ =	swait.ge [sflag:s23], $0x1  }
0xa3: {  	[sflag:s23] =	ssyncset.done $0x0  }
0xa4: {  	s25 =	simm.s32 $0x1B8E;
	s24 =	sld [smem:$0x3FFE];
	[sflag:s23] =	ssyncadd.s32 $0xFFFFFFFF  }
0xa5: {  	s26 =	simm.s32 $execute0_lowered;
	[smem:$0x3FD2] =	sst s25  }
0xa6: {  	s4 =	sshll.u32 s26, $0x1;
	_ =	strace $0x80000046;
	[dreg:$0x1] =	wrdreg $0xFFFFFFFF  }
0xa7: {  	s28 =	simm.s32 $_size_execute0_lowered;
	s2 =	sadd.s32 s2, s4;
	[dreg:$0x0] =	wrdreg $0x0  }
0xa8: {  	s4 =	sshll.u32 s28, $0x1;
	[dreg:$0x2] =	wrdreg s2  }
0xa9: {  	[dreg:$0x3] =	wrdreg s4  }
0xaa: {  	[dreg:$0x4] =	wrdreg $0xC0  }
0xab: {  	_ =	task [dreg:s6], $0x5FFFF  }
0xac: {  	[dreg:$0x1] =	wrdreg $0xFFFFFFFF  }
0xad: {  	[dreg:$0x0] =	wrdreg $0x60  }
0xae: {  	[dreg:$0x2] =	wrdreg s24  }
0xaf: {  	[dreg:$0x3] =	wrdreg $0x9  }
0xb0: {  	_ =	task.clear_ibuf [dreg:s6], $0x4FFFF;
	_ =	strace $0x90000046  }
0xb1: {  	s29 =	simm.s32 $0x9;
	_ =	strace $0x80000048  }
0xb2: {  	_ =	swait.ge [sflag:s29], $0x1  }
0xb3: {  	[sflag:s29] =	ssyncadd.s32 $0xFFFFFFFF  }
0xb4: {  	_ =	strace $0x90000048  }
0xb5: {  	_ =	sfence  }
0xb6: {  	s30 =	sld [smem:$0x0];
	_ =	sdelay $0x2  }
0xb7: {  	s31 =	sshll.u32 s1, $0xD;
	s1 =	sshrl.u32 s1, $0x2  }
0xb8: {  	s3 =	sand.u32 $0x4000, s31;
	s1 =	sadd.s32 s1, s30  }
0xb9: {  	s0 =	sor.u32 s3, s0;
	s1 =	sshll.u32 s1, $0x11  }
0xba: {  	s0 =	sor.u32 s1, s0  }
0xbb: {  	s0 =	sadd.s32 $0x8F2B, s0  }
0xbc: {  	[sflag:s0] =	ssyncadd.remote.s32 $0x1  }
0xbd: {  	_ =	sfence.sel $0xFFFF  }
0xbe: {  	[dreg:$0x0] =	wrdreg $0xFFFFFFFF;
	(pc) =	sbr.abs _section_cstart, $3  }
0xbf: {  	[dreg:$0x1] =	wrdreg $0xFFFFFFFF  }
0xc0: {  	_ =	task.clear_ibuf [dreg:s6], $0x2FFFF;
	_ =	strace $0x9FFFFFFF  }
0xc1: {  	(tm) =	ssettm $0x7FFFFFFF  }
tec
execute0_lowered:
.L_overlay_start_1:
0x0: {  	(tag) =	ssettag $0x1  }
0x1: {  	s0 =	rddreg [dreg:$0x0]  }
0x2: {  	s1 =	srdreg.scid;
	s3 =	stileid.u32;
	s2 =	simm.s32 $0x0  }
0x3: {  	s1 =	sand.u32 $0x1, s1;
	s3 =	sshll.u32 s3, $0x1;
	[smem:$0x7FF] =	sst s2  }
0x4: {  	s4 =	sadd.s32 $0xF43A00, s0;
	s7 =	sadd.s32 $0x1E87E00, s0;
	s5 =	sor.u32 s1, s3  }
0x5: {  	s9 =	sadd.s32 $0x1EC7E00, s0;
	s3 =	sshll.u32 s5, $0x7;
	s5 =	sshll.u32 s5, $0xD  }
0x6: {  	_ =	strace $0x80000047;
	s6 =	sadd.s32 s3, s0;
	s19 =	sadd.s32 s7, s5  }
0x7: {  	s3 =	sadd.s32 $0x1600, s0;
	s21 =	sadd.s32 s9, s5;
	[smem:$0x7F1] =	sst s19  }
0x8: {  	s0 =	sadd.s32 $0x1F07E00, s0;
	s17 =	sadd.s32 $0x600, s6;
	[smem:$0x7F2] =	sst s21  }
0x9: {  	s18 =	sadd.s32 $0x1E86E00, s6;
	[smem:$0x7EE] =	sst s17  }
0xa: {  	s6 =	sadd.s32 $0x1E85E00, s6;
	[smem:$0x7EF] =	sst s18  }
0xb: {  	s20 =	sor.u32 $0x800, s5;
	s22 =	sadd.s32 s0, s5;
	[smem:$0x7F0] =	sst s6  }
0xc: {  	s1 =	ssub.s32 $0x2, s1;
	s23 =	sadd.s32 s7, s20;
	[smem:$0x7F3] =	sst s22  }
0xd: {  	s25 =	sor.u32 $0x1000, s5;
	s24 =	sadd.s32 s9, s20;
	[smem:$0x7F4] =	sst s23  }
0xe: {  	s8 =	sshrl.u32 s1, $0x1;
	s26 =	sadd.s32 s7, s25;
	[smem:$0x7F5] =	sst s24  }
0xf: {  	s1 =	ssub.s32 s1, s8;
	s28 =	sadd.s32 s9, s25;
	[smem:$0x7F7] =	sst s26  }
0x10: {  	s31 =	smax.u32 s1, $0x1;
	[smem:$0x7F8] =	sst s28  }
0x11: {  	s5 =	sor.u32 $0x1800, s5;
	s6 =	sadd.s32 s0, s20;
	[smem:$0x7FD] =	sst s31  }
0x12: {  	s29 =	sadd.s32 s7, s5;
	[smem:$0x7F6] =	sst s6  }
0x13: {  	s30 =	sadd.s32 s9, s5;
	[smem:$0x7FA] =	sst s29  }
0x14: {  	s6 =	sadd.s32 s0, s25;
	[smem:$0x7FB] =	sst s30  }
0x15: {  	s0 =	sadd.s32 s0, s5;
	[smem:$0x7F9] =	sst s6  }
0x16: {  	s1 =	simm.s32 $0x0;
	[smem:$0x7FC] =	sst s0;
	s6 =	simm.s32 $0x3  }
.LBB2_1:
0x17: {  	s0 =	sld [smem:$0x7EE];
	_ =	sdelay $0x1  }
0x18: {  	[smem:$0x7ED] =	sst s1  }
0x19: {  	[tilespmem:s2], [sflag:$0x3] =	stream.linear.gather [hbm4b:s0+s2], $0x200, $0x38;
	[tilespmem:$0x18600] =	vst v63  }
0x1a: {  	_ =	swait.ge [sflag:s6], $0x200  }
0x1b: {  	s24 =	sld [smem:$0x7EF]  }
0x1c: {  	[sflag:s6] =	ssyncset.done $0x0  }
0x1d: {  	s23 =	simm.s32 $0x200;
	[sflag:s6] =	ssyncadd.s32 $0xFFFFFE00  }
0x1e: {  	[tilespmem:s23], [sflag:$0x3] =	stream.linear.gather [hbm4b:s24+s2], $0x200, $0x38;
	[tilespmem:$0x18600] =	vst v63  }
0x1f: {  	_ =	swait.ge [sflag:s6], $0x200  }
0x20: {  	s5 =	sld [smem:$0x7F0]  }
0x21: {  	[sflag:s6] =	ssyncset.done $0x0  }
0x22: {  	s25 =	simm.s32 $0x400;
	[sflag:s6] =	ssyncadd.s32 $0xFFFFFE00  }
0x23: {  	[tilespmem:s25], [sflag:$0x3] =	stream.linear.gather [hbm4b:s5+s2], $0x200, $0x38;
	[tilespmem:$0x18600] =	vst v63  }
0x24: {  	_ =	swait.ge [sflag:s6], $0x200  }
0x25: {  	[sflag:s6] =	ssyncset.done $0x0  }
0x26: {  	[sflag:s6] =	ssyncadd.s32 $0xFFFFFE00  }
0x27: {  	v0 =	vld [tilespmem:s23+$0x0]  }
0x28: {  	v1 =	vld [tilespmem:s2+$0x0]  }
0x29: {  	v3 =	vld [tilespmem:s25+$0x0];
	_ =	sdelay $0x2  }
0x2a: {  	v0 =	vshll.u32 v0, $0x4  }
0x2b: {  	v2 =	vshll.u32 v1, $0x4;
	(v2sf) =	vpush v0, $0x0  }
0x2c: {  	v63 =	vshll.u32 v3, $0x4;
	(v2sf) =	vpush v2, $0x0  }
0x2d: {  	(v2sf) =	vpush v63, $0x0  }
0x2e: {  	(v2sf) =	vpush v2, $0x1;
	_ =	sdelay $0x1  }
0x2f: {  	(v2sf) =	vpush v0, $0x1;
	_ =	sdelay $0x2  }
0x30: {  	(v2sf) =	vpush v63, $0x1;
	_ =	sdelay $0x1  }
0x31: {  	s19 =	simm.s32 $0x2000;
	s1 =	simm.s32 $0x410;
	(v2sf) =	vpush v2, $0x2  }
0x32: {  	s15 =	simm.s32 $0x10;
	s16 =	simm.s32 $0x210;
	s9 =	simm.s32 $0x700  }
0x33: {  	s10 =	simm.s32 $0x600;
	s17 =	simm.s32 $0xD00;
	s11 =	simm.s32 $0x4600;
	(v2sf) =	vpush v0, $0x2  }
0x34: {  	s31 =	simm.s32 $0x8600;
	s18 =	simm.s32 $0x680;
	s21 =	simm.s32 $0x4680  }
0x35: {  	s29 =	simm.s32 $0x8D00;
	s0 =	simm.s32 $0x0;
	s5 =	simm.s32 $0x4C00  }
0x36: {  	s6 =	simm.s32 $0x8780;
	s23 =	simm.s32 $0x8680;
	s7 =	spop (v2sf)  }
0x37: {  	(v2sf) =	vpush v63, $0x2;
	s8 =	spop (v2sf);
	s13 =	sand.u32 $0x1FFFFFF0, s7;
	s7 =	simm.s32 $0x8C00  }
0x38: {  	s12 =	sand.u32 $0x1FFFFFF0, s8;
	s8 =	simm.s32 $0x4780;
	s28 =	spop (v2sf)  }
0x39: {  	(v2sf) =	vpush v2, $0x3;
	s30 =	sadd.s32 s4, s13;
	s26 =	sadd.s32 s3, s12;
	s13 =	spop (v2sf)  }
0x3a: {  	[tilespmem:s10], [sflag:$0x1] =	stream.linear.gather [hbm4b:s26+s2], $0x80, $0x38;
	[tilespmem:$0x18600] =	vst v63  }
0x3b: {  	s10 =	sand.u32 $0x1FFFFFF0, s28;
	s12 =	sand.u32 $0x1FFFFFF0, s13;
	s14 =	spop (v2sf)  }
0x3c: {  	(v2sf) =	vpush v0, $0x3;
	s13 =	simm.s32 $0x8700;
	s10 =	sadd.s32 s4, s10;
	s20 =	sand.u32 $0x1FFFFFF0, s14  }
0x3d: {  	[tilespmem:s11], [sflag:$0x1] =	stream.linear.gather [hbm4b:s30+s2], $0x80, $0x38;
	[tilespmem:$0x18600] =	vst v63  }
0x3e: {  	(v2sf) =	vpush v63, $0x3;
	s12 =	sadd.s32 s3, s12;
	s22 =	spop (v2sf);
	s11 =	sadd.s32 s4, s20  }
0x3f: {  	[tilespmem:s31], [sflag:$0x1] =	stream.linear.gather [hbm4b:s10+s2], $0x80, $0x38;
	[tilespmem:$0x18600] =	vst v63  }
0x40: {  	(v2sf) =	vpush v2, $0x4;
	s24 =	sand.u32 $0x1FFFFFF0, s22;
	s25 =	spop (v2sf);
	s30 =	simm.s32 $0x4700  }
0x41: {  	[tilespmem:s18], [sflag:$0x1] =	stream.linear.gather [hbm4b:s12+s2], $0x80, $0x38;
	[tilespmem:$0x18600] =	vst v63  }
0x42: {  	(v2sf) =	vpush v0, $0x4;
	s26 =	spop (v2sf);
	s10 =	simm.s32 $0x800;
	s12 =	sand.u32 $0x1FFFFFF0, s25  }
0x43: {  	[tilespmem:s21], [sflag:$0x1] =	stream.linear.gather [hbm4b:s11+s2], $0x80, $0x38;
	[tilespmem:$0x18600] =	vst v63  }
0x44: {  	(v2sf) =	vpush v63, $0x4;
	s28 =	sand.u32 $0x1FFFFFF0, s26;
	s12 =	sadd.s32 s3, s12;
	s11 =	sadd.s32 s4, s24  }
0x45: {  	[tilespmem:s23], [sflag:$0x1] =	stream.linear.gather [hbm4b:s11+s2], $0x80, $0x38;
	[tilespmem:$0x18600] =	vst v63  }
0x46: {  	s21 =	simm.s32 $0x780;
	s11 =	sadd.s32 s4, s28;
	s31 =	spop (v2sf)  }
0x47: {  	[tilespmem:s9], [sflag:$0x1] =	stream.linear.gather [hbm4b:s12+s2], $0x80, $0x38;
	[tilespmem:$0x18600] =	vst v63  }
0x48: {  	s28 =	simm.s32 $0x4800;
	(v2sf) =	vpush v2, $0x5;
	s14 =	sand.u32 $0x1FFFFFF0, s31;
	s18 =	spop (v2sf)  }
0x49: {  	(v2sf) =	vpush v0, $0x5;
	s9 =	simm.s32 $0x900;
	s31 =	simm.s32 $0x4880;
	s12 =	sand.u32 $0x1FFFFFF0, s18  }
0x4a: {  	[tilespmem:s30], [sflag:$0x1] =	stream.linear.gather [hbm4b:s11+s2], $0x80, $0x38;
	[tilespmem:$0x18600] =	vst v63  }
0x4b: {  	s20 =	spop (v2sf);
	s18 =	simm.s32 $0x8800;
	s11 =	sadd.s32 s4, s14  }
0x4c: {  	(v2sf) =	vpush v63, $0x5;
	[tilespmem:s13], [sflag:$0x1] =	stream.linear.gather [hbm4b:s11+s2], $0x80, $0x38;
	[tilespmem:$0x18600] =	vst v63  }
0x4d: {  	s22 =	sand.u32 $0x1FFFFFF0, s20;
	s12 =	sadd.s32 s3, s12;
	s23 =	spop (v2sf);
	(v2sf) =	vpush v2, $0x6  }
0x4e: {  	[tilespmem:s21], [sflag:$0x1] =	stream.linear.gather [hbm4b:s12+s2], $0x80, $0x38;
	[tilespmem:$0x18600] =	vst v63  }
0x4f: {  	(v2sf) =	vpush v0, $0x6;
	s24 =	sand.u32 $0x1FFFFFF0, s23;
	s25 =	spop (v2sf);
	s11 =	sadd.s32 s4, s22  }
0x50: {  	(v2sf) =	vpush v63, $0x6;
	[tilespmem:s8], [sflag:$0x1] =	stream.linear.gather [hbm4b:s11+s2], $0x80, $0x38;
	[tilespmem:$0x18600] =	vst v63  }
0x51: {  	s26 =	spop (v2sf);
	s11 =	sand.u32 $0x1FFFFFF0, s25;
	s8 =	sadd.s32 s4, s24  }
0x52: {  	(v2sf) =	vpush v2, $0x7;
	[tilespmem:s6], [sflag:$0x1] =	stream.linear.gather [hbm4b:s8+s2], $0x80, $0x38;
	[tilespmem:$0x18600] =	vst v63  }
0x53: {  	s30 =	sand.u32 $0x1FFFFFF0, s26;
	s14 =	spop (v2sf);
	s11 =	sadd.s32 s3, s11  }
0x54: {  	(v2sf) =	vpush v0, $0x7;
	[tilespmem:s10], [sflag:$0x1] =	stream.linear.gather [hbm4b:s11+s2], $0x80, $0x38;
	[tilespmem:$0x18600] =	vst v63  }
0x55: {  	s23 =	simm.s32 $0x880;
	s13 =	simm.s32 $0xC80;
	s8 =	sadd.s32 s4, s30  }
0x56: {  	[tilespmem:s28], [sflag:$0x1] =	stream.linear.gather [hbm4b:s8+s2], $0x80, $0x38;
	[tilespmem:$0x18600] =	vst v63  }
0x57: {  	s26 =	simm.s32 $0x8880;
	s20 =	sand.u32 $0x1FFFFFF0, s14;
	s21 =	spop (v2sf)  }
0x58: {  	s8 =	sadd.s32 s4, s20;
	s11 =	sand.u32 $0x1FFFFFF0, s21;
	s22 =	spop (v2sf)  }
0x59: {  	[tilespmem:s18], [sflag:$0x1] =	stream.linear.gather [hbm4b:s8+s2], $0x80, $0x38;
	[tilespmem:$0x18600] =	vst v63  }
0x5a: {  	(v2sf) =	vpush v63, $0x7;
	s21 =	simm.s32 $0x8900;
	s24 =	sand.u32 $0x1FFFFFF0, s22;
	s11 =	sadd.s32 s3, s11  }
0x5b: {  	s25 =	spop (v2sf);
	s18 =	simm.s32 $0x4900;
	s8 =	sadd.s32 s4, s24  }
0x5c: {  	(v2sf) =	vpush v2, $0x8;
	s6 =	sand.u32 $0x1FFFFFF0, s25;
	s28 =	spop (v2sf);
	s25 =	simm.s32 $0x8980  }
0x5d: {  	(v2sf) =	vpush v0, $0x8;
	[tilespmem:s23], [sflag:$0x1] =	stream.linear.gather [hbm4b:s11+s2], $0x80, $0x38;
	[tilespmem:$0x18600] =	vst v63  }
0x5e: {  	s10 =	sand.u32 $0x1FFFFFF0, s28;
	s30 =	spop (v2sf);
	s6 =	sadd.s32 s4, s6  }
0x5f: {  	s28 =	simm.s32 $0x4980;
	s14 =	sand.u32 $0x1FFFFFF0, s30;
	s20 =	spop (v2sf)  }
0x60: {  	[tilespmem:s31], [sflag:$0x1] =	stream.linear.gather [hbm4b:s8+s2], $0x80, $0x38;
	[tilespmem:$0x18600] =	vst v63  }
0x61: {  	(v2sf) =	vpush v63, $0x8;
	s10 =	sadd.s32 s3, s10;
	s31 =	simm.s32 $0x980;
	s23 =	spop (v2sf)  }
0x62: {  	[tilespmem:s26], [sflag:$0x1] =	stream.linear.gather [hbm4b:s6+s2], $0x80, $0x38;
	[tilespmem:$0x18600] =	vst v63  }
0x63: {  	(v2sf) =	vpush v2, $0x9;
	s8 =	sadd.s32 s4, s14;
	s22 =	sand.u32 $0x1FFFFFF0, s20;
	s24 =	spop (v2sf)  }
0x64: {  	[tilespmem:s9], [sflag:$0x1] =	stream.linear.gather [hbm4b:s10+s2], $0x80, $0x38;
	[tilespmem:$0x18600] =	vst v63  }
0x65: {  	(v2sf) =	vpush v0, $0x9;
	s26 =	sand.u32 $0x1FFFFFF0, s24;
	s24 =	simm.s32 $0x8A00;
	s10 =	sand.u32 $0x1FFFFFF0, s23  }
0x66: {  	[tilespmem:s18], [sflag:$0x1] =	stream.linear.gather [hbm4b:s8+s2], $0x80, $0x38;
	[tilespmem:$0x18600] =	vst v63  }
0x67: {  	(v2sf) =	vpush v63, $0x9;
	s9 =	sadd.s32 s4, s22;
	s10 =	sadd.s32 s3, s10;
	s8 =	simm.s32 $0x4B00  }
0x68: {  	[tilespmem:s21], [sflag:$0x1] =	stream.linear.gather [hbm4b:s9+s2], $0x80, $0x38;
	[tilespmem:$0x18600] =	vst v63  }
0x69: {  	s9 =	sadd.s32 s4, s26;
	s21 =	simm.s32 $0xA00;
	s30 =	spop (v2sf)  }
0x6a: {  	[tilespmem:s31], [sflag:$0x1] =	stream.linear.gather [hbm4b:s10+s2], $0x80, $0x38;
	[tilespmem:$0x18600] =	vst v63  }
0x6b: {  	(v2sf) =	vpush v2, $0xA;
	s31 =	simm.s32 $0x4A00;
	s14 =	sand.u32 $0x1FFFFFF0, s30;
	s18 =	spop (v2sf)  }
0x6c: {  	(v2sf) =	vpush v0, $0xA;
	s30 =	simm.s32 $0xA80;
	s10 =	sand.u32 $0x1FFFFFF0, s18;
	s20 =	spop (v2sf)  }
0x6d: {  	[tilespmem:s28], [sflag:$0x1] =	stream.linear.gather [hbm4b:s9+s2], $0x80, $0x38;
	[tilespmem:$0x18600] =	vst v63  }
0x6e: {  	(v2sf) =	vpush v63, $0xA;
	s9 =	sadd.s32 s4, s14;
	s22 =	sand.u32 $0x1FFFFFF0, s20;
	s10 =	sadd.s32 s3, s10  }
0x6f: {  	[tilespmem:s25], [sflag:$0x1] =	stream.linear.gather [hbm4b:s9+s2], $0x80, $0x38;
	[tilespmem:$0x18600] =	vst v63  }
0x70: {  	s14 =	simm.s32 $0x8A80;
	s23 =	spop (v2sf);
	(v2sf) =	vpush v2, $0xB;
	s9 =	sadd.s32 s4, s22  }
0x71: {  	(v2sf) =	vpush v0, $0xB;
	[tilespmem:s21], [sflag:$0x1] =	stream.linear.gather [hbm4b:s10+s2], $0x80, $0x38;
	[tilespmem:$0x18600] =	vst v63  }
0x72: {  	s25 =	sand.u32 $0x1FFFFFF0, s23;
	s26 =	spop (v2sf);
	s22 =	simm.s32 $0xB00  }
0x73: {  	(v2sf) =	vpush v63, $0xB;
	[tilespmem:s31], [sflag:$0x1] =	stream.linear.gather [hbm4b:s9+s2], $0x80, $0x38;
	[tilespmem:$0x18600] =	vst v63  }
0x74: {  	s28 =	spop (v2sf);
	s10 =	sand.u32 $0x1FFFFFF0, s26;
	s9 =	sadd.s32 s4, s25  }
0x75: {  	(v2sf) =	vpush v2, $0xC;
	[tilespmem:s24], [sflag:$0x1] =	stream.linear.gather [hbm4b:s9+s2], $0x80, $0x38;
	[tilespmem:$0x18600] =	vst v63  }
0x76: {  	s11 =	spop (v2sf);
	s10 =	sadd.s32 s3, s10;
	s31 =	sand.u32 $0x1FFFFFF0, s28  }
0x77: {  	[tilespmem:s30], [sflag:$0x1] =	stream.linear.gather [hbm4b:s10+s2], $0x80, $0x38;
	[tilespmem:$0x18600] =	vst v63  }
0x78: {  	s26 =	simm.s32 $0x8B80;
	s9 =	sadd.s32 s4, s31;
	s10 =	simm.s32 $0x4A80  }
0x79: {  	(v2sf) =	vpush v0, $0xC;
	[tilespmem:s10], [sflag:$0x1] =	stream.linear.gather [hbm4b:s9+s2], $0x80, $0x38;
	[tilespmem:$0x18600] =	vst v63  }
0x7a: {  	s18 =	sand.u32 $0x1FFFFFF0, s11;
	s24 =	simm.s32 $0x8B00;
	s20 =	spop (v2sf)  }
0x7b: {  	s9 =	sadd.s32 s4, s18;
	(v2sf) =	vpush v63, $0xC;
	s10 =	sand.u32 $0x1FFFFFF0, s20;
	s21 =	spop (v2sf)  }
0x7c: {  	[tilespmem:s14], [sflag:$0x1] =	stream.linear.gather [hbm4b:s9+s2], $0x80, $0x38;
	[tilespmem:$0x18600] =	vst v63  }
0x7d: {  	(v2sf) =	vpush v2, $0xD;
	s20 =	simm.s32 $0x4B80;
	s10 =	sadd.s32 s3, s10;
	s25 =	spop (v2sf)  }
0x7e: {  	[tilespmem:s22], [sflag:$0x1] =	stream.linear.gather [hbm4b:s10+s2], $0x80, $0x38;
	[tilespmem:$0x18600] =	vst v63  }
0x7f: {  	s23 =	sand.u32 $0x1FFFFFF0, s21;
	s14 =	simm.s32 $0xB80;
	s30 =	spop (v2sf)  }
0x80: {  	s9 =	sadd.s32 s4, s23;
	s28 =	sand.u32 $0x1FFFFFF0, s25;
	(v2sf) =	vpush v0, $0xD;
	s31 =	spop (v2sf)  }
0x81: {  	[tilespmem:s8], [sflag:$0x1] =	stream.linear.gather [hbm4b:s9+s2], $0x80, $0x38;
	[tilespmem:$0x18600] =	vst v63  }
0x82: {  	s10 =	sand.u32 $0x1FFFFFF0, s30;
	(v2sf) =	vpush v63, $0xD;
	s9 =	sadd.s32 s4, s28;
	s18 =	spop (v2sf)  }
0x83: {  	[tilespmem:s24], [sflag:$0x1] =	stream.linear.gather [hbm4b:s9+s2], $0x80, $0x38;
	[tilespmem:$0x18600] =	vst v63  }
0x84: {  	s10 =	sadd.s32 s3, s10;
	s21 =	sand.u32 $0x1FFFFFF0, s31;
	s22 =	spop (v2sf)  }
0x85: {  	[tilespmem:s14], [sflag:$0x1] =	stream.linear.gather [hbm4b:s10+s2], $0x80, $0x38;
	[tilespmem:$0x18600] =	vst v63  }
0x86: {  	s9 =	sand.u32 $0x1FFFFFF0, s18;
	s11 =	sand.u32 $0x1FFFFFF0, s22;
	s10 =	sadd.s32 s4, s21  }
0x87: {  	[tilespmem:s20], [sflag:$0x1] =	stream.linear.gather [hbm4b:s10+s2], $0x80, $0x38;
	[tilespmem:$0x18600] =	vst v63  }
0x88: {  	s23 =	spop (v2sf);
	s24 =	simm.s32 $0xC00;
	s9 =	sadd.s32 s4, s9  }
0x89: {  	[tilespmem:s26], [sflag:$0x1] =	stream.linear.gather [hbm4b:s9+s2], $0x80, $0x38;
	[tilespmem:$0x18600] =	vst v63  }
0x8a: {  	s6 =	sand.u32 $0x1FFFFFF0, s23;
	s26 =	sadd.s32 s3, s11;
	s25 =	spop (v2sf)  }
0x8b: {  	[tilespmem:s24], [sflag:$0x1] =	stream.linear.gather [hbm4b:s26+s2], $0x80, $0x38;
	[tilespmem:$0x18600] =	vst v63  }
0x8c: {  	s12 =	simm.s32 $0x8C80;
	(v2sf) =	vpush v2, $0xE;
	s6 =	sadd.s32 s4, s6;
	s28 =	spop (v2sf)  }
0x8d: {  	(v2sf) =	vpush v0, $0xE;
	s14 =	simm.s32 $0x4D00;
	s8 =	sand.u32 $0x1FFFFFF0, s25;
	s30 =	sand.u32 $0x1FFFFFF0, s28  }
0x8e: {  	(v2sf) =	vpush v63, $0xE;
	[tilespmem:s5], [sflag:$0x1] =	stream.linear.gather [hbm4b:s6+s2], $0x80, $0x38;
	[tilespmem:$0x18600] =	vst v63  }
0x8f: {  	(v2sf) =	vpush v2, $0xF;
	s31 =	sadd.s32 s4, s8;
	s8 =	sadd.s32 s3, s30;
	s6 =	spop (v2sf)  }
0x90: {  	(v2sf) =	vpush v0, $0xF;
	[tilespmem:s7], [sflag:$0x1] =	stream.linear.gather [hbm4b:s31+s2], $0x80, $0x38;
	[tilespmem:$0x18600] =	vst v63  }
0x91: {  	(v2sf) =	vpush v63, $0xF;
	s5 =	simm.s32 $0x0;
	s7 =	simm.s32 $0x4C80;
	s9 =	spop (v2sf)  }
.LBB2_2:
0x92: {  	_ =	sdelay $0x2  }
0x93: {  	s10 =	sand.u32 $0x1FFFFFF0, s6  }
0x94: {  	[tilespmem:s13], [sflag:$0x1] =	stream.linear.gather [hbm4b:s8+s5], $0x80, $0x38;
	[tilespmem:$0x18600] =	vst v63  }
0x95: {  	s9 =	sand.u32 $0x1FFFFFF0, s9;
	s28 =	sadd.s32 s4, s10  }
0x96: {  	[tilespmem:s7], [sflag:$0x1] =	stream.linear.gather [hbm4b:s28+s5], $0x80, $0x38;
	[tilespmem:$0x18600] =	vst v63  }
0x97: {  	s13 =	sadd.s32 s4, s9  }
0x98: {  	[tilespmem:s12], [sflag:$0x1] =	stream.linear.gather [hbm4b:s13+s5], $0x80, $0x38;
	[tilespmem:$0x18600] =	vst v63  }
0x99: {  	s11 =	spop (v2sf)  }
0x9a: {  	s6 =	smov.u32 s19;
	s31 =	spop (v2sf)  }
0x9b: {  	s12 =	sadd.s32 $0x8D80, s0;
	s30 =	sand.u32 $0x1FFFFFF0, s11;
	s18 =	sand.u32 $0x1FFFFFF0, s31  }
0x9c: {  	s20 =	spop (v2sf);
	s21 =	sadd.s32 s3, s30;
	s31 =	sadd.s32 $0xD80, s0  }
0x9d: {  	[tilespmem:s17], [sflag:$0x1] =	stream.linear.gather [hbm4b:s21+s5], $0x80, $0x38;
	[tilespmem:$0x18600] =	vst v63  }
0x9e: {  	s9 =	sand.u32 $0x1FFFFFF0, s20;
	s22 =	spop (v2sf);
	s23 =	sadd.s32 s4, s18  }
0x9f: {  	s17 =	sadd.s32 $0x10, s1;
	s18 =	sadd.s32 $0x10, s16;
	s24 =	sand.u32 $0x1FFFFFF0, s22  }
0xa0: {  	[tilespmem:s14], [sflag:$0x1] =	stream.linear.gather [hbm4b:s23+s5], $0x80, $0x38;
	[tilespmem:$0x18600] =	vst v63  }
0xa1: {  	s25 =	spop (v2sf);
	s26 =	sadd.s32 s4, s9;
	[dreg:$0x2] =	wrdreg s17  }
0xa2: {  	[tilespmem:s29], [sflag:$0x1] =	stream.linear.gather [hbm4b:s26+s5], $0x80, $0x38;
	[tilespmem:$0x18600] =	vst v63  }
0xa3: {  	[dreg:$0x3] =	wrdreg s18;
	s28 =	sand.u32 $0x1FFFFFF0, s25;
	s8 =	sadd.s32 s3, s24  }
0xa4: {  	[tilespmem:s31], [sflag:$0x1] =	stream.linear.gather [hbm4b:s8+s5], $0x80, $0x38;
	[tilespmem:$0x18600] =	vst v63  }
0xa5: {  	s30 =	spop (v2sf);
	s8 =	sadd.s32 $0x4D80, s0;
	s0 =	sshra.s32 s6, $0x2  }
0xa6: {  	s10 =	sand.u32 $0x1FFFFFF0, s30;
	s11 =	sadd.s32 s4, s28;
	s20 =	sadd.s32 $0x4C00, s0  }
0xa7: {  	[tilespmem:s8], [sflag:$0x1] =	stream.linear.gather [hbm4b:s11+s5], $0x80, $0x38;
	[tilespmem:$0x18600] =	vst v63  }
0xa8: {  	s14 =	sadd.s32 s4, s10;
	s6 =	sadd.s32 $0x8C00, s0;
	[dreg:$0x4] =	wrdreg s20  }
0xa9: {  	[tilespmem:s12], [sflag:$0x1] =	stream.linear.gather [hbm4b:s14+s5], $0x80, $0x38;
	[tilespmem:$0x18600] =	vst v63  }
0xaa: {  	s21 =	sadd.s32 $0x800, s0;
	[dreg:$0x5] =	wrdreg s6;
	v0 =	vld [tilespmem:s16+$0x0]  }
0xab: {  	s22 =	sadd.s32 $0x900, s0;
	[smem:$0x7DA] =	sst s21;
	v1 =	vld [tilespmem:s15+$0x0]  }
0xac: {  	p0 =	sne.s32 s19, $0xE000;
	s23 =	sadd.s32 $0xC80, s0;
	[smem:$0x7DE] =	sst s22;
	v3 =	vld [tilespmem:s1+$0x0]  }
0xad: {  	s13 =	sadd.s32 $0x2000, s19;
	s24 =	sadd.s32 $0x4800, s0;
	[smem:$0x7DC] =	sst s23  }
0xae: {  	s19 =	sadd.s32 $0x600, s0;
	s25 =	sadd.s32 $0x4880, s0;
	[smem:$0x7DB] =	sst s24  }
0xaf: {  	s9 =	sadd.s32 $0xD00, s0;
	s26 =	sadd.s32 $0x980, s0;
	[smem:$0x7DD] =	sst s25;
	v0 =	vshll.u32 v0, $0x4  }
0xb0: {  	s18 =	sadd.s32 $0x4600, s0;
	s28 =	sadd.s32 $0x4900, s0;
	[smem:$0x7E1] =	sst s26;
	v2 =	vshll.u32 v1, $0x4;
	(v2sf) =	vpush v0, $0x0  }
0xb1: {  	s7 =	sadd.s32 $0x8680, s0;
	s30 =	sadd.s32 $0x8980, s0;
	[smem:$0x7DF] =	sst s28;
	v63 =	vshll.u32 v3, $0x4;
	(v2sf) =	vpush v2, $0x0  }
0xb2: {  	s10 =	sadd.s32 $0x4D00, s0;
	s31 =	sadd.s32 $0x8900, s0;
	[smem:$0x7E3] =	sst s30;
	(v2sf) =	vpush v63, $0x0  }
0xb3: {  	s29 =	sadd.s32 $0x8D00, s0;
	s17 =	sadd.s32 $0x4A00, s0;
	[smem:$0x7E0] =	sst s31;
	(v2sf) =	vpush v2, $0x1  }
0xb4: {  	s11 =	sadd.s32 $0x8780, s0;
	[smem:$0x7E5] =	sst s17;
	s21 =	sadd.s32 $0x4B00, s0  }
0xb5: {  	s6 =	sadd.s32 $0x780, s0;
	s22 =	sadd.s32 $0x4A80, s0;
	[dreg:$0x19] =	wrdreg s21  }
0xb6: {  	s20 =	sadd.s32 $0x680, s0;
	s23 =	sadd.s32 $0x8A80, s0;
	[smem:$0x7E8] =	sst s22;
	(v2sf) =	vpush v0, $0x1  }
0xb7: {  	s8 =	sadd.s32 $0x4680, s0;
	s24 =	sadd.s32 $0xA80, s0;
	[smem:$0x7E9] =	sst s23;
	(v2sf) =	vpush v63, $0x1  }
0xb8: {  	s25 =	sadd.s32 $0xB00, s0;
	s17 =	sadd.s32 $0x8700, s0;
	[smem:$0x7E7] =	sst s24  }
0xb9: {  	s26 =	sadd.s32 $0x8B80, s0;
	s28 =	sadd.s32 $0x4980, s0;
	[smem:$0x7EA] =	sst s25;
	(v2sf) =	vpush v2, $0x2  }
0xba: {  	s30 =	sadd.s32 $0xB80, s0;
	s31 =	sadd.s32 $0xA00, s0;
	[dreg:$0xc] =	wrdreg s26  }
0xbb: {  	s22 =	sadd.s32 $0x8600, s0;
	s21 =	sadd.s32 $0x8B00, s0;
	[smem:$0x7E2] =	sst s28;
	(v2sf) =	vpush v0, $0x2  }
0xbc: {  	s25 =	sadd.s32 $0x880, s0;
	[smem:$0x7EC] =	sst s30;
	s23 =	sadd.s32 $0x4B80, s0;
	(v2sf) =	vpush v63, $0x2  }
0xbd: {  	s30 =	sadd.s32 $0x8880, s0;
	[smem:$0x7E4] =	sst s31;
	s5 =	simm.s32 $0x0  }
0xbe: {  	s14 =	sadd.s32 $0x4780, s0;
	s12 =	sadd.s32 $0x8C80, s0;
	[smem:$0x7EB] =	sst s21  }
0xbf: {  	s21 =	sadd.s32 $0x4700, s0;
	[dreg:$0x1d] =	wrdreg s23;
	s26 =	spop (v2sf)  }
0xc0: {  	s15 =	sadd.s32 $0x10, s15;
	s16 =	sadd.s32 $0x700, s0;
	(v2sf) =	vpush v2, $0x3;
	s28 =	spop (v2sf)  }
0xc1: {  	s1 =	smov.u32 s13;
	s13 =	sadd.s32 $0x8800, s0;
	s31 =	spop (v2sf)  }
0xc2: {  	(v2sf) =	vpush v0, $0x3;
	s26 =	sand.u32 $0x1FFFFFF0, s26;
	s28 =	sand.u32 $0x1FFFFFF0, s28;
	s24 =	spop (v2sf)  }
0xc3: {  	s28 =	sadd.s32 s3, s28;
	s23 =	sand.u32 $0x1FFFFFF0, s24;
	s24 =	sadd.s32 $0x8A00, s0  }
0xc4: {  	(v2sf) =	vpush v63, $0x3;
	[tilespmem:s19], [sflag:$0x1] =	stream.linear.gather [hbm4b:s28+s5], $0x80, $0x38;
	[tilespmem:$0x18600] =	vst v63  }
0xc5: {  	s31 =	sand.u32 $0x1FFFFFF0, s31;
	[smem:$0x7E6] =	sst s24;
	s24 =	spop (v2sf)  }
0xc6: {  	s28 =	sadd.s32 s4, s26;
	(v2sf) =	vpush v2, $0x4;
	s24 =	sand.u32 $0x1FFFFFF0, s24;
	s26 =	spop (v2sf)  }
0xc7: {  	[tilespmem:s18], [sflag:$0x1] =	stream.linear.gather [hbm4b:s28+s5], $0x80, $0x38;
	[tilespmem:$0x18600] =	vst v63  }
0xc8: {  	(v2sf) =	vpush v0, $0x4;
	s28 =	sadd.s32 s4, s31;
	s19 =	sand.u32 $0x1FFFFFF0, s26;
	s31 =	spop (v2sf)  }
0xc9: {  	[tilespmem:s22], [sflag:$0x1] =	stream.linear.gather [hbm4b:s28+s5], $0x80, $0x38;
	[tilespmem:$0x18600] =	vst v63  }
0xca: {  	(v2sf) =	vpush v63, $0x4;
	s24 =	sadd.s32 s4, s24;
	s22 =	sand.u32 $0x1FFFFFF0, s31;
	s31 =	spop (v2sf)  }
0xcb: {  	s28 =	sadd.s32 s3, s23;
	s26 =	spop (v2sf);
	s22 =	sadd.s32 s3, s22  }
0xcc: {  	(v2sf) =	vpush v2, $0x5;
	[tilespmem:s20], [sflag:$0x1] =	stream.linear.gather [hbm4b:s28+s5], $0x80, $0x38;
	[tilespmem:$0x18600] =	vst v63  }
0xcd: {  	s20 =	sand.u32 $0x1FFFFFF0, s31;
	s28 =	sadd.s32 s4, s19;
	s18 =	sand.u32 $0x1FFFFFF0, s26  }
0xce: {  	[tilespmem:s8], [sflag:$0x1] =	stream.linear.gather [hbm4b:s24+s5], $0x80, $0x38;
	[tilespmem:$0x18600] =	vst v63  }
0xcf: {  	s31 =	spop (v2sf);
	s19 =	smov.u32 s1;
	s1 =	rddreg [dreg:$0x2]  }
0xd0: {  	(v2sf) =	vpush v0, $0x5;
	[tilespmem:s7], [sflag:$0x1] =	stream.linear.gather [hbm4b:s28+s5], $0x80, $0x38;
	[tilespmem:$0x18600] =	vst v63  }
0xd1: {  	s23 =	sand.u32 $0x1FFFFFF0, s31;
	s26 =	sadd.s32 s4, s20;
	s24 =	spop (v2sf)  }
0xd2: {  	(v2sf) =	vpush v63, $0x5;
	[tilespmem:s16], [sflag:$0x1] =	stream.linear.gather [hbm4b:s22+s5], $0x80, $0x38;
	[tilespmem:$0x18600] =	vst v63  }
0xd3: {  	s20 =	sadd.s32 s4, s18;
	s23 =	sadd.s32 s3, s23;
	s31 =	spop (v2sf)  }
0xd4: {  	(v2sf) =	vpush v2, $0x6;
	[tilespmem:s21], [sflag:$0x1] =	stream.linear.gather [hbm4b:s26+s5], $0x80, $0x38;
	[tilespmem:$0x18600] =	vst v63  }
0xd5: {  	s7 =	sadd.s32 $0x4C80, s0;
	s28 =	sand.u32 $0x1FFFFFF0, s24;
	s22 =	spop (v2sf)  }
0xd6: {  	[tilespmem:s17], [sflag:$0x1] =	stream.linear.gather [hbm4b:s20+s5], $0x80, $0x38;
	[tilespmem:$0x18600] =	vst v63  }
0xd7: {  	s16 =	rddreg [dreg:$0x3];
	s28 =	sadd.s32 s4, s28;
	s26 =	spop (v2sf)  }
0xd8: {  	(v2sf) =	vpush v0, $0x6;
	[tilespmem:s6], [sflag:$0x1] =	stream.linear.gather [hbm4b:s23+s5], $0x80, $0x38;
	[tilespmem:$0x18600] =	vst v63  }
0xd9: {  	s21 =	sand.u32 $0x1FFFFFF0, s31;
	(v2sf) =	vpush v63, $0x6;
	s17 =	smov.u32 s9;
	s9 =	spop (v2sf)  }
0xda: {  	s24 =	sand.u32 $0x1FFFFFF0, s22;
	s31 =	sand.u32 $0x1FFFFFF0, s26;
	s18 =	sand.u32 $0x1FFFFFF0, s9  }
0xdb: {  	(v2sf) =	vpush v2, $0x7;
	s20 =	spop (v2sf);
	s26 =	sadd.s32 s4, s31;
	s9 =	sld [smem:$0x7DB]  }
0xdc: {  	(v2sf) =	vpush v0, $0x7;
	[tilespmem:s14], [sflag:$0x1] =	stream.linear.gather [hbm4b:s28+s5], $0x80, $0x38;
	[tilespmem:$0x18600] =	vst v63  }
0xdd: {  	s14 =	sadd.s32 s4, s21;
	s21 =	sadd.s32 s3, s24;
	s24 =	sld [smem:$0x7DA]  }
0xde: {  	(v2sf) =	vpush v63, $0x7;
	[tilespmem:s11], [sflag:$0x1] =	stream.linear.gather [hbm4b:s14+s5], $0x80, $0x38;
	[tilespmem:$0x18600] =	vst v63  }
0xdf: {  	s22 =	sand.u32 $0x1FFFFFF0, s20;
	s23 =	spop (v2sf);
	(v2sf) =	vpush v2, $0x8;
	s18 =	sadd.s32 s4, s18  }
0xe0: {  	[tilespmem:s24], [sflag:$0x1] =	stream.linear.gather [hbm4b:s21+s5], $0x80, $0x38;
	[tilespmem:$0x18600] =	vst v63  }
0xe1: {  	s28 =	sand.u32 $0x1FFFFFF0, s23;
	s31 =	spop (v2sf);
	s22 =	sadd.s32 s3, s22  }
0xe2: {  	[tilespmem:s9], [sflag:$0x1] =	stream.linear.gather [hbm4b:s26+s5], $0x80, $0x38;
	[tilespmem:$0x18600] =	vst v63  }
0xe3: {  	(v2sf) =	vpush v0, $0x8;
	s20 =	sand.u32 $0x1FFFFFF0, s31;
	s31 =	sld [smem:$0x7DD];
	s21 =	spop (v2sf)  }
0xe4: {  	[tilespmem:s13], [sflag:$0x1] =	stream.linear.gather [hbm4b:s18+s5], $0x80, $0x38;
	[tilespmem:$0x18600] =	vst v63  }
0xe5: {  	s14 =	smov.u32 s10;
	s13 =	sld [smem:$0x7DC];
	s23 =	sand.u32 $0x1FFFFFF0, s21  }
0xe6: {  	[tilespmem:s25], [sflag:$0x1] =	stream.linear.gather [hbm4b:s22+s5], $0x80, $0x38;
	[tilespmem:$0x18600] =	vst v63  }
0xe7: {  	(v2sf) =	vpush v63, $0x8;
	s18 =	sadd.s32 s4, s20;
	s24 =	spop (v2sf);
	s25 =	sadd.s32 s4, s28  }
0xe8: {  	s26 =	sand.u32 $0x1FFFFFF0, s24;
	s22 =	sadd.s32 s3, s23;
	s28 =	spop (v2sf)  }
0xe9: {  	(v2sf) =	vpush v2, $0x9;
	[tilespmem:s31], [sflag:$0x1] =	stream.linear.gather [hbm4b:s25+s5], $0x80, $0x38;
	[tilespmem:$0x18600] =	vst v63  }
0xea: {  	s26 =	sadd.s32 s4, s26;
	s21 =	spop (v2sf);
	s25 =	sld [smem:$0x7DE]  }
0xeb: {  	(v2sf) =	vpush v0, $0x9;
	s20 =	sand.u32 $0x1FFFFFF0, s28;
	s31 =	sld [smem:$0x7DF];
	s24 =	spop (v2sf)  }
0xec: {  	(v2sf) =	vpush v63, $0x9;
	[tilespmem:s30], [sflag:$0x1] =	stream.linear.gather [hbm4b:s18+s5], $0x80, $0x38;
	[tilespmem:$0x18600] =	vst v63  }
0xed: {  	s23 =	sand.u32 $0x1FFFFFF0, s21;
	s10 =	sadd.s32 s4, s20;
	s30 =	spop (v2sf)  }
0xee: {  	s21 =	sld [smem:$0x7E0];
	s28 =	sand.u32 $0x1FFFFFF0, s24;
	s20 =	spop (v2sf)  }
0xef: {  	(v2sf) =	vpush v2, $0xA;
	[tilespmem:s25], [sflag:$0x1] =	stream.linear.gather [hbm4b:s22+s5], $0x80, $0x38;
	[tilespmem:$0x18600] =	vst v63  }
0xf0: {  	s18 =	sand.u32 $0x1FFFFFF0, s30;
	s22 =	sadd.s32 s3, s23;
	s23 =	sand.u32 $0x1FFFFFF0, s20  }
0xf1: {  	(v2sf) =	vpush v0, $0xA;
	[tilespmem:s31], [sflag:$0x1] =	stream.linear.gather [hbm4b:s26+s5], $0x80, $0x38;
	[tilespmem:$0x18600] =	vst v63  }
0xf2: {  	(v2sf) =	vpush v63, $0xA;
	s24 =	spop (v2sf);
	s25 =	sld [smem:$0x7E1];
	s26 =	sadd.s32 s4, s28  }
0xf3: {  	[tilespmem:s21], [sflag:$0x1] =	stream.linear.gather [hbm4b:s10+s5], $0x80, $0x38;
	[tilespmem:$0x18600] =	vst v63  }
0xf4: {  	(v2sf) =	vpush v2, $0xB;
	s28 =	sand.u32 $0x1FFFFFF0, s24;
	s31 =	sld [smem:$0x7E2];
	s10 =	sadd.s32 s4, s18  }
0xf5: {  	[tilespmem:s25], [sflag:$0x1] =	stream.linear.gather [hbm4b:s22+s5], $0x80, $0x38;
	[tilespmem:$0x18600] =	vst v63  }
0xf6: {  	s21 =	sld [smem:$0x7E3];
	s30 =	spop (v2sf);
	s22 =	sadd.s32 s3, s23  }
0xf7: {  	[tilespmem:s31], [sflag:$0x1] =	stream.linear.gather [hbm4b:s26+s5], $0x80, $0x38;
	[tilespmem:$0x18600] =	vst v63  }
0xf8: {  	(v2sf) =	vpush v0, $0xB;
	s25 =	sld [smem:$0x7E4];
	s18 =	sand.u32 $0x1FFFFFF0, s30;
	s20 =	spop (v2sf)  }
0xf9: {  	[tilespmem:s21], [sflag:$0x1] =	stream.linear.gather [hbm4b:s10+s5], $0x80, $0x38;
	[tilespmem:$0x18600] =	vst v63  }
0xfa: {  	(v2sf) =	vpush v63, $0xB;
	s26 =	sadd.s32 s4, s28;
	s31 =	sld [smem:$0x7E5];
	s24 =	spop (v2sf)  }
0xfb: {  	s11 =	sadd.s32 s4, s18;
	s23 =	sand.u32 $0x1FFFFFF0, s20;
	s30 =	spop (v2sf)  }
0xfc: {  	[tilespmem:s25], [sflag:$0x1] =	stream.linear.gather [hbm4b:s22+s5], $0x80, $0x38;
	[tilespmem:$0x18600] =	vst v63  }
0xfd: {  	s21 =	sld [smem:$0x7E6];
	s28 =	sand.u32 $0x1FFFFFF0, s24;
	s18 =	sand.u32 $0x1FFFFFF0, s30  }
0xfe: {  	(v2sf) =	vpush v2, $0xC;
	s20 =	spop (v2sf);
	s22 =	sadd.s32 s3, s23;
	s25 =	sld [smem:$0x7E7]  }
0xff: {  	[tilespmem:s31], [sflag:$0x1] =	stream.linear.gather [hbm4b:s26+s5], $0x80, $0x38;
	[tilespmem:$0x18600] =	vst v63  }
0x100: {  	(v2sf) =	vpush v0, $0xC;
	s23 =	sand.u32 $0x1FFFFFF0, s20;
	s24 =	spop (v2sf);
	s26 =	sadd.s32 s4, s28  }
0x101: {  	s28 =	sand.u32 $0x1FFFFFF0, s24;
	s30 =	spop (v2sf);
	s31 =	sld [smem:$0x7E8]  }
0x102: {  	[tilespmem:s21], [sflag:$0x1] =	stream.linear.gather [hbm4b:s11+s5], $0x80, $0x38;
	[tilespmem:$0x18600] =	vst v63  }
0x103: {  	s20 =	spop (v2sf);
	s11 =	sadd.s32 s4, s18;
	s18 =	sand.u32 $0x1FFFFFF0, s30  }
0x104: {  	(v2sf) =	vpush v63, $0xC;
	[tilespmem:s25], [sflag:$0x1] =	stream.linear.gather [hbm4b:s22+s5], $0x80, $0x38;
	[tilespmem:$0x18600] =	vst v63  }
0x105: {  	s21 =	sld [smem:$0x7E9];
	s22 =	sadd.s32 s3, s23;
	s23 =	sand.u32 $0x1FFFFFF0, s20  }
0x106: {  	(v2sf) =	vpush v2, $0xD;
	[tilespmem:s31], [sflag:$0x1] =	stream.linear.gather [hbm4b:s26+s5], $0x80, $0x38;
	[tilespmem:$0x18600] =	vst v63  }
0x107: {  	s25 =	sld [smem:$0x7EA];
	s26 =	sadd.s32 s4, s28;
	s24 =	spop (v2sf)  }
0x108: {  	[tilespmem:s21], [sflag:$0x1] =	stream.linear.gather [hbm4b:s11+s5], $0x80, $0x38;
	[tilespmem:$0x18600] =	vst v63  }
0x109: {  	(v2sf) =	vpush v0, $0xD;
	s31 =	rddreg [dreg:$0x19];
	s28 =	sand.u32 $0x1FFFFFF0, s24;
	s30 =	spop (v2sf)  }
0x10a: {  	[tilespmem:s25], [sflag:$0x1] =	stream.linear.gather [hbm4b:s22+s5], $0x80, $0x38;
	[tilespmem:$0x18600] =	vst v63  }
0x10b: {  	(v2sf) =	vpush v63, $0xD;
	s11 =	sadd.s32 s4, s18;
	s21 =	sld [smem:$0x7EB];
	s18 =	sand.u32 $0x1FFFFFF0, s30  }
0x10c: {  	[tilespmem:s31], [sflag:$0x1] =	stream.linear.gather [hbm4b:s26+s5], $0x80, $0x38;
	[tilespmem:$0x18600] =	vst v63  }
0x10d: {  	s22 =	sadd.s32 s3, s23;
	s25 =	sld [smem:$0x7EC];
	s20 =	spop (v2sf)  }
0x10e: {  	[tilespmem:s21], [sflag:$0x1] =	stream.linear.gather [hbm4b:s11+s5], $0x80, $0x38;
	[tilespmem:$0x18600] =	vst v63  }
0x10f: {  	s9 =	sadd.s32 s4, s18;
	s23 =	sand.u32 $0x1FFFFFF0, s20;
	s24 =	spop (v2sf)  }
0x110: {  	[tilespmem:s25], [sflag:$0x1] =	stream.linear.gather [hbm4b:s22+s5], $0x80, $0x38;
	[tilespmem:$0x18600] =	vst v63  }
0x111: {  	s26 =	sadd.s32 s4, s28;
	s28 =	sadd.s32 $0xC00, s0;
	s31 =	rddreg [dreg:$0x1d]  }
0x112: {  	[tilespmem:s31], [sflag:$0x1] =	stream.linear.gather [hbm4b:s26+s5], $0x80, $0x38;
	[tilespmem:$0x18600] =	vst v63  }
0x113: {  	s30 =	spop (v2sf);
	s23 =	sadd.s32 s3, s23;
	s22 =	rddreg [dreg:$0xc]  }
0x114: {  	[tilespmem:s22], [sflag:$0x1] =	stream.linear.gather [hbm4b:s9+s5], $0x80, $0x38;
	[tilespmem:$0x18600] =	vst v63  }
0x115: {  	s24 =	sand.u32 $0x1FFFFFF0, s24;
	s18 =	sand.u32 $0x1FFFFFF0, s30;
	s21 =	spop (v2sf)  }
0x116: {  	(v2sf) =	vpush v2, $0xE;
	[tilespmem:s28], [sflag:$0x1] =	stream.linear.gather [hbm4b:s23+s5], $0x80, $0x38;
	[tilespmem:$0x18600] =	vst v63  }
.Ltmp0:
0x117: {  	(v2sf) =	vpush v0, $0xE;
	s30 =	sadd.s32 s4, s18;
	s25 =	sand.u32 $0x1FFFFFF0, s21;
	(pc) =	sbr.rel @p0 .LBB2_2-.Ltmp0, $4  }
0x118: {  	(v2sf) =	vpush v63, $0xE;
	s6 =	spop (v2sf);
	s26 =	sadd.s32 s4, s24;
	s28 =	rddreg [dreg:$0x4]  }
0x119: {  	(v2sf) =	vpush v2, $0xF;
	[tilespmem:s28], [sflag:$0x1] =	stream.linear.gather [hbm4b:s26+s5], $0x80, $0x38;
	[tilespmem:$0x18600] =	vst v63  }
0x11a: {  	(v2sf) =	vpush v0, $0xF;
	s8 =	sadd.s32 s3, s25;
	s31 =	rddreg [dreg:$0x5];
	s9 =	spop (v2sf)  }
0x11b: {  	(v2sf) =	vpush v63, $0xF;
	[tilespmem:s31], [sflag:$0x1] =	stream.linear.gather [hbm4b:s30+s5], $0x80, $0x38;
	[tilespmem:$0x18600] =	vst v63  }
0x11c: {  	_ =	sdelay $0x2  }
0x11d: {  	s1 =	sand.u32 $0x1FFFFFF0, s6  }
0x11e: {  	[tilespmem:s13], [sflag:$0x1] =	stream.linear.gather [hbm4b:s8+s5], $0x80, $0x38;
	[tilespmem:$0x18600] =	vst v63  }
0x11f: {  	s28 =	sand.u32 $0x1FFFFFF0, s9;
	s1 =	sadd.s32 s4, s1  }
0x120: {  	[tilespmem:s7], [sflag:$0x1] =	stream.linear.gather [hbm4b:s1+s5], $0x80, $0x38;
	[tilespmem:$0x18600] =	vst v63  }
0x121: {  	s7 =	sadd.s32 s4, s28  }
0x122: {  	[tilespmem:s12], [sflag:$0x1] =	stream.linear.gather [hbm4b:s7+s5], $0x80, $0x38;
	[tilespmem:$0x18600] =	vst v63  }
0x123: {  	s26 =	spop (v2sf)  }
0x124: {  	s15 =	sadd.s32 $0xD80, s0;
	s30 =	spop (v2sf);
	s31 =	sand.u32 $0x1FFFFFF0, s26  }
0x125: {  	s8 =	spop (v2sf);
	s9 =	sand.u32 $0x1FFFFFF0, s30;
	s1 =	sadd.s32 s3, s31  }
0x126: {  	[tilespmem:s17], [sflag:$0x1] =	stream.linear.gather [hbm4b:s1+s5], $0x80, $0x38;
	[tilespmem:$0x18600] =	vst v63  }
0x127: {  	s10 =	spop (v2sf);
	s11 =	sand.u32 $0x1FFFFFF0, s8;
	s6 =	sadd.s32 s4, s9  }
0x128: {  	[tilespmem:s14], [sflag:$0x1] =	stream.linear.gather [hbm4b:s6+s5], $0x80, $0x38;
	[tilespmem:$0x18600] =	vst v63  }
0x129: {  	s12 =	spop (v2sf);
	s13 =	sand.u32 $0x1FFFFFF0, s10;
	s1 =	sadd.s32 s4, s11  }
0x12a: {  	[tilespmem:s29], [sflag:$0x1] =	stream.linear.gather [hbm4b:s1+s5], $0x80, $0x38;
	[tilespmem:$0x18600] =	vst v63  }
0x12b: {  	s7 =	sand.u32 $0x1FFFFFF0, s12;
	s14 =	spop (v2sf);
	s6 =	sadd.s32 s3, s13  }
0x12c: {  	[tilespmem:s15], [sflag:$0x1] =	stream.linear.gather [hbm4b:s6+s5], $0x80, $0x38;
	[tilespmem:$0x18600] =	vst v63  }
0x12d: {  	s16 =	sadd.s32 $0x4D80, s0;
	s7 =	sadd.s32 s4, s7;
	s1 =	sand.u32 $0x1FFFFFF0, s14  }
0x12e: {  	[tilespmem:s16], [sflag:$0x1] =	stream.linear.gather [hbm4b:s7+s5], $0x80, $0x38;
	[tilespmem:$0x18600] =	vst v63  }
0x12f: {  	s18 =	simm.s32 $0x80;
	s17 =	sadd.s32 $0x8D80, s0;
	s1 =	sadd.s32 s4, s1  }
0x130: {  	[tilespmem:s17], [sflag:$0x1] =	stream.linear.gather [hbm4b:s1+s5], $0x80, $0x38;
	[tilespmem:$0x18600] =	vst v63  }
0x131: {  	s19 =	simm.s32 $0x280;
	v0 =	vld [tilespmem:s18+$0x0]  }
0x132: {  	s20 =	simm.s32 $0x480;
	v1 =	vld [tilespmem:s19+$0x0]  }
0x133: {  	v3 =	vld [tilespmem:s20+$0x0];
	_ =	sdelay $0x2  }
0x134: {  	v2 =	vshll.u32 v0, $0x4  }
0x135: {  	v1 =	vshll.u32 v1, $0x4;
	(v2sf) =	vpush v2, $0x0  }
0x136: {  	v63 =	vshll.u32 v3, $0x4;
	(v2sf) =	vpush v1, $0x0  }
0x137: {  	(v2sf) =	vpush v63, $0x0;
	_ =	sdelay $0x1  }
0x138: {  	(v2sf) =	vpush v2, $0x1  }
0x139: {  	(v2sf) =	vpush v1, $0x1;
	_ =	sdelay $0x1  }
0x13a: {  	(v2sf) =	vpush v63, $0x1;
	_ =	sdelay $0x1  }
0x13b: {  	(v2sf) =	vpush v2, $0x2  }
0x13c: {  	s21 =	simm.s32 $0x14600  }
0x13d: {  	s22 =	simm.s32 $0xC600;
	s23 =	simm.s32 $0x14680;
	s31 =	simm.s32 $0x10680  }
0x13e: {  	s0 =	simm.s32 $0x0;
	s9 =	simm.s32 $0x10780;
	s8 =	simm.s32 $0x14A80  }
0x13f: {  	s10 =	simm.s32 $0x10600;
	s13 =	simm.s32 $0xC780;
	s29 =	simm.s32 $0xC680;
	(v2sf) =	vpush v1, $0x2  }
0x140: {  	s6 =	simm.s32 $0xCA00;
	s16 =	simm.s32 $0x290;
	s7 =	simm.s32 $0xC980  }
0x141: {  	s1 =	simm.s32 $0x2000;
	s17 =	simm.s32 $0x90;
	s11 =	spop (v2sf)  }
0x142: {  	s5 =	simm.s32 $0xCA80;
	s11 =	sand.u32 $0x1FFFFFF0, s11;
	s24 =	spop (v2sf)  }
0x143: {  	(v2sf) =	vpush v63, $0x2;
	s11 =	sadd.s32 s3, s11;
	s25 =	sand.u32 $0x1FFFFFF0, s24;
	s26 =	spop (v2sf)  }
0x144: {  	(v2sf) =	vpush v2, $0x3;
	[tilespmem:s22], [sflag:$0x2] =	stream.linear.gather [hbm4b:s11+s2], $0x80, $0x38;
	[tilespmem:$0x18600] =	vst v63  }
0x145: {  	s14 =	sand.u32 $0x1FFFFFF0, s26;
	s15 =	spop (v2sf);
	s11 =	sadd.s32 s4, s25  }
0x146: {  	s26 =	simm.s32 $0x14700;
	s28 =	sand.u32 $0x1FFFFFF0, s15;
	s30 =	spop (v2sf)  }
0x147: {  	(v2sf) =	vpush v1, $0x3;
	[tilespmem:s10], [sflag:$0x2] =	stream.linear.gather [hbm4b:s11+s2], $0x80, $0x38;
	[tilespmem:$0x18600] =	vst v63  }
0x148: {  	s14 =	sadd.s32 s4, s14;
	s10 =	simm.s32 $0x14780;
	s15 =	spop (v2sf)  }
0x149: {  	(v2sf) =	vpush v63, $0x3;
	[tilespmem:s21], [sflag:$0x2] =	stream.linear.gather [hbm4b:s14+s2], $0x80, $0x38;
	[tilespmem:$0x18600] =	vst v63  }
0x14a: {  	s11 =	sadd.s32 s3, s28;
	s18 =	spop (v2sf);
	s14 =	sand.u32 $0x1FFFFFF0, s30  }
0x14b: {  	(v2sf) =	vpush v2, $0x4;
	[tilespmem:s29], [sflag:$0x2] =	stream.linear.gather [hbm4b:s11+s2], $0x80, $0x38;
	[tilespmem:$0x18600] =	vst v63  }
0x14c: {  	s20 =	sand.u32 $0x1FFFFFF0, s18;
	s11 =	sadd.s32 s4, s14;
	s14 =	sand.u32 $0x1FFFFFF0, s15  }
0x14d: {  	(v2sf) =	vpush v1, $0x4;
	[tilespmem:s31], [sflag:$0x2] =	stream.linear.gather [hbm4b:s11+s2], $0x80, $0x38;
	[tilespmem:$0x18600] =	vst v63  }
0x14e: {  	s21 =	simm.s32 $0xC700;
	s22 =	spop (v2sf);
	s19 =	sadd.s32 s4, s14  }
0x14f: {  	(v2sf) =	vpush v63, $0x4;
	[tilespmem:s23], [sflag:$0x2] =	stream.linear.gather [hbm4b:s19+s2], $0x80, $0x38;
	[tilespmem:$0x18600] =	vst v63  }
0x150: {  	s12 =	sand.u32 $0x1FFFFFF0, s22;
	s22 =	simm.s32 $0xC800;
	s14 =	sadd.s32 s3, s20  }
0x151: {  	[tilespmem:s21], [sflag:$0x2] =	stream.linear.gather [hbm4b:s14+s2], $0x80, $0x38;
	[tilespmem:$0x18600] =	vst v63  }
0x152: {  	s12 =	sadd.s32 s4, s12;
	s11 =	simm.s32 $0x10880;
	s24 =	spop (v2sf)  }
0x153: {  	(v2sf) =	vpush v2, $0x5;
	s31 =	simm.s32 $0x10800;
	s23 =	simm.s32 $0x10700;
	s25 =	spop (v2sf)  }
0x154: {  	[tilespmem:s23], [sflag:$0x2] =	stream.linear.gather [hbm4b:s12+s2], $0x80, $0x38;
	[tilespmem:$0x18600] =	vst v63  }
0x155: {  	s19 =	simm.s32 $0x14800;
	s14 =	sand.u32 $0x1FFFFFF0, s24;
	(v2sf) =	vpush v1, $0x5;
	s29 =	sand.u32 $0x1FFFFFF0, s25  }
0x156: {  	s28 =	sadd.s32 s4, s14;
	s30 =	spop (v2sf);
	s14 =	sadd.s32 s3, s29  }
0x157: {  	[tilespmem:s26], [sflag:$0x2] =	stream.linear.gather [hbm4b:s28+s2], $0x80, $0x38;
	[tilespmem:$0x18600] =	vst v63  }
0x158: {  	(v2sf) =	vpush v63, $0x5;
	s12 =	sand.u32 $0x1FFFFFF0, s30;
	s15 =	spop (v2sf);
	s30 =	simm.s32 $0xC880  }
0x159: {  	(v2sf) =	vpush v2, $0x6;
	[tilespmem:s13], [sflag:$0x2] =	stream.linear.gather [hbm4b:s14+s2], $0x80, $0x38;
	[tilespmem:$0x18600] =	vst v63  }
0x15a: {  	s12 =	sadd.s32 s4, s12;
	s18 =	spop (v2sf);
	(v2sf) =	vpush v1, $0x6;
	s14 =	sand.u32 $0x1FFFFFF0, s15  }
0x15b: {  	[tilespmem:s9], [sflag:$0x2] =	stream.linear.gather [hbm4b:s12+s2], $0x80, $0x38;
	[tilespmem:$0x18600] =	vst v63  }
0x15c: {  	s21 =	sand.u32 $0x1FFFFFF0, s18;
	s23 =	spop (v2sf);
	(v2sf) =	vpush v63, $0x6;
	s20 =	sadd.s32 s4, s14  }
0x15d: {  	(v2sf) =	vpush v2, $0x7;
	[tilespmem:s10], [sflag:$0x2] =	stream.linear.gather [hbm4b:s20+s2], $0x80, $0x38;
	[tilespmem:$0x18600] =	vst v63  }
0x15e: {  	s14 =	sadd.s32 s3, s21;
	s24 =	spop (v2sf);
	s10 =	sand.u32 $0x1FFFFFF0, s23  }
0x15f: {  	[tilespmem:s22], [sflag:$0x2] =	stream.linear.gather [hbm4b:s14+s2], $0x80, $0x38;
	[tilespmem:$0x18600] =	vst v63  }
0x160: {  	s26 =	simm.s32 $0x10900;
	s10 =	sadd.s32 s4, s10;
	s14 =	sand.u32 $0x1FFFFFF0, s24  }
0x161: {  	(v2sf) =	vpush v1, $0x7;
	[tilespmem:s31], [sflag:$0x2] =	stream.linear.gather [hbm4b:s10+s2], $0x80, $0x38;
	[tilespmem:$0x18600] =	vst v63  }
0x162: {  	s9 =	simm.s32 $0xCB00;
	s25 =	spop (v2sf);
	s28 =	sadd.s32 s4, s14  }
0x163: {  	(v2sf) =	vpush v63, $0x7;
	[tilespmem:s19], [sflag:$0x2] =	stream.linear.gather [hbm4b:s28+s2], $0x80, $0x38;
	[tilespmem:$0x18600] =	vst v63  }
0x164: {  	s29 =	sand.u32 $0x1FFFFFF0, s25;
	s22 =	simm.s32 $0xC900;
	s31 =	spop (v2sf)  }
0x165: {  	(v2sf) =	vpush v2, $0x8;
	s14 =	sadd.s32 s3, s29;
	s10 =	simm.s32 $0x10B00;
	s12 =	sand.u32 $0x1FFFFFF0, s31  }
0x166: {  	[tilespmem:s30], [sflag:$0x2] =	stream.linear.gather [hbm4b:s14+s2], $0x80, $0x38;
	[tilespmem:$0x18600] =	vst v63  }
0x167: {  	s19 =	simm.s32 $0x14880;
	s15 =	spop (v2sf);
	s12 =	sadd.s32 s4, s12  }
0x168: {  	s14 =	sand.u32 $0x1FFFFFF0, s15;
	s18 =	spop (v2sf);
	s30 =	simm.s32 $0x10A00  }
0x169: {  	(v2sf) =	vpush v1, $0x8;
	s15 =	simm.s32 $0x10980;
	s21 =	sand.u32 $0x1FFFFFF0, s18;
	s23 =	spop (v2sf)  }
0x16a: {  	[tilespmem:s11], [sflag:$0x2] =	stream.linear.gather [hbm4b:s12+s2], $0x80, $0x38;
	[tilespmem:$0x18600] =	vst v63  }
0x16b: {  	s20 =	sadd.s32 s4, s14;
	(v2sf) =	vpush v63, $0x8;
	s14 =	sadd.s32 s3, s21;
	s24 =	spop (v2sf)  }
0x16c: {  	s11 =	simm.s32 $0x10A80;
	(v2sf) =	vpush v2, $0x9;
	s12 =	sand.u32 $0x1FFFFFF0, s23;
	s25 =	spop (v2sf)  }
0x16d: {  	[tilespmem:s19], [sflag:$0x2] =	stream.linear.gather [hbm4b:s20+s2], $0x80, $0x38;
	[tilespmem:$0x18600] =	vst v63  }
0x16e: {  	s23 =	simm.s32 $0x14A00;
	s12 =	sadd.s32 s4, s12;
	(v2sf) =	vpush v1, $0x9;
	s29 =	sand.u32 $0x1FFFFFF0, s25  }
0x16f: {  	[tilespmem:s22], [sflag:$0x2] =	stream.linear.gather [hbm4b:s14+s2], $0x80, $0x38;
	[tilespmem:$0x18600] =	vst v63  }
0x170: {  	s31 =	spop (v2sf);
	(v2sf) =	vpush v63, $0x9;
	s20 =	simm.s32 $0x14980;
	s14 =	sand.u32 $0x1FFFFFF0, s24  }
0x171: {  	(v2sf) =	vpush v2, $0xA;
	[tilespmem:s26], [sflag:$0x2] =	stream.linear.gather [hbm4b:s12+s2], $0x80, $0x38;
	[tilespmem:$0x18600] =	vst v63  }
0x172: {  	s18 =	spop (v2sf);
	s28 =	sadd.s32 s4, s14;
	s26 =	simm.s32 $0x14900  }
0x173: {  	[tilespmem:s26], [sflag:$0x2] =	stream.linear.gather [hbm4b:s28+s2], $0x80, $0x38;
	[tilespmem:$0x18600] =	vst v63  }
0x174: {  	s13 =	sand.u32 $0x1FFFFFF0, s31;
	s19 =	spop (v2sf);
	s14 =	sadd.s32 s3, s29  }
0x175: {  	[tilespmem:s7], [sflag:$0x2] =	stream.linear.gather [hbm4b:s14+s2], $0x80, $0x38;
	[tilespmem:$0x18600] =	vst v63  }
0x176: {  	s13 =	sadd.s32 s4, s13;
	s22 =	sand.u32 $0x1FFFFFF0, s19;
	s14 =	sand.u32 $0x1FFFFFF0, s18  }
0x177: {  	(v2sf) =	vpush v1, $0xA;
	[tilespmem:s15], [sflag:$0x2] =	stream.linear.gather [hbm4b:s13+s2], $0x80, $0x38;
	[tilespmem:$0x18600] =	vst v63  }
0x178: {  	s19 =	simm.s32 $0x490;
	s21 =	sadd.s32 s4, s14;
	s24 =	spop (v2sf)  }
0x179: {  	(v2sf) =	vpush v63, $0xA;
	[tilespmem:s20], [sflag:$0x2] =	stream.linear.gather [hbm4b:s21+s2], $0x80, $0x38;
	[tilespmem:$0x18600] =	vst v63  }
0x17a: {  	s18 =	simm.s32 $0xCC80;
	s14 =	sadd.s32 s3, s22;
	s26 =	spop (v2sf)  }
0x17b: {  	s15 =	simm.s32 $0x10D80;
	s25 =	sand.u32 $0x1FFFFFF0, s24;
	s28 =	spop (v2sf)  }
0x17c: {  	(v2sf) =	vpush v2, $0xB;
	[tilespmem:s6], [sflag:$0x2] =	stream.linear.gather [hbm4b:s14+s2], $0x80, $0x38;
	[tilespmem:$0x18600] =	vst v63  }
0x17d: {  	(v2sf) =	vpush v1, $0xB;
	s13 =	sand.u32 $0x1FFFFFF0, s26;
	s6 =	sadd.s32 s4, s25;
	s31 =	spop (v2sf)  }
0x17e: {  	[tilespmem:s30], [sflag:$0x2] =	stream.linear.gather [hbm4b:s6+s2], $0x80, $0x38;
	[tilespmem:$0x18600] =	vst v63  }
0x17f: {  	(v2sf) =	vpush v63, $0xB;
	s29 =	sadd.s32 s4, s13;
	s14 =	spop (v2sf);
	s30 =	sand.u32 $0x1FFFFFF0, s28  }
0x180: {  	s6 =	sand.u32 $0x1FFFFFF0, s31;
	s7 =	sand.u32 $0x1FFFFFF0, s14;
	s20 =	spop (v2sf)  }
0x181: {  	(v2sf) =	vpush v2, $0xC;
	[tilespmem:s23], [sflag:$0x2] =	stream.linear.gather [hbm4b:s29+s2], $0x80, $0x38;
	[tilespmem:$0x18600] =	vst v63  }
0x182: {  	s14 =	simm.s32 $0x14D00;
	s28 =	simm.s32 $0x14B00;
	s13 =	sadd.s32 s3, s30  }
0x183: {  	(v2sf) =	vpush v1, $0xC;
	[tilespmem:s5], [sflag:$0x2] =	stream.linear.gather [hbm4b:s13+s2], $0x80, $0x38;
	[tilespmem:$0x18600] =	vst v63  }
0x184: {  	s6 =	sadd.s32 s4, s6;
	s21 =	sadd.s32 s4, s7;
	s22 =	sand.u32 $0x1FFFFFF0, s20  }
0x185: {  	[tilespmem:s11], [sflag:$0x2] =	stream.linear.gather [hbm4b:s6+s2], $0x80, $0x38;
	[tilespmem:$0x18600] =	vst v63  }
0x186: {  	s24 =	spop (v2sf);
	s30 =	simm.s32 $0xCB80;
	s23 =	simm.s32 $0x14B80  }
0x187: {  	(v2sf) =	vpush v63, $0xC;
	[tilespmem:s8], [sflag:$0x2] =	stream.linear.gather [hbm4b:s21+s2], $0x80, $0x38;
	[tilespmem:$0x18600] =	vst v63  }
0x188: {  	s7 =	sadd.s32 s3, s22;
	s25 =	spop (v2sf);
	s8 =	sand.u32 $0x1FFFFFF0, s24  }
0x189: {  	(v2sf) =	vpush v2, $0xD;
	s5 =	simm.s32 $0x10C00;
	s11 =	simm.s32 $0x10B80;
	s8 =	sadd.s32 s4, s8  }
0x18a: {  	[tilespmem:s9], [sflag:$0x2] =	stream.linear.gather [hbm4b:s7+s2], $0x80, $0x38;
	[tilespmem:$0x18600] =	vst v63  }
0x18b: {  	s7 =	simm.s32 $0xCC00;
	s9 =	sand.u32 $0x1FFFFFF0, s25;
	s26 =	spop (v2sf)  }
0x18c: {  	s25 =	simm.s32 $0xCD80;
	s29 =	sand.u32 $0x1FFFFFF0, s26;
	s31 =	spop (v2sf)  }
0x18d: {  	(v2sf) =	vpush v1, $0xD;
	[tilespmem:s10], [sflag:$0x2] =	stream.linear.gather [hbm4b:s8+s2], $0x80, $0x38;
	[tilespmem:$0x18600] =	vst v63  }
0x18e: {  	s9 =	sadd.s32 s4, s9;
	s10 =	sadd.s32 s3, s29;
	s12 =	spop (v2sf)  }
0x18f: {  	[tilespmem:s28], [sflag:$0x2] =	stream.linear.gather [hbm4b:s9+s2], $0x80, $0x38;
	[tilespmem:$0x18600] =	vst v63  }
0x190: {  	s8 =	simm.s32 $0x14C80;
	s13 =	spop (v2sf);
	s9 =	sand.u32 $0x1FFFFFF0, s31  }
0x191: {  	[tilespmem:s30], [sflag:$0x2] =	stream.linear.gather [hbm4b:s10+s2], $0x80, $0x38;
	[tilespmem:$0x18600] =	vst v63  }
0x192: {  	s22 =	spop (v2sf);
	s9 =	sadd.s32 s4, s9;
	s10 =	sand.u32 $0x1FFFFFF0, s12  }
0x193: {  	[tilespmem:s11], [sflag:$0x2] =	stream.linear.gather [hbm4b:s9+s2], $0x80, $0x38;
	[tilespmem:$0x18600] =	vst v63  }
0x194: {  	s21 =	sand.u32 $0x1FFFFFF0, s13;
	s24 =	sand.u32 $0x1FFFFFF0, s22;
	s20 =	sadd.s32 s4, s10  }
0x195: {  	[tilespmem:s23], [sflag:$0x2] =	stream.linear.gather [hbm4b:s20+s2], $0x80, $0x38;
	[tilespmem:$0x18600] =	vst v63  }
0x196: {  	(v2sf) =	vpush v63, $0xD;
	s26 =	spop (v2sf);
	s28 =	sadd.s32 s4, s24;
	s23 =	sadd.s32 s3, s21  }
0x197: {  	(v2sf) =	vpush v2, $0xE;
	[tilespmem:s7], [sflag:$0x2] =	stream.linear.gather [hbm4b:s23+s2], $0x80, $0x38;
	[tilespmem:$0x18600] =	vst v63  }
0x198: {  	(v2sf) =	vpush v1, $0xE;
	s29 =	sand.u32 $0x1FFFFFF0, s26;
	s30 =	simm.s32 $0x14C00;
	s31 =	spop (v2sf)  }
0x199: {  	(v2sf) =	vpush v63, $0xE;
	[tilespmem:s5], [sflag:$0x2] =	stream.linear.gather [hbm4b:s28+s2], $0x80, $0x38;
	[tilespmem:$0x18600] =	vst v63  }
0x19a: {  	(v2sf) =	vpush v2, $0xF;
	s9 =	simm.s32 $0x10C80;
	s20 =	simm.s32 $0x10D00;
	s7 =	sadd.s32 s4, s29  }
0x19b: {  	(v2sf) =	vpush v1, $0xF;
	[tilespmem:s30], [sflag:$0x2] =	stream.linear.gather [hbm4b:s7+s2], $0x80, $0x38;
	[tilespmem:$0x18600] =	vst v63  }
0x19c: {  	(v2sf) =	vpush v63, $0xF;
	s5 =	sand.u32 $0x1FFFFFF0, s31;
	s10 =	spop (v2sf);
	s7 =	simm.s32 $0xCD00  }
.LBB2_4:
0x19d: {  	_ =	sdelay $0x3  }
0x19e: {  	s5 =	sadd.s32 s3, s5;
	s10 =	sand.u32 $0x1FFFFFF0, s10  }
0x19f: {  	[tilespmem:s18], [sflag:$0x2] =	stream.linear.gather [hbm4b:s5+s2], $0x80, $0x38;
	[tilespmem:$0x18600] =	vst v63  }
0x1a0: {  	s12 =	sadd.s32 s4, s10  }
0x1a1: {  	[tilespmem:s9], [sflag:$0x2] =	stream.linear.gather [hbm4b:s12+s2], $0x80, $0x38;
	[tilespmem:$0x18600] =	vst v63  }
0x1a2: {  	s11 =	spop (v2sf)  }
0x1a3: {  	s18 =	sand.u32 $0x1FFFFFF0, s11;
	s21 =	spop (v2sf)  }
0x1a4: {  	s22 =	sadd.s32 s4, s18;
	s23 =	sand.u32 $0x1FFFFFF0, s21;
	s24 =	spop (v2sf)  }
0x1a5: {  	[tilespmem:s8], [sflag:$0x2] =	stream.linear.gather [hbm4b:s22+s2], $0x80, $0x38;
	[tilespmem:$0x18600] =	vst v63  }
0x1a6: {  	s26 =	sadd.s32 s3, s23;
	s28 =	sand.u32 $0x1FFFFFF0, s24;
	s29 =	spop (v2sf)  }
0x1a7: {  	[tilespmem:s7], [sflag:$0x2] =	stream.linear.gather [hbm4b:s26+s2], $0x80, $0x38;
	[tilespmem:$0x18600] =	vst v63  }
0x1a8: {  	s30 =	sadd.s32 s4, s28;
	s31 =	sand.u32 $0x1FFFFFF0, s29;
	s6 =	spop (v2sf)  }
0x1a9: {  	[tilespmem:s20], [sflag:$0x2] =	stream.linear.gather [hbm4b:s30+s2], $0x80, $0x38;
	[tilespmem:$0x18600] =	vst v63  }
0x1aa: {  	s7 =	sadd.s32 s4, s31;
	s6 =	sand.u32 $0x1FFFFFF0, s6;
	s9 =	spop (v2sf)  }
0x1ab: {  	[tilespmem:s14], [sflag:$0x2] =	stream.linear.gather [hbm4b:s7+s2], $0x80, $0x38;
	[tilespmem:$0x18600] =	vst v63  }
0x1ac: {  	s10 =	sadd.s32 s3, s6;
	s11 =	sand.u32 $0x1FFFFFF0, s9;
	s12 =	spop (v2sf)  }
0x1ad: {  	[tilespmem:s25], [sflag:$0x2] =	stream.linear.gather [hbm4b:s10+s2], $0x80, $0x38;
	[tilespmem:$0x18600] =	vst v63  }
0x1ae: {  	s18 =	sand.u32 $0x1FFFFFF0, s12;
	s14 =	sadd.s32 s4, s11  }
0x1af: {  	[tilespmem:s15], [sflag:$0x2] =	stream.linear.gather [hbm4b:s14+s2], $0x80, $0x38;
	[tilespmem:$0x18600] =	vst v63  }
0x1b0: {  	s13 =	smov.u32 s1;
	s0 =	sadd.s32 $0x14D80, s0;
	s20 =	sadd.s32 s4, s18  }
0x1b1: {  	[tilespmem:s0], [sflag:$0x2] =	stream.linear.gather [hbm4b:s20+s2], $0x80, $0x38;
	[tilespmem:$0x18600] =	vst v63  }
0x1b2: {  	s0 =	sshra.s32 s13, $0x2  }
0x1b3: {  	s21 =	sadd.s32 $0x10780, s0  }
0x1b4: {  	s22 =	sadd.s32 $0xC980, s0;
	[smem:$0x7C8] =	sst s21  }
0x1b5: {  	s23 =	sadd.s32 $0xCA00, s0;
	[smem:$0x7D0] =	sst s22  }
0x1b6: {  	s24 =	sadd.s32 $0xCA80, s0;
	[smem:$0x7D3] =	sst s23  }
0x1b7: {  	v0 =	vld [tilespmem:s17+$0x0];
	s25 =	sadd.s32 $0x10880, s0;
	[dreg:$0x1e] =	wrdreg s24  }
0x1b8: {  	p0 =	sne.s32 s1, $0xE000;
	v1 =	vld [tilespmem:s16+$0x0];
	s28 =	sadd.s32 $0x14A80, s0;
	[smem:$0x7CC] =	sst s25  }
0x1b9: {  	s1 =	sadd.s32 $0x2000, s1;
	v3 =	vld [tilespmem:s19+$0x0];
	s29 =	sadd.s32 $0x10800, s0;
	[dreg:$0x16] =	wrdreg s28  }
0x1ba: {  	s16 =	sadd.s32 $0x10, s16;
	s30 =	sadd.s32 $0x14800, s0;
	[smem:$0x7C9] =	sst s29  }
0x1bb: {  	s17 =	sadd.s32 $0x10, s17;
	s31 =	sadd.s32 $0xCB00, s0;
	[smem:$0x7CA] =	sst s30  }
0x1bc: {  	s10 =	sadd.s32 $0x14600, s0;
	s6 =	sadd.s32 $0x10900, s0;
	[dreg:$0x13] =	wrdreg s31;
	v2 =	vshll.u32 v0, $0x4  }
0x1bd: {  	s9 =	sadd.s32 $0xC600, s0;
	s7 =	sadd.s32 $0x10B00, s0;
	[smem:$0x7CE] =	sst s6;
	v1 =	vshll.u32 v1, $0x4;
	(v2sf) =	vpush v2, $0x0  }
0x1be: {  	s11 =	sadd.s32 $0x10600, s0;
	s8 =	sadd.s32 $0x10A80, s0;
	[dreg:$0xd] =	wrdreg s7;
	v63 =	vshll.u32 v3, $0x4;
	(v2sf) =	vpush v1, $0x0  }
0x1bf: {  	s26 =	sadd.s32 $0x14680, s0;
	s12 =	sadd.s32 $0x10A00, s0;
	[smem:$0x7D6] =	sst s8;
	(v2sf) =	vpush v63, $0x0  }
0x1c0: {  	s13 =	sadd.s32 $0x14780, s0;
	s14 =	sadd.s32 $0x14A00, s0;
	[smem:$0x7D4] =	sst s12  }
0x1c1: {  	s5 =	sadd.s32 $0x10700, s0;
	s15 =	sadd.s32 $0xC880, s0;
	[smem:$0x7D5] =	sst s14;
	(v2sf) =	vpush v2, $0x1  }
0x1c2: {  	s18 =	sadd.s32 $0x10980, s0;
	s20 =	sadd.s32 $0x14980, s0;
	[smem:$0x7CB] =	sst s15  }
0x1c3: {  	s19 =	sadd.s32 $0x10, s19;
	s22 =	sadd.s32 $0xC780, s0;
	[smem:$0x7D1] =	sst s18  }
0x1c4: {  	s21 =	sadd.s32 $0xC800, s0;
	[smem:$0x7D2] =	sst s20;
	s23 =	sadd.s32 $0x14880, s0;
	(v2sf) =	vpush v1, $0x1  }
0x1c5: {  	s30 =	sadd.s32 $0xC680, s0;
	s24 =	sadd.s32 $0x14900, s0;
	[smem:$0x7CD] =	sst s23  }
0x1c6: {  	s28 =	sadd.s32 $0xC700, s0;
	s25 =	sadd.s32 $0x10C00, s0;
	[smem:$0x7CF] =	sst s24;
	(v2sf) =	vpush v63, $0x1  }
0x1c7: {  	s18 =	sadd.s32 $0xCC80, s0;
	s31 =	sadd.s32 $0x14B80, s0;
	[dreg:$0x6] =	wrdreg s25  }
0x1c8: {  	s29 =	sadd.s32 $0x14700, s0;
	s7 =	sadd.s32 $0xCC00, s0;
	[dreg:$0x10] =	wrdreg s31;
	(v2sf) =	vpush v2, $0x2  }
0x1c9: {  	s15 =	sadd.s32 $0x10D80, s0;
	s8 =	sadd.s32 $0xCB80, s0;
	[dreg:$0x9] =	wrdreg s7  }
0x1ca: {  	s14 =	sadd.s32 $0x14D00, s0;
	s20 =	sadd.s32 $0x10B80, s0;
	[smem:$0x7D9] =	sst s8;
	(v2sf) =	vpush v1, $0x2  }
0x1cb: {  	s12 =	sadd.s32 $0x10680, s0;
	s25 =	sadd.s32 $0xCD80, s0;
	[dreg:$0x1a] =	wrdreg s20  }
0x1cc: {  	s20 =	sadd.s32 $0x10D00, s0;
	s24 =	sadd.s32 $0x14C80, s0;
	s23 =	spop (v2sf);
	(v2sf) =	vpush v63, $0x2  }
0x1cd: {  	[smem:$0x7D8] =	sst s24;
	s23 =	sand.u32 $0x1FFFFFF0, s23;
	s24 =	spop (v2sf)  }
0x1ce: {  	s31 =	sadd.s32 $0xC900, s0;
	s23 =	sadd.s32 s3, s23;
	s8 =	spop (v2sf);
	(v2sf) =	vpush v2, $0x3  }
0x1cf: {  	[tilespmem:s9], [sflag:$0x2] =	stream.linear.gather [hbm4b:s23+s2], $0x80, $0x38;
	[tilespmem:$0x18600] =	vst v63  }
0x1d0: {  	s24 =	sand.u32 $0x1FFFFFF0, s24;
	s6 =	sand.u32 $0x1FFFFFF0, s8;
	s8 =	spop (v2sf)  }
0x1d1: {  	s24 =	sadd.s32 s4, s24;
	s23 =	sand.u32 $0x1FFFFFF0, s8;
	s8 =	sadd.s32 $0x14B00, s0  }
0x1d2: {  	(v2sf) =	vpush v1, $0x3;
	[tilespmem:s11], [sflag:$0x2] =	stream.linear.gather [hbm4b:s24+s2], $0x80, $0x38;
	[tilespmem:$0x18600] =	vst v63  }
0x1d3: {  	(v2sf) =	vpush v63, $0x3;
	s6 =	sadd.s32 s4, s6;
	[smem:$0x7D7] =	sst s8;
	s8 =	spop (v2sf)  }
0x1d4: {  	[tilespmem:s10], [sflag:$0x2] =	stream.linear.gather [hbm4b:s6+s2], $0x80, $0x38;
	[tilespmem:$0x18600] =	vst v63  }
0x1d5: {  	(v2sf) =	vpush v2, $0x4;
	s10 =	sadd.s32 s3, s23;
	s23 =	sand.u32 $0x1FFFFFF0, s8;
	s8 =	spop (v2sf)  }
0x1d6: {  	[tilespmem:s30], [sflag:$0x2] =	stream.linear.gather [hbm4b:s10+s2], $0x80, $0x38;
	[tilespmem:$0x18600] =	vst v63  }
0x1d7: {  	(v2sf) =	vpush v1, $0x4;
	s23 =	sadd.s32 s4, s23;
	s30 =	sand.u32 $0x1FFFFFF0, s8;
	s8 =	spop (v2sf)  }
0x1d8: {  	[tilespmem:s12], [sflag:$0x2] =	stream.linear.gather [hbm4b:s23+s2], $0x80, $0x38;
	[tilespmem:$0x18600] =	vst v63  }
0x1d9: {  	s10 =	sadd.s32 s4, s30;
	s12 =	sand.u32 $0x1FFFFFF0, s8;
	s23 =	spop (v2sf)  }
0x1da: {  	(v2sf) =	vpush v63, $0x4;
	[tilespmem:s26], [sflag:$0x2] =	stream.linear.gather [hbm4b:s10+s2], $0x80, $0x38;
	[tilespmem:$0x18600] =	vst v63  }
0x1db: {  	s30 =	sand.u32 $0x1FFFFFF0, s23;
	s26 =	sadd.s32 s3, s12;
	s8 =	spop (v2sf)  }
0x1dc: {  	(v2sf) =	vpush v2, $0x5;
	[tilespmem:s28], [sflag:$0x2] =	stream.linear.gather [hbm4b:s26+s2], $0x80, $0x38;
	[tilespmem:$0x18600] =	vst v63  }
0x1dd: {  	s12 =	sadd.s32 s4, s30;
	s23 =	sand.u32 $0x1FFFFFF0, s8;
	s26 =	spop (v2sf)  }
0x1de: {  	(v2sf) =	vpush v1, $0x5;
	[tilespmem:s5], [sflag:$0x2] =	stream.linear.gather [hbm4b:s12+s2], $0x80, $0x38;
	[tilespmem:$0x18600] =	vst v63  }
0x1df: {  	s7 =	sadd.s32 $0xCD00, s0;
	s28 =	sadd.s32 s4, s23;
	s30 =	sand.u32 $0x1FFFFFF0, s26  }
0x1e0: {  	[tilespmem:s29], [sflag:$0x2] =	stream.linear.gather [hbm4b:s28+s2], $0x80, $0x38;
	[tilespmem:$0x18600] =	vst v63  }
0x1e1: {  	s9 =	sadd.s32 $0x10C80, s0;
	(v2sf) =	vpush v63, $0x5;
	s8 =	spop (v2sf);
	s11 =	sadd.s32 s3, s30  }
0x1e2: {  	s12 =	sand.u32 $0x1FFFFFF0, s8;
	s23 =	spop (v2sf);
	s30 =	sld [smem:$0x7C8]  }
0x1e3: {  	(v2sf) =	vpush v2, $0x6;
	[tilespmem:s22], [sflag:$0x2] =	stream.linear.gather [hbm4b:s11+s2], $0x80, $0x38;
	[tilespmem:$0x18600] =	vst v63  }
0x1e4: {  	(v2sf) =	vpush v1, $0x6;
	s26 =	sadd.s32 s4, s12;
	s28 =	sand.u32 $0x1FFFFFF0, s23;
	s29 =	spop (v2sf)  }
0x1e5: {  	[tilespmem:s30], [sflag:$0x2] =	stream.linear.gather [hbm4b:s26+s2], $0x80, $0x38;
	[tilespmem:$0x18600] =	vst v63  }
0x1e6: {  	(v2sf) =	vpush v63, $0x6;
	s8 =	sadd.s32 s4, s28;
	s12 =	spop (v2sf);
	s30 =	sld [smem:$0x7C9]  }
0x1e7: {  	s11 =	sand.u32 $0x1FFFFFF0, s29;
	s22 =	sand.u32 $0x1FFFFFF0, s12;
	s12 =	sld [smem:$0x7CA]  }
0x1e8: {  	[tilespmem:s13], [sflag:$0x2] =	stream.linear.gather [hbm4b:s8+s2], $0x80, $0x38;
	[tilespmem:$0x18600] =	vst v63  }
0x1e9: {  	s23 =	spop (v2sf);
	s26 =	sadd.s32 s4, s22;
	s13 =	sadd.s32 s3, s11  }
0x1ea: {  	(v2sf) =	vpush v2, $0x7;
	[tilespmem:s21], [sflag:$0x2] =	stream.linear.gather [hbm4b:s13+s2], $0x80, $0x38;
	[tilespmem:$0x18600] =	vst v63  }
0x1eb: {  	(v2sf) =	vpush v1, $0x7;
	s28 =	sand.u32 $0x1FFFFFF0, s23;
	s23 =	sld [smem:$0x7CB];
	s29 =	spop (v2sf)  }
0x1ec: {  	(v2sf) =	vpush v63, $0x7;
	[tilespmem:s30], [sflag:$0x2] =	stream.linear.gather [hbm4b:s26+s2], $0x80, $0x38;
	[tilespmem:$0x18600] =	vst v63  }
0x1ed: {  	s8 =	sadd.s32 s4, s28;
	s10 =	sand.u32 $0x1FFFFFF0, s29;
	s11 =	spop (v2sf)  }
0x1ee: {  	[tilespmem:s12], [sflag:$0x2] =	stream.linear.gather [hbm4b:s8+s2], $0x80, $0x38;
	[tilespmem:$0x18600] =	vst v63  }
0x1ef: {  	s24 =	sadd.s32 $0x14C00, s0;
	s13 =	sadd.s32 s3, s10;
	s21 =	sand.u32 $0x1FFFFFF0, s11  }
0x1f0: {  	s30 =	sld [smem:$0x7CC];
	(v2sf) =	vpush v2, $0x8;
	s22 =	spop (v2sf);
	s26 =	sadd.s32 s4, s21  }
0x1f1: {  	[tilespmem:s23], [sflag:$0x2] =	stream.linear.gather [hbm4b:s13+s2], $0x80, $0x38;
	[tilespmem:$0x18600] =	vst v63  }
0x1f2: {  	(v2sf) =	vpush v1, $0x8;
	s21 =	sld [smem:$0x7CD];
	s28 =	sand.u32 $0x1FFFFFF0, s22;
	s29 =	spop (v2sf)  }
0x1f3: {  	s11 =	sadd.s32 s4, s28;
	s12 =	sand.u32 $0x1FFFFFF0, s29;
	s13 =	spop (v2sf)  }
0x1f4: {  	(v2sf) =	vpush v63, $0x8;
	[tilespmem:s30], [sflag:$0x2] =	stream.linear.gather [hbm4b:s26+s2], $0x80, $0x38;
	[tilespmem:$0x18600] =	vst v63  }
0x1f5: {  	(v2sf) =	vpush v2, $0x9;
	s23 =	sand.u32 $0x1FFFFFF0, s13;
	s26 =	spop (v2sf);
	s13 =	sld [smem:$0x7CF]  }
0x1f6: {  	[tilespmem:s21], [sflag:$0x2] =	stream.linear.gather [hbm4b:s11+s2], $0x80, $0x38;
	[tilespmem:$0x18600] =	vst v63  }
0x1f7: {  	s22 =	sadd.s32 s3, s12;
	(v2sf) =	vpush v1, $0x9;
	s29 =	sand.u32 $0x1FFFFFF0, s26;
	s26 =	sld [smem:$0x7D0]  }
0x1f8: {  	[tilespmem:s31], [sflag:$0x2] =	stream.linear.gather [hbm4b:s22+s2], $0x80, $0x38;
	[tilespmem:$0x18600] =	vst v63  }
0x1f9: {  	s28 =	sadd.s32 s4, s23;
	s30 =	spop (v2sf);
	s31 =	sld [smem:$0x7CE]  }
0x1fa: {  	(v2sf) =	vpush v63, $0x9;
	s8 =	sadd.s32 s4, s29;
	s11 =	sand.u32 $0x1FFFFFF0, s30;
	s12 =	spop (v2sf)  }
0x1fb: {  	s21 =	sadd.s32 s3, s11;
	s22 =	sand.u32 $0x1FFFFFF0, s12;
	s23 =	spop (v2sf)  }
0x1fc: {  	(v2sf) =	vpush v2, $0xA;
	[tilespmem:s31], [sflag:$0x2] =	stream.linear.gather [hbm4b:s28+s2], $0x80, $0x38;
	[tilespmem:$0x18600] =	vst v63  }
0x1fd: {  	s28 =	sadd.s32 s4, s22;
	s29 =	sand.u32 $0x1FFFFFF0, s23;
	s31 =	sld [smem:$0x7D1]  }
0x1fe: {  	(v2sf) =	vpush v1, $0xA;
	[tilespmem:s13], [sflag:$0x2] =	stream.linear.gather [hbm4b:s8+s2], $0x80, $0x38;
	[tilespmem:$0x18600] =	vst v63  }
0x1ff: {  	s8 =	sadd.s32 s4, s29;
	s13 =	sld [smem:$0x7D2];
	s30 =	spop (v2sf)  }
0x200: {  	[tilespmem:s26], [sflag:$0x2] =	stream.linear.gather [hbm4b:s21+s2], $0x80, $0x38;
	[tilespmem:$0x18600] =	vst v63  }
0x201: {  	s11 =	sand.u32 $0x1FFFFFF0, s30;
	s26 =	sld [smem:$0x7D3];
	s12 =	spop (v2sf)  }
0x202: {  	(v2sf) =	vpush v63, $0xA;
	[tilespmem:s31], [sflag:$0x2] =	stream.linear.gather [hbm4b:s28+s2], $0x80, $0x38;
	[tilespmem:$0x18600] =	vst v63  }
0x203: {  	s21 =	sadd.s32 s3, s11;
	s22 =	sand.u32 $0x1FFFFFF0, s12;
	s23 =	spop (v2sf)  }
0x204: {  	(v2sf) =	vpush v2, $0xB;
	s31 =	sld [smem:$0x7D4];
	s29 =	sand.u32 $0x1FFFFFF0, s23;
	s30 =	spop (v2sf)  }
0x205: {  	[tilespmem:s13], [sflag:$0x2] =	stream.linear.gather [hbm4b:s8+s2], $0x80, $0x38;
	[tilespmem:$0x18600] =	vst v63  }
0x206: {  	s28 =	sadd.s32 s4, s22;
	s8 =	sadd.s32 s4, s29;
	s12 =	spop (v2sf)  }
0x207: {  	(v2sf) =	vpush v1, $0xB;
	s10 =	sand.u32 $0x1FFFFFF0, s30;
	s13 =	sld [smem:$0x7D5];
	s22 =	sand.u32 $0x1FFFFFF0, s12  }
0x208: {  	[tilespmem:s26], [sflag:$0x2] =	stream.linear.gather [hbm4b:s21+s2], $0x80, $0x38;
	[tilespmem:$0x18600] =	vst v63  }
0x209: {  	(v2sf) =	vpush v63, $0xB;
	s21 =	sadd.s32 s3, s10;
	s23 =	spop (v2sf);
	s26 =	rddreg [dreg:$0x1e]  }
0x20a: {  	[tilespmem:s31], [sflag:$0x2] =	stream.linear.gather [hbm4b:s28+s2], $0x80, $0x38;
	[tilespmem:$0x18600] =	vst v63  }
0x20b: {  	(v2sf) =	vpush v2, $0xC;
	s29 =	sand.u32 $0x1FFFFFF0, s23;
	s28 =	sadd.s32 s4, s22;
	s30 =	spop (v2sf)  }
0x20c: {  	[tilespmem:s13], [sflag:$0x2] =	stream.linear.gather [hbm4b:s8+s2], $0x80, $0x38;
	[tilespmem:$0x18600] =	vst v63  }
0x20d: {  	s31 =	sld [smem:$0x7D6];
	s10 =	sand.u32 $0x1FFFFFF0, s30;
	s12 =	spop (v2sf)  }
0x20e: {  	[tilespmem:s26], [sflag:$0x2] =	stream.linear.gather [hbm4b:s21+s2], $0x80, $0x38;
	[tilespmem:$0x18600] =	vst v63  }
0x20f: {  	(v2sf) =	vpush v1, $0xC;
	s8 =	sadd.s32 s4, s29;
	s13 =	rddreg [dreg:$0x16];
	s22 =	sand.u32 $0x1FFFFFF0, s12  }
0x210: {  	[tilespmem:s31], [sflag:$0x2] =	stream.linear.gather [hbm4b:s28+s2], $0x80, $0x38;
	[tilespmem:$0x18600] =	vst v63  }
0x211: {  	(v2sf) =	vpush v63, $0xC;
	s21 =	sadd.s32 s3, s10;
	s26 =	rddreg [dreg:$0x13];
	s23 =	spop (v2sf)  }
0x212: {  	[tilespmem:s13], [sflag:$0x2] =	stream.linear.gather [hbm4b:s8+s2], $0x80, $0x38;
	[tilespmem:$0x18600] =	vst v63  }
0x213: {  	s28 =	sadd.s32 s4, s22;
	s29 =	sand.u32 $0x1FFFFFF0, s23;
	s30 =	spop (v2sf)  }
0x214: {  	(v2sf) =	vpush v2, $0xD;
	s31 =	rddreg [dreg:$0xd];
	s8 =	sadd.s32 s4, s29;
	s11 =	sand.u32 $0x1FFFFFF0, s30  }
0x215: {  	[tilespmem:s26], [sflag:$0x2] =	stream.linear.gather [hbm4b:s21+s2], $0x80, $0x38;
	[tilespmem:$0x18600] =	vst v63  }
0x216: {  	(v2sf) =	vpush v1, $0xD;
	s13 =	sld [smem:$0x7D7];
	s12 =	spop (v2sf);
	s21 =	sadd.s32 s3, s11  }
0x217: {  	[tilespmem:s31], [sflag:$0x2] =	stream.linear.gather [hbm4b:s28+s2], $0x80, $0x38;
	[tilespmem:$0x18600] =	vst v63  }
0x218: {  	s22 =	sand.u32 $0x1FFFFFF0, s12;
	s23 =	spop (v2sf);
	s26 =	sld [smem:$0x7D9]  }
0x219: {  	[tilespmem:s13], [sflag:$0x2] =	stream.linear.gather [hbm4b:s8+s2], $0x80, $0x38;
	[tilespmem:$0x18600] =	vst v63  }
0x21a: {  	s29 =	sand.u32 $0x1FFFFFF0, s23;
	s30 =	spop (v2sf);
	s31 =	rddreg [dreg:$0x1a]  }
0x21b: {  	[tilespmem:s26], [sflag:$0x2] =	stream.linear.gather [hbm4b:s21+s2], $0x80, $0x38;
	[tilespmem:$0x18600] =	vst v63  }
0x21c: {  	s28 =	sadd.s32 s4, s22;
	s6 =	sadd.s32 s4, s29;
	s8 =	sld [smem:$0x7D8]  }
0x21d: {  	[tilespmem:s31], [sflag:$0x2] =	stream.linear.gather [hbm4b:s28+s2], $0x80, $0x38;
	[tilespmem:$0x18600] =	vst v63  }
0x21e: {  	s10 =	sand.u32 $0x1FFFFFF0, s30;
	s12 =	spop (v2sf);
	s13 =	rddreg [dreg:$0x10]  }
0x21f: {  	[tilespmem:s13], [sflag:$0x2] =	stream.linear.gather [hbm4b:s6+s2], $0x80, $0x38;
	[tilespmem:$0x18600] =	vst v63  }
0x220: {  	(v2sf) =	vpush v63, $0xD;
	s23 =	spop (v2sf);
	s21 =	sadd.s32 s3, s10;
	s26 =	rddreg [dreg:$0x9]  }
0x221: {  	(v2sf) =	vpush v2, $0xE;
	[tilespmem:s26], [sflag:$0x2] =	stream.linear.gather [hbm4b:s21+s2], $0x80, $0x38;
	[tilespmem:$0x18600] =	vst v63  }
.Ltmp1:
0x222: {  	(v2sf) =	vpush v1, $0xE;
	s22 =	sand.u32 $0x1FFFFFF0, s12;
	s29 =	sand.u32 $0x1FFFFFF0, s23;
	(pc) =	sbr.rel @p0 .LBB2_4-.Ltmp1, $4  }
0x223: {  	(v2sf) =	vpush v63, $0xE;
	s30 =	spop (v2sf);
	s28 =	sadd.s32 s4, s22;
	s31 =	rddreg [dreg:$0x6]  }
0x224: {  	(v2sf) =	vpush v2, $0xF;
	[tilespmem:s31], [sflag:$0x2] =	stream.linear.gather [hbm4b:s28+s2], $0x80, $0x38;
	[tilespmem:$0x18600] =	vst v63  }
0x225: {  	(v2sf) =	vpush v1, $0xF;
	s5 =	sand.u32 $0x1FFFFFF0, s30;
	s6 =	sadd.s32 s4, s29;
	s10 =	spop (v2sf)  }
0x226: {  	(v2sf) =	vpush v63, $0xF;
	[tilespmem:s24], [sflag:$0x2] =	stream.linear.gather [hbm4b:s6+s2], $0x80, $0x38;
	[tilespmem:$0x18600] =	vst v63  }
0x227: {  	_ =	sdelay $0x3  }
0x228: {  	s1 =	sadd.s32 s3, s5;
	s28 =	sand.u32 $0x1FFFFFF0, s10  }
0x229: {  	[tilespmem:s18], [sflag:$0x2] =	stream.linear.gather [hbm4b:s1+s2], $0x80, $0x38;
	[tilespmem:$0x18600] =	vst v63  }
0x22a: {  	s29 =	sadd.s32 s4, s28  }
0x22b: {  	[tilespmem:s9], [sflag:$0x2] =	stream.linear.gather [hbm4b:s29+s2], $0x80, $0x38;
	[tilespmem:$0x18600] =	vst v63  }
0x22c: {  	s6 =	spop (v2sf)  }
0x22d: {  	s30 =	sand.u32 $0x1FFFFFF0, s6;
	s31 =	spop (v2sf)  }
0x22e: {  	s9 =	sadd.s32 s4, s30;
	s10 =	sand.u32 $0x1FFFFFF0, s31;
	s11 =	spop (v2sf)  }
0x22f: {  	[tilespmem:s8], [sflag:$0x2] =	stream.linear.gather [hbm4b:s9+s2], $0x80, $0x38;
	[tilespmem:$0x18600] =	vst v63  }
0x230: {  	s12 =	sadd.s32 s3, s10;
	s13 =	sand.u32 $0x1FFFFFF0, s11;
	s16 =	spop (v2sf)  }
0x231: {  	[tilespmem:s7], [sflag:$0x2] =	stream.linear.gather [hbm4b:s12+s2], $0x80, $0x38;
	[tilespmem:$0x18600] =	vst v63  }
0x232: {  	s17 =	sadd.s32 s4, s13;
	s18 =	sand.u32 $0x1FFFFFF0, s16;
	s19 =	spop (v2sf)  }
0x233: {  	[tilespmem:s20], [sflag:$0x2] =	stream.linear.gather [hbm4b:s17+s2], $0x80, $0x38;
	[tilespmem:$0x18600] =	vst v63  }
0x234: {  	s21 =	sadd.s32 s4, s18;
	s22 =	sand.u32 $0x1FFFFFF0, s19;
	s23 =	spop (v2sf)  }
0x235: {  	[tilespmem:s14], [sflag:$0x2] =	stream.linear.gather [hbm4b:s21+s2], $0x80, $0x38;
	[tilespmem:$0x18600] =	vst v63  }
0x236: {  	s24 =	sadd.s32 s3, s22;
	s26 =	sand.u32 $0x1FFFFFF0, s23;
	s28 =	spop (v2sf)  }
0x237: {  	[tilespmem:s25], [sflag:$0x2] =	stream.linear.gather [hbm4b:s24+s2], $0x80, $0x38;
	[tilespmem:$0x18600] =	vst v63  }
0x238: {  	s29 =	sadd.s32 s4, s26;
	s30 =	sand.u32 $0x1FFFFFF0, s28  }
0x239: {  	[tilespmem:s15], [sflag:$0x2] =	stream.linear.gather [hbm4b:s29+s2], $0x80, $0x38;
	[tilespmem:$0x18600] =	vst v63  }
0x23a: {  	s0 =	sadd.s32 $0x14D80, s0;
	s1 =	simm.s32 $0x1;
	s31 =	sadd.s32 s4, s30  }
0x23b: {  	[tilespmem:s0], [sflag:$0x2] =	stream.linear.gather [hbm4b:s31+s2], $0x80, $0x38;
	[tilespmem:$0x18600] =	vst v63  }
0x23c: {  	_ =	swait.ge [sflag:s1], $0x80  }
0x23d: {  	[sflag:s1] =	ssyncset.done $0x0  }
0x23e: {  	[sflag:s1] =	ssyncadd.s32 $0xFFFFFF80  }
0x23f: {  	_ =	swait.ge [sflag:s1], $0x80  }
0x240: {  	[sflag:s1] =	ssyncset.done $0x0  }
0x241: {  	[sflag:s1] =	ssyncadd.s32 $0xFFFFFF80  }
0x242: {  	_ =	swait.ge [sflag:s1], $0x80  }
0x243: {  	s0 =	simm.s32 $0x7F;
	[sflag:s1] =	ssyncset.done $0x0  }
.LBB2_6:
0x244: {  	p0 =	sne.s32 s0, $0x1;
	s0 =	sadd.s32 $0xFFFFFFFF, s0;
	[sflag:s1] =	ssyncadd.s32 $0xFFFFFF80  }
0x245: {  	_ =	swait.ge [sflag:s1], $0x80  }
0x246: {  	[sflag:s1] =	ssyncset.done $0x0  }
0x247: {  	[sflag:s1] =	ssyncadd.s32 $0xFFFFFF80  }
.Ltmp2:
0x248: {  	_ =	swait.ge [sflag:s1], $0x80;
	(pc) =	sbr.rel @p0 .LBB2_6-.Ltmp2, $4  }
0x249: {  	[sflag:s1] =	ssyncset.done $0x0  }
0x24a: {  	[sflag:s1] =	ssyncadd.s32 $0xFFFFFF80  }
0x24b: {  	_ =	swait.ge [sflag:s1], $0x80  }
0x24c: {  	[sflag:s1] =	ssyncset.done $0x0  }
0x24d: {  	s16 =	sld [smem:$0x7F1]  }
0x24e: {  	[sflag:s1] =	ssyncadd.s32 $0xFFFFFF80  }
0x24f: {  	s0 =	simm.s32 $0x0;
	s5 =	simm.s32 $0x600;
	s17 =	simm.s32 $0x3  }
0x250: {  	[hbm4b:s16+s0] =	stream.linear.scatter [tilespmem:s5], [sflag:$0x3], $0x4000, $0x38;
	[tilespmem:$0x18600] =	vst v63  }
0x251: {  	_ =	swait.ge [sflag:s17], $0x4000  }
0x252: {  	s18 =	sld [smem:$0x7F2]  }
0x253: {  	[sflag:s17] =	ssyncset.done $0x0  }
0x254: {  	s6 =	simm.s32 $0x4600;
	[sflag:s17] =	ssyncadd.s32 $0xFFFFC000  }
0x255: {  	[hbm4b:s18+s0] =	stream.linear.scatter [tilespmem:s6], [sflag:$0x3], $0x4000, $0x38;
	[tilespmem:$0x18600] =	vst v63  }
0x256: {  	_ =	swait.ge [sflag:s17], $0x4000  }
0x257: {  	s19 =	sld [smem:$0x7F3]  }
0x258: {  	[sflag:s17] =	ssyncset.done $0x0  }
0x259: {  	s20 =	simm.s32 $0x8600;
	[sflag:s17] =	ssyncadd.s32 $0xFFFFC000  }
0x25a: {  	[hbm4b:s19+s0] =	stream.linear.scatter [tilespmem:s20], [sflag:$0x3], $0x4000, $0x38;
	[tilespmem:$0x18600] =	vst v63  }
0x25b: {  	_ =	swait.ge [sflag:s17], $0x4000  }
0x25c: {  	[sflag:s17] =	ssyncset.done $0x0  }
0x25d: {  	s21 =	simm.s32 $0x100;
	[sflag:s17] =	ssyncadd.s32 $0xFFFFC000  }
0x25e: {  	s22 =	simm.s32 $0x300;
	v0 =	vld [tilespmem:s21+$0x0]  }
0x25f: {  	s23 =	simm.s32 $0x500;
	v1 =	vld [tilespmem:s22+$0x0]  }
0x260: {  	v3 =	vld [tilespmem:s23+$0x0];
	_ =	sdelay $0x2  }
0x261: {  	v2 =	vshll.u32 v0, $0x4  }
0x262: {  	v1 =	vshll.u32 v1, $0x4;
	(v2sf) =	vpush v2, $0x0  }
0x263: {  	v63 =	vshll.u32 v3, $0x4;
	(v2sf) =	vpush v1, $0x0  }
0x264: {  	(v2sf) =	vpush v63, $0x0;
	_ =	sdelay $0x1  }
0x265: {  	(v2sf) =	vpush v2, $0x1;
	_ =	sdelay $0x2  }
0x266: {  	(v2sf) =	vpush v1, $0x1;
	_ =	sdelay $0x1  }
0x267: {  	(v2sf) =	vpush v63, $0x1  }
0x268: {  	s1 =	simm.s32 $0x2000  }
0x269: {  	s8 =	simm.s32 $0x8600;
	s9 =	simm.s32 $0x4780;
	s7 =	simm.s32 $0x980;
	(v2sf) =	vpush v2, $0x2  }
0x26a: {  	s24 =	simm.s32 $0x600;
	s10 =	simm.s32 $0x4600;
	s12 =	simm.s32 $0x8680  }
0x26b: {  	s13 =	simm.s32 $0x780;
	s29 =	simm.s32 $0x680;
	s31 =	simm.s32 $0x4680  }
0x26c: {  	s16 =	simm.s32 $0x310;
	s5 =	simm.s32 $0xA80;
	s6 =	simm.s32 $0xA00  }
0x26d: {  	s0 =	simm.s32 $0x0;
	s17 =	simm.s32 $0x110;
	s11 =	spop (v2sf);
	(v2sf) =	vpush v1, $0x2  }
0x26e: {  	s21 =	simm.s32 $0x700;
	s11 =	sand.u32 $0x1FFFFFF0, s11;
	s14 =	spop (v2sf)  }
0x26f: {  	s23 =	simm.s32 $0x4700;
	(v2sf) =	vpush v63, $0x2;
	s11 =	sadd.s32 s3, s11;
	s26 =	spop (v2sf)  }
0x270: {  	(v2sf) =	vpush v2, $0x3;
	[tilespmem:s24], [sflag:$0x1] =	stream.linear.gather [hbm4b:s11+s2], $0x80, $0x38;
	[tilespmem:$0x18600] =	vst v63  }
0x271: {  	s25 =	sand.u32 $0x1FFFFFF0, s14;
	s14 =	sand.u32 $0x1FFFFFF0, s26;
	s15 =	spop (v2sf)  }
0x272: {  	s11 =	sadd.s32 s4, s25;
	s26 =	simm.s32 $0x8700;
	s28 =	sand.u32 $0x1FFFFFF0, s15  }
0x273: {  	(v2sf) =	vpush v1, $0x3;
	[tilespmem:s10], [sflag:$0x1] =	stream.linear.gather [hbm4b:s11+s2], $0x80, $0x38;
	[tilespmem:$0x18600] =	vst v63  }
0x274: {  	s14 =	sadd.s32 s4, s14;
	s30 =	spop (v2sf);
	s10 =	simm.s32 $0x8780  }
0x275: {  	(v2sf) =	vpush v63, $0x3;
	[tilespmem:s8], [sflag:$0x1] =	stream.linear.gather [hbm4b:s14+s2], $0x80, $0x38;
	[tilespmem:$0x18600] =	vst v63  }
0x276: {  	s11 =	sadd.s32 s3, s28;
	s15 =	spop (v2sf);
	s14 =	sand.u32 $0x1FFFFFF0, s30  }
0x277: {  	(v2sf) =	vpush v2, $0x4;
	[tilespmem:s29], [sflag:$0x1] =	stream.linear.gather [hbm4b:s11+s2], $0x80, $0x38;
	[tilespmem:$0x18600] =	vst v63  }
0x278: {  	s18 =	spop (v2sf);
	s11 =	sadd.s32 s4, s14;
	s14 =	sand.u32 $0x1FFFFFF0, s15  }
0x279: {  	(v2sf) =	vpush v1, $0x4;
	[tilespmem:s31], [sflag:$0x1] =	stream.linear.gather [hbm4b:s11+s2], $0x80, $0x38;
	[tilespmem:$0x18600] =	vst v63  }
0x27a: {  	s20 =	sand.u32 $0x1FFFFFF0, s18;
	s8 =	simm.s32 $0x8A80;
	s19 =	sadd.s32 s4, s14  }
0x27b: {  	[tilespmem:s12], [sflag:$0x1] =	stream.linear.gather [hbm4b:s19+s2], $0x80, $0x38;
	[tilespmem:$0x18600] =	vst v63  }
0x27c: {  	s14 =	sadd.s32 s3, s20;
	s11 =	simm.s32 $0x4880;
	s22 =	spop (v2sf)  }
0x27d: {  	(v2sf) =	vpush v63, $0x4;
	[tilespmem:s21], [sflag:$0x1] =	stream.linear.gather [hbm4b:s14+s2], $0x80, $0x38;
	[tilespmem:$0x18600] =	vst v63  }
0x27e: {  	s31 =	simm.s32 $0x4800;
	s12 =	sand.u32 $0x1FFFFFF0, s22;
	s24 =	spop (v2sf)  }
0x27f: {  	s19 =	simm.s32 $0x8800;
	(v2sf) =	vpush v2, $0x5;
	s12 =	sadd.s32 s4, s12;
	s25 =	spop (v2sf)  }
0x280: {  	(v2sf) =	vpush v1, $0x5;
	[tilespmem:s23], [sflag:$0x1] =	stream.linear.gather [hbm4b:s12+s2], $0x80, $0x38;
	[tilespmem:$0x18600] =	vst v63  }
0x281: {  	s22 =	simm.s32 $0x800;
	s14 =	sand.u32 $0x1FFFFFF0, s24;
	s29 =	sand.u32 $0x1FFFFFF0, s25  }
0x282: {  	s28 =	sadd.s32 s4, s14;
	s30 =	spop (v2sf);
	(v2sf) =	vpush v63, $0x5;
	s14 =	sadd.s32 s3, s29  }
0x283: {  	(v2sf) =	vpush v2, $0x6;
	[tilespmem:s26], [sflag:$0x1] =	stream.linear.gather [hbm4b:s28+s2], $0x80, $0x38;
	[tilespmem:$0x18600] =	vst v63  }
0x284: {  	s12 =	sand.u32 $0x1FFFFFF0, s30;
	s15 =	spop (v2sf);
	s30 =	simm.s32 $0x880  }
0x285: {  	[tilespmem:s13], [sflag:$0x1] =	stream.linear.gather [hbm4b:s14+s2], $0x80, $0x38;
	[tilespmem:$0x18600] =	vst v63  }
0x286: {  	s12 =	sadd.s32 s4, s12;
	s18 =	spop (v2sf);
	s14 =	sand.u32 $0x1FFFFFF0, s15  }
0x287: {  	(v2sf) =	vpush v1, $0x6;
	[tilespmem:s9], [sflag:$0x1] =	stream.linear.gather [hbm4b:s12+s2], $0x80, $0x38;
	[tilespmem:$0x18600] =	vst v63  }
0x288: {  	s21 =	sand.u32 $0x1FFFFFF0, s18;
	s23 =	spop (v2sf);
	s20 =	sadd.s32 s4, s14  }
0x289: {  	(v2sf) =	vpush v63, $0x6;
	[tilespmem:s10], [sflag:$0x1] =	stream.linear.gather [hbm4b:s20+s2], $0x80, $0x38;
	[tilespmem:$0x18600] =	vst v63  }
0x28a: {  	s26 =	simm.s32 $0x4900;
	s14 =	sadd.s32 s3, s21;
	s10 =	sand.u32 $0x1FFFFFF0, s23  }
0x28b: {  	[tilespmem:s22], [sflag:$0x1] =	stream.linear.gather [hbm4b:s14+s2], $0x80, $0x38;
	[tilespmem:$0x18600] =	vst v63  }
0x28c: {  	s9 =	simm.s32 $0xB00;
	s10 =	sadd.s32 s4, s10;
	s24 =	spop (v2sf)  }
0x28d: {  	(v2sf) =	vpush v2, $0x7;
	[tilespmem:s31], [sflag:$0x1] =	stream.linear.gather [hbm4b:s10+s2], $0x80, $0x38;
	[tilespmem:$0x18600] =	vst v63  }
0x28e: {  	s22 =	simm.s32 $0x900;
	s14 =	sand.u32 $0x1FFFFFF0, s24;
	s25 =	spop (v2sf)  }
0x28f: {  	(v2sf) =	vpush v1, $0x7;
	s28 =	sadd.s32 s4, s14;
	s29 =	sand.u32 $0x1FFFFFF0, s25;
	s31 =	spop (v2sf)  }
0x290: {  	[tilespmem:s19], [sflag:$0x1] =	stream.linear.gather [hbm4b:s28+s2], $0x80, $0x38;
	[tilespmem:$0x18600] =	vst v63  }
0x291: {  	s10 =	simm.s32 $0x4B00;
	s14 =	sadd.s32 s3, s29;
	s15 =	spop (v2sf)  }
0x292: {  	(v2sf) =	vpush v63, $0x7;
	s12 =	sand.u32 $0x1FFFFFF0, s31;
	s19 =	simm.s32 $0x8880;
	s18 =	spop (v2sf)  }
0x293: {  	(v2sf) =	vpush v2, $0x8;
	[tilespmem:s30], [sflag:$0x1] =	stream.linear.gather [hbm4b:s14+s2], $0x80, $0x38;
	[tilespmem:$0x18600] =	vst v63  }
0x294: {  	s12 =	sadd.s32 s4, s12;
	s14 =	sand.u32 $0x1FFFFFF0, s15;
	s21 =	sand.u32 $0x1FFFFFF0, s18  }
0x295: {  	(v2sf) =	vpush v1, $0x8;
	[tilespmem:s11], [sflag:$0x1] =	stream.linear.gather [hbm4b:s12+s2], $0x80, $0x38;
	[tilespmem:$0x18600] =	vst v63  }
0x296: {  	s23 =	spop (v2sf);
	(v2sf) =	vpush v63, $0x8;
	s30 =	simm.s32 $0x4A00;
	s20 =	sadd.s32 s4, s14  }
0x297: {  	[tilespmem:s19], [sflag:$0x1] =	stream.linear.gather [hbm4b:s20+s2], $0x80, $0x38;
	[tilespmem:$0x18600] =	vst v63  }
0x298: {  	s14 =	sadd.s32 s3, s21;
	(v2sf) =	vpush v2, $0x9;
	s24 =	spop (v2sf);
	s12 =	sand.u32 $0x1FFFFFF0, s23  }
0x299: {  	[tilespmem:s22], [sflag:$0x1] =	stream.linear.gather [hbm4b:s14+s2], $0x80, $0x38;
	[tilespmem:$0x18600] =	vst v63  }
0x29a: {  	s15 =	simm.s32 $0x4980;
	(v2sf) =	vpush v1, $0x9;
	s12 =	sadd.s32 s4, s12;
	s14 =	sand.u32 $0x1FFFFFF0, s24  }
0x29b: {  	[tilespmem:s26], [sflag:$0x1] =	stream.linear.gather [hbm4b:s12+s2], $0x80, $0x38;
	[tilespmem:$0x18600] =	vst v63  }
0x29c: {  	s25 =	spop (v2sf);
	s28 =	sadd.s32 s4, s14;
	s26 =	simm.s32 $0x8900  }
0x29d: {  	[tilespmem:s26], [sflag:$0x1] =	stream.linear.gather [hbm4b:s28+s2], $0x80, $0x38;
	[tilespmem:$0x18600] =	vst v63  }
0x29e: {  	s11 =	simm.s32 $0x4A80;
	s29 =	sand.u32 $0x1FFFFFF0, s25;
	s31 =	spop (v2sf)  }
0x29f: {  	s23 =	simm.s32 $0x8A00;
	s14 =	sadd.s32 s3, s29;
	s13 =	sand.u32 $0x1FFFFFF0, s31  }
0x2a0: {  	(v2sf) =	vpush v63, $0x9;
	[tilespmem:s7], [sflag:$0x1] =	stream.linear.gather [hbm4b:s14+s2], $0x80, $0x38;
	[tilespmem:$0x18600] =	vst v63  }
0x2a1: {  	s20 =	simm.s32 $0x8980;
	(v2sf) =	vpush v2, $0xA;
	s18 =	spop (v2sf);
	s13 =	sadd.s32 s4, s13  }
0x2a2: {  	s14 =	sand.u32 $0x1FFFFFF0, s18;
	s19 =	spop (v2sf);
	s18 =	simm.s32 $0xC80  }
0x2a3: {  	(v2sf) =	vpush v1, $0xA;
	[tilespmem:s15], [sflag:$0x1] =	stream.linear.gather [hbm4b:s13+s2], $0x80, $0x38;
	[tilespmem:$0x18600] =	vst v63  }
0x2a4: {  	s21 =	sadd.s32 s4, s14;
	s22 =	sand.u32 $0x1FFFFFF0, s19;
	s24 =	spop (v2sf)  }
0x2a5: {  	s19 =	simm.s32 $0x510;
	s14 =	sadd.s32 s3, s22;
	s26 =	spop (v2sf)  }
0x2a6: {  	(v2sf) =	vpush v63, $0xA;
	[tilespmem:s20], [sflag:$0x1] =	stream.linear.gather [hbm4b:s21+s2], $0x80, $0x38;
	[tilespmem:$0x18600] =	vst v63  }
0x2a7: {  	s15 =	simm.s32 $0x4D80;
	s25 =	sand.u32 $0x1FFFFFF0, s24;
	s28 =	spop (v2sf)  }
0x2a8: {  	(v2sf) =	vpush v2, $0xB;
	[tilespmem:s6], [sflag:$0x1] =	stream.linear.gather [hbm4b:s14+s2], $0x80, $0x38;
	[tilespmem:$0x18600] =	vst v63  }
0x2a9: {  	(v2sf) =	vpush v1, $0xB;
	s13 =	sand.u32 $0x1FFFFFF0, s26;
	s31 =	spop (v2sf);
	s6 =	sadd.s32 s4, s25  }
0x2aa: {  	[tilespmem:s30], [sflag:$0x1] =	stream.linear.gather [hbm4b:s6+s2], $0x80, $0x38;
	[tilespmem:$0x18600] =	vst v63  }
0x2ab: {  	(v2sf) =	vpush v63, $0xB;
	s29 =	sadd.s32 s4, s13;
	s30 =	sand.u32 $0x1FFFFFF0, s28;
	s6 =	sand.u32 $0x1FFFFFF0, s31  }
0x2ac: {  	[tilespmem:s23], [sflag:$0x1] =	stream.linear.gather [hbm4b:s29+s2], $0x80, $0x38;
	[tilespmem:$0x18600] =	vst v63  }
0x2ad: {  	(v2sf) =	vpush v2, $0xC;
	s28 =	simm.s32 $0x8B00;
	s13 =	sadd.s32 s3, s30;
	s6 =	sadd.s32 s4, s6  }
0x2ae: {  	[tilespmem:s5], [sflag:$0x1] =	stream.linear.gather [hbm4b:s13+s2], $0x80, $0x38;
	[tilespmem:$0x18600] =	vst v63  }
0x2af: {  	s30 =	simm.s32 $0xB80;
	s23 =	simm.s32 $0x8B80;
	s14 =	spop (v2sf)  }
0x2b0: {  	s5 =	simm.s32 $0x4C00;
	s7 =	sand.u32 $0x1FFFFFF0, s14;
	s20 =	spop (v2sf)  }
0x2b1: {  	(v2sf) =	vpush v1, $0xC;
	[tilespmem:s11], [sflag:$0x1] =	stream.linear.gather [hbm4b:s6+s2], $0x80, $0x38;
	[tilespmem:$0x18600] =	vst v63  }
0x2b2: {  	s14 =	simm.s32 $0x8D00;
	s21 =	sadd.s32 s4, s7;
	s24 =	spop (v2sf)  }
0x2b3: {  	(v2sf) =	vpush v63, $0xC;
	[tilespmem:s8], [sflag:$0x1] =	stream.linear.gather [hbm4b:s21+s2], $0x80, $0x38;
	[tilespmem:$0x18600] =	vst v63  }
0x2b4: {  	s11 =	simm.s32 $0x4B80;
	s22 =	sand.u32 $0x1FFFFFF0, s20;
	s8 =	sand.u32 $0x1FFFFFF0, s24  }
0x2b5: {  	s7 =	sadd.s32 s3, s22;
	s25 =	spop (v2sf);
	s8 =	sadd.s32 s4, s8  }
0x2b6: {  	[tilespmem:s9], [sflag:$0x1] =	stream.linear.gather [hbm4b:s7+s2], $0x80, $0x38;
	[tilespmem:$0x18600] =	vst v63  }
0x2b7: {  	(v2sf) =	vpush v2, $0xD;
	s26 =	spop (v2sf);
	s7 =	simm.s32 $0xC00;
	s9 =	sand.u32 $0x1FFFFFF0, s25  }
0x2b8: {  	s29 =	sand.u32 $0x1FFFFFF0, s26;
	s31 =	spop (v2sf);
	s25 =	simm.s32 $0xD80  }
0x2b9: {  	(v2sf) =	vpush v1, $0xD;
	[tilespmem:s10], [sflag:$0x1] =	stream.linear.gather [hbm4b:s8+s2], $0x80, $0x38;
	[tilespmem:$0x18600] =	vst v63  }
0x2ba: {  	s9 =	sadd.s32 s4, s9;
	s12 =	spop (v2sf);
	s10 =	sadd.s32 s3, s29  }
0x2bb: {  	[tilespmem:s28], [sflag:$0x1] =	stream.linear.gather [hbm4b:s9+s2], $0x80, $0x38;
	[tilespmem:$0x18600] =	vst v63  }
0x2bc: {  	s13 =	spop (v2sf);
	s8 =	simm.s32 $0x8C80;
	s9 =	sand.u32 $0x1FFFFFF0, s31  }
0x2bd: {  	[tilespmem:s30], [sflag:$0x1] =	stream.linear.gather [hbm4b:s10+s2], $0x80, $0x38;
	[tilespmem:$0x18600] =	vst v63  }
0x2be: {  	s21 =	sand.u32 $0x1FFFFFF0, s13;
	s9 =	sadd.s32 s4, s9;
	s10 =	sand.u32 $0x1FFFFFF0, s12  }
0x2bf: {  	[tilespmem:s11], [sflag:$0x1] =	stream.linear.gather [hbm4b:s9+s2], $0x80, $0x38;
	[tilespmem:$0x18600] =	vst v63  }
0x2c0: {  	s30 =	simm.s32 $0x8C00;
	s20 =	sadd.s32 s4, s10;
	s22 =	spop (v2sf)  }
0x2c1: {  	[tilespmem:s23], [sflag:$0x1] =	stream.linear.gather [hbm4b:s20+s2], $0x80, $0x38;
	[tilespmem:$0x18600] =	vst v63  }
0x2c2: {  	(v2sf) =	vpush v63, $0xD;
	s23 =	sadd.s32 s3, s21;
	s24 =	sand.u32 $0x1FFFFFF0, s22;
	s26 =	spop (v2sf)  }
0x2c3: {  	(v2sf) =	vpush v2, $0xE;
	[tilespmem:s7], [sflag:$0x1] =	stream.linear.gather [hbm4b:s23+s2], $0x80, $0x38;
	[tilespmem:$0x18600] =	vst v63  }
0x2c4: {  	s9 =	simm.s32 $0x4C80;
	(v2sf) =	vpush v1, $0xE;
	s28 =	sadd.s32 s4, s24;
	s29 =	sand.u32 $0x1FFFFFF0, s26  }
0x2c5: {  	(v2sf) =	vpush v63, $0xE;
	[tilespmem:s5], [sflag:$0x1] =	stream.linear.gather [hbm4b:s28+s2], $0x80, $0x38;
	[tilespmem:$0x18600] =	vst v63  }
0x2c6: {  	s20 =	simm.s32 $0x4D00;
	s7 =	sadd.s32 s4, s29;
	(v2sf) =	vpush v2, $0xF;
	s31 =	spop (v2sf)  }
0x2c7: {  	(v2sf) =	vpush v1, $0xF;
	[tilespmem:s30], [sflag:$0x1] =	stream.linear.gather [hbm4b:s7+s2], $0x80, $0x38;
	[tilespmem:$0x18600] =	vst v63  }
0x2c8: {  	s5 =	sand.u32 $0x1FFFFFF0, s31;
	s10 =	spop (v2sf);
	(v2sf) =	vpush v63, $0xF;
	s7 =	simm.s32 $0xD00  }
.LBB2_8:
0x2c9: {  	_ =	sdelay $0x3  }
0x2ca: {  	s5 =	sadd.s32 s3, s5;
	s10 =	sand.u32 $0x1FFFFFF0, s10  }
0x2cb: {  	[tilespmem:s18], [sflag:$0x1] =	stream.linear.gather [hbm4b:s5+s2], $0x80, $0x38;
	[tilespmem:$0x18600] =	vst v63  }
0x2cc: {  	s12 =	sadd.s32 s4, s10  }
0x2cd: {  	[tilespmem:s9], [sflag:$0x1] =	stream.linear.gather [hbm4b:s12+s2], $0x80, $0x38;
	[tilespmem:$0x18600] =	vst v63  }
0x2ce: {  	s11 =	spop (v2sf)  }
0x2cf: {  	s18 =	sand.u32 $0x1FFFFFF0, s11;
	s21 =	spop (v2sf)  }
0x2d0: {  	s22 =	sadd.s32 s4, s18;
	s23 =	sand.u32 $0x1FFFFFF0, s21;
	s24 =	spop (v2sf)  }
0x2d1: {  	[tilespmem:s8], [sflag:$0x1] =	stream.linear.gather [hbm4b:s22+s2], $0x80, $0x38;
	[tilespmem:$0x18600] =	vst v63  }
0x2d2: {  	s26 =	sadd.s32 s3, s23;
	s28 =	sand.u32 $0x1FFFFFF0, s24;
	s29 =	spop (v2sf)  }
0x2d3: {  	[tilespmem:s7], [sflag:$0x1] =	stream.linear.gather [hbm4b:s26+s2], $0x80, $0x38;
	[tilespmem:$0x18600] =	vst v63  }
0x2d4: {  	s30 =	sadd.s32 s4, s28;
	s31 =	sand.u32 $0x1FFFFFF0, s29;
	s6 =	spop (v2sf)  }
0x2d5: {  	[tilespmem:s20], [sflag:$0x1] =	stream.linear.gather [hbm4b:s30+s2], $0x80, $0x38;
	[tilespmem:$0x18600] =	vst v63  }
0x2d6: {  	s7 =	sadd.s32 s4, s31;
	s6 =	sand.u32 $0x1FFFFFF0, s6;
	s9 =	spop (v2sf)  }
0x2d7: {  	[tilespmem:s14], [sflag:$0x1] =	stream.linear.gather [hbm4b:s7+s2], $0x80, $0x38;
	[tilespmem:$0x18600] =	vst v63  }
0x2d8: {  	s10 =	sadd.s32 s3, s6;
	s11 =	sand.u32 $0x1FFFFFF0, s9;
	s12 =	spop (v2sf)  }
0x2d9: {  	[tilespmem:s25], [sflag:$0x1] =	stream.linear.gather [hbm4b:s10+s2], $0x80, $0x38;
	[tilespmem:$0x18600] =	vst v63  }
0x2da: {  	s18 =	sand.u32 $0x1FFFFFF0, s12;
	s14 =	sadd.s32 s4, s11  }
0x2db: {  	[tilespmem:s15], [sflag:$0x1] =	stream.linear.gather [hbm4b:s14+s2], $0x80, $0x38;
	[tilespmem:$0x18600] =	vst v63  }
0x2dc: {  	s13 =	smov.u32 s1;
	s0 =	sadd.s32 $0x8D80, s0;
	s20 =	sadd.s32 s4, s18  }
0x2dd: {  	[tilespmem:s0], [sflag:$0x1] =	stream.linear.gather [hbm4b:s20+s2], $0x80, $0x38;
	[tilespmem:$0x18600] =	vst v63  }
0x2de: {  	s0 =	sshra.s32 s13, $0x2  }
0x2df: {  	s21 =	sadd.s32 $0x4780, s0  }
0x2e0: {  	s22 =	sadd.s32 $0x980, s0;
	[smem:$0x7B6] =	sst s21  }
0x2e1: {  	s23 =	sadd.s32 $0xA00, s0;
	[smem:$0x7BE] =	sst s22  }
0x2e2: {  	s24 =	sadd.s32 $0xA80, s0;
	[smem:$0x7C1] =	sst s23  }
0x2e3: {  	v0 =	vld [tilespmem:s17+$0x0];
	s25 =	sadd.s32 $0x4880, s0;
	[dreg:$0x1f] =	wrdreg s24  }
0x2e4: {  	p0 =	sne.s32 s1, $0xE000;
	v1 =	vld [tilespmem:s16+$0x0];
	s28 =	sadd.s32 $0x8A80, s0;
	[smem:$0x7BA] =	sst s25  }
0x2e5: {  	s1 =	sadd.s32 $0x2000, s1;
	v3 =	vld [tilespmem:s19+$0x0];
	s30 =	sadd.s32 $0x4800, s0;
	[dreg:$0x17] =	wrdreg s28  }
0x2e6: {  	s16 =	sadd.s32 $0x10, s16;
	s31 =	sadd.s32 $0x8800, s0;
	[smem:$0x7B7] =	sst s30  }
0x2e7: {  	s17 =	sadd.s32 $0x10, s17;
	s6 =	sadd.s32 $0xB00, s0;
	[smem:$0x7B8] =	sst s31  }
0x2e8: {  	s10 =	sadd.s32 $0x8600, s0;
	s7 =	sadd.s32 $0x4900, s0;
	[dreg:$0x14] =	wrdreg s6;
	v2 =	vshll.u32 v0, $0x4  }
0x2e9: {  	s9 =	sadd.s32 $0x600, s0;
	s8 =	sadd.s32 $0x4B00, s0;
	[smem:$0x7BC] =	sst s7;
	v1 =	vshll.u32 v1, $0x4;
	(v2sf) =	vpush v2, $0x0  }
0x2ea: {  	s29 =	sadd.s32 $0x4600, s0;
	s11 =	sadd.s32 $0x4A80, s0;
	[dreg:$0xe] =	wrdreg s8;
	v63 =	vshll.u32 v3, $0x4;
	(v2sf) =	vpush v1, $0x0  }
0x2eb: {  	s26 =	sadd.s32 $0x8680, s0;
	s12 =	sadd.s32 $0x4A00, s0;
	[smem:$0x7C4] =	sst s11;
	(v2sf) =	vpush v63, $0x0  }
0x2ec: {  	s13 =	sadd.s32 $0x8780, s0;
	s14 =	sadd.s32 $0x8A00, s0;
	[smem:$0x7C2] =	sst s12  }
0x2ed: {  	s5 =	sadd.s32 $0x4700, s0;
	s15 =	sadd.s32 $0x880, s0;
	[smem:$0x7C3] =	sst s14;
	(v2sf) =	vpush v2, $0x1  }
0x2ee: {  	s18 =	sadd.s32 $0x4980, s0;
	s20 =	sadd.s32 $0x8980, s0;
	[smem:$0x7B9] =	sst s15  }
0x2ef: {  	s19 =	sadd.s32 $0x10, s19;
	s22 =	sadd.s32 $0x780, s0;
	[smem:$0x7BF] =	sst s18  }
0x2f0: {  	s21 =	sadd.s32 $0x800, s0;
	[smem:$0x7C0] =	sst s20;
	s23 =	sadd.s32 $0x8880, s0;
	(v2sf) =	vpush v1, $0x1  }
0x2f1: {  	s30 =	sadd.s32 $0x680, s0;
	s24 =	sadd.s32 $0x8900, s0;
	[smem:$0x7BB] =	sst s23  }
0x2f2: {  	s28 =	sadd.s32 $0x700, s0;
	s25 =	sadd.s32 $0x4C00, s0;
	[smem:$0x7BD] =	sst s24;
	(v2sf) =	vpush v63, $0x1  }
0x2f3: {  	s18 =	sadd.s32 $0xC80, s0;
	s31 =	sadd.s32 $0x8B80, s0;
	[dreg:$0x7] =	wrdreg s25  }
0x2f4: {  	s11 =	sadd.s32 $0x8700, s0;
	s7 =	sadd.s32 $0xC00, s0;
	[dreg:$0x11] =	wrdreg s31;
	(v2sf) =	vpush v2, $0x2  }
0x2f5: {  	s15 =	sadd.s32 $0x4D80, s0;
	s8 =	sadd.s32 $0xB80, s0;
	[dreg:$0xa] =	wrdreg s7  }
0x2f6: {  	s14 =	sadd.s32 $0x8D00, s0;
	s20 =	sadd.s32 $0x4B80, s0;
	[smem:$0x7C7] =	sst s8;
	(v2sf) =	vpush v1, $0x2  }
0x2f7: {  	s12 =	sadd.s32 $0x4680, s0;
	s25 =	sadd.s32 $0xD80, s0;
	[dreg:$0x1b] =	wrdreg s20  }
0x2f8: {  	s20 =	sadd.s32 $0x4D00, s0;
	s24 =	sadd.s32 $0x8C80, s0;
	s23 =	spop (v2sf);
	(v2sf) =	vpush v63, $0x2  }
0x2f9: {  	[smem:$0x7C6] =	sst s24;
	s23 =	sand.u32 $0x1FFFFFF0, s23;
	s24 =	spop (v2sf)  }
0x2fa: {  	s31 =	sadd.s32 $0x900, s0;
	s23 =	sadd.s32 s3, s23;
	s8 =	spop (v2sf);
	(v2sf) =	vpush v2, $0x3  }
0x2fb: {  	[tilespmem:s9], [sflag:$0x1] =	stream.linear.gather [hbm4b:s23+s2], $0x80, $0x38;
	[tilespmem:$0x18600] =	vst v63  }
0x2fc: {  	s24 =	sand.u32 $0x1FFFFFF0, s24;
	s6 =	sand.u32 $0x1FFFFFF0, s8;
	s8 =	spop (v2sf);
	(v2sf) =	vpush v1, $0x3  }
0x2fd: {  	s24 =	sadd.s32 s4, s24;
	s23 =	sand.u32 $0x1FFFFFF0, s8;
	s8 =	sadd.s32 $0x8B00, s0  }
0x2fe: {  	(v2sf) =	vpush v63, $0x3;
	[tilespmem:s29], [sflag:$0x1] =	stream.linear.gather [hbm4b:s24+s2], $0x80, $0x38;
	[tilespmem:$0x18600] =	vst v63  }
0x2ff: {  	s6 =	sadd.s32 s4, s6;
	[smem:$0x7C5] =	sst s8;
	s8 =	spop (v2sf);
	(v2sf) =	vpush v2, $0x4  }
0x300: {  	[tilespmem:s10], [sflag:$0x1] =	stream.linear.gather [hbm4b:s6+s2], $0x80, $0x38;
	[tilespmem:$0x18600] =	vst v63  }
0x301: {  	s23 =	sadd.s32 s3, s23;
	s24 =	sand.u32 $0x1FFFFFF0, s8;
	s8 =	spop (v2sf);
	(v2sf) =	vpush v1, $0x4  }
0x302: {  	[tilespmem:s30], [sflag:$0x1] =	stream.linear.gather [hbm4b:s23+s2], $0x80, $0x38;
	[tilespmem:$0x18600] =	vst v63  }
0x303: {  	s24 =	sadd.s32 s4, s24;
	s30 =	sand.u32 $0x1FFFFFF0, s8;
	s8 =	spop (v2sf)  }
0x304: {  	[tilespmem:s12], [sflag:$0x1] =	stream.linear.gather [hbm4b:s24+s2], $0x80, $0x38;
	[tilespmem:$0x18600] =	vst v63  }
0x305: {  	s23 =	sand.u32 $0x1FFFFFF0, s8;
	s12 =	sadd.s32 s4, s30;
	s24 =	spop (v2sf)  }
0x306: {  	(v2sf) =	vpush v63, $0x4;
	[tilespmem:s26], [sflag:$0x1] =	stream.linear.gather [hbm4b:s12+s2], $0x80, $0x38;
	[tilespmem:$0x18600] =	vst v63  }
0x307: {  	s30 =	sand.u32 $0x1FFFFFF0, s24;
	s26 =	sadd.s32 s3, s23;
	s8 =	spop (v2sf)  }
0x308: {  	(v2sf) =	vpush v2, $0x5;
	[tilespmem:s28], [sflag:$0x1] =	stream.linear.gather [hbm4b:s26+s2], $0x80, $0x38;
	[tilespmem:$0x18600] =	vst v63  }
0x309: {  	s23 =	sadd.s32 s4, s30;
	s24 =	sand.u32 $0x1FFFFFF0, s8;
	s26 =	spop (v2sf)  }
0x30a: {  	(v2sf) =	vpush v1, $0x5;
	[tilespmem:s5], [sflag:$0x1] =	stream.linear.gather [hbm4b:s23+s2], $0x80, $0x38;
	[tilespmem:$0x18600] =	vst v63  }
0x30b: {  	s28 =	sadd.s32 s4, s24;
	s30 =	sand.u32 $0x1FFFFFF0, s26;
	s8 =	spop (v2sf)  }
0x30c: {  	[tilespmem:s11], [sflag:$0x1] =	stream.linear.gather [hbm4b:s28+s2], $0x80, $0x38;
	[tilespmem:$0x18600] =	vst v63  }
0x30d: {  	s7 =	sadd.s32 $0xD00, s0;
	(v2sf) =	vpush v63, $0x5;
	s11 =	sadd.s32 s3, s30;
	s23 =	spop (v2sf)  }
0x30e: {  	s12 =	sand.u32 $0x1FFFFFF0, s8;
	s30 =	sld [smem:$0x7B6];
	s28 =	spop (v2sf)  }
0x30f: {  	(v2sf) =	vpush v2, $0x6;
	[tilespmem:s22], [sflag:$0x1] =	stream.linear.gather [hbm4b:s11+s2], $0x80, $0x38;
	[tilespmem:$0x18600] =	vst v63  }
0x310: {  	(v2sf) =	vpush v1, $0x6;
	s24 =	sadd.s32 s4, s12;
	s26 =	sand.u32 $0x1FFFFFF0, s23;
	s12 =	spop (v2sf)  }
0x311: {  	s9 =	sadd.s32 $0x4C80, s0;
	s8 =	sadd.s32 s4, s26;
	s22 =	sand.u32 $0x1FFFFFF0, s12  }
0x312: {  	(v2sf) =	vpush v63, $0x6;
	[tilespmem:s30], [sflag:$0x1] =	stream.linear.gather [hbm4b:s24+s2], $0x80, $0x38;
	[tilespmem:$0x18600] =	vst v63  }
0x313: {  	s11 =	sand.u32 $0x1FFFFFF0, s28;
	s12 =	sld [smem:$0x7B8];
	s24 =	sadd.s32 s4, s22  }
0x314: {  	[tilespmem:s13], [sflag:$0x1] =	stream.linear.gather [hbm4b:s8+s2], $0x80, $0x38;
	[tilespmem:$0x18600] =	vst v63  }
0x315: {  	s30 =	sld [smem:$0x7B7];
	s23 =	spop (v2sf);
	s13 =	sadd.s32 s3, s11  }
0x316: {  	(v2sf) =	vpush v2, $0x7;
	[tilespmem:s21], [sflag:$0x1] =	stream.linear.gather [hbm4b:s13+s2], $0x80, $0x38;
	[tilespmem:$0x18600] =	vst v63  }
0x317: {  	(v2sf) =	vpush v1, $0x7;
	s26 =	sand.u32 $0x1FFFFFF0, s23;
	s23 =	sld [smem:$0x7B9];
	s28 =	spop (v2sf)  }
0x318: {  	(v2sf) =	vpush v63, $0x7;
	[tilespmem:s30], [sflag:$0x1] =	stream.linear.gather [hbm4b:s24+s2], $0x80, $0x38;
	[tilespmem:$0x18600] =	vst v63  }
0x319: {  	s8 =	sadd.s32 s4, s26;
	s10 =	sand.u32 $0x1FFFFFF0, s28;
	s11 =	spop (v2sf)  }
0x31a: {  	[tilespmem:s12], [sflag:$0x1] =	stream.linear.gather [hbm4b:s8+s2], $0x80, $0x38;
	[tilespmem:$0x18600] =	vst v63  }
0x31b: {  	s29 =	sadd.s32 $0x8C00, s0;
	s13 =	sadd.s32 s3, s10;
	s21 =	sand.u32 $0x1FFFFFF0, s11  }
0x31c: {  	s30 =	sld [smem:$0x7BA];
	(v2sf) =	vpush v2, $0x8;
	s22 =	spop (v2sf);
	s24 =	sadd.s32 s4, s21  }
0x31d: {  	[tilespmem:s23], [sflag:$0x1] =	stream.linear.gather [hbm4b:s13+s2], $0x80, $0x38;
	[tilespmem:$0x18600] =	vst v63  }
0x31e: {  	(v2sf) =	vpush v1, $0x8;
	s21 =	sld [smem:$0x7BB];
	s26 =	sand.u32 $0x1FFFFFF0, s22;
	s28 =	spop (v2sf)  }
0x31f: {  	s11 =	sadd.s32 s4, s26;
	s12 =	sand.u32 $0x1FFFFFF0, s28;
	s13 =	spop (v2sf)  }
0x320: {  	(v2sf) =	vpush v63, $0x8;
	[tilespmem:s30], [sflag:$0x1] =	stream.linear.gather [hbm4b:s24+s2], $0x80, $0x38;
	[tilespmem:$0x18600] =	vst v63  }
0x321: {  	(v2sf) =	vpush v2, $0x9;
	s23 =	sand.u32 $0x1FFFFFF0, s13;
	s24 =	spop (v2sf);
	s13 =	sld [smem:$0x7BD]  }
0x322: {  	[tilespmem:s21], [sflag:$0x1] =	stream.linear.gather [hbm4b:s11+s2], $0x80, $0x38;
	[tilespmem:$0x18600] =	vst v63  }
0x323: {  	s22 =	sadd.s32 s3, s12;
	(v2sf) =	vpush v1, $0x9;
	s28 =	sand.u32 $0x1FFFFFF0, s24;
	s24 =	sld [smem:$0x7BE]  }
0x324: {  	[tilespmem:s31], [sflag:$0x1] =	stream.linear.gather [hbm4b:s22+s2], $0x80, $0x38;
	[tilespmem:$0x18600] =	vst v63  }
0x325: {  	s26 =	sadd.s32 s4, s23;
	s30 =	spop (v2sf);
	s31 =	sld [smem:$0x7BC]  }
0x326: {  	(v2sf) =	vpush v63, $0x9;
	s8 =	sadd.s32 s4, s28;
	s11 =	sand.u32 $0x1FFFFFF0, s30;
	s12 =	spop (v2sf)  }
0x327: {  	s21 =	sadd.s32 s3, s11;
	s22 =	sand.u32 $0x1FFFFFF0, s12;
	s23 =	spop (v2sf)  }
0x328: {  	(v2sf) =	vpush v2, $0xA;
	[tilespmem:s31], [sflag:$0x1] =	stream.linear.gather [hbm4b:s26+s2], $0x80, $0x38;
	[tilespmem:$0x18600] =	vst v63  }
0x329: {  	s26 =	sadd.s32 s4, s22;
	s28 =	sand.u32 $0x1FFFFFF0, s23;
	s31 =	sld [smem:$0x7BF]  }
0x32a: {  	(v2sf) =	vpush v1, $0xA;
	[tilespmem:s13], [sflag:$0x1] =	stream.linear.gather [hbm4b:s8+s2], $0x80, $0x38;
	[tilespmem:$0x18600] =	vst v63  }
0x32b: {  	s8 =	sadd.s32 s4, s28;
	s13 =	sld [smem:$0x7C0];
	s30 =	spop (v2sf)  }
0x32c: {  	[tilespmem:s24], [sflag:$0x1] =	stream.linear.gather [hbm4b:s21+s2], $0x80, $0x38;
	[tilespmem:$0x18600] =	vst v63  }
0x32d: {  	s11 =	sand.u32 $0x1FFFFFF0, s30;
	s24 =	sld [smem:$0x7C1];
	s12 =	spop (v2sf)  }
0x32e: {  	(v2sf) =	vpush v63, $0xA;
	[tilespmem:s31], [sflag:$0x1] =	stream.linear.gather [hbm4b:s26+s2], $0x80, $0x38;
	[tilespmem:$0x18600] =	vst v63  }
0x32f: {  	s21 =	sadd.s32 s3, s11;
	s22 =	sand.u32 $0x1FFFFFF0, s12;
	s23 =	spop (v2sf)  }
0x330: {  	(v2sf) =	vpush v2, $0xB;
	s31 =	sld [smem:$0x7C2];
	s28 =	sand.u32 $0x1FFFFFF0, s23;
	s30 =	spop (v2sf)  }
0x331: {  	[tilespmem:s13], [sflag:$0x1] =	stream.linear.gather [hbm4b:s8+s2], $0x80, $0x38;
	[tilespmem:$0x18600] =	vst v63  }
0x332: {  	s26 =	sadd.s32 s4, s22;
	s8 =	sadd.s32 s4, s28;
	s12 =	spop (v2sf)  }
0x333: {  	(v2sf) =	vpush v1, $0xB;
	s10 =	sand.u32 $0x1FFFFFF0, s30;
	s13 =	sld [smem:$0x7C3];
	s22 =	sand.u32 $0x1FFFFFF0, s12  }
0x334: {  	[tilespmem:s24], [sflag:$0x1] =	stream.linear.gather [hbm4b:s21+s2], $0x80, $0x38;
	[tilespmem:$0x18600] =	vst v63  }
0x335: {  	(v2sf) =	vpush v63, $0xB;
	s23 =	spop (v2sf);
	s21 =	sadd.s32 s3, s10;
	s24 =	rddreg [dreg:$0x1f]  }
0x336: {  	[tilespmem:s31], [sflag:$0x1] =	stream.linear.gather [hbm4b:s26+s2], $0x80, $0x38;
	[tilespmem:$0x18600] =	vst v63  }
0x337: {  	(v2sf) =	vpush v2, $0xC;
	s28 =	sand.u32 $0x1FFFFFF0, s23;
	s26 =	sadd.s32 s4, s22;
	s30 =	spop (v2sf)  }
0x338: {  	[tilespmem:s13], [sflag:$0x1] =	stream.linear.gather [hbm4b:s8+s2], $0x80, $0x38;
	[tilespmem:$0x18600] =	vst v63  }
0x339: {  	(v2sf) =	vpush v1, $0xC;
	s31 =	sld [smem:$0x7C4];
	s10 =	sand.u32 $0x1FFFFFF0, s30;
	s12 =	spop (v2sf)  }
0x33a: {  	[tilespmem:s24], [sflag:$0x1] =	stream.linear.gather [hbm4b:s21+s2], $0x80, $0x38;
	[tilespmem:$0x18600] =	vst v63  }
0x33b: {  	s8 =	sadd.s32 s4, s28;
	s13 =	rddreg [dreg:$0x17];
	s22 =	sand.u32 $0x1FFFFFF0, s12  }
0x33c: {  	[tilespmem:s31], [sflag:$0x1] =	stream.linear.gather [hbm4b:s26+s2], $0x80, $0x38;
	[tilespmem:$0x18600] =	vst v63  }
0x33d: {  	(v2sf) =	vpush v63, $0xC;
	s21 =	sadd.s32 s3, s10;
	s24 =	rddreg [dreg:$0x14];
	s23 =	spop (v2sf)  }
0x33e: {  	[tilespmem:s13], [sflag:$0x1] =	stream.linear.gather [hbm4b:s8+s2], $0x80, $0x38;
	[tilespmem:$0x18600] =	vst v63  }
0x33f: {  	s26 =	sadd.s32 s4, s22;
	s28 =	sand.u32 $0x1FFFFFF0, s23;
	s30 =	spop (v2sf)  }
0x340: {  	(v2sf) =	vpush v2, $0xD;
	s31 =	rddreg [dreg:$0xe];
	s8 =	sadd.s32 s4, s28;
	s11 =	sand.u32 $0x1FFFFFF0, s30  }
0x341: {  	[tilespmem:s24], [sflag:$0x1] =	stream.linear.gather [hbm4b:s21+s2], $0x80, $0x38;
	[tilespmem:$0x18600] =	vst v63  }
0x342: {  	(v2sf) =	vpush v1, $0xD;
	s13 =	sld [smem:$0x7C5];
	s12 =	spop (v2sf);
	s21 =	sadd.s32 s3, s11  }
0x343: {  	[tilespmem:s31], [sflag:$0x1] =	stream.linear.gather [hbm4b:s26+s2], $0x80, $0x38;
	[tilespmem:$0x18600] =	vst v63  }
0x344: {  	s22 =	sand.u32 $0x1FFFFFF0, s12;
	s23 =	spop (v2sf);
	s24 =	sld [smem:$0x7C7]  }
0x345: {  	[tilespmem:s13], [sflag:$0x1] =	stream.linear.gather [hbm4b:s8+s2], $0x80, $0x38;
	[tilespmem:$0x18600] =	vst v63  }
0x346: {  	s28 =	sand.u32 $0x1FFFFFF0, s23;
	s30 =	spop (v2sf);
	s26 =	sadd.s32 s4, s22  }
0x347: {  	[tilespmem:s24], [sflag:$0x1] =	stream.linear.gather [hbm4b:s21+s2], $0x80, $0x38;
	[tilespmem:$0x18600] =	vst v63  }
0x348: {  	s31 =	rddreg [dreg:$0x1b];
	s6 =	sadd.s32 s4, s28;
	s12 =	spop (v2sf)  }
0x349: {  	[tilespmem:s31], [sflag:$0x1] =	stream.linear.gather [hbm4b:s26+s2], $0x80, $0x38;
	[tilespmem:$0x18600] =	vst v63  }
0x34a: {  	s10 =	sand.u32 $0x1FFFFFF0, s30;
	s22 =	sand.u32 $0x1FFFFFF0, s12;
	s13 =	rddreg [dreg:$0x11]  }
0x34b: {  	[tilespmem:s13], [sflag:$0x1] =	stream.linear.gather [hbm4b:s6+s2], $0x80, $0x38;
	[tilespmem:$0x18600] =	vst v63  }
0x34c: {  	(v2sf) =	vpush v63, $0xD;
	s23 =	spop (v2sf);
	s21 =	sadd.s32 s3, s10;
	s24 =	rddreg [dreg:$0xa]  }
0x34d: {  	(v2sf) =	vpush v2, $0xE;
	[tilespmem:s24], [sflag:$0x1] =	stream.linear.gather [hbm4b:s21+s2], $0x80, $0x38;
	[tilespmem:$0x18600] =	vst v63  }
.Ltmp3:
0x34e: {  	(v2sf) =	vpush v1, $0xE;
	s8 =	sld [smem:$0x7C6];
	s28 =	sand.u32 $0x1FFFFFF0, s23;
	(pc) =	sbr.rel @p0 .LBB2_8-.Ltmp3, $4  }
0x34f: {  	(v2sf) =	vpush v63, $0xE;
	s30 =	spop (v2sf);
	s26 =	sadd.s32 s4, s22;
	s31 =	rddreg [dreg:$0x7]  }
0x350: {  	(v2sf) =	vpush v2, $0xF;
	[tilespmem:s31], [sflag:$0x1] =	stream.linear.gather [hbm4b:s26+s2], $0x80, $0x38;
	[tilespmem:$0x18600] =	vst v63  }
0x351: {  	(v2sf) =	vpush v1, $0xF;
	s5 =	sand.u32 $0x1FFFFFF0, s30;
	s6 =	sadd.s32 s4, s28;
	s10 =	spop (v2sf)  }
0x352: {  	(v2sf) =	vpush v63, $0xF;
	[tilespmem:s29], [sflag:$0x1] =	stream.linear.gather [hbm4b:s6+s2], $0x80, $0x38;
	[tilespmem:$0x18600] =	vst v63  }
0x353: {  	_ =	sdelay $0x3  }
0x354: {  	s1 =	sadd.s32 s3, s5;
	s28 =	sand.u32 $0x1FFFFFF0, s10  }
0x355: {  	[tilespmem:s18], [sflag:$0x1] =	stream.linear.gather [hbm4b:s1+s2], $0x80, $0x38;
	[tilespmem:$0x18600] =	vst v63  }
0x356: {  	s29 =	sadd.s32 s4, s28  }
0x357: {  	[tilespmem:s9], [sflag:$0x1] =	stream.linear.gather [hbm4b:s29+s2], $0x80, $0x38;
	[tilespmem:$0x18600] =	vst v63  }
0x358: {  	s6 =	spop (v2sf)  }
0x359: {  	s30 =	sand.u32 $0x1FFFFFF0, s6;
	s31 =	spop (v2sf)  }
0x35a: {  	s9 =	sadd.s32 s4, s30;
	s10 =	sand.u32 $0x1FFFFFF0, s31;
	s11 =	spop (v2sf)  }
0x35b: {  	[tilespmem:s8], [sflag:$0x1] =	stream.linear.gather [hbm4b:s9+s2], $0x80, $0x38;
	[tilespmem:$0x18600] =	vst v63  }
0x35c: {  	s12 =	sadd.s32 s3, s10;
	s13 =	sand.u32 $0x1FFFFFF0, s11;
	s16 =	spop (v2sf)  }
0x35d: {  	[tilespmem:s7], [sflag:$0x1] =	stream.linear.gather [hbm4b:s12+s2], $0x80, $0x38;
	[tilespmem:$0x18600] =	vst v63  }
0x35e: {  	s17 =	sadd.s32 s4, s13;
	s18 =	sand.u32 $0x1FFFFFF0, s16;
	s19 =	spop (v2sf)  }
0x35f: {  	[tilespmem:s20], [sflag:$0x1] =	stream.linear.gather [hbm4b:s17+s2], $0x80, $0x38;
	[tilespmem:$0x18600] =	vst v63  }
0x360: {  	s21 =	sadd.s32 s4, s18;
	s22 =	sand.u32 $0x1FFFFFF0, s19;
	s23 =	spop (v2sf)  }
0x361: {  	[tilespmem:s14], [sflag:$0x1] =	stream.linear.gather [hbm4b:s21+s2], $0x80, $0x38;
	[tilespmem:$0x18600] =	vst v63  }
0x362: {  	s24 =	sadd.s32 s3, s22;
	s26 =	sand.u32 $0x1FFFFFF0, s23;
	s28 =	spop (v2sf)  }
0x363: {  	[tilespmem:s25], [sflag:$0x1] =	stream.linear.gather [hbm4b:s24+s2], $0x80, $0x38;
	[tilespmem:$0x18600] =	vst v63  }
0x364: {  	s29 =	sadd.s32 s4, s26;
	s30 =	sand.u32 $0x1FFFFFF0, s28  }
0x365: {  	[tilespmem:s15], [sflag:$0x1] =	stream.linear.gather [hbm4b:s29+s2], $0x80, $0x38;
	[tilespmem:$0x18600] =	vst v63  }
0x366: {  	s0 =	sadd.s32 $0x8D80, s0;
	s1 =	simm.s32 $0x2;
	s31 =	sadd.s32 s4, s30  }
0x367: {  	[tilespmem:s0], [sflag:$0x1] =	stream.linear.gather [hbm4b:s31+s2], $0x80, $0x38;
	[tilespmem:$0x18600] =	vst v63  }
0x368: {  	_ =	swait.ge [sflag:s1], $0x80  }
0x369: {  	[sflag:s1] =	ssyncset.done $0x0  }
0x36a: {  	[sflag:s1] =	ssyncadd.s32 $0xFFFFFF80  }
0x36b: {  	_ =	swait.ge [sflag:s1], $0x80  }
0x36c: {  	[sflag:s1] =	ssyncset.done $0x0  }
0x36d: {  	[sflag:s1] =	ssyncadd.s32 $0xFFFFFF80  }
0x36e: {  	_ =	swait.ge [sflag:s1], $0x80  }
0x36f: {  	s0 =	simm.s32 $0x7F;
	[sflag:s1] =	ssyncset.done $0x0  }
.LBB2_10:
0x370: {  	p0 =	sne.s32 s0, $0x1;
	s0 =	sadd.s32 $0xFFFFFFFF, s0;
	[sflag:s1] =	ssyncadd.s32 $0xFFFFFF80  }
0x371: {  	_ =	swait.ge [sflag:s1], $0x80  }
0x372: {  	[sflag:s1] =	ssyncset.done $0x0  }
0x373: {  	[sflag:s1] =	ssyncadd.s32 $0xFFFFFF80  }
.Ltmp4:
0x374: {  	_ =	swait.ge [sflag:s1], $0x80;
	(pc) =	sbr.rel @p0 .LBB2_10-.Ltmp4, $4  }
0x375: {  	[sflag:s1] =	ssyncset.done $0x0  }
0x376: {  	[sflag:s1] =	ssyncadd.s32 $0xFFFFFF80  }
0x377: {  	_ =	swait.ge [sflag:s1], $0x80  }
0x378: {  	[sflag:s1] =	ssyncset.done $0x0  }
0x379: {  	s16 =	sld [smem:$0x7F4]  }
0x37a: {  	[sflag:s1] =	ssyncadd.s32 $0xFFFFFF80  }
0x37b: {  	s0 =	simm.s32 $0x0;
	s5 =	simm.s32 $0xC600;
	s17 =	simm.s32 $0x3  }
0x37c: {  	[hbm4b:s16+s0] =	stream.linear.scatter [tilespmem:s5], [sflag:$0x3], $0x4000, $0x38;
	[tilespmem:$0x18600] =	vst v63  }
0x37d: {  	_ =	swait.ge [sflag:s17], $0x4000  }
0x37e: {  	s18 =	sld [smem:$0x7F5]  }
0x37f: {  	[sflag:s17] =	ssyncset.done $0x0  }
0x380: {  	s6 =	simm.s32 $0x10600;
	[sflag:s17] =	ssyncadd.s32 $0xFFFFC000  }
0x381: {  	[hbm4b:s18+s0] =	stream.linear.scatter [tilespmem:s6], [sflag:$0x3], $0x4000, $0x38;
	[tilespmem:$0x18600] =	vst v63  }
0x382: {  	_ =	swait.ge [sflag:s17], $0x4000  }
0x383: {  	s19 =	sld [smem:$0x7F6]  }
0x384: {  	[sflag:s17] =	ssyncset.done $0x0  }
0x385: {  	s20 =	simm.s32 $0x14600;
	[sflag:s17] =	ssyncadd.s32 $0xFFFFC000  }
0x386: {  	[hbm4b:s19+s0] =	stream.linear.scatter [tilespmem:s20], [sflag:$0x3], $0x4000, $0x38;
	[tilespmem:$0x18600] =	vst v63  }
0x387: {  	_ =	swait.ge [sflag:s17], $0x4000  }
0x388: {  	[sflag:s17] =	ssyncset.done $0x0  }
0x389: {  	s21 =	simm.s32 $0x180;
	[sflag:s17] =	ssyncadd.s32 $0xFFFFC000  }
0x38a: {  	s22 =	simm.s32 $0x380;
	v0 =	vld [tilespmem:s21+$0x0]  }
0x38b: {  	s23 =	simm.s32 $0x580;
	v1 =	vld [tilespmem:s22+$0x0]  }
0x38c: {  	v3 =	vld [tilespmem:s23+$0x0];
	_ =	sdelay $0x2  }
0x38d: {  	v2 =	vshll.u32 v0, $0x4  }
0x38e: {  	v1 =	vshll.u32 v1, $0x4;
	(v2sf) =	vpush v2, $0x0  }
0x38f: {  	v63 =	vshll.u32 v3, $0x4;
	(v2sf) =	vpush v1, $0x0  }
0x390: {  	(v2sf) =	vpush v63, $0x0;
	_ =	sdelay $0x1  }
0x391: {  	(v2sf) =	vpush v2, $0x1;
	_ =	sdelay $0x2  }
0x392: {  	(v2sf) =	vpush v1, $0x1;
	_ =	sdelay $0x1  }
0x393: {  	(v2sf) =	vpush v63, $0x1  }
0x394: {  	s1 =	simm.s32 $0x2000  }
0x395: {  	s8 =	simm.s32 $0x14600;
	s9 =	simm.s32 $0x10780;
	s7 =	simm.s32 $0xC980;
	(v2sf) =	vpush v2, $0x2  }
0x396: {  	s24 =	simm.s32 $0xC600;
	s10 =	simm.s32 $0x10600;
	s12 =	simm.s32 $0x14680  }
0x397: {  	s13 =	simm.s32 $0xC780;
	s29 =	simm.s32 $0xC680;
	s31 =	simm.s32 $0x10680  }
0x398: {  	s16 =	simm.s32 $0x390;
	s5 =	simm.s32 $0xCA80;
	s6 =	simm.s32 $0xCA00  }
0x399: {  	s0 =	simm.s32 $0x0;
	s17 =	simm.s32 $0x190;
	s11 =	spop (v2sf);
	(v2sf) =	vpush v1, $0x2  }
0x39a: {  	s21 =	simm.s32 $0xC700;
	s11 =	sand.u32 $0x1FFFFFF0, s11;
	s14 =	spop (v2sf)  }
0x39b: {  	s23 =	simm.s32 $0x10700;
	(v2sf) =	vpush v63, $0x2;
	s11 =	sadd.s32 s3, s11;
	s26 =	spop (v2sf)  }
0x39c: {  	(v2sf) =	vpush v2, $0x3;
	[tilespmem:s24], [sflag:$0x2] =	stream.linear.gather [hbm4b:s11+s2], $0x80, $0x38;
	[tilespmem:$0x18600] =	vst v63  }
0x39d: {  	s25 =	sand.u32 $0x1FFFFFF0, s14;
	s14 =	sand.u32 $0x1FFFFFF0, s26;
	s15 =	spop (v2sf)  }
0x39e: {  	s11 =	sadd.s32 s4, s25;
	s26 =	simm.s32 $0x14700;
	s28 =	sand.u32 $0x1FFFFFF0, s15  }
0x39f: {  	(v2sf) =	vpush v1, $0x3;
	[tilespmem:s10], [sflag:$0x2] =	stream.linear.gather [hbm4b:s11+s2], $0x80, $0x38;
	[tilespmem:$0x18600] =	vst v63  }
0x3a0: {  	s14 =	sadd.s32 s4, s14;
	s30 =	spop (v2sf);
	s10 =	simm.s32 $0x14780  }
0x3a1: {  	(v2sf) =	vpush v63, $0x3;
	[tilespmem:s8], [sflag:$0x2] =	stream.linear.gather [hbm4b:s14+s2], $0x80, $0x38;
	[tilespmem:$0x18600] =	vst v63  }
0x3a2: {  	s11 =	sadd.s32 s3, s28;
	s15 =	spop (v2sf);
	s14 =	sand.u32 $0x1FFFFFF0, s30  }
0x3a3: {  	(v2sf) =	vpush v2, $0x4;
	[tilespmem:s29], [sflag:$0x2] =	stream.linear.gather [hbm4b:s11+s2], $0x80, $0x38;
	[tilespmem:$0x18600] =	vst v63  }
0x3a4: {  	s18 =	spop (v2sf);
	s11 =	sadd.s32 s4, s14;
	s14 =	sand.u32 $0x1FFFFFF0, s15  }
0x3a5: {  	(v2sf) =	vpush v1, $0x4;
	[tilespmem:s31], [sflag:$0x2] =	stream.linear.gather [hbm4b:s11+s2], $0x80, $0x38;
	[tilespmem:$0x18600] =	vst v63  }
0x3a6: {  	s20 =	sand.u32 $0x1FFFFFF0, s18;
	s8 =	simm.s32 $0x14A80;
	s19 =	sadd.s32 s4, s14  }
0x3a7: {  	[tilespmem:s12], [sflag:$0x2] =	stream.linear.gather [hbm4b:s19+s2], $0x80, $0x38;
	[tilespmem:$0x18600] =	vst v63  }
0x3a8: {  	s14 =	sadd.s32 s3, s20;
	s11 =	simm.s32 $0x10880;
	s22 =	spop (v2sf)  }
0x3a9: {  	(v2sf) =	vpush v63, $0x4;
	[tilespmem:s21], [sflag:$0x2] =	stream.linear.gather [hbm4b:s14+s2], $0x80, $0x38;
	[tilespmem:$0x18600] =	vst v63  }
0x3aa: {  	s31 =	simm.s32 $0x10800;
	s12 =	sand.u32 $0x1FFFFFF0, s22;
	s24 =	spop (v2sf)  }
0x3ab: {  	s19 =	simm.s32 $0x14800;
	(v2sf) =	vpush v2, $0x5;
	s12 =	sadd.s32 s4, s12;
	s25 =	spop (v2sf)  }
0x3ac: {  	(v2sf) =	vpush v1, $0x5;
	[tilespmem:s23], [sflag:$0x2] =	stream.linear.gather [hbm4b:s12+s2], $0x80, $0x38;
	[tilespmem:$0x18600] =	vst v63  }
0x3ad: {  	s22 =	simm.s32 $0xC800;
	s14 =	sand.u32 $0x1FFFFFF0, s24;
	s29 =	sand.u32 $0x1FFFFFF0, s25  }
0x3ae: {  	s28 =	sadd.s32 s4, s14;
	s30 =	spop (v2sf);
	(v2sf) =	vpush v63, $0x5;
	s14 =	sadd.s32 s3, s29  }
0x3af: {  	(v2sf) =	vpush v2, $0x6;
	[tilespmem:s26], [sflag:$0x2] =	stream.linear.gather [hbm4b:s28+s2], $0x80, $0x38;
	[tilespmem:$0x18600] =	vst v63  }
0x3b0: {  	s12 =	sand.u32 $0x1FFFFFF0, s30;
	s15 =	spop (v2sf);
	s30 =	simm.s32 $0xC880  }
0x3b1: {  	[tilespmem:s13], [sflag:$0x2] =	stream.linear.gather [hbm4b:s14+s2], $0x80, $0x38;
	[tilespmem:$0x18600] =	vst v63  }
0x3b2: {  	s12 =	sadd.s32 s4, s12;
	s18 =	spop (v2sf);
	s14 =	sand.u32 $0x1FFFFFF0, s15  }
0x3b3: {  	(v2sf) =	vpush v1, $0x6;
	[tilespmem:s9], [sflag:$0x2] =	stream.linear.gather [hbm4b:s12+s2], $0x80, $0x38;
	[tilespmem:$0x18600] =	vst v63  }
0x3b4: {  	s21 =	sand.u32 $0x1FFFFFF0, s18;
	s23 =	spop (v2sf);
	s20 =	sadd.s32 s4, s14  }
0x3b5: {  	(v2sf) =	vpush v63, $0x6;
	[tilespmem:s10], [sflag:$0x2] =	stream.linear.gather [hbm4b:s20+s2], $0x80, $0x38;
	[tilespmem:$0x18600] =	vst v63  }
0x3b6: {  	s26 =	simm.s32 $0x10900;
	s14 =	sadd.s32 s3, s21;
	s10 =	sand.u32 $0x1FFFFFF0, s23  }
0x3b7: {  	[tilespmem:s22], [sflag:$0x2] =	stream.linear.gather [hbm4b:s14+s2], $0x80, $0x38;
	[tilespmem:$0x18600] =	vst v63  }
0x3b8: {  	s9 =	simm.s32 $0xCB00;
	s10 =	sadd.s32 s4, s10;
	s24 =	spop (v2sf)  }
0x3b9: {  	(v2sf) =	vpush v2, $0x7;
	[tilespmem:s31], [sflag:$0x2] =	stream.linear.gather [hbm4b:s10+s2], $0x80, $0x38;
	[tilespmem:$0x18600] =	vst v63  }
0x3ba: {  	s22 =	simm.s32 $0xC900;
	s14 =	sand.u32 $0x1FFFFFF0, s24;
	s25 =	spop (v2sf)  }
0x3bb: {  	(v2sf) =	vpush v1, $0x7;
	s28 =	sadd.s32 s4, s14;
	s29 =	sand.u32 $0x1FFFFFF0, s25;
	s31 =	spop (v2sf)  }
0x3bc: {  	[tilespmem:s19], [sflag:$0x2] =	stream.linear.gather [hbm4b:s28+s2], $0x80, $0x38;
	[tilespmem:$0x18600] =	vst v63  }
0x3bd: {  	s10 =	simm.s32 $0x10B00;
	s14 =	sadd.s32 s3, s29;
	s15 =	spop (v2sf)  }
0x3be: {  	(v2sf) =	vpush v63, $0x7;
	s12 =	sand.u32 $0x1FFFFFF0, s31;
	s19 =	simm.s32 $0x14880;
	s18 =	spop (v2sf)  }
0x3bf: {  	(v2sf) =	vpush v2, $0x8;
	[tilespmem:s30], [sflag:$0x2] =	stream.linear.gather [hbm4b:s14+s2], $0x80, $0x38;
	[tilespmem:$0x18600] =	vst v63  }
0x3c0: {  	s12 =	sadd.s32 s4, s12;
	s14 =	sand.u32 $0x1FFFFFF0, s15;
	s21 =	sand.u32 $0x1FFFFFF0, s18  }
0x3c1: {  	(v2sf) =	vpush v1, $0x8;
	[tilespmem:s11], [sflag:$0x2] =	stream.linear.gather [hbm4b:s12+s2], $0x80, $0x38;
	[tilespmem:$0x18600] =	vst v63  }
0x3c2: {  	s23 =	spop (v2sf);
	(v2sf) =	vpush v63, $0x8;
	s30 =	simm.s32 $0x10A00;
	s20 =	sadd.s32 s4, s14  }
0x3c3: {  	[tilespmem:s19], [sflag:$0x2] =	stream.linear.gather [hbm4b:s20+s2], $0x80, $0x38;
	[tilespmem:$0x18600] =	vst v63  }
0x3c4: {  	s14 =	sadd.s32 s3, s21;
	(v2sf) =	vpush v2, $0x9;
	s24 =	spop (v2sf);
	s12 =	sand.u32 $0x1FFFFFF0, s23  }
0x3c5: {  	[tilespmem:s22], [sflag:$0x2] =	stream.linear.gather [hbm4b:s14+s2], $0x80, $0x38;
	[tilespmem:$0x18600] =	vst v63  }
0x3c6: {  	s15 =	simm.s32 $0x10980;
	(v2sf) =	vpush v1, $0x9;
	s12 =	sadd.s32 s4, s12;
	s14 =	sand.u32 $0x1FFFFFF0, s24  }
0x3c7: {  	[tilespmem:s26], [sflag:$0x2] =	stream.linear.gather [hbm4b:s12+s2], $0x80, $0x38;
	[tilespmem:$0x18600] =	vst v63  }
0x3c8: {  	s25 =	spop (v2sf);
	s28 =	sadd.s32 s4, s14;
	s26 =	simm.s32 $0x14900  }
0x3c9: {  	[tilespmem:s26], [sflag:$0x2] =	stream.linear.gather [hbm4b:s28+s2], $0x80, $0x38;
	[tilespmem:$0x18600] =	vst v63  }
0x3ca: {  	s11 =	simm.s32 $0x10A80;
	s29 =	sand.u32 $0x1FFFFFF0, s25;
	s31 =	spop (v2sf)  }
0x3cb: {  	s23 =	simm.s32 $0x14A00;
	s14 =	sadd.s32 s3, s29;
	s13 =	sand.u32 $0x1FFFFFF0, s31  }
0x3cc: {  	(v2sf) =	vpush v63, $0x9;
	[tilespmem:s7], [sflag:$0x2] =	stream.linear.gather [hbm4b:s14+s2], $0x80, $0x38;
	[tilespmem:$0x18600] =	vst v63  }
0x3cd: {  	s20 =	simm.s32 $0x14980;
	(v2sf) =	vpush v2, $0xA;
	s18 =	spop (v2sf);
	s13 =	sadd.s32 s4, s13  }
0x3ce: {  	s14 =	sand.u32 $0x1FFFFFF0, s18;
	s19 =	spop (v2sf);
	s18 =	simm.s32 $0xCC80  }
0x3cf: {  	(v2sf) =	vpush v1, $0xA;
	[tilespmem:s15], [sflag:$0x2] =	stream.linear.gather [hbm4b:s13+s2], $0x80, $0x38;
	[tilespmem:$0x18600] =	vst v63  }
0x3d0: {  	s21 =	sadd.s32 s4, s14;
	s22 =	sand.u32 $0x1FFFFFF0, s19;
	s24 =	spop (v2sf)  }
0x3d1: {  	s19 =	simm.s32 $0x590;
	s14 =	sadd.s32 s3, s22;
	s26 =	spop (v2sf)  }
0x3d2: {  	(v2sf) =	vpush v63, $0xA;
	[tilespmem:s20], [sflag:$0x2] =	stream.linear.gather [hbm4b:s21+s2], $0x80, $0x38;
	[tilespmem:$0x18600] =	vst v63  }
0x3d3: {  	s15 =	simm.s32 $0x10D80;
	s25 =	sand.u32 $0x1FFFFFF0, s24;
	s28 =	spop (v2sf)  }
0x3d4: {  	(v2sf) =	vpush v2, $0xB;
	[tilespmem:s6], [sflag:$0x2] =	stream.linear.gather [hbm4b:s14+s2], $0x80, $0x38;
	[tilespmem:$0x18600] =	vst v63  }
0x3d5: {  	(v2sf) =	vpush v1, $0xB;
	s13 =	sand.u32 $0x1FFFFFF0, s26;
	s31 =	spop (v2sf);
	s6 =	sadd.s32 s4, s25  }
0x3d6: {  	[tilespmem:s30], [sflag:$0x2] =	stream.linear.gather [hbm4b:s6+s2], $0x80, $0x38;
	[tilespmem:$0x18600] =	vst v63  }
0x3d7: {  	(v2sf) =	vpush v63, $0xB;
	s29 =	sadd.s32 s4, s13;
	s30 =	sand.u32 $0x1FFFFFF0, s28;
	s6 =	sand.u32 $0x1FFFFFF0, s31  }
0x3d8: {  	[tilespmem:s23], [sflag:$0x2] =	stream.linear.gather [hbm4b:s29+s2], $0x80, $0x38;
	[tilespmem:$0x18600] =	vst v63  }
0x3d9: {  	(v2sf) =	vpush v2, $0xC;
	s28 =	simm.s32 $0x14B00;
	s13 =	sadd.s32 s3, s30;
	s6 =	sadd.s32 s4, s6  }
0x3da: {  	[tilespmem:s5], [sflag:$0x2] =	stream.linear.gather [hbm4b:s13+s2], $0x80, $0x38;
	[tilespmem:$0x18600] =	vst v63  }
0x3db: {  	s30 =	simm.s32 $0xCB80;
	s23 =	simm.s32 $0x14B80;
	s14 =	spop (v2sf)  }
0x3dc: {  	s5 =	simm.s32 $0x10C00;
	s7 =	sand.u32 $0x1FFFFFF0, s14;
	s20 =	spop (v2sf)  }
0x3dd: {  	(v2sf) =	vpush v1, $0xC;
	[tilespmem:s11], [sflag:$0x2] =	stream.linear.gather [hbm4b:s6+s2], $0x80, $0x38;
	[tilespmem:$0x18600] =	vst v63  }
0x3de: {  	s14 =	simm.s32 $0x14D00;
	s21 =	sadd.s32 s4, s7;
	s24 =	spop (v2sf)  }
0x3df: {  	(v2sf) =	vpush v63, $0xC;
	[tilespmem:s8], [sflag:$0x2] =	stream.linear.gather [hbm4b:s21+s2], $0x80, $0x38;
	[tilespmem:$0x18600] =	vst v63  }
0x3e0: {  	s11 =	simm.s32 $0x10B80;
	s22 =	sand.u32 $0x1FFFFFF0, s20;
	s8 =	sand.u32 $0x1FFFFFF0, s24  }
0x3e1: {  	s7 =	sadd.s32 s3, s22;
	s25 =	spop (v2sf);
	s8 =	sadd.s32 s4, s8  }
0x3e2: {  	[tilespmem:s9], [sflag:$0x2] =	stream.linear.gather [hbm4b:s7+s2], $0x80, $0x38;
	[tilespmem:$0x18600] =	vst v63  }
0x3e3: {  	(v2sf) =	vpush v2, $0xD;
	s26 =	spop (v2sf);
	s7 =	simm.s32 $0xCC00;
	s9 =	sand.u32 $0x1FFFFFF0, s25  }
0x3e4: {  	s29 =	sand.u32 $0x1FFFFFF0, s26;
	s31 =	spop (v2sf);
	s25 =	simm.s32 $0xCD80  }
0x3e5: {  	(v2sf) =	vpush v1, $0xD;
	[tilespmem:s10], [sflag:$0x2] =	stream.linear.gather [hbm4b:s8+s2], $0x80, $0x38;
	[tilespmem:$0x18600] =	vst v63  }
0x3e6: {  	s9 =	sadd.s32 s4, s9;
	s12 =	spop (v2sf);
	s10 =	sadd.s32 s3, s29  }
0x3e7: {  	[tilespmem:s28], [sflag:$0x2] =	stream.linear.gather [hbm4b:s9+s2], $0x80, $0x38;
	[tilespmem:$0x18600] =	vst v63  }
0x3e8: {  	s13 =	spop (v2sf);
	s8 =	simm.s32 $0x14C80;
	s9 =	sand.u32 $0x1FFFFFF0, s31  }
0x3e9: {  	[tilespmem:s30], [sflag:$0x2] =	stream.linear.gather [hbm4b:s10+s2], $0x80, $0x38;
	[tilespmem:$0x18600] =	vst v63  }
0x3ea: {  	s21 =	sand.u32 $0x1FFFFFF0, s13;
	s9 =	sadd.s32 s4, s9;
	s10 =	sand.u32 $0x1FFFFFF0, s12  }
0x3eb: {  	[tilespmem:s11], [sflag:$0x2] =	stream.linear.gather [hbm4b:s9+s2], $0x80, $0x38;
	[tilespmem:$0x18600] =	vst v63  }
0x3ec: {  	s30 =	simm.s32 $0x14C00;
	s20 =	sadd.s32 s4, s10;
	s22 =	spop (v2sf)  }
0x3ed: {  	[tilespmem:s23], [sflag:$0x2] =	stream.linear.gather [hbm4b:s20+s2], $0x80, $0x38;
	[tilespmem:$0x18600] =	vst v63  }
0x3ee: {  	(v2sf) =	vpush v63, $0xD;
	s23 =	sadd.s32 s3, s21;
	s24 =	sand.u32 $0x1FFFFFF0, s22;
	s26 =	spop (v2sf)  }
0x3ef: {  	(v2sf) =	vpush v2, $0xE;
	[tilespmem:s7], [sflag:$0x2] =	stream.linear.gather [hbm4b:s23+s2], $0x80, $0x38;
	[tilespmem:$0x18600] =	vst v63  }
0x3f0: {  	s9 =	simm.s32 $0x10C80;
	(v2sf) =	vpush v1, $0xE;
	s28 =	sadd.s32 s4, s24;
	s29 =	sand.u32 $0x1FFFFFF0, s26  }
0x3f1: {  	(v2sf) =	vpush v63, $0xE;
	[tilespmem:s5], [sflag:$0x2] =	stream.linear.gather [hbm4b:s28+s2], $0x80, $0x38;
	[tilespmem:$0x18600] =	vst v63  }
0x3f2: {  	s20 =	simm.s32 $0x10D00;
	s7 =	sadd.s32 s4, s29;
	(v2sf) =	vpush v2, $0xF;
	s31 =	spop (v2sf)  }
0x3f3: {  	(v2sf) =	vpush v1, $0xF;
	[tilespmem:s30], [sflag:$0x2] =	stream.linear.gather [hbm4b:s7+s2], $0x80, $0x38;
	[tilespmem:$0x18600] =	vst v63  }
0x3f4: {  	s5 =	sand.u32 $0x1FFFFFF0, s31;
	s10 =	spop (v2sf);
	(v2sf) =	vpush v63, $0xF;
	s7 =	simm.s32 $0xCD00  }
.LBB2_12:
0x3f5: {  	_ =	sdelay $0x3  }
0x3f6: {  	s5 =	sadd.s32 s3, s5;
	s10 =	sand.u32 $0x1FFFFFF0, s10  }
0x3f7: {  	[tilespmem:s18], [sflag:$0x2] =	stream.linear.gather [hbm4b:s5+s2], $0x80, $0x38;
	[tilespmem:$0x18600] =	vst v63  }
0x3f8: {  	s12 =	sadd.s32 s4, s10  }
0x3f9: {  	[tilespmem:s9], [sflag:$0x2] =	stream.linear.gather [hbm4b:s12+s2], $0x80, $0x38;
	[tilespmem:$0x18600] =	vst v63  }
0x3fa: {  	s11 =	spop (v2sf)  }
0x3fb: {  	s18 =	sand.u32 $0x1FFFFFF0, s11;
	s21 =	spop (v2sf)  }
0x3fc: {  	s22 =	sadd.s32 s4, s18;
	s23 =	sand.u32 $0x1FFFFFF0, s21;
	s24 =	spop (v2sf)  }
0x3fd: {  	[tilespmem:s8], [sflag:$0x2] =	stream.linear.gather [hbm4b:s22+s2], $0x80, $0x38;
	[tilespmem:$0x18600] =	vst v63  }
0x3fe: {  	s26 =	sadd.s32 s3, s23;
	s28 =	sand.u32 $0x1FFFFFF0, s24;
	s29 =	spop (v2sf)  }
0x3ff: {  	[tilespmem:s7], [sflag:$0x2] =	stream.linear.gather [hbm4b:s26+s2], $0x80, $0x38;
	[tilespmem:$0x18600] =	vst v63  }
0x400: {  	s30 =	sadd.s32 s4, s28;
	s31 =	sand.u32 $0x1FFFFFF0, s29;
	s6 =	spop (v2sf)  }
0x401: {  	[tilespmem:s20], [sflag:$0x2] =	stream.linear.gather [hbm4b:s30+s2], $0x80, $0x38;
	[tilespmem:$0x18600] =	vst v63  }
0x402: {  	s7 =	sadd.s32 s4, s31;
	s6 =	sand.u32 $0x1FFFFFF0, s6;
	s9 =	spop (v2sf)  }
0x403: {  	[tilespmem:s14], [sflag:$0x2] =	stream.linear.gather [hbm4b:s7+s2], $0x80, $0x38;
	[tilespmem:$0x18600] =	vst v63  }
0x404: {  	s10 =	sadd.s32 s3, s6;
	s11 =	sand.u32 $0x1FFFFFF0, s9;
	s12 =	spop (v2sf)  }
0x405: {  	[tilespmem:s25], [sflag:$0x2] =	stream.linear.gather [hbm4b:s10+s2], $0x80, $0x38;
	[tilespmem:$0x18600] =	vst v63  }
0x406: {  	s18 =	sand.u32 $0x1FFFFFF0, s12;
	s14 =	sadd.s32 s4, s11  }
0x407: {  	[tilespmem:s15], [sflag:$0x2] =	stream.linear.gather [hbm4b:s14+s2], $0x80, $0x38;
	[tilespmem:$0x18600] =	vst v63  }
0x408: {  	s13 =	smov.u32 s1;
	s0 =	sadd.s32 $0x14D80, s0;
	s20 =	sadd.s32 s4, s18  }
0x409: {  	[tilespmem:s0], [sflag:$0x2] =	stream.linear.gather [hbm4b:s20+s2], $0x80, $0x38;
	[tilespmem:$0x18600] =	vst v63  }
0x40a: {  	s0 =	sshra.s32 s13, $0x2  }
0x40b: {  	s21 =	sadd.s32 $0x10780, s0  }
0x40c: {  	s22 =	sadd.s32 $0xC980, s0;
	[smem:$0x7A3] =	sst s21  }
0x40d: {  	s23 =	sadd.s32 $0xCA00, s0;
	[smem:$0x7AB] =	sst s22  }
0x40e: {  	s24 =	sadd.s32 $0xCA80, s0;
	[smem:$0x7AE] =	sst s23  }
0x40f: {  	v0 =	vld [tilespmem:s17+$0x0];
	s25 =	sadd.s32 $0x10880, s0;
	[smem:$0x7B1] =	sst s24  }
0x410: {  	p0 =	sne.s32 s1, $0xE000;
	v1 =	vld [tilespmem:s16+$0x0];
	s28 =	sadd.s32 $0x14A80, s0;
	[smem:$0x7A7] =	sst s25  }
0x411: {  	s1 =	sadd.s32 $0x2000, s1;
	v3 =	vld [tilespmem:s19+$0x0];
	s30 =	sadd.s32 $0x10800, s0;
	[dreg:$0x18] =	wrdreg s28  }
0x412: {  	s16 =	sadd.s32 $0x10, s16;
	s31 =	sadd.s32 $0x14800, s0;
	[smem:$0x7A4] =	sst s30  }
0x413: {  	s17 =	sadd.s32 $0x10, s17;
	s6 =	sadd.s32 $0xCB00, s0;
	[smem:$0x7A5] =	sst s31  }
0x414: {  	s10 =	sadd.s32 $0x14600, s0;
	s7 =	sadd.s32 $0x10900, s0;
	[dreg:$0x15] =	wrdreg s6;
	v2 =	vshll.u32 v0, $0x4  }
0x415: {  	s9 =	sadd.s32 $0xC600, s0;
	s8 =	sadd.s32 $0x10B00, s0;
	[smem:$0x7A9] =	sst s7;
	v1 =	vshll.u32 v1, $0x4;
	(v2sf) =	vpush v2, $0x0  }
0x416: {  	s29 =	sadd.s32 $0x10600, s0;
	s11 =	sadd.s32 $0x10A80, s0;
	[dreg:$0xf] =	wrdreg s8;
	v63 =	vshll.u32 v3, $0x4;
	(v2sf) =	vpush v1, $0x0  }
0x417: {  	s26 =	sadd.s32 $0x14680, s0;
	s12 =	sadd.s32 $0x10A00, s0;
	[smem:$0x7B2] =	sst s11;
	(v2sf) =	vpush v63, $0x0  }
0x418: {  	s13 =	sadd.s32 $0x14780, s0;
	s14 =	sadd.s32 $0x14A00, s0;
	[smem:$0x7AF] =	sst s12  }
0x419: {  	s5 =	sadd.s32 $0x10700, s0;
	s15 =	sadd.s32 $0xC880, s0;
	[smem:$0x7B0] =	sst s14;
	(v2sf) =	vpush v2, $0x1  }
0x41a: {  	s18 =	sadd.s32 $0x10980, s0;
	s20 =	sadd.s32 $0x14980, s0;
	[smem:$0x7A6] =	sst s15  }
0x41b: {  	s19 =	sadd.s32 $0x10, s19;
	s22 =	sadd.s32 $0xC780, s0;
	[smem:$0x7AC] =	sst s18  }
0x41c: {  	s21 =	sadd.s32 $0xC800, s0;
	[smem:$0x7AD] =	sst s20;
	s23 =	sadd.s32 $0x14880, s0;
	(v2sf) =	vpush v1, $0x1  }
0x41d: {  	s30 =	sadd.s32 $0xC680, s0;
	s24 =	sadd.s32 $0x14900, s0;
	[smem:$0x7A8] =	sst s23  }
0x41e: {  	s28 =	sadd.s32 $0xC700, s0;
	s25 =	sadd.s32 $0x10C00, s0;
	[smem:$0x7AA] =	sst s24;
	(v2sf) =	vpush v63, $0x1  }
0x41f: {  	s18 =	sadd.s32 $0xCC80, s0;
	s31 =	sadd.s32 $0x14B80, s0;
	[dreg:$0x8] =	wrdreg s25  }
0x420: {  	s11 =	sadd.s32 $0x14700, s0;
	s7 =	sadd.s32 $0xCC00, s0;
	[dreg:$0x12] =	wrdreg s31;
	(v2sf) =	vpush v2, $0x2  }
0x421: {  	s15 =	sadd.s32 $0x10D80, s0;
	s8 =	sadd.s32 $0xCB80, s0;
	[dreg:$0xb] =	wrdreg s7  }
0x422: {  	s14 =	sadd.s32 $0x14D00, s0;
	s20 =	sadd.s32 $0x10B80, s0;
	[smem:$0x7B5] =	sst s8;
	(v2sf) =	vpush v1, $0x2  }
0x423: {  	s12 =	sadd.s32 $0x10680, s0;
	s25 =	sadd.s32 $0xCD80, s0;
	[dreg:$0x1c] =	wrdreg s20  }
0x424: {  	s20 =	sadd.s32 $0x10D00, s0;
	s24 =	sadd.s32 $0x14C80, s0;
	s23 =	spop (v2sf);
	(v2sf) =	vpush v63, $0x2  }
0x425: {  	[smem:$0x7B4] =	sst s24;
	s23 =	sand.u32 $0x1FFFFFF0, s23;
	s24 =	spop (v2sf)  }
0x426: {  	s31 =	sadd.s32 $0xC900, s0;
	s23 =	sadd.s32 s3, s23;
	s8 =	spop (v2sf);
	(v2sf) =	vpush v2, $0x3  }
0x427: {  	[tilespmem:s9], [sflag:$0x2] =	stream.linear.gather [hbm4b:s23+s2], $0x80, $0x38;
	[tilespmem:$0x18600] =	vst v63  }
0x428: {  	s24 =	sand.u32 $0x1FFFFFF0, s24;
	s6 =	sand.u32 $0x1FFFFFF0, s8;
	s8 =	spop (v2sf);
	(v2sf) =	vpush v1, $0x3  }
0x429: {  	s24 =	sadd.s32 s4, s24;
	s23 =	sand.u32 $0x1FFFFFF0, s8;
	s8 =	sadd.s32 $0x14B00, s0  }
0x42a: {  	(v2sf) =	vpush v63, $0x3;
	[tilespmem:s29], [sflag:$0x2] =	stream.linear.gather [hbm4b:s24+s2], $0x80, $0x38;
	[tilespmem:$0x18600] =	vst v63  }
0x42b: {  	s6 =	sadd.s32 s4, s6;
	[smem:$0x7B3] =	sst s8;
	s8 =	spop (v2sf);
	(v2sf) =	vpush v2, $0x4  }
0x42c: {  	[tilespmem:s10], [sflag:$0x2] =	stream.linear.gather [hbm4b:s6+s2], $0x80, $0x38;
	[tilespmem:$0x18600] =	vst v63  }
0x42d: {  	s23 =	sadd.s32 s3, s23;
	s24 =	sand.u32 $0x1FFFFFF0, s8;
	s8 =	spop (v2sf);
	(v2sf) =	vpush v1, $0x4  }
0x42e: {  	[tilespmem:s30], [sflag:$0x2] =	stream.linear.gather [hbm4b:s23+s2], $0x80, $0x38;
	[tilespmem:$0x18600] =	vst v63  }
0x42f: {  	s24 =	sadd.s32 s4, s24;
	s30 =	sand.u32 $0x1FFFFFF0, s8;
	s8 =	spop (v2sf)  }
0x430: {  	[tilespmem:s12], [sflag:$0x2] =	stream.linear.gather [hbm4b:s24+s2], $0x80, $0x38;
	[tilespmem:$0x18600] =	vst v63  }
0x431: {  	s23 =	sand.u32 $0x1FFFFFF0, s8;
	s12 =	sadd.s32 s4, s30;
	s24 =	spop (v2sf)  }
0x432: {  	(v2sf) =	vpush v63, $0x4;
	[tilespmem:s26], [sflag:$0x2] =	stream.linear.gather [hbm4b:s12+s2], $0x80, $0x38;
	[tilespmem:$0x18600] =	vst v63  }
0x433: {  	s30 =	sand.u32 $0x1FFFFFF0, s24;
	s26 =	sadd.s32 s3, s23;
	s8 =	spop (v2sf)  }
0x434: {  	(v2sf) =	vpush v2, $0x5;
	[tilespmem:s28], [sflag:$0x2] =	stream.linear.gather [hbm4b:s26+s2], $0x80, $0x38;
	[tilespmem:$0x18600] =	vst v63  }
0x435: {  	s23 =	sadd.s32 s4, s30;
	s24 =	sand.u32 $0x1FFFFFF0, s8;
	s26 =	spop (v2sf)  }
0x436: {  	(v2sf) =	vpush v1, $0x5;
	[tilespmem:s5], [sflag:$0x2] =	stream.linear.gather [hbm4b:s23+s2], $0x80, $0x38;
	[tilespmem:$0x18600] =	vst v63  }
0x437: {  	s28 =	sadd.s32 s4, s24;
	s30 =	sand.u32 $0x1FFFFFF0, s26;
	s8 =	spop (v2sf)  }
0x438: {  	[tilespmem:s11], [sflag:$0x2] =	stream.linear.gather [hbm4b:s28+s2], $0x80, $0x38;
	[tilespmem:$0x18600] =	vst v63  }
0x439: {  	s7 =	sadd.s32 $0xCD00, s0;
	(v2sf) =	vpush v63, $0x5;
	s11 =	sadd.s32 s3, s30;
	s23 =	spop (v2sf)  }
0x43a: {  	s12 =	sand.u32 $0x1FFFFFF0, s8;
	s30 =	sld [smem:$0x7A3];
	s28 =	spop (v2sf)  }
0x43b: {  	(v2sf) =	vpush v2, $0x6;
	[tilespmem:s22], [sflag:$0x2] =	stream.linear.gather [hbm4b:s11+s2], $0x80, $0x38;
	[tilespmem:$0x18600] =	vst v63  }
0x43c: {  	(v2sf) =	vpush v1, $0x6;
	s24 =	sadd.s32 s4, s12;
	s26 =	sand.u32 $0x1FFFFFF0, s23;
	s12 =	spop (v2sf)  }
0x43d: {  	s9 =	sadd.s32 $0x10C80, s0;
	s8 =	sadd.s32 s4, s26;
	s22 =	sand.u32 $0x1FFFFFF0, s12  }
0x43e: {  	(v2sf) =	vpush v63, $0x6;
	[tilespmem:s30], [sflag:$0x2] =	stream.linear.gather [hbm4b:s24+s2], $0x80, $0x38;
	[tilespmem:$0x18600] =	vst v63  }
0x43f: {  	s11 =	sand.u32 $0x1FFFFFF0, s28;
	s12 =	sld [smem:$0x7A5];
	s24 =	sadd.s32 s4, s22  }
0x440: {  	[tilespmem:s13], [sflag:$0x2] =	stream.linear.gather [hbm4b:s8+s2], $0x80, $0x38;
	[tilespmem:$0x18600] =	vst v63  }
0x441: {  	s30 =	sld [smem:$0x7A4];
	s23 =	spop (v2sf);
	s13 =	sadd.s32 s3, s11  }
0x442: {  	(v2sf) =	vpush v2, $0x7;
	[tilespmem:s21], [sflag:$0x2] =	stream.linear.gather [hbm4b:s13+s2], $0x80, $0x38;
	[tilespmem:$0x18600] =	vst v63  }
0x443: {  	(v2sf) =	vpush v1, $0x7;
	s26 =	sand.u32 $0x1FFFFFF0, s23;
	s23 =	sld [smem:$0x7A6];
	s28 =	spop (v2sf)  }
0x444: {  	(v2sf) =	vpush v63, $0x7;
	[tilespmem:s30], [sflag:$0x2] =	stream.linear.gather [hbm4b:s24+s2], $0x80, $0x38;
	[tilespmem:$0x18600] =	vst v63  }
0x445: {  	s8 =	sadd.s32 s4, s26;
	s10 =	sand.u32 $0x1FFFFFF0, s28;
	s11 =	spop (v2sf)  }
0x446: {  	[tilespmem:s12], [sflag:$0x2] =	stream.linear.gather [hbm4b:s8+s2], $0x80, $0x38;
	[tilespmem:$0x18600] =	vst v63  }
0x447: {  	s29 =	sadd.s32 $0x14C00, s0;
	s13 =	sadd.s32 s3, s10;
	s21 =	sand.u32 $0x1FFFFFF0, s11  }
0x448: {  	s30 =	sld [smem:$0x7A7];
	(v2sf) =	vpush v2, $0x8;
	s22 =	spop (v2sf);
	s24 =	sadd.s32 s4, s21  }
0x449: {  	[tilespmem:s23], [sflag:$0x2] =	stream.linear.gather [hbm4b:s13+s2], $0x80, $0x38;
	[tilespmem:$0x18600] =	vst v63  }
0x44a: {  	(v2sf) =	vpush v1, $0x8;
	s21 =	sld [smem:$0x7A8];
	s26 =	sand.u32 $0x1FFFFFF0, s22;
	s28 =	spop (v2sf)  }
0x44b: {  	s11 =	sadd.s32 s4, s26;
	s12 =	sand.u32 $0x1FFFFFF0, s28;
	s13 =	spop (v2sf)  }
0x44c: {  	(v2sf) =	vpush v63, $0x8;
	[tilespmem:s30], [sflag:$0x2] =	stream.linear.gather [hbm4b:s24+s2], $0x80, $0x38;
	[tilespmem:$0x18600] =	vst v63  }
0x44d: {  	(v2sf) =	vpush v2, $0x9;
	s23 =	sand.u32 $0x1FFFFFF0, s13;
	s24 =	spop (v2sf);
	s13 =	sld [smem:$0x7AA]  }
0x44e: {  	[tilespmem:s21], [sflag:$0x2] =	stream.linear.gather [hbm4b:s11+s2], $0x80, $0x38;
	[tilespmem:$0x18600] =	vst v63  }
0x44f: {  	s22 =	sadd.s32 s3, s12;
	(v2sf) =	vpush v1, $0x9;
	s28 =	sand.u32 $0x1FFFFFF0, s24;
	s24 =	sld [smem:$0x7AB]  }
0x450: {  	[tilespmem:s31], [sflag:$0x2] =	stream.linear.gather [hbm4b:s22+s2], $0x80, $0x38;
	[tilespmem:$0x18600] =	vst v63  }
0x451: {  	s26 =	sadd.s32 s4, s23;
	s30 =	spop (v2sf);
	s31 =	sld [smem:$0x7A9]  }
0x452: {  	(v2sf) =	vpush v63, $0x9;
	s8 =	sadd.s32 s4, s28;
	s11 =	sand.u32 $0x1FFFFFF0, s30;
	s12 =	spop (v2sf)  }
0x453: {  	s21 =	sadd.s32 s3, s11;
	s22 =	sand.u32 $0x1FFFFFF0, s12;
	s23 =	spop (v2sf)  }
0x454: {  	(v2sf) =	vpush v2, $0xA;
	[tilespmem:s31], [sflag:$0x2] =	stream.linear.gather [hbm4b:s26+s2], $0x80, $0x38;
	[tilespmem:$0x18600] =	vst v63  }
0x455: {  	s26 =	sadd.s32 s4, s22;
	s28 =	sand.u32 $0x1FFFFFF0, s23;
	s31 =	sld [smem:$0x7AC]  }
0x456: {  	(v2sf) =	vpush v1, $0xA;
	[tilespmem:s13], [sflag:$0x2] =	stream.linear.gather [hbm4b:s8+s2], $0x80, $0x38;
	[tilespmem:$0x18600] =	vst v63  }
0x457: {  	s8 =	sadd.s32 s4, s28;
	s13 =	sld [smem:$0x7AD];
	s30 =	spop (v2sf)  }
0x458: {  	[tilespmem:s24], [sflag:$0x2] =	stream.linear.gather [hbm4b:s21+s2], $0x80, $0x38;
	[tilespmem:$0x18600] =	vst v63  }
0x459: {  	s11 =	sand.u32 $0x1FFFFFF0, s30;
	s24 =	sld [smem:$0x7AE];
	s12 =	spop (v2sf)  }
0x45a: {  	(v2sf) =	vpush v63, $0xA;
	[tilespmem:s31], [sflag:$0x2] =	stream.linear.gather [hbm4b:s26+s2], $0x80, $0x38;
	[tilespmem:$0x18600] =	vst v63  }
0x45b: {  	s21 =	sadd.s32 s3, s11;
	s22 =	sand.u32 $0x1FFFFFF0, s12;
	s23 =	spop (v2sf)  }
0x45c: {  	(v2sf) =	vpush v2, $0xB;
	s31 =	sld [smem:$0x7AF];
	s28 =	sand.u32 $0x1FFFFFF0, s23;
	s30 =	spop (v2sf)  }
0x45d: {  	[tilespmem:s13], [sflag:$0x2] =	stream.linear.gather [hbm4b:s8+s2], $0x80, $0x38;
	[tilespmem:$0x18600] =	vst v63  }
0x45e: {  	s26 =	sadd.s32 s4, s22;
	s8 =	sadd.s32 s4, s28;
	s12 =	spop (v2sf)  }
0x45f: {  	(v2sf) =	vpush v1, $0xB;
	s10 =	sand.u32 $0x1FFFFFF0, s30;
	s13 =	sld [smem:$0x7B0];
	s22 =	sand.u32 $0x1FFFFFF0, s12  }
0x460: {  	[tilespmem:s24], [sflag:$0x2] =	stream.linear.gather [hbm4b:s21+s2], $0x80, $0x38;
	[tilespmem:$0x18600] =	vst v63  }
0x461: {  	(v2sf) =	vpush v63, $0xB;
	s23 =	spop (v2sf);
	s21 =	sadd.s32 s3, s10;
	s24 =	sld [smem:$0x7B1]  }
0x462: {  	[tilespmem:s31], [sflag:$0x2] =	stream.linear.gather [hbm4b:s26+s2], $0x80, $0x38;
	[tilespmem:$0x18600] =	vst v63  }
0x463: {  	(v2sf) =	vpush v2, $0xC;
	s28 =	sand.u32 $0x1FFFFFF0, s23;
	s26 =	sadd.s32 s4, s22;
	s30 =	spop (v2sf)  }
0x464: {  	[tilespmem:s13], [sflag:$0x2] =	stream.linear.gather [hbm4b:s8+s2], $0x80, $0x38;
	[tilespmem:$0x18600] =	vst v63  }
0x465: {  	(v2sf) =	vpush v1, $0xC;
	s31 =	sld [smem:$0x7B2];
	s10 =	sand.u32 $0x1FFFFFF0, s30;
	s12 =	spop (v2sf)  }
0x466: {  	[tilespmem:s24], [sflag:$0x2] =	stream.linear.gather [hbm4b:s21+s2], $0x80, $0x38;
	[tilespmem:$0x18600] =	vst v63  }
0x467: {  	s8 =	sadd.s32 s4, s28;
	s13 =	rddreg [dreg:$0x18];
	s22 =	sand.u32 $0x1FFFFFF0, s12  }
0x468: {  	[tilespmem:s31], [sflag:$0x2] =	stream.linear.gather [hbm4b:s26+s2], $0x80, $0x38;
	[tilespmem:$0x18600] =	vst v63  }
0x469: {  	(v2sf) =	vpush v63, $0xC;
	s21 =	sadd.s32 s3, s10;
	s24 =	rddreg [dreg:$0x15];
	s23 =	spop (v2sf)  }
0x46a: {  	[tilespmem:s13], [sflag:$0x2] =	stream.linear.gather [hbm4b:s8+s2], $0x80, $0x38;
	[tilespmem:$0x18600] =	vst v63  }
0x46b: {  	s26 =	sadd.s32 s4, s22;
	s28 =	sand.u32 $0x1FFFFFF0, s23;
	s30 =	spop (v2sf)  }
0x46c: {  	(v2sf) =	vpush v2, $0xD;
	s31 =	rddreg [dreg:$0xf];
	s8 =	sadd.s32 s4, s28;
	s11 =	sand.u32 $0x1FFFFFF0, s30  }
0x46d: {  	[tilespmem:s24], [sflag:$0x2] =	stream.linear.gather [hbm4b:s21+s2], $0x80, $0x38;
	[tilespmem:$0x18600] =	vst v63  }
0x46e: {  	(v2sf) =	vpush v1, $0xD;
	s13 =	sld [smem:$0x7B3];
	s12 =	spop (v2sf);
	s21 =	sadd.s32 s3, s11  }
0x46f: {  	[tilespmem:s31], [sflag:$0x2] =	stream.linear.gather [hbm4b:s26+s2], $0x80, $0x38;
	[tilespmem:$0x18600] =	vst v63  }
0x470: {  	s22 =	sand.u32 $0x1FFFFFF0, s12;
	s23 =	spop (v2sf);
	s24 =	sld [smem:$0x7B5]  }
0x471: {  	[tilespmem:s13], [sflag:$0x2] =	stream.linear.gather [hbm4b:s8+s2], $0x80, $0x38;
	[tilespmem:$0x18600] =	vst v63  }
0x472: {  	s28 =	sand.u32 $0x1FFFFFF0, s23;
	s30 =	spop (v2sf);
	s26 =	sadd.s32 s4, s22  }
0x473: {  	[tilespmem:s24], [sflag:$0x2] =	stream.linear.gather [hbm4b:s21+s2], $0x80, $0x38;
	[tilespmem:$0x18600] =	vst v63  }
0x474: {  	s31 =	rddreg [dreg:$0x1c];
	s6 =	sadd.s32 s4, s28;
	s12 =	spop (v2sf)  }
0x475: {  	[tilespmem:s31], [sflag:$0x2] =	stream.linear.gather [hbm4b:s26+s2], $0x80, $0x38;
	[tilespmem:$0x18600] =	vst v63  }
0x476: {  	s10 =	sand.u32 $0x1FFFFFF0, s30;
	s22 =	sand.u32 $0x1FFFFFF0, s12;
	s13 =	rddreg [dreg:$0x12]  }
0x477: {  	[tilespmem:s13], [sflag:$0x2] =	stream.linear.gather [hbm4b:s6+s2], $0x80, $0x38;
	[tilespmem:$0x18600] =	vst v63  }
0x478: {  	(v2sf) =	vpush v63, $0xD;
	s23 =	spop (v2sf);
	s21 =	sadd.s32 s3, s10;
	s24 =	rddreg [dreg:$0xb]  }
0x479: {  	(v2sf) =	vpush v2, $0xE;
	[tilespmem:s24], [sflag:$0x2] =	stream.linear.gather [hbm4b:s21+s2], $0x80, $0x38;
	[tilespmem:$0x18600] =	vst v63  }
.Ltmp5:
0x47a: {  	(v2sf) =	vpush v1, $0xE;
	s8 =	sld [smem:$0x7B4];
	s28 =	sand.u32 $0x1FFFFFF0, s23;
	(pc) =	sbr.rel @p0 .LBB2_12-.Ltmp5, $4  }
0x47b: {  	(v2sf) =	vpush v63, $0xE;
	s30 =	spop (v2sf);
	s26 =	sadd.s32 s4, s22;
	s31 =	rddreg [dreg:$0x8]  }
0x47c: {  	(v2sf) =	vpush v2, $0xF;
	[tilespmem:s31], [sflag:$0x2] =	stream.linear.gather [hbm4b:s26+s2], $0x80, $0x38;
	[tilespmem:$0x18600] =	vst v63  }
0x47d: {  	(v2sf) =	vpush v1, $0xF;
	s5 =	sand.u32 $0x1FFFFFF0, s30;
	s6 =	sadd.s32 s4, s28;
	s10 =	spop (v2sf)  }
0x47e: {  	(v2sf) =	vpush v63, $0xF;
	[tilespmem:s29], [sflag:$0x2] =	stream.linear.gather [hbm4b:s6+s2], $0x80, $0x38;
	[tilespmem:$0x18600] =	vst v63  }
0x47f: {  	_ =	sdelay $0x3  }
0x480: {  	s1 =	sadd.s32 s3, s5;
	s28 =	sand.u32 $0x1FFFFFF0, s10  }
0x481: {  	[tilespmem:s18], [sflag:$0x2] =	stream.linear.gather [hbm4b:s1+s2], $0x80, $0x38;
	[tilespmem:$0x18600] =	vst v63  }
0x482: {  	s29 =	sadd.s32 s4, s28  }
0x483: {  	[tilespmem:s9], [sflag:$0x2] =	stream.linear.gather [hbm4b:s29+s2], $0x80, $0x38;
	[tilespmem:$0x18600] =	vst v63  }
0x484: {  	s6 =	spop (v2sf)  }
0x485: {  	s30 =	sand.u32 $0x1FFFFFF0, s6;
	s31 =	spop (v2sf)  }
0x486: {  	s9 =	sadd.s32 s4, s30;
	s10 =	sand.u32 $0x1FFFFFF0, s31;
	s11 =	spop (v2sf)  }
0x487: {  	[tilespmem:s8], [sflag:$0x2] =	stream.linear.gather [hbm4b:s9+s2], $0x80, $0x38;
	[tilespmem:$0x18600] =	vst v63  }
0x488: {  	s12 =	sadd.s32 s3, s10;
	s13 =	sand.u32 $0x1FFFFFF0, s11;
	s16 =	spop (v2sf)  }
0x489: {  	[tilespmem:s7], [sflag:$0x2] =	stream.linear.gather [hbm4b:s12+s2], $0x80, $0x38;
	[tilespmem:$0x18600] =	vst v63  }
0x48a: {  	s17 =	sadd.s32 s4, s13;
	s18 =	sand.u32 $0x1FFFFFF0, s16;
	s19 =	spop (v2sf)  }
0x48b: {  	[tilespmem:s20], [sflag:$0x2] =	stream.linear.gather [hbm4b:s17+s2], $0x80, $0x38;
	[tilespmem:$0x18600] =	vst v63  }
0x48c: {  	s21 =	sadd.s32 s4, s18;
	s22 =	sand.u32 $0x1FFFFFF0, s19;
	s23 =	spop (v2sf)  }
0x48d: {  	[tilespmem:s14], [sflag:$0x2] =	stream.linear.gather [hbm4b:s21+s2], $0x80, $0x38;
	[tilespmem:$0x18600] =	vst v63  }
0x48e: {  	s24 =	sadd.s32 s3, s22;
	s26 =	sand.u32 $0x1FFFFFF0, s23;
	s28 =	spop (v2sf)  }
0x48f: {  	[tilespmem:s25], [sflag:$0x2] =	stream.linear.gather [hbm4b:s24+s2], $0x80, $0x38;
	[tilespmem:$0x18600] =	vst v63  }
0x490: {  	s29 =	sadd.s32 s4, s26;
	s30 =	sand.u32 $0x1FFFFFF0, s28  }
0x491: {  	[tilespmem:s15], [sflag:$0x2] =	stream.linear.gather [hbm4b:s29+s2], $0x80, $0x38;
	[tilespmem:$0x18600] =	vst v63  }
0x492: {  	s0 =	sadd.s32 $0x14D80, s0;
	s1 =	simm.s32 $0x1;
	s31 =	sadd.s32 s4, s30  }
0x493: {  	[tilespmem:s0], [sflag:$0x2] =	stream.linear.gather [hbm4b:s31+s2], $0x80, $0x38;
	[tilespmem:$0x18600] =	vst v63  }
0x494: {  	_ =	swait.ge [sflag:s1], $0x80  }
0x495: {  	[sflag:s1] =	ssyncset.done $0x0  }
0x496: {  	[sflag:s1] =	ssyncadd.s32 $0xFFFFFF80  }
0x497: {  	_ =	swait.ge [sflag:s1], $0x80  }
0x498: {  	[sflag:s1] =	ssyncset.done $0x0  }
0x499: {  	[sflag:s1] =	ssyncadd.s32 $0xFFFFFF80  }
0x49a: {  	_ =	swait.ge [sflag:s1], $0x80  }
0x49b: {  	s0 =	simm.s32 $0x7F;
	[sflag:s1] =	ssyncset.done $0x0  }
.LBB2_14:
0x49c: {  	p0 =	sne.s32 s0, $0x1;
	s0 =	sadd.s32 $0xFFFFFFFF, s0;
	[sflag:s1] =	ssyncadd.s32 $0xFFFFFF80  }
0x49d: {  	_ =	swait.ge [sflag:s1], $0x80  }
0x49e: {  	[sflag:s1] =	ssyncset.done $0x0  }
0x49f: {  	[sflag:s1] =	ssyncadd.s32 $0xFFFFFF80  }
.Ltmp6:
0x4a0: {  	_ =	swait.ge [sflag:s1], $0x80;
	(pc) =	sbr.rel @p0 .LBB2_14-.Ltmp6, $4  }
0x4a1: {  	[sflag:s1] =	ssyncset.done $0x0  }
0x4a2: {  	[sflag:s1] =	ssyncadd.s32 $0xFFFFFF80  }
0x4a3: {  	_ =	swait.ge [sflag:s1], $0x80  }
0x4a4: {  	[sflag:s1] =	ssyncset.done $0x0  }
0x4a5: {  	s0 =	sld [smem:$0x7F7];
	_ =	sdelay $0x1  }
0x4a6: {  	[sflag:s1] =	ssyncadd.s32 $0xFFFFFF80;
	s26 =	simm.s32 $0x600;
	s6 =	simm.s32 $0x3  }
0x4a7: {  	[hbm4b:s0+s2] =	stream.linear.scatter [tilespmem:s26], [sflag:$0x3], $0x4000, $0x38;
	[tilespmem:$0x18600] =	vst v63  }
0x4a8: {  	_ =	swait.ge [sflag:s6], $0x4000  }
0x4a9: {  	s28 =	sld [smem:$0x7F8]  }
0x4aa: {  	[sflag:s6] =	ssyncset.done $0x0  }
0x4ab: {  	s29 =	simm.s32 $0x4600;
	[sflag:s6] =	ssyncadd.s32 $0xFFFFC000  }
0x4ac: {  	[hbm4b:s28+s2] =	stream.linear.scatter [tilespmem:s29], [sflag:$0x3], $0x4000, $0x38;
	[tilespmem:$0x18600] =	vst v63  }
0x4ad: {  	_ =	swait.ge [sflag:s6], $0x4000  }
0x4ae: {  	s30 =	sld [smem:$0x7F9]  }
0x4af: {  	[sflag:s6] =	ssyncset.done $0x0  }
0x4b0: {  	s31 =	simm.s32 $0x8600;
	[sflag:s6] =	ssyncadd.s32 $0xFFFFC000  }
0x4b1: {  	[hbm4b:s30+s2] =	stream.linear.scatter [tilespmem:s31], [sflag:$0x3], $0x4000, $0x38;
	[tilespmem:$0x18600] =	vst v63  }
0x4b2: {  	_ =	swait.ge [sflag:s6], $0x4000  }
0x4b3: {  	[sflag:s6] =	ssyncset.done $0x0  }
0x4b4: {  	s1 =	simm.s32 $0x2;
	[sflag:s6] =	ssyncadd.s32 $0xFFFFC000  }
0x4b5: {  	_ =	swait.ge [sflag:s1], $0x80  }
0x4b6: {  	[sflag:s1] =	ssyncset.done $0x0  }
0x4b7: {  	[sflag:s1] =	ssyncadd.s32 $0xFFFFFF80  }
0x4b8: {  	_ =	swait.ge [sflag:s1], $0x80  }
0x4b9: {  	[sflag:s1] =	ssyncset.done $0x0  }
0x4ba: {  	[sflag:s1] =	ssyncadd.s32 $0xFFFFFF80  }
0x4bb: {  	_ =	swait.ge [sflag:s1], $0x80  }
0x4bc: {  	s0 =	simm.s32 $0x7F;
	[sflag:s1] =	ssyncset.done $0x0  }
.LBB2_16:
0x4bd: {  	p0 =	sne.s32 s0, $0x1;
	s0 =	sadd.s32 $0xFFFFFFFF, s0;
	[sflag:s1] =	ssyncadd.s32 $0xFFFFFF80  }
0x4be: {  	_ =	swait.ge [sflag:s1], $0x80  }
0x4bf: {  	[sflag:s1] =	ssyncset.done $0x0  }
0x4c0: {  	[sflag:s1] =	ssyncadd.s32 $0xFFFFFF80  }
.Ltmp7:
0x4c1: {  	_ =	swait.ge [sflag:s1], $0x80;
	(pc) =	sbr.rel @p0 .LBB2_16-.Ltmp7, $4  }
0x4c2: {  	[sflag:s1] =	ssyncset.done $0x0  }
0x4c3: {  	[sflag:s1] =	ssyncadd.s32 $0xFFFFFF80  }
0x4c4: {  	_ =	swait.ge [sflag:s1], $0x80  }
0x4c5: {  	[sflag:s1] =	ssyncset.done $0x0  }
0x4c6: {  	s0 =	sld [smem:$0x7FA];
	_ =	sdelay $0x1  }
0x4c7: {  	[sflag:s1] =	ssyncadd.s32 $0xFFFFFF80;
	s24 =	simm.s32 $0xC600  }
0x4c8: {  	[hbm4b:s0+s2] =	stream.linear.scatter [tilespmem:s24], [sflag:$0x3], $0x4000, $0x38;
	[tilespmem:$0x18600] =	vst v63  }
0x4c9: {  	_ =	swait.ge [sflag:s6], $0x4000  }
0x4ca: {  	s25 =	sld [smem:$0x7FB]  }
0x4cb: {  	[sflag:s6] =	ssyncset.done $0x0  }
0x4cc: {  	s26 =	simm.s32 $0x10600;
	[sflag:s6] =	ssyncadd.s32 $0xFFFFC000  }
0x4cd: {  	[hbm4b:s25+s2] =	stream.linear.scatter [tilespmem:s26], [sflag:$0x3], $0x4000, $0x38;
	[tilespmem:$0x18600] =	vst v63  }
0x4ce: {  	_ =	swait.ge [sflag:s6], $0x4000  }
0x4cf: {  	s28 =	sld [smem:$0x7FC]  }
0x4d0: {  	[sflag:s6] =	ssyncset.done $0x0  }
0x4d1: {  	s29 =	simm.s32 $0x14600;
	[sflag:s6] =	ssyncadd.s32 $0xFFFFC000  }
0x4d2: {  	[hbm4b:s28+s2] =	stream.linear.scatter [tilespmem:s29], [sflag:$0x3], $0x4000, $0x38;
	[tilespmem:$0x18600] =	vst v63  }
0x4d3: {  	_ =	swait.ge [sflag:s6], $0x4000  }
0x4d4: {  	s30 =	sld [smem:$0x7ED]  }
0x4d5: {  	s31 =	sld [smem:$0x7FD];
	_ =	sdelay $0x1  }
0x4d6: {  	s1 =	sadd.s32 $0x1, s30  }
0x4d7: {  	p0 =	sne.s32 s1, s31  }
.Ltmp8:
0x4d8: {  	_ = 	snop;
	(pc) =	sbr.rel @p0 .LBB2_1-.Ltmp8, $3  }
0x4d9: {  	_ =	sdelay $0x1  }
0x4da: {  	[sflag:s6] =	ssyncset.done $0x0  }
0x4db: {  	[sflag:s6] =	ssyncadd.s32 $0xFFFFC000  }
0x4dc: {  	_ =	sfence.sel $0x180000  }
0x4dd: {  	[bflag:$0x0] =	sbarrier.arrive $0xFFFF  }
0x4de: {  	_ =	strace $0x90000047  }
0x4df: {  	s0 =	stileid.u32;
	[bflag:$0x2] =	sbarrier.arrive $0xFFFF  }
0x4e0: {  	p0 =	sne.s32 s0, $0x0;
	s0 =	rddreg [dreg:$0x1]  }
0x4e1: {  	s0 =	sadd.s32 @!p0 $0x100000, s0  }
0x4e2: {  	[sflag:s0] =	ssyncadd.tile.s32 @!p0 $0x1;
	_ =	shalt  }
.Lfunc_end2:
_tile_overlayer_lowered:
.L_overlay_start_2:
0x4e3: {  	(tag) =	ssettag $0x2  }
0x4e4: {  	s0 =	rddreg [dreg:$0x0];
	s2 =	stileid.u32  }
0x4e5: {  	s1 =	rddreg [dreg:$0x1];
	p0 =	sne.s32 s2, $0x0  }
0x4e6: {  	s3 =	rddreg [dreg:$0x2];
	[bflag:$0x3] =	sbarrier.arrive $0xFFFF;
	s2 =	simm.s32 @!p0 $0x1C03  }
0x4e7: {  	[timem:s3], [sflag:s2] =	dma.local @!p0 [hbm:s0], s1  }
0x4e8: {  	s0 =	simm.s32 @!p0 $0x3  }
0x4e9: {  	_ =	swait.ge @!p0 [sflag:s0], s1  }
0x4ea: {  	s1 =	ssub.s32 @!p0 $0x0, s1;
	[sflag:s0] =	ssyncset.done @!p0 $0x0  }
0x4eb: {  	[sflag:s0] =	ssyncadd.s32 @!p0 s1  }
0x4ec: {  	[bflag:$0x3] =	sbarrier.arrive $0xFFFF  }
0x4ed: {  	_ =	shalt  }

</sc_bundles>
